<compile_context>
chip_gen: v7x
topology: tpu7x:2x2x1
jax: 0.10.2.dev20260603
libtpu: 0.0.44.dev20260713+nightly
codegen_flags: <defaults>
</compile_context>

<pallas_src>
import functools

import jax
import jax.numpy as jnp
from jax import lax
from jax.experimental import pallas as pl
from jax.experimental.pallas import tpu as pltpu
from jax.experimental.pallas import tpu_sc as plsc



def _topk_body(p_ref, q_ref, pn_ref, qn_ref, x_ref, w_ref, b_ref,
               o_ref, y_ref, d_ref):
    b = pl.program_id(0)
    N = d_ref.shape[0]
    y_ref[0] = jax.lax.dot_general(
        x_ref[0], w_ref[...], (((1,), (1,)), ((), ())),
        preferred_element_type=jnp.float32,
    ) + b_ref[...]
    mm = jax.lax.dot_general(
        p_ref[0], q_ref[0], (((1,), (0,)), ((), ())),
        preferred_element_type=jnp.float32,
    )
    d_ref[...] = (mm + qn_ref[0]) + pn_ref[0]
    iota0 = jax.lax.broadcasted_iota(jnp.int32, d_ref.shape, 0)
    boff = b * N

    def body(j, carry):
        D = d_ref[...]
        m = jnp.min(D, axis=0)
        idxc = jnp.where(D == m[None, :], iota0, N)
        idx = jnp.min(idxc, axis=0)
        o_ref[0, pl.ds(j, 1), :] = (idx + boff)[None, :]
        d_ref[...] = jnp.where(idxc <= idx[None, :], jnp.float32(jnp.inf), D)
        return carry

    jax.lax.fori_loop(0, 16, body, 0)



_SC_K = 16
_SC_CQ = 16
_SC_NW = 32


def _sc_body(y_hbm, idx_hbm, hmax_hbm, stat_hbm,
             idx_v, rows0, rows1, out_v, stat_v, sem0, sem1):
    nrows_total = idx_hbm.shape[0]
    rows_per_w = nrows_total // _SC_NW
    q_per_w = rows_per_w // _SC_K
    nchunks = q_per_w // _SC_CQ
    crows = _SC_CQ * _SC_K
    wid = lax.axis_index("s") * 2 + lax.axis_index("c")

    pltpu.sync_copy(idx_hbm.at[pl.ds(wid * rows_per_w, rows_per_w)], idx_v)

    bufs = (rows0, rows1)
    sems = (sem0, sem1)

    def start(c):
        return pltpu.async_copy(
            y_hbm.at[idx_v.at[pl.ds(c * crows, crows)]],
            bufs[c % 2], sems[c % 2])

    zero16 = jnp.zeros((16,), jnp.float32)
    sums = tuple(zero16 for _ in range(8))
    sqs = tuple(zero16 for _ in range(8))
    copies = [start(0)]
    for c in range(nchunks):
        if c + 1 < nchunks:
            copies.append(start(c + 1))
        copies[c].wait()
        rows = bufs[c % 2]

        def qbody(q, carry):
            su, sq = carry
            base = q * _SC_K
            r0 = tuple(rows[base, pl.ds(d * 16, 16)] for d in range(8))
            mx = r0
            su = tuple(su[d] + r0[d] for d in range(8))
            sq = tuple(sq[d] + r0[d] * r0[d] for d in range(8))

            def nbody(j, a):
                am, asu, asq = a
                r = tuple(rows[base + j, pl.ds(d * 16, 16)] for d in range(8))
                return (tuple(jnp.maximum(am[d], r[d]) for d in range(8)),
                        tuple(asu[d] + r[d] for d in range(8)),
                        tuple(asq[d] + r[d] * r[d] for d in range(8)))

            mx, su, sq = lax.fori_loop(1, _SC_K, nbody, (mx, su, sq))
            for d in range(8):
                out_v[q, pl.ds(d * 16, 16)] = mx[d]
            return (su, sq)

        sums, sqs = lax.fori_loop(0, _SC_CQ, qbody, (sums, sqs))
        pltpu.sync_copy(
            out_v, hmax_hbm.at[pl.ds(wid * q_per_w + c * _SC_CQ, _SC_CQ)])

    for d in range(8):
        stat_v[0, pl.ds(d * 16, 16)] = sums[d]
        stat_v[1, pl.ds(d * 16, 16)] = sqs[d]
    pltpu.sync_copy(stat_v, stat_hbm.at[wid])



def _norm_body(stat_ref, h_ref, gamma_ref, beta_ref, out_ref, *, nsamp):
    s1 = jnp.sum(stat_ref[:, 0, :], axis=0)[None, :]
    s2 = jnp.sum(stat_ref[:, 1, :], axis=0)[None, :]
    mean = s1 / nsamp
    var = s2 / nsamp - mean * mean
    rstd = 1.0 / jnp.sqrt(var + 1e-5)
    hn = (h_ref[...] - mean) * rstd
    hn = hn * gamma_ref[...] + beta_ref[...]
    out_ref[...] = jnp.maximum(hn, 0.0)


def kernel(x, xyz, W, b, gamma, beta):
    k = 16
    B, N, C = x.shape
    S = N // 2
    O = W.shape[0]
    QT = 256

    new_xyz = xyz[:, :S, :]

    pn = jnp.sum(xyz * xyz, axis=-1, keepdims=True)
    qn = pn[:, :S, :]
    zeros = jnp.zeros((B, N, 5), jnp.float32)
    P_bf = jnp.concatenate([xyz, zeros], axis=-1).astype(jnp.bfloat16)
    Q_bf = jnp.concatenate(
        [-2.0 * new_xyz, zeros[:, :S]], axis=-1).astype(jnp.bfloat16)

    GJ = S // QT
    NXB = N // GJ
    gidx, y = pl.pallas_call(
        _topk_body,
        grid=(B, GJ),
        in_specs=[
            pl.BlockSpec((1, N, 8), lambda i, j: (i, 0, 0)),
            pl.BlockSpec((1, 8, QT), lambda i, j: (i, 0, j)),
            pl.BlockSpec((1, N, 1), lambda i, j: (i, 0, 0)),
            pl.BlockSpec((1, 1, QT), lambda i, j: (i, 0, j)),
            pl.BlockSpec((1, NXB, C), lambda i, j: (i, j, 0)),
            pl.BlockSpec((O, C), lambda i, j: (0, 0)),
            pl.BlockSpec((1, O), lambda i, j: (0, 0)),
        ],
        out_specs=[
            pl.BlockSpec((1, k, QT), lambda i, j: (i, 0, j)),
            pl.BlockSpec((1, NXB, O), lambda i, j: (i, j, 0)),
        ],
        out_shape=[
            jax.ShapeDtypeStruct((B, k, S), jnp.int32),
            jax.ShapeDtypeStruct((B, N, O), jnp.float32),
        ],
        scratch_shapes=[pltpu.VMEM((N, QT), jnp.float32)],
    )(P_bf, Q_bf.transpose(0, 2, 1), pn, qn.transpose(0, 2, 1),
      x, W, b[None, :])

    idx_flat = gidx.transpose(0, 2, 1).reshape(-1)
    y_flat = y.reshape(B * N, O)

    mesh = plsc.VectorSubcoreMesh(core_axis_name="c", subcore_axis_name="s")
    sc = pl.kernel(
        _sc_body,
        mesh=mesh,
        out_type=[
            jax.ShapeDtypeStruct((B * S, O), jnp.float32),
            jax.ShapeDtypeStruct((_SC_NW, 2, O), jnp.float32),
        ],
        scratch_types=[
            pltpu.VMEM((B * S * k // _SC_NW,), jnp.int32),
            pltpu.VMEM((_SC_CQ * _SC_K, O), jnp.float32),
            pltpu.VMEM((_SC_CQ * _SC_K, O), jnp.float32),
            pltpu.VMEM((_SC_CQ, O), jnp.float32),
            pltpu.VMEM((2, O), jnp.float32),
            pltpu.SemaphoreType.DMA,
            pltpu.SemaphoreType.DMA,
        ],
    )
    hmax, stat = sc(y_flat, idx_flat)

    CH = 1024
    out = pl.pallas_call(
        functools.partial(_norm_body, nsamp=float(B * S * k)),
        grid=(B * S // CH,),
        in_specs=[
            pl.BlockSpec((_SC_NW, 2, O), lambda i: (0, 0, 0)),
            pl.BlockSpec((CH, O), lambda i: (i, 0)),
            pl.BlockSpec((1, O), lambda i: (0, 0)),
            pl.BlockSpec((1, O), lambda i: (0, 0)),
        ],
        out_specs=pl.BlockSpec((CH, O), lambda i: (i, 0)),
        out_shape=jax.ShapeDtypeStruct((B * S, O), jnp.float32),
    )(stat, hmax, gamma[None, :], beta[None, :])

    return (out.reshape(B, S, O), new_xyz)

# --- scband reference (transcript-rebuilt; emitter-appended) ---
"""Pipeline reference for scband-transition-down-61478161875081 (READ-ONLY COPY).

The authoritative reference and input builder live on the scoring server;
editing this copy changes nothing except your own understanding.
"""

import jax, jax.numpy as jnp
import numpy as np


def index_points(points, idx):
    raw = idx.shape
    idx2 = idx.reshape(raw[0], -1)
    idxe = jnp.broadcast_to(idx2[..., None], (idx2.shape[0], idx2.shape[1], points.shape[-1]))
    res = jnp.take_along_axis(points, idxe, axis=1)
    return res.reshape(*raw, points.shape[-1])


def square_distance(src, dst):
    dist = -2.0 * jnp.matmul(src, dst.transpose(0, 2, 1))
    dist = dist + jnp.sum(src ** 2, -1)[:, :, None]
    dist = dist + jnp.sum(dst ** 2, -1)[:, None, :]
    return dist


def setup_inputs(seed: int = 0):
    key = jax.random.key(seed)
    k1, k2, k3 = jax.random.split(key, 3)
    B, N, C, O = 4, 4096, 64, 128
    x = jax.random.normal(k1, (B, N, C), dtype=jnp.float32)
    xyz = jax.random.normal(k2, (B, N, 3), dtype=jnp.float32)
    W = jax.random.normal(k3, (O, C), dtype=jnp.float32) * (1.0 / np.sqrt(C))
    b = jnp.zeros((O,), dtype=jnp.float32)
    gamma = jnp.ones((O,), dtype=jnp.float32)
    beta = jnp.zeros((O,), dtype=jnp.float32)
    return {"x": x, "xyz": xyz, "W": W, "b": b, "gamma": gamma, "beta": beta}


def reference(x, xyz, W, b, gamma, beta):
    k = 16
    eps = 1e-5
    B, N, C = x.shape
    S = N // 2
    fps_idx = jnp.broadcast_to(jnp.arange(S, dtype=jnp.int32)[None, :], (B, S))
    new_xyz = index_points(xyz, fps_idx)
    dists = square_distance(new_xyz, xyz)
    group_idx = jnp.argsort(dists, axis=-1)[:, :, :k]
    grouped = index_points(x, group_idx)  # [B, S, k, C]
    grouped = grouped.reshape(B * S, k, C)
    h = jnp.matmul(grouped, W.T) + b  # [B*S, k, O]
    h = h.transpose(0, 2, 1)  # [B*S, O, k]  (torch BatchNorm1d channel layout)
    mean = jnp.mean(h, axis=(0, 2), keepdims=True)
    var = jnp.var(h, axis=(0, 2), keepdims=True)
    h = (h - mean) / jnp.sqrt(var + eps) * gamma[None, :, None] + beta[None, :, None]
    h = jax.nn.relu(h)
    h = h.transpose(0, 2, 1)  # [B*S, k, O]
    new_points = jnp.max(h, axis=1)  # max over k neighbors
    new_points = new_points.reshape(B, S, -1)
    return (new_points, new_xyz)

if __name__ == "__main__":
    import jax
    _d = setup_inputs()
    print(jax.jit(kernel)(*tuple(_d.values())))

</pallas_src>

<mosaic_0001>
#map = affine_map<(d0, d1) -> (0, 0)>
#map1 = affine_map<(d0, d1) -> (0)>
#map2 = affine_map<(d0, d1) -> (0, 0, 0)>
module attributes {stable_mosaic.version = 14 : i64} {
  func.func @_sc_body(%arg0: i32, %arg1: i32, %arg2: memref<16384x128xf32, #tpu.memory_space<hbm>>, %arg3: memref<131072xi32, #tpu.memory_space<hbm>>, %arg4: memref<8192x128xf32, #tpu.memory_space<hbm>>, %arg5: memref<32x2x128xf32, #tpu.memory_space<hbm>>, %arg6: memref<4096xi32, #tpu.memory_space<vmem>>, %arg7: memref<256x128xf32, #tpu.memory_space<vmem>>, %arg8: memref<256x128xf32, #tpu.memory_space<vmem>>, %arg9: memref<16x128xf32, #tpu.memory_space<vmem>>, %arg10: memref<2x128xf32, #tpu.memory_space<vmem>>, %arg11: memref<!tpu.dma_semaphore, #tpu.memory_space<semaphore_mem>>, %arg12: memref<!tpu.dma_semaphore, #tpu.memory_space<semaphore_mem>>) attributes {dimension_semantics = [#tpu.dimension_semantics<core_parallel>, #tpu.dimension_semantics<subcore_parallel>], iteration_bounds = array<i64: 2, 16>, scalar_prefetch = 0 : i64, scratch_operands = 7 : i64, tpu.core_type = #tpu.core_type<sc_vector_subcore>, window_params = [{transform_indices = #map}, {transform_indices = #map1}, {transform_indices = #map}, {transform_indices = #map2}]} {
    %mul3A = arith.constant 2 : i32
    %mul3A_0 = arith.muli %arg1, %mul3A : i32
    %add3A = arith.addi %mul3A_0, %arg0 : i32
    %mul3A_1 = arith.constant 4096 : i32
    %mul3A_2 = arith.muli %add3A, %mul3A_1 : i32
    "tpu.region"() ({
      %run_scoped3A = tpu.sem_alloc : memref<!tpu.dma_semaphore, #tpu.memory_space<semaphore_mem>>
      %dma_start3A_416 = tpu.memref_slice %arg3[%mul3A_2] : memref<131072xi32, #tpu.memory_space<hbm>> -> memref<4096xi32, #tpu.memory_space<hbm>>
      %dma_start3A_417 = tpu.memref_slice %arg3[%mul3A_2] : memref<131072xi32, #tpu.memory_space<hbm>> -> memref<4096xi32, #tpu.memory_space<hbm>>
      tpu.enqueue_dma source(%dma_start3A_417 : memref<4096xi32, #tpu.memory_space<hbm>>) target(%arg6 : memref<4096xi32, #tpu.memory_space<vmem>>) target_semaphore(%run_scoped3A : memref<!tpu.dma_semaphore, #tpu.memory_space<semaphore_mem>>)
      %dma_wait3A_418 = tpu.memref_slice %arg3[%mul3A_2] : memref<131072xi32, #tpu.memory_space<hbm>> -> memref<4096xi32, #tpu.memory_space<hbm>>
      %dma_wait3A_419 = tpu.memref_slice %arg3[%mul3A_2] : memref<131072xi32, #tpu.memory_space<hbm>> -> memref<4096xi32, #tpu.memory_space<hbm>>
      tpu.wait_dma2 semaphore(%run_scoped3A : memref<!tpu.dma_semaphore, #tpu.memory_space<semaphore_mem>>) src(%dma_wait3A_419 : memref<4096xi32, #tpu.memory_space<hbm>>) dst(%arg6 : memref<4096xi32, #tpu.memory_space<vmem>>)
      tpu.yield
    }) : () -> ()
    %broadcast_in_dim3A = arith.constant 0.000000e+00 : f32
    %broadcast_in_dim3A_3 = vector.broadcast %broadcast_in_dim3A : f32 to vector<16xf32>
    %dma_start3A = arith.constant 0 : i32
    %dma_start3A_4 = tpu.memref_slice %arg6[%dma_start3A] : memref<4096xi32, #tpu.memory_space<vmem>> -> memref<256xi32, #tpu.memory_space<vmem>>
    %dma_start3A_5 = arith.constant 0 : i32
    %dma_start3A_6 = arith.constant 0 : i32
    %dma_start3A_7 = tpu.memref_slice %arg2[%dma_start3A_5, %dma_start3A_6] : memref<16384x128xf32, #tpu.memory_space<hbm>> -> memref<16384x128xf32, #tpu.memory_space<hbm>>
    tpu.enqueue_indirect_dma source(%dma_start3A_7 : memref<16384x128xf32, #tpu.memory_space<hbm>>) target(%arg7 : memref<256x128xf32, #tpu.memory_space<vmem>>) offsets(%dma_start3A_4 : memref<256xi32, #tpu.memory_space<vmem>>) semaphore(%arg11 : memref<!tpu.dma_semaphore, #tpu.memory_space<semaphore_mem>>)
    %dma_start3A_8 = arith.constant 256 : i32
    %dma_start3A_9 = tpu.memref_slice %arg6[%dma_start3A_8] : memref<4096xi32, #tpu.memory_space<vmem>> -> memref<256xi32, #tpu.memory_space<vmem>>
    %dma_start3A_10 = arith.constant 0 : i32
    %dma_start3A_11 = arith.constant 0 : i32
    %dma_start3A_12 = tpu.memref_slice %arg2[%dma_start3A_10, %dma_start3A_11] : memref<16384x128xf32, #tpu.memory_space<hbm>> -> memref<16384x128xf32, #tpu.memory_space<hbm>>
    tpu.enqueue_indirect_dma source(%dma_start3A_12 : memref<16384x128xf32, #tpu.memory_space<hbm>>) target(%arg8 : memref<256x128xf32, #tpu.memory_space<vmem>>) offsets(%dma_start3A_9 : memref<256xi32, #tpu.memory_space<vmem>>) semaphore(%arg12 : memref<!tpu.dma_semaphore, #tpu.memory_space<semaphore_mem>>)
    %dma_wait3A = arith.constant 0 : i32
    %dma_wait3A_13 = tpu.memref_slice %arg6[%dma_wait3A] : memref<4096xi32, #tpu.memory_space<vmem>> -> memref<256xi32, #tpu.memory_space<vmem>>
    %dma_wait3A_14 = arith.constant 0 : i32
    %dma_wait3A_15 = arith.constant 0 : i32
    %dma_wait3A_16 = tpu.memref_slice %arg2[%dma_wait3A_14, %dma_wait3A_15] : memref<16384x128xf32, #tpu.memory_space<hbm>> -> memref<16384x128xf32, #tpu.memory_space<hbm>>
    tpu.wait_indirect_dma semaphore(%arg11 : memref<!tpu.dma_semaphore, #tpu.memory_space<semaphore_mem>>) src(%dma_wait3A_16 : memref<16384x128xf32, #tpu.memory_space<hbm>>) dst(%arg7 : memref<256x128xf32, #tpu.memory_space<vmem>>)
    %scan3A = arith.constant 0 : i32
    %scan3A_17 = arith.constant 16 : i32
    %scan3A_18 = arith.addi %scan3A, %scan3A_17 : i32
    %scan3A_19 = arith.constant 1 : i32
    %scan3A_20:16 = scf.for %scan3A_416 = %scan3A to %scan3A_18 step %scan3A_19 iter_args(%scan3A_417 = %broadcast_in_dim3A_3, %scan3A_418 = %broadcast_in_dim3A_3, %scan3A_419 = %broadcast_in_dim3A_3, %scan3A_420 = %broadcast_in_dim3A_3, %scan3A_421 = %broadcast_in_dim3A_3, %scan3A_422 = %broadcast_in_dim3A_3, %scan3A_423 = %broadcast_in_dim3A_3, %scan3A_424 = %broadcast_in_dim3A_3, %scan3A_425 = %broadcast_in_dim3A_3, %scan3A_426 = %broadcast_in_dim3A_3, %scan3A_427 = %broadcast_in_dim3A_3, %scan3A_428 = %broadcast_in_dim3A_3, %scan3A_429 = %broadcast_in_dim3A_3, %scan3A_430 = %broadcast_in_dim3A_3, %scan3A_431 = %broadcast_in_dim3A_3, %scan3A_432 = %broadcast_in_dim3A_3) -> (vector<16xf32>, vector<16xf32>, vector<16xf32>, vector<16xf32>, vector<16xf32>, vector<16xf32>, vector<16xf32>, vector<16xf32>, vector<16xf32>, vector<16xf32>, vector<16xf32>, vector<16xf32>, vector<16xf32>, vector<16xf32>, vector<16xf32>, vector<16xf32>)  : i32 {
      %mul3A_433 = arith.constant 16 : i32
      %mul3A_434 = arith.muli %scan3A_416, %mul3A_433 : i32
      %get3A = arith.index_cast %mul3A_434 : i32 to index
      %get3A_435 = arith.constant 0 : index
      %get3A_436 = tpu.vector_load %arg7[%get3A, %get3A_435] {strides = array<i32>} : memref<256x128xf32, #tpu.memory_space<vmem>>, vector<1x16xf32>,
      %get3A_437 = vector.shape_cast %get3A_436 : vector<1x16xf32> to vector<16xf32>
      %get3A_438 = arith.index_cast %mul3A_434 : i32 to index
      %get3A_439 = arith.constant 16 : index
      %get3A_440 = tpu.vector_load %arg7[%get3A_438, %get3A_439] {strides = array<i32>} : memref<256x128xf32, #tpu.memory_space<vmem>>, vector<1x16xf32>,
      %get3A_441 = vector.shape_cast %get3A_440 : vector<1x16xf32> to vector<16xf32>
      %get3A_442 = arith.index_cast %mul3A_434 : i32 to index
      %get3A_443 = arith.constant 32 : index
      %get3A_444 = tpu.vector_load %arg7[%get3A_442, %get3A_443] {strides = array<i32>} : memref<256x128xf32, #tpu.memory_space<vmem>>, vector<1x16xf32>,
      %get3A_445 = vector.shape_cast %get3A_444 : vector<1x16xf32> to vector<16xf32>
      %get3A_446 = arith.index_cast %mul3A_434 : i32 to index
      %get3A_447 = arith.constant 48 : index
      %get3A_448 = tpu.vector_load %arg7[%get3A_446, %get3A_447] {strides = array<i32>} : memref<256x128xf32, #tpu.memory_space<vmem>>, vector<1x16xf32>,
      %get3A_449 = vector.shape_cast %get3A_448 : vector<1x16xf32> to vector<16xf32>
      %get3A_450 = arith.index_cast %mul3A_434 : i32 to index
      %get3A_451 = arith.constant 64 : index
      %get3A_452 = tpu.vector_load %arg7[%get3A_450, %get3A_451] {strides = array<i32>} : memref<256x128xf32, #tpu.memory_space<vmem>>, vector<1x16xf32>,
      %get3A_453 = vector.shape_cast %get3A_452 : vector<1x16xf32> to vector<16xf32>
      %get3A_454 = arith.index_cast %mul3A_434 : i32 to index
      %get3A_455 = arith.constant 80 : index
      %get3A_456 = tpu.vector_load %arg7[%get3A_454, %get3A_455] {strides = array<i32>} : memref<256x128xf32, #tpu.memory_space<vmem>>, vector<1x16xf32>,
      %get3A_457 = vector.shape_cast %get3A_456 : vector<1x16xf32> to vector<16xf32>
      %get3A_458 = arith.index_cast %mul3A_434 : i32 to index
      %get3A_459 = arith.constant 96 : index
      %get3A_460 = tpu.vector_load %arg7[%get3A_458, %get3A_459] {strides = array<i32>} : memref<256x128xf32, #tpu.memory_space<vmem>>, vector<1x16xf32>,
      %get3A_461 = vector.shape_cast %get3A_460 : vector<1x16xf32> to vector<16xf32>
      %get3A_462 = arith.index_cast %mul3A_434 : i32 to index
      %get3A_463 = arith.constant 112 : index
      %get3A_464 = tpu.vector_load %arg7[%get3A_462, %get3A_463] {strides = array<i32>} : memref<256x128xf32, #tpu.memory_space<vmem>>, vector<1x16xf32>,
      %get3A_465 = vector.shape_cast %get3A_464 : vector<1x16xf32> to vector<16xf32>
      %add3A_466 = arith.addf %scan3A_417, %get3A_437 : vector<16xf32>
      %add3A_467 = arith.addf %scan3A_418, %get3A_441 : vector<16xf32>
      %add3A_468 = arith.addf %scan3A_419, %get3A_445 : vector<16xf32>
      %add3A_469 = arith.addf %scan3A_420, %get3A_449 : vector<16xf32>
      %add3A_470 = arith.addf %scan3A_421, %get3A_453 : vector<16xf32>
      %add3A_471 = arith.addf %scan3A_422, %get3A_457 : vector<16xf32>
      %add3A_472 = arith.addf %scan3A_423, %get3A_461 : vector<16xf32>
      %add3A_473 = arith.addf %scan3A_424, %get3A_465 : vector<16xf32>
      %mul3A_474 = arith.mulf %get3A_437, %get3A_437 : vector<16xf32>
      %add3A_475 = arith.addf %scan3A_425, %mul3A_474 : vector<16xf32>
      %mul3A_476 = arith.mulf %get3A_441, %get3A_441 : vector<16xf32>
      %add3A_477 = arith.addf %scan3A_426, %mul3A_476 : vector<16xf32>
      %mul3A_478 = arith.mulf %get3A_445, %get3A_445 : vector<16xf32>
      %add3A_479 = arith.addf %scan3A_427, %mul3A_478 : vector<16xf32>
      %mul3A_480 = arith.mulf %get3A_449, %get3A_449 : vector<16xf32>
      %add3A_481 = arith.addf %scan3A_428, %mul3A_480 : vector<16xf32>
      %mul3A_482 = arith.mulf %get3A_453, %get3A_453 : vector<16xf32>
      %add3A_483 = arith.addf %scan3A_429, %mul3A_482 : vector<16xf32>
      %mul3A_484 = arith.mulf %get3A_457, %get3A_457 : vector<16xf32>
      %add3A_485 = arith.addf %scan3A_430, %mul3A_484 : vector<16xf32>
      %mul3A_486 = arith.mulf %get3A_461, %get3A_461 : vector<16xf32>
      %add3A_487 = arith.addf %scan3A_431, %mul3A_486 : vector<16xf32>
      %mul3A_488 = arith.mulf %get3A_465, %get3A_465 : vector<16xf32>
      %add3A_489 = arith.addf %scan3A_432, %mul3A_488 : vector<16xf32>
      %scan3A_490 = arith.constant 1 : i32
      %scan3A_491 = arith.constant 15 : i32
      %scan3A_492 = arith.addi %scan3A_490, %scan3A_491 : i32
      %scan3A_493 = arith.constant 1 : i32
      %scan3A_494:24 = scf.for %scan3A_536 = %scan3A_490 to %scan3A_492 step %scan3A_493 iter_args(%scan3A_537 = %get3A_437, %scan3A_538 = %get3A_441, %scan3A_539 = %get3A_445, %scan3A_540 = %get3A_449, %scan3A_541 = %get3A_453, %scan3A_542 = %get3A_457, %scan3A_543 = %get3A_461, %scan3A_544 = %get3A_465, %scan3A_545 = %add3A_466, %scan3A_546 = %add3A_467, %scan3A_547 = %add3A_468, %scan3A_548 = %add3A_469, %scan3A_549 = %add3A_470, %scan3A_550 = %add3A_471, %scan3A_551 = %add3A_472, %scan3A_552 = %add3A_473, %scan3A_553 = %add3A_475, %scan3A_554 = %add3A_477, %scan3A_555 = %add3A_479, %scan3A_556 = %add3A_481, %scan3A_557 = %add3A_483, %scan3A_558 = %add3A_485, %scan3A_559 = %add3A_487, %scan3A_560 = %add3A_489) -> (vector<16xf32>, vector<16xf32>, vector<16xf32>, vector<16xf32>, vector<16xf32>, vector<16xf32>, vector<16xf32>, vector<16xf32>, vector<16xf32>, vector<16xf32>, vector<16xf32>, vector<16xf32>, vector<16xf32>, vector<16xf32>, vector<16xf32>, vector<16xf32>, vector<16xf32>, vector<16xf32>, vector<16xf32>, vector<16xf32>, vector<16xf32>, vector<16xf32>, vector<16xf32>, vector<16xf32>)  : i32 {
        %add3A_561 = arith.addi %mul3A_434, %scan3A_536 : i32
        %get3A_562 = arith.index_cast %add3A_561 : i32 to index
        %get3A_563 = arith.constant 0 : index
        %get3A_564 = tpu.vector_load %arg7[%get3A_562, %get3A_563] {strides = array<i32>} : memref<256x128xf32, #tpu.memory_space<vmem>>, vector<1x16xf32>,
        %get3A_565 = vector.shape_cast %get3A_564 : vector<1x16xf32> to vector<16xf32>
        %add3A_566 = arith.addi %mul3A_434, %scan3A_536 : i32
        %get3A_567 = arith.index_cast %add3A_566 : i32 to index
        %get3A_568 = arith.constant 16 : index
        %get3A_569 = tpu.vector_load %arg7[%get3A_567, %get3A_568] {strides = array<i32>} : memref<256x128xf32, #tpu.memory_space<vmem>>, vector<1x16xf32>,
        %get3A_570 = vector.shape_cast %get3A_569 : vector<1x16xf32> to vector<16xf32>
        %add3A_571 = arith.addi %mul3A_434, %scan3A_536 : i32
        %get3A_572 = arith.index_cast %add3A_571 : i32 to index
        %get3A_573 = arith.constant 32 : index
        %get3A_574 = tpu.vector_load %arg7[%get3A_572, %get3A_573] {strides = array<i32>} : memref<256x128xf32, #tpu.memory_space<vmem>>, vector<1x16xf32>,
        %get3A_575 = vector.shape_cast %get3A_574 : vector<1x16xf32> to vector<16xf32>
        %add3A_576 = arith.addi %mul3A_434, %scan3A_536 : i32
        %get3A_577 = arith.index_cast %add3A_576 : i32 to index
        %get3A_578 = arith.constant 48 : index
        %get3A_579 = tpu.vector_load %arg7[%get3A_577, %get3A_578] {strides = array<i32>} : memref<256x128xf32, #tpu.memory_space<vmem>>, vector<1x16xf32>,
        %get3A_580 = vector.shape_cast %get3A_579 : vector<1x16xf32> to vector<16xf32>
        %add3A_581 = arith.addi %mul3A_434, %scan3A_536 : i32
        %get3A_582 = arith.index_cast %add3A_581 : i32 to index
        %get3A_583 = arith.constant 64 : index
        %get3A_584 = tpu.vector_load %arg7[%get3A_582, %get3A_583] {strides = array<i32>} : memref<256x128xf32, #tpu.memory_space<vmem>>, vector<1x16xf32>,
        %get3A_585 = vector.shape_cast %get3A_584 : vector<1x16xf32> to vector<16xf32>
        %add3A_586 = arith.addi %mul3A_434, %scan3A_536 : i32
        %get3A_587 = arith.index_cast %add3A_586 : i32 to index
        %get3A_588 = arith.constant 80 : index
        %get3A_589 = tpu.vector_load %arg7[%get3A_587, %get3A_588] {strides = array<i32>} : memref<256x128xf32, #tpu.memory_space<vmem>>, vector<1x16xf32>,
        %get3A_590 = vector.shape_cast %get3A_589 : vector<1x16xf32> to vector<16xf32>
        %add3A_591 = arith.addi %mul3A_434, %scan3A_536 : i32
        %get3A_592 = arith.index_cast %add3A_591 : i32 to index
        %get3A_593 = arith.constant 96 : index
        %get3A_594 = tpu.vector_load %arg7[%get3A_592, %get3A_593] {strides = array<i32>} : memref<256x128xf32, #tpu.memory_space<vmem>>, vector<1x16xf32>,
        %get3A_595 = vector.shape_cast %get3A_594 : vector<1x16xf32> to vector<16xf32>
        %add3A_596 = arith.addi %mul3A_434, %scan3A_536 : i32
        %get3A_597 = arith.index_cast %add3A_596 : i32 to index
        %get3A_598 = arith.constant 112 : index
        %get3A_599 = tpu.vector_load %arg7[%get3A_597, %get3A_598] {strides = array<i32>} : memref<256x128xf32, #tpu.memory_space<vmem>>, vector<1x16xf32>,
        %get3A_600 = vector.shape_cast %get3A_599 : vector<1x16xf32> to vector<16xf32>
        %max3A = arith.maximumf %scan3A_537, %get3A_565 : vector<16xf32>
        %max3A_601 = arith.maximumf %scan3A_538, %get3A_570 : vector<16xf32>
        %max3A_602 = arith.maximumf %scan3A_539, %get3A_575 : vector<16xf32>
        %max3A_603 = arith.maximumf %scan3A_540, %get3A_580 : vector<16xf32>
        %max3A_604 = arith.maximumf %scan3A_541, %get3A_585 : vector<16xf32>
        %max3A_605 = arith.maximumf %scan3A_542, %get3A_590 : vector<16xf32>
        %max3A_606 = arith.maximumf %scan3A_543, %get3A_595 : vector<16xf32>
        %max3A_607 = arith.maximumf %scan3A_544, %get3A_600 : vector<16xf32>
        %add3A_608 = arith.addf %scan3A_545, %get3A_565 : vector<16xf32>
        %add3A_609 = arith.addf %scan3A_546, %get3A_570 : vector<16xf32>
        %add3A_610 = arith.addf %scan3A_547, %get3A_575 : vector<16xf32>
        %add3A_611 = arith.addf %scan3A_548, %get3A_580 : vector<16xf32>
        %add3A_612 = arith.addf %scan3A_549, %get3A_585 : vector<16xf32>
        %add3A_613 = arith.addf %scan3A_550, %get3A_590 : vector<16xf32>
        %add3A_614 = arith.addf %scan3A_551, %get3A_595 : vector<16xf32>
        %add3A_615 = arith.addf %scan3A_552, %get3A_600 : vector<16xf32>
        %mul3A_616 = arith.mulf %get3A_565, %get3A_565 : vector<16xf32>
        %add3A_617 = arith.addf %scan3A_553, %mul3A_616 : vector<16xf32>
        %mul3A_618 = arith.mulf %get3A_570, %get3A_570 : vector<16xf32>
        %add3A_619 = arith.addf %scan3A_554, %mul3A_618 : vector<16xf32>
        %mul3A_620 = arith.mulf %get3A_575, %get3A_575 : vector<16xf32>
        %add3A_621 = arith.addf %scan3A_555, %mul3A_620 : vector<16xf32>
        %mul3A_622 = arith.mulf %get3A_580, %get3A_580 : vector<16xf32>
        %add3A_623 = arith.addf %scan3A_556, %mul3A_622 : vector<16xf32>
        %mul3A_624 = arith.mulf %get3A_585, %get3A_585 : vector<16xf32>
        %add3A_625 = arith.addf %scan3A_557, %mul3A_624 : vector<16xf32>
        %mul3A_626 = arith.mulf %get3A_590, %get3A_590 : vector<16xf32>
        %add3A_627 = arith.addf %scan3A_558, %mul3A_626 : vector<16xf32>
        %mul3A_628 = arith.mulf %get3A_595, %get3A_595 : vector<16xf32>
        %add3A_629 = arith.addf %scan3A_559, %mul3A_628 : vector<16xf32>
        %mul3A_630 = arith.mulf %get3A_600, %get3A_600 : vector<16xf32>
        %add3A_631 = arith.addf %scan3A_560, %mul3A_630 : vector<16xf32>
        scf.yield %max3A, %max3A_601, %max3A_602, %max3A_603, %max3A_604, %max3A_605, %max3A_606, %max3A_607, %add3A_608, %add3A_609, %add3A_610, %add3A_611, %add3A_612, %add3A_613, %add3A_614, %add3A_615, %add3A_617, %add3A_619, %add3A_621, %add3A_623, %add3A_625, %add3A_627, %add3A_629, %add3A_631 : vector<16xf32>, vector<16xf32>, vector<16xf32>, vector<16xf32>, vector<16xf32>, vector<16xf32>, vector<16xf32>, vector<16xf32>, vector<16xf32>, vector<16xf32>, vector<16xf32>, vector<16xf32>, vector<16xf32>, vector<16xf32>, vector<16xf32>, vector<16xf32>, vector<16xf32>, vector<16xf32>, vector<16xf32>, vector<16xf32>, vector<16xf32>, vector<16xf32>, vector<16xf32>, vector<16xf32>
      }
      %scan3A_495 = arith.constant 15 : i32
      %swap3A_496 = arith.index_cast %scan3A_416 : i32 to index
      %swap3A_497 = arith.constant 0 : index
      %swap3A_498 = tpu.vector_load %arg9[%swap3A_496, %swap3A_497] {strides = array<i32>} : memref<16x128xf32, #tpu.memory_space<vmem>>, vector<1x16xf32>,
      %swap3A_499 = vector.shape_cast %swap3A_498 : vector<1x16xf32> to vector<16xf32>
      %swap3A_500 = vector.shape_cast %scan3A_494#0 : vector<16xf32> to vector<1x16xf32>
      tpu.vector_store %arg9[%swap3A_496, %swap3A_497], %swap3A_500 {strides = array<i32>} : memref<16x128xf32, #tpu.memory_space<vmem>>, vector<1x16xf32>,
      %swap3A_501 = arith.index_cast %scan3A_416 : i32 to index
      %swap3A_502 = arith.constant 16 : index
      %swap3A_503 = tpu.vector_load %arg9[%swap3A_501, %swap3A_502] {strides = array<i32>} : memref<16x128xf32, #tpu.memory_space<vmem>>, vector<1x16xf32>,
      %swap3A_504 = vector.shape_cast %swap3A_503 : vector<1x16xf32> to vector<16xf32>
      %swap3A_505 = vector.shape_cast %scan3A_494#1 : vector<16xf32> to vector<1x16xf32>
      tpu.vector_store %arg9[%swap3A_501, %swap3A_502], %swap3A_505 {strides = array<i32>} : memref<16x128xf32, #tpu.memory_space<vmem>>, vector<1x16xf32>,
      %swap3A_506 = arith.index_cast %scan3A_416 : i32 to index
      %swap3A_507 = arith.constant 32 : index
      %swap3A_508 = tpu.vector_load %arg9[%swap3A_506, %swap3A_507] {strides = array<i32>} : memref<16x128xf32, #tpu.memory_space<vmem>>, vector<1x16xf32>,
      %swap3A_509 = vector.shape_cast %swap3A_508 : vector<1x16xf32> to vector<16xf32>
      %swap3A_510 = vector.shape_cast %scan3A_494#2 : vector<16xf32> to vector<1x16xf32>
      tpu.vector_store %arg9[%swap3A_506, %swap3A_507], %swap3A_510 {strides = array<i32>} : memref<16x128xf32, #tpu.memory_space<vmem>>, vector<1x16xf32>,
      %swap3A_511 = arith.index_cast %scan3A_416 : i32 to index
      %swap3A_512 = arith.constant 48 : index
      %swap3A_513 = tpu.vector_load %arg9[%swap3A_511, %swap3A_512] {strides = array<i32>} : memref<16x128xf32, #tpu.memory_space<vmem>>, vector<1x16xf32>,
      %swap3A_514 = vector.shape_cast %swap3A_513 : vector<1x16xf32> to vector<16xf32>
      %swap3A_515 = vector.shape_cast %scan3A_494#3 : vector<16xf32> to vector<1x16xf32>
      tpu.vector_store %arg9[%swap3A_511, %swap3A_512], %swap3A_515 {strides = array<i32>} : memref<16x128xf32, #tpu.memory_space<vmem>>, vector<1x16xf32>,
      %swap3A_516 = arith.index_cast %scan3A_416 : i32 to index
      %swap3A_517 = arith.constant 64 : index
      %swap3A_518 = tpu.vector_load %arg9[%swap3A_516, %swap3A_517] {strides = array<i32>} : memref<16x128xf32, #tpu.memory_space<vmem>>, vector<1x16xf32>,
      %swap3A_519 = vector.shape_cast %swap3A_518 : vector<1x16xf32> to vector<16xf32>
      %swap3A_520 = vector.shape_cast %scan3A_494#4 : vector<16xf32> to vector<1x16xf32>
      tpu.vector_store %arg9[%swap3A_516, %swap3A_517], %swap3A_520 {strides = array<i32>} : memref<16x128xf32, #tpu.memory_space<vmem>>, vector<1x16xf32>,
      %swap3A_521 = arith.index_cast %scan3A_416 : i32 to index
      %swap3A_522 = arith.constant 80 : index
      %swap3A_523 = tpu.vector_load %arg9[%swap3A_521, %swap3A_522] {strides = array<i32>} : memref<16x128xf32, #tpu.memory_space<vmem>>, vector<1x16xf32>,
      %swap3A_524 = vector.shape_cast %swap3A_523 : vector<1x16xf32> to vector<16xf32>
      %swap3A_525 = vector.shape_cast %scan3A_494#5 : vector<16xf32> to vector<1x16xf32>
      tpu.vector_store %arg9[%swap3A_521, %swap3A_522], %swap3A_525 {strides = array<i32>} : memref<16x128xf32, #tpu.memory_space<vmem>>, vector<1x16xf32>,
      %swap3A_526 = arith.index_cast %scan3A_416 : i32 to index
      %swap3A_527 = arith.constant 96 : index
      %swap3A_528 = tpu.vector_load %arg9[%swap3A_526, %swap3A_527] {strides = array<i32>} : memref<16x128xf32, #tpu.memory_space<vmem>>, vector<1x16xf32>,
      %swap3A_529 = vector.shape_cast %swap3A_528 : vector<1x16xf32> to vector<16xf32>
      %swap3A_530 = vector.shape_cast %scan3A_494#6 : vector<16xf32> to vector<1x16xf32>
      tpu.vector_store %arg9[%swap3A_526, %swap3A_527], %swap3A_530 {strides = array<i32>} : memref<16x128xf32, #tpu.memory_space<vmem>>, vector<1x16xf32>,
      %swap3A_531 = arith.index_cast %scan3A_416 : i32 to index
      %swap3A_532 = arith.constant 112 : index
      %swap3A_533 = tpu.vector_load %arg9[%swap3A_531, %swap3A_532] {strides = array<i32>} : memref<16x128xf32, #tpu.memory_space<vmem>>, vector<1x16xf32>,
      %swap3A_534 = vector.shape_cast %swap3A_533 : vector<1x16xf32> to vector<16xf32>
      %swap3A_535 = vector.shape_cast %scan3A_494#7 : vector<16xf32> to vector<1x16xf32>
      tpu.vector_store %arg9[%swap3A_531, %swap3A_532], %swap3A_535 {strides = array<i32>} : memref<16x128xf32, #tpu.memory_space<vmem>>, vector<1x16xf32>,
      scf.yield %scan3A_494#8, %scan3A_494#9, %scan3A_494#10, %scan3A_494#11, %scan3A_494#12, %scan3A_494#13, %scan3A_494#14, %scan3A_494#15, %scan3A_494#16, %scan3A_494#17, %scan3A_494#18, %scan3A_494#19, %scan3A_494#20, %scan3A_494#21, %scan3A_494#22, %scan3A_494#23 : vector<16xf32>, vector<16xf32>, vector<16xf32>, vector<16xf32>, vector<16xf32>, vector<16xf32>, vector<16xf32>, vector<16xf32>, vector<16xf32>, vector<16xf32>, vector<16xf32>, vector<16xf32>, vector<16xf32>, vector<16xf32>, vector<16xf32>, vector<16xf32>
    }
    %scan3A_21 = arith.constant 16 : i32
    %mul3A_22 = arith.constant 256 : i32
    %mul3A_23 = arith.muli %add3A, %mul3A_22 : i32
    %add3A_24 = arith.constant 0 : i32
    %add3A_25 = arith.addi %mul3A_23, %add3A_24 : i32
    "tpu.region"() ({
      %run_scoped3A = tpu.sem_alloc : memref<!tpu.dma_semaphore, #tpu.memory_space<semaphore_mem>>
      %dma_start3A_416 = arith.constant 0 : i32
      %dma_start3A_417 = tpu.memref_slice %arg4[%add3A_25, %dma_start3A_416] : memref<8192x128xf32, #tpu.memory_space<hbm>> -> memref<16x128xf32, #tpu.memory_space<hbm>>
      %dma_start3A_418 = arith.constant 0 : i32
      %dma_start3A_419 = tpu.memref_slice %arg4[%add3A_25, %dma_start3A_418] : memref<8192x128xf32, #tpu.memory_space<hbm>> -> memref<16x128xf32, #tpu.memory_space<hbm>>
      tpu.enqueue_dma source(%arg9 : memref<16x128xf32, #tpu.memory_space<vmem>>) target(%dma_start3A_419 : memref<16x128xf32, #tpu.memory_space<hbm>>) target_semaphore(%run_scoped3A : memref<!tpu.dma_semaphore, #tpu.memory_space<semaphore_mem>>)
      %dma_wait3A_420 = arith.constant 0 : i32
      %dma_wait3A_421 = tpu.memref_slice %arg4[%add3A_25, %dma_wait3A_420] : memref<8192x128xf32, #tpu.memory_space<hbm>> -> memref<16x128xf32, #tpu.memory_space<hbm>>
      %dma_wait3A_422 = arith.constant 0 : i32
      %dma_wait3A_423 = tpu.memref_slice %arg4[%add3A_25, %dma_wait3A_422] : memref<8192x128xf32, #tpu.memory_space<hbm>> -> memref<16x128xf32, #tpu.memory_space<hbm>>
      tpu.wait_dma2 semaphore(%run_scoped3A : memref<!tpu.dma_semaphore, #tpu.memory_space<semaphore_mem>>) src(%arg9 : memref<16x128xf32, #tpu.memory_space<vmem>>) dst(%dma_wait3A_423 : memref<16x128xf32, #tpu.memory_space<hbm>>)
      tpu.yield
    }) : () -> ()
    %dma_start3A_26 = arith.constant 512 : i32
    %dma_start3A_27 = tpu.memref_slice %arg6[%dma_start3A_26] : memref<4096xi32, #tpu.memory_space<vmem>> -> memref<256xi32, #tpu.memory_space<vmem>>
    %dma_start3A_28 = arith.constant 0 : i32
    %dma_start3A_29 = arith.constant 0 : i32
    %dma_start3A_30 = tpu.memref_slice %arg2[%dma_start3A_28, %dma_start3A_29] : memref<16384x128xf32, #tpu.memory_space<hbm>> -> memref<16384x128xf32, #tpu.memory_space<hbm>>
    tpu.enqueue_indirect_dma source(%dma_start3A_30 : memref<16384x128xf32, #tpu.memory_space<hbm>>) target(%arg7 : memref<256x128xf32, #tpu.memory_space<vmem>>) offsets(%dma_start3A_27 : memref<256xi32, #tpu.memory_space<vmem>>) semaphore(%arg11 : memref<!tpu.dma_semaphore, #tpu.memory_space<semaphore_mem>>)
    %dma_wait3A_31 = arith.constant 256 : i32
    %dma_wait3A_32 = tpu.memref_slice %arg6[%dma_wait3A_31] : memref<4096xi32, #tpu.memory_space<vmem>> -> memref<256xi32, #tpu.memory_space<vmem>>
    %dma_wait3A_33 = arith.constant 0 : i32
    %dma_wait3A_34 = arith.constant 0 : i32
    %dma_wait3A_35 = tpu.memref_slice %arg2[%dma_wait3A_33, %dma_wait3A_34] : memref<16384x128xf32, #tpu.memory_space<hbm>> -> memref<16384x128xf32, #tpu.memory_space<hbm>>
    tpu.wait_indirect_dma semaphore(%arg12 : memref<!tpu.dma_semaphore, #tpu.memory_space<semaphore_mem>>) src(%dma_wait3A_35 : memref<16384x128xf32, #tpu.memory_space<hbm>>) dst(%arg8 : memref<256x128xf32, #tpu.memory_space<vmem>>)
    %scan3A_36 = arith.constant 0 : i32
    %scan3A_37 = arith.constant 16 : i32
    %scan3A_38 = arith.addi %scan3A_36, %scan3A_37 : i32
    %scan3A_39 = arith.constant 1 : i32
    %scan3A_40:16 = scf.for %scan3A_416 = %scan3A_36 to %scan3A_38 step %scan3A_39 iter_args(%scan3A_417 = %scan3A_20#0, %scan3A_418 = %scan3A_20#1, %scan3A_419 = %scan3A_20#2, %scan3A_420 = %scan3A_20#3, %scan3A_421 = %scan3A_20#4, %scan3A_422 = %scan3A_20#5, %scan3A_423 = %scan3A_20#6, %scan3A_424 = %scan3A_20#7, %scan3A_425 = %scan3A_20#8, %scan3A_426 = %scan3A_20#9, %scan3A_427 = %scan3A_20#10, %scan3A_428 = %scan3A_20#11, %scan3A_429 = %scan3A_20#12, %scan3A_430 = %scan3A_20#13, %scan3A_431 = %scan3A_20#14, %scan3A_432 = %scan3A_20#15) -> (vector<16xf32>, vector<16xf32>, vector<16xf32>, vector<16xf32>, vector<16xf32>, vector<16xf32>, vector<16xf32>, vector<16xf32>, vector<16xf32>, vector<16xf32>, vector<16xf32>, vector<16xf32>, vector<16xf32>, vector<16xf32>, vector<16xf32>, vector<16xf32>)  : i32 {
      %mul3A_433 = arith.constant 16 : i32
      %mul3A_434 = arith.muli %scan3A_416, %mul3A_433 : i32
      %get3A = arith.index_cast %mul3A_434 : i32 to index
      %get3A_435 = arith.constant 0 : index
      %get3A_436 = tpu.vector_load %arg8[%get3A, %get3A_435] {strides = array<i32>} : memref<256x128xf32, #tpu.memory_space<vmem>>, vector<1x16xf32>,
      %get3A_437 = vector.shape_cast %get3A_436 : vector<1x16xf32> to vector<16xf32>
      %get3A_438 = arith.index_cast %mul3A_434 : i32 to index
      %get3A_439 = arith.constant 16 : index
      %get3A_440 = tpu.vector_load %arg8[%get3A_438, %get3A_439] {strides = array<i32>} : memref<256x128xf32, #tpu.memory_space<vmem>>, vector<1x16xf32>,
      %get3A_441 = vector.shape_cast %get3A_440 : vector<1x16xf32> to vector<16xf32>
      %get3A_442 = arith.index_cast %mul3A_434 : i32 to index
      %get3A_443 = arith.constant 32 : index
      %get3A_444 = tpu.vector_load %arg8[%get3A_442, %get3A_443] {strides = array<i32>} : memref<256x128xf32, #tpu.memory_space<vmem>>, vector<1x16xf32>,
      %get3A_445 = vector.shape_cast %get3A_444 : vector<1x16xf32> to vector<16xf32>
      %get3A_446 = arith.index_cast %mul3A_434 : i32 to index
      %get3A_447 = arith.constant 48 : index
      %get3A_448 = tpu.vector_load %arg8[%get3A_446, %get3A_447] {strides = array<i32>} : memref<256x128xf32, #tpu.memory_space<vmem>>, vector<1x16xf32>,
      %get3A_449 = vector.shape_cast %get3A_448 : vector<1x16xf32> to vector<16xf32>
      %get3A_450 = arith.index_cast %mul3A_434 : i32 to index
      %get3A_451 = arith.constant 64 : index
      %get3A_452 = tpu.vector_load %arg8[%get3A_450, %get3A_451] {strides = array<i32>} : memref<256x128xf32, #tpu.memory_space<vmem>>, vector<1x16xf32>,
      %get3A_453 = vector.shape_cast %get3A_452 : vector<1x16xf32> to vector<16xf32>
      %get3A_454 = arith.index_cast %mul3A_434 : i32 to index
      %get3A_455 = arith.constant 80 : index
      %get3A_456 = tpu.vector_load %arg8[%get3A_454, %get3A_455] {strides = array<i32>} : memref<256x128xf32, #tpu.memory_space<vmem>>, vector<1x16xf32>,
      %get3A_457 = vector.shape_cast %get3A_456 : vector<1x16xf32> to vector<16xf32>
      %get3A_458 = arith.index_cast %mul3A_434 : i32 to index
      %get3A_459 = arith.constant 96 : index
      %get3A_460 = tpu.vector_load %arg8[%get3A_458, %get3A_459] {strides = array<i32>} : memref<256x128xf32, #tpu.memory_space<vmem>>, vector<1x16xf32>,
      %get3A_461 = vector.shape_cast %get3A_460 : vector<1x16xf32> to vector<16xf32>
      %get3A_462 = arith.index_cast %mul3A_434 : i32 to index
      %get3A_463 = arith.constant 112 : index
      %get3A_464 = tpu.vector_load %arg8[%get3A_462, %get3A_463] {strides = array<i32>} : memref<256x128xf32, #tpu.memory_space<vmem>>, vector<1x16xf32>,
      %get3A_465 = vector.shape_cast %get3A_464 : vector<1x16xf32> to vector<16xf32>
      %add3A_466 = arith.addf %scan3A_417, %get3A_437 : vector<16xf32>
      %add3A_467 = arith.addf %scan3A_418, %get3A_441 : vector<16xf32>
      %add3A_468 = arith.addf %scan3A_419, %get3A_445 : vector<16xf32>
      %add3A_469 = arith.addf %scan3A_420, %get3A_449 : vector<16xf32>
      %add3A_470 = arith.addf %scan3A_421, %get3A_453 : vector<16xf32>
      %add3A_471 = arith.addf %scan3A_422, %get3A_457 : vector<16xf32>
      %add3A_472 = arith.addf %scan3A_423, %get3A_461 : vector<16xf32>
      %add3A_473 = arith.addf %scan3A_424, %get3A_465 : vector<16xf32>
      %mul3A_474 = arith.mulf %get3A_437, %get3A_437 : vector<16xf32>
      %add3A_475 = arith.addf %scan3A_425, %mul3A_474 : vector<16xf32>
      %mul3A_476 = arith.mulf %get3A_441, %get3A_441 : vector<16xf32>
      %add3A_477 = arith.addf %scan3A_426, %mul3A_476 : vector<16xf32>
      %mul3A_478 = arith.mulf %get3A_445, %get3A_445 : vector<16xf32>
      %add3A_479 = arith.addf %scan3A_427, %mul3A_478 : vector<16xf32>
      %mul3A_480 = arith.mulf %get3A_449, %get3A_449 : vector<16xf32>
      %add3A_481 = arith.addf %scan3A_428, %mul3A_480 : vector<16xf32>
      %mul3A_482 = arith.mulf %get3A_453, %get3A_453 : vector<16xf32>
      %add3A_483 = arith.addf %scan3A_429, %mul3A_482 : vector<16xf32>
      %mul3A_484 = arith.mulf %get3A_457, %get3A_457 : vector<16xf32>
      %add3A_485 = arith.addf %scan3A_430, %mul3A_484 : vector<16xf32>
      %mul3A_486 = arith.mulf %get3A_461, %get3A_461 : vector<16xf32>
      %add3A_487 = arith.addf %scan3A_431, %mul3A_486 : vector<16xf32>
      %mul3A_488 = arith.mulf %get3A_465, %get3A_465 : vector<16xf32>
      %add3A_489 = arith.addf %scan3A_432, %mul3A_488 : vector<16xf32>
      %scan3A_490 = arith.constant 1 : i32
      %scan3A_491 = arith.constant 15 : i32
      %scan3A_492 = arith.addi %scan3A_490, %scan3A_491 : i32
      %scan3A_493 = arith.constant 1 : i32
      %scan3A_494:24 = scf.for %scan3A_536 = %scan3A_490 to %scan3A_492 step %scan3A_493 iter_args(%scan3A_537 = %get3A_437, %scan3A_538 = %get3A_441, %scan3A_539 = %get3A_445, %scan3A_540 = %get3A_449, %scan3A_541 = %get3A_453, %scan3A_542 = %get3A_457, %scan3A_543 = %get3A_461, %scan3A_544 = %get3A_465, %scan3A_545 = %add3A_466, %scan3A_546 = %add3A_467, %scan3A_547 = %add3A_468, %scan3A_548 = %add3A_469, %scan3A_549 = %add3A_470, %scan3A_550 = %add3A_471, %scan3A_551 = %add3A_472, %scan3A_552 = %add3A_473, %scan3A_553 = %add3A_475, %scan3A_554 = %add3A_477, %scan3A_555 = %add3A_479, %scan3A_556 = %add3A_481, %scan3A_557 = %add3A_483, %scan3A_558 = %add3A_485, %scan3A_559 = %add3A_487, %scan3A_560 = %add3A_489) -> (vector<16xf32>, vector<16xf32>, vector<16xf32>, vector<16xf32>, vector<16xf32>, vector<16xf32>, vector<16xf32>, vector<16xf32>, vector<16xf32>, vector<16xf32>, vector<16xf32>, vector<16xf32>, vector<16xf32>, vector<16xf32>, vector<16xf32>, vector<16xf32>, vector<16xf32>, vector<16xf32>, vector<16xf32>, vector<16xf32>, vector<16xf32>, vector<16xf32>, vector<16xf32>, vector<16xf32>)  : i32 {
        %add3A_561 = arith.addi %mul3A_434, %scan3A_536 : i32
        %get3A_562 = arith.index_cast %add3A_561 : i32 to index
        %get3A_563 = arith.constant 0 : index
        %get3A_564 = tpu.vector_load %arg8[%get3A_562, %get3A_563] {strides = array<i32>} : memref<256x128xf32, #tpu.memory_space<vmem>>, vector<1x16xf32>,
        %get3A_565 = vector.shape_cast %get3A_564 : vector<1x16xf32> to vector<16xf32>
        %add3A_566 = arith.addi %mul3A_434, %scan3A_536 : i32
        %get3A_567 = arith.index_cast %add3A_566 : i32 to index
        %get3A_568 = arith.constant 16 : index
        %get3A_569 = tpu.vector_load %arg8[%get3A_567, %get3A_568] {strides = array<i32>} : memref<256x128xf32, #tpu.memory_space<vmem>>, vector<1x16xf32>,
        %get3A_570 = vector.shape_cast %get3A_569 : vector<1x16xf32> to vector<16xf32>
        %add3A_571 = arith.addi %mul3A_434, %scan3A_536 : i32
        %get3A_572 = arith.index_cast %add3A_571 : i32 to index
        %get3A_573 = arith.constant 32 : index
        %get3A_574 = tpu.vector_load %arg8[%get3A_572, %get3A_573] {strides = array<i32>} : memref<256x128xf32, #tpu.memory_space<vmem>>, vector<1x16xf32>,
        %get3A_575 = vector.shape_cast %get3A_574 : vector<1x16xf32> to vector<16xf32>
        %add3A_576 = arith.addi %mul3A_434, %scan3A_536 : i32
        %get3A_577 = arith.index_cast %add3A_576 : i32 to index
        %get3A_578 = arith.constant 48 : index
        %get3A_579 = tpu.vector_load %arg8[%get3A_577, %get3A_578] {strides = array<i32>} : memref<256x128xf32, #tpu.memory_space<vmem>>, vector<1x16xf32>,
        %get3A_580 = vector.shape_cast %get3A_579 : vector<1x16xf32> to vector<16xf32>
        %add3A_581 = arith.addi %mul3A_434, %scan3A_536 : i32
        %get3A_582 = arith.index_cast %add3A_581 : i32 to index
        %get3A_583 = arith.constant 64 : index
        %get3A_584 = tpu.vector_load %arg8[%get3A_582, %get3A_583] {strides = array<i32>} : memref<256x128xf32, #tpu.memory_space<vmem>>, vector<1x16xf32>,
        %get3A_585 = vector.shape_cast %get3A_584 : vector<1x16xf32> to vector<16xf32>
        %add3A_586 = arith.addi %mul3A_434, %scan3A_536 : i32
        %get3A_587 = arith.index_cast %add3A_586 : i32 to index
        %get3A_588 = arith.constant 80 : index
        %get3A_589 = tpu.vector_load %arg8[%get3A_587, %get3A_588] {strides = array<i32>} : memref<256x128xf32, #tpu.memory_space<vmem>>, vector<1x16xf32>,
        %get3A_590 = vector.shape_cast %get3A_589 : vector<1x16xf32> to vector<16xf32>
        %add3A_591 = arith.addi %mul3A_434, %scan3A_536 : i32
        %get3A_592 = arith.index_cast %add3A_591 : i32 to index
        %get3A_593 = arith.constant 96 : index
        %get3A_594 = tpu.vector_load %arg8[%get3A_592, %get3A_593] {strides = array<i32>} : memref<256x128xf32, #tpu.memory_space<vmem>>, vector<1x16xf32>,
        %get3A_595 = vector.shape_cast %get3A_594 : vector<1x16xf32> to vector<16xf32>
        %add3A_596 = arith.addi %mul3A_434, %scan3A_536 : i32
        %get3A_597 = arith.index_cast %add3A_596 : i32 to index
        %get3A_598 = arith.constant 112 : index
        %get3A_599 = tpu.vector_load %arg8[%get3A_597, %get3A_598] {strides = array<i32>} : memref<256x128xf32, #tpu.memory_space<vmem>>, vector<1x16xf32>,
        %get3A_600 = vector.shape_cast %get3A_599 : vector<1x16xf32> to vector<16xf32>
        %max3A = arith.maximumf %scan3A_537, %get3A_565 : vector<16xf32>
        %max3A_601 = arith.maximumf %scan3A_538, %get3A_570 : vector<16xf32>
        %max3A_602 = arith.maximumf %scan3A_539, %get3A_575 : vector<16xf32>
        %max3A_603 = arith.maximumf %scan3A_540, %get3A_580 : vector<16xf32>
        %max3A_604 = arith.maximumf %scan3A_541, %get3A_585 : vector<16xf32>
        %max3A_605 = arith.maximumf %scan3A_542, %get3A_590 : vector<16xf32>
        %max3A_606 = arith.maximumf %scan3A_543, %get3A_595 : vector<16xf32>
        %max3A_607 = arith.maximumf %scan3A_544, %get3A_600 : vector<16xf32>
        %add3A_608 = arith.addf %scan3A_545, %get3A_565 : vector<16xf32>
        %add3A_609 = arith.addf %scan3A_546, %get3A_570 : vector<16xf32>
        %add3A_610 = arith.addf %scan3A_547, %get3A_575 : vector<16xf32>
        %add3A_611 = arith.addf %scan3A_548, %get3A_580 : vector<16xf32>
        %add3A_612 = arith.addf %scan3A_549, %get3A_585 : vector<16xf32>
        %add3A_613 = arith.addf %scan3A_550, %get3A_590 : vector<16xf32>
        %add3A_614 = arith.addf %scan3A_551, %get3A_595 : vector<16xf32>
        %add3A_615 = arith.addf %scan3A_552, %get3A_600 : vector<16xf32>
        %mul3A_616 = arith.mulf %get3A_565, %get3A_565 : vector<16xf32>
        %add3A_617 = arith.addf %scan3A_553, %mul3A_616 : vector<16xf32>
        %mul3A_618 = arith.mulf %get3A_570, %get3A_570 : vector<16xf32>
        %add3A_619 = arith.addf %scan3A_554, %mul3A_618 : vector<16xf32>
        %mul3A_620 = arith.mulf %get3A_575, %get3A_575 : vector<16xf32>
        %add3A_621 = arith.addf %scan3A_555, %mul3A_620 : vector<16xf32>
        %mul3A_622 = arith.mulf %get3A_580, %get3A_580 : vector<16xf32>
        %add3A_623 = arith.addf %scan3A_556, %mul3A_622 : vector<16xf32>
        %mul3A_624 = arith.mulf %get3A_585, %get3A_585 : vector<16xf32>
        %add3A_625 = arith.addf %scan3A_557, %mul3A_624 : vector<16xf32>
        %mul3A_626 = arith.mulf %get3A_590, %get3A_590 : vector<16xf32>
        %add3A_627 = arith.addf %scan3A_558, %mul3A_626 : vector<16xf32>
        %mul3A_628 = arith.mulf %get3A_595, %get3A_595 : vector<16xf32>
        %add3A_629 = arith.addf %scan3A_559, %mul3A_628 : vector<16xf32>
        %mul3A_630 = arith.mulf %get3A_600, %get3A_600 : vector<16xf32>
        %add3A_631 = arith.addf %scan3A_560, %mul3A_630 : vector<16xf32>
        scf.yield %max3A, %max3A_601, %max3A_602, %max3A_603, %max3A_604, %max3A_605, %max3A_606, %max3A_607, %add3A_608, %add3A_609, %add3A_610, %add3A_611, %add3A_612, %add3A_613, %add3A_614, %add3A_615, %add3A_617, %add3A_619, %add3A_621, %add3A_623, %add3A_625, %add3A_627, %add3A_629, %add3A_631 : vector<16xf32>, vector<16xf32>, vector<16xf32>, vector<16xf32>, vector<16xf32>, vector<16xf32>, vector<16xf32>, vector<16xf32>, vector<16xf32>, vector<16xf32>, vector<16xf32>, vector<16xf32>, vector<16xf32>, vector<16xf32>, vector<16xf32>, vector<16xf32>, vector<16xf32>, vector<16xf32>, vector<16xf32>, vector<16xf32>, vector<16xf32>, vector<16xf32>, vector<16xf32>, vector<16xf32>
      }
      %scan3A_495 = arith.constant 15 : i32
      %swap3A_496 = arith.index_cast %scan3A_416 : i32 to index
      %swap3A_497 = arith.constant 0 : index
      %swap3A_498 = tpu.vector_load %arg9[%swap3A_496, %swap3A_497] {strides = array<i32>} : memref<16x128xf32, #tpu.memory_space<vmem>>, vector<1x16xf32>,
      %swap3A_499 = vector.shape_cast %swap3A_498 : vector<1x16xf32> to vector<16xf32>
      %swap3A_500 = vector.shape_cast %scan3A_494#0 : vector<16xf32> to vector<1x16xf32>
      tpu.vector_store %arg9[%swap3A_496, %swap3A_497], %swap3A_500 {strides = array<i32>} : memref<16x128xf32, #tpu.memory_space<vmem>>, vector<1x16xf32>,
      %swap3A_501 = arith.index_cast %scan3A_416 : i32 to index
      %swap3A_502 = arith.constant 16 : index
      %swap3A_503 = tpu.vector_load %arg9[%swap3A_501, %swap3A_502] {strides = array<i32>} : memref<16x128xf32, #tpu.memory_space<vmem>>, vector<1x16xf32>,
      %swap3A_504 = vector.shape_cast %swap3A_503 : vector<1x16xf32> to vector<16xf32>
      %swap3A_505 = vector.shape_cast %scan3A_494#1 : vector<16xf32> to vector<1x16xf32>
      tpu.vector_store %arg9[%swap3A_501, %swap3A_502], %swap3A_505 {strides = array<i32>} : memref<16x128xf32, #tpu.memory_space<vmem>>, vector<1x16xf32>,
      %swap3A_506 = arith.index_cast %scan3A_416 : i32 to index
      %swap3A_507 = arith.constant 32 : index
      %swap3A_508 = tpu.vector_load %arg9[%swap3A_506, %swap3A_507] {strides = array<i32>} : memref<16x128xf32, #tpu.memory_space<vmem>>, vector<1x16xf32>,
      %swap3A_509 = vector.shape_cast %swap3A_508 : vector<1x16xf32> to vector<16xf32>
      %swap3A_510 = vector.shape_cast %scan3A_494#2 : vector<16xf32> to vector<1x16xf32>
      tpu.vector_store %arg9[%swap3A_506, %swap3A_507], %swap3A_510 {strides = array<i32>} : memref<16x128xf32, #tpu.memory_space<vmem>>, vector<1x16xf32>,
      %swap3A_511 = arith.index_cast %scan3A_416 : i32 to index
      %swap3A_512 = arith.constant 48 : index
      %swap3A_513 = tpu.vector_load %arg9[%swap3A_511, %swap3A_512] {strides = array<i32>} : memref<16x128xf32, #tpu.memory_space<vmem>>, vector<1x16xf32>,
      %swap3A_514 = vector.shape_cast %swap3A_513 : vector<1x16xf32> to vector<16xf32>
      %swap3A_515 = vector.shape_cast %scan3A_494#3 : vector<16xf32> to vector<1x16xf32>
      tpu.vector_store %arg9[%swap3A_511, %swap3A_512], %swap3A_515 {strides = array<i32>} : memref<16x128xf32, #tpu.memory_space<vmem>>, vector<1x16xf32>,
      %swap3A_516 = arith.index_cast %scan3A_416 : i32 to index
      %swap3A_517 = arith.constant 64 : index
      %swap3A_518 = tpu.vector_load %arg9[%swap3A_516, %swap3A_517] {strides = array<i32>} : memref<16x128xf32, #tpu.memory_space<vmem>>, vector<1x16xf32>,
      %swap3A_519 = vector.shape_cast %swap3A_518 : vector<1x16xf32> to vector<16xf32>
      %swap3A_520 = vector.shape_cast %scan3A_494#4 : vector<16xf32> to vector<1x16xf32>
      tpu.vector_store %arg9[%swap3A_516, %swap3A_517], %swap3A_520 {strides = array<i32>} : memref<16x128xf32, #tpu.memory_space<vmem>>, vector<1x16xf32>,
      %swap3A_521 = arith.index_cast %scan3A_416 : i32 to index
      %swap3A_522 = arith.constant 80 : index
      %swap3A_523 = tpu.vector_load %arg9[%swap3A_521, %swap3A_522] {strides = array<i32>} : memref<16x128xf32, #tpu.memory_space<vmem>>, vector<1x16xf32>,
      %swap3A_524 = vector.shape_cast %swap3A_523 : vector<1x16xf32> to vector<16xf32>
      %swap3A_525 = vector.shape_cast %scan3A_494#5 : vector<16xf32> to vector<1x16xf32>
      tpu.vector_store %arg9[%swap3A_521, %swap3A_522], %swap3A_525 {strides = array<i32>} : memref<16x128xf32, #tpu.memory_space<vmem>>, vector<1x16xf32>,
      %swap3A_526 = arith.index_cast %scan3A_416 : i32 to index
      %swap3A_527 = arith.constant 96 : index
      %swap3A_528 = tpu.vector_load %arg9[%swap3A_526, %swap3A_527] {strides = array<i32>} : memref<16x128xf32, #tpu.memory_space<vmem>>, vector<1x16xf32>,
      %swap3A_529 = vector.shape_cast %swap3A_528 : vector<1x16xf32> to vector<16xf32>
      %swap3A_530 = vector.shape_cast %scan3A_494#6 : vector<16xf32> to vector<1x16xf32>
      tpu.vector_store %arg9[%swap3A_526, %swap3A_527], %swap3A_530 {strides = array<i32>} : memref<16x128xf32, #tpu.memory_space<vmem>>, vector<1x16xf32>,
      %swap3A_531 = arith.index_cast %scan3A_416 : i32 to index
      %swap3A_532 = arith.constant 112 : index
      %swap3A_533 = tpu.vector_load %arg9[%swap3A_531, %swap3A_532] {strides = array<i32>} : memref<16x128xf32, #tpu.memory_space<vmem>>, vector<1x16xf32>,
      %swap3A_534 = vector.shape_cast %swap3A_533 : vector<1x16xf32> to vector<16xf32>
      %swap3A_535 = vector.shape_cast %scan3A_494#7 : vector<16xf32> to vector<1x16xf32>
      tpu.vector_store %arg9[%swap3A_531, %swap3A_532], %swap3A_535 {strides = array<i32>} : memref<16x128xf32, #tpu.memory_space<vmem>>, vector<1x16xf32>,
      scf.yield %scan3A_494#8, %scan3A_494#9, %scan3A_494#10, %scan3A_494#11, %scan3A_494#12, %scan3A_494#13, %scan3A_494#14, %scan3A_494#15, %scan3A_494#16, %scan3A_494#17, %scan3A_494#18, %scan3A_494#19, %scan3A_494#20, %scan3A_494#21, %scan3A_494#22, %scan3A_494#23 : vector<16xf32>, vector<16xf32>, vector<16xf32>, vector<16xf32>, vector<16xf32>, vector<16xf32>, vector<16xf32>, vector<16xf32>, vector<16xf32>, vector<16xf32>, vector<16xf32>, vector<16xf32>, vector<16xf32>, vector<16xf32>, vector<16xf32>, vector<16xf32>
    }
    %scan3A_41 = arith.constant 16 : i32
    %mul3A_42 = arith.constant 256 : i32
    %mul3A_43 = arith.muli %add3A, %mul3A_42 : i32
    %add3A_44 = arith.constant 16 : i32
    %add3A_45 = arith.addi %mul3A_43, %add3A_44 : i32
    "tpu.region"() ({
      %run_scoped3A = tpu.sem_alloc : memref<!tpu.dma_semaphore, #tpu.memory_space<semaphore_mem>>
      %dma_start3A_416 = arith.constant 0 : i32
      %dma_start3A_417 = tpu.memref_slice %arg4[%add3A_45, %dma_start3A_416] : memref<8192x128xf32, #tpu.memory_space<hbm>> -> memref<16x128xf32, #tpu.memory_space<hbm>>
      %dma_start3A_418 = arith.constant 0 : i32
      %dma_start3A_419 = tpu.memref_slice %arg4[%add3A_45, %dma_start3A_418] : memref<8192x128xf32, #tpu.memory_space<hbm>> -> memref<16x128xf32, #tpu.memory_space<hbm>>
      tpu.enqueue_dma source(%arg9 : memref<16x128xf32, #tpu.memory_space<vmem>>) target(%dma_start3A_419 : memref<16x128xf32, #tpu.memory_space<hbm>>) target_semaphore(%run_scoped3A : memref<!tpu.dma_semaphore, #tpu.memory_space<semaphore_mem>>)
      %dma_wait3A_420 = arith.constant 0 : i32
      %dma_wait3A_421 = tpu.memref_slice %arg4[%add3A_45, %dma_wait3A_420] : memref<8192x128xf32, #tpu.memory_space<hbm>> -> memref<16x128xf32, #tpu.memory_space<hbm>>
      %dma_wait3A_422 = arith.constant 0 : i32
      %dma_wait3A_423 = tpu.memref_slice %arg4[%add3A_45, %dma_wait3A_422] : memref<8192x128xf32, #tpu.memory_space<hbm>> -> memref<16x128xf32, #tpu.memory_space<hbm>>
      tpu.wait_dma2 semaphore(%run_scoped3A : memref<!tpu.dma_semaphore, #tpu.memory_space<semaphore_mem>>) src(%arg9 : memref<16x128xf32, #tpu.memory_space<vmem>>) dst(%dma_wait3A_423 : memref<16x128xf32, #tpu.memory_space<hbm>>)
      tpu.yield
    }) : () -> ()
    %dma_start3A_46 = arith.constant 768 : i32
    %dma_start3A_47 = tpu.memref_slice %arg6[%dma_start3A_46] : memref<4096xi32, #tpu.memory_space<vmem>> -> memref<256xi32, #tpu.memory_space<vmem>>
    %dma_start3A_48 = arith.constant 0 : i32
    %dma_start3A_49 = arith.constant 0 : i32
    %dma_start3A_50 = tpu.memref_slice %arg2[%dma_start3A_48, %dma_start3A_49] : memref<16384x128xf32, #tpu.memory_space<hbm>> -> memref<16384x128xf32, #tpu.memory_space<hbm>>
    tpu.enqueue_indirect_dma source(%dma_start3A_50 : memref<16384x128xf32, #tpu.memory_space<hbm>>) target(%arg8 : memref<256x128xf32, #tpu.memory_space<vmem>>) offsets(%dma_start3A_47 : memref<256xi32, #tpu.memory_space<vmem>>) semaphore(%arg12 : memref<!tpu.dma_semaphore, #tpu.memory_space<semaphore_mem>>)
    %dma_wait3A_51 = arith.constant 512 : i32
    %dma_wait3A_52 = tpu.memref_slice %arg6[%dma_wait3A_51] : memref<4096xi32, #tpu.memory_space<vmem>> -> memref<256xi32, #tpu.memory_space<vmem>>
    %dma_wait3A_53 = arith.constant 0 : i32
    %dma_wait3A_54 = arith.constant 0 : i32
    %dma_wait3A_55 = tpu.memref_slice %arg2[%dma_wait3A_53, %dma_wait3A_54] : memref<16384x128xf32, #tpu.memory_space<hbm>> -> memref<16384x128xf32, #tpu.memory_space<hbm>>
    tpu.wait_indirect_dma semaphore(%arg11 : memref<!tpu.dma_semaphore, #tpu.memory_space<semaphore_mem>>) src(%dma_wait3A_55 : memref<16384x128xf32, #tpu.memory_space<hbm>>) dst(%arg7 : memref<256x128xf32, #tpu.memory_space<vmem>>)
    %scan3A_56 = arith.constant 0 : i32
    %scan3A_57 = arith.constant 16 : i32
    %scan3A_58 = arith.addi %scan3A_56, %scan3A_57 : i32
    %scan3A_59 = arith.constant 1 : i32
    %scan3A_60:16 = scf.for %scan3A_416 = %scan3A_56 to %scan3A_58 step %scan3A_59 iter_args(%scan3A_417 = %scan3A_40#0, %scan3A_418 = %scan3A_40#1, %scan3A_419 = %scan3A_40#2, %scan3A_420 = %scan3A_40#3, %scan3A_421 = %scan3A_40#4, %scan3A_422 = %scan3A_40#5, %scan3A_423 = %scan3A_40#6, %scan3A_424 = %scan3A_40#7, %scan3A_425 = %scan3A_40#8, %scan3A_426 = %scan3A_40#9, %scan3A_427 = %scan3A_40#10, %scan3A_428 = %scan3A_40#11, %scan3A_429 = %scan3A_40#12, %scan3A_430 = %scan3A_40#13, %scan3A_431 = %scan3A_40#14, %scan3A_432 = %scan3A_40#15) -> (vector<16xf32>, vector<16xf32>, vector<16xf32>, vector<16xf32>, vector<16xf32>, vector<16xf32>, vector<16xf32>, vector<16xf32>, vector<16xf32>, vector<16xf32>, vector<16xf32>, vector<16xf32>, vector<16xf32>, vector<16xf32>, vector<16xf32>, vector<16xf32>)  : i32 {
      %mul3A_433 = arith.constant 16 : i32
      %mul3A_434 = arith.muli %scan3A_416, %mul3A_433 : i32
      %get3A = arith.index_cast %mul3A_434 : i32 to index
      %get3A_435 = arith.constant 0 : index
      %get3A_436 = tpu.vector_load %arg7[%get3A, %get3A_435] {strides = array<i32>} : memref<256x128xf32, #tpu.memory_space<vmem>>, vector<1x16xf32>,
      %get3A_437 = vector.shape_cast %get3A_436 : vector<1x16xf32> to vector<16xf32>
      %get3A_438 = arith.index_cast %mul3A_434 : i32 to index
      %get3A_439 = arith.constant 16 : index
      %get3A_440 = tpu.vector_load %arg7[%get3A_438, %get3A_439] {strides = array<i32>} : memref<256x128xf32, #tpu.memory_space<vmem>>, vector<1x16xf32>,
      %get3A_441 = vector.shape_cast %get3A_440 : vector<1x16xf32> to vector<16xf32>
      %get3A_442 = arith.index_cast %mul3A_434 : i32 to index
      %get3A_443 = arith.constant 32 : index
      %get3A_444 = tpu.vector_load %arg7[%get3A_442, %get3A_443] {strides = array<i32>} : memref<256x128xf32, #tpu.memory_space<vmem>>, vector<1x16xf32>,
      %get3A_445 = vector.shape_cast %get3A_444 : vector<1x16xf32> to vector<16xf32>
      %get3A_446 = arith.index_cast %mul3A_434 : i32 to index
      %get3A_447 = arith.constant 48 : index
      %get3A_448 = tpu.vector_load %arg7[%get3A_446, %get3A_447] {strides = array<i32>} : memref<256x128xf32, #tpu.memory_space<vmem>>, vector<1x16xf32>,
      %get3A_449 = vector.shape_cast %get3A_448 : vector<1x16xf32> to vector<16xf32>
      %get3A_450 = arith.index_cast %mul3A_434 : i32 to index
      %get3A_451 = arith.constant 64 : index
      %get3A_452 = tpu.vector_load %arg7[%get3A_450, %get3A_451] {strides = array<i32>} : memref<256x128xf32, #tpu.memory_space<vmem>>, vector<1x16xf32>,
      %get3A_453 = vector.shape_cast %get3A_452 : vector<1x16xf32> to vector<16xf32>
      %get3A_454 = arith.index_cast %mul3A_434 : i32 to index
      %get3A_455 = arith.constant 80 : index
      %get3A_456 = tpu.vector_load %arg7[%get3A_454, %get3A_455] {strides = array<i32>} : memref<256x128xf32, #tpu.memory_space<vmem>>, vector<1x16xf32>,
      %get3A_457 = vector.shape_cast %get3A_456 : vector<1x16xf32> to vector<16xf32>
      %get3A_458 = arith.index_cast %mul3A_434 : i32 to index
      %get3A_459 = arith.constant 96 : index
      %get3A_460 = tpu.vector_load %arg7[%get3A_458, %get3A_459] {strides = array<i32>} : memref<256x128xf32, #tpu.memory_space<vmem>>, vector<1x16xf32>,
      %get3A_461 = vector.shape_cast %get3A_460 : vector<1x16xf32> to vector<16xf32>
      %get3A_462 = arith.index_cast %mul3A_434 : i32 to index
      %get3A_463 = arith.constant 112 : index
      %get3A_464 = tpu.vector_load %arg7[%get3A_462, %get3A_463] {strides = array<i32>} : memref<256x128xf32, #tpu.memory_space<vmem>>, vector<1x16xf32>,
      %get3A_465 = vector.shape_cast %get3A_464 : vector<1x16xf32> to vector<16xf32>
      %add3A_466 = arith.addf %scan3A_417, %get3A_437 : vector<16xf32>
      %add3A_467 = arith.addf %scan3A_418, %get3A_441 : vector<16xf32>
      %add3A_468 = arith.addf %scan3A_419, %get3A_445 : vector<16xf32>
      %add3A_469 = arith.addf %scan3A_420, %get3A_449 : vector<16xf32>
      %add3A_470 = arith.addf %scan3A_421, %get3A_453 : vector<16xf32>
      %add3A_471 = arith.addf %scan3A_422, %get3A_457 : vector<16xf32>
      %add3A_472 = arith.addf %scan3A_423, %get3A_461 : vector<16xf32>
      %add3A_473 = arith.addf %scan3A_424, %get3A_465 : vector<16xf32>
      %mul3A_474 = arith.mulf %get3A_437, %get3A_437 : vector<16xf32>
      %add3A_475 = arith.addf %scan3A_425, %mul3A_474 : vector<16xf32>
      %mul3A_476 = arith.mulf %get3A_441, %get3A_441 : vector<16xf32>
      %add3A_477 = arith.addf %scan3A_426, %mul3A_476 : vector<16xf32>
      %mul3A_478 = arith.mulf %get3A_445, %get3A_445 : vector<16xf32>
      %add3A_479 = arith.addf %scan3A_427, %mul3A_478 : vector<16xf32>
      %mul3A_480 = arith.mulf %get3A_449, %get3A_449 : vector<16xf32>
      %add3A_481 = arith.addf %scan3A_428, %mul3A_480 : vector<16xf32>
      %mul3A_482 = arith.mulf %get3A_453, %get3A_453 : vector<16xf32>
      %add3A_483 = arith.addf %scan3A_429, %mul3A_482 : vector<16xf32>
      %mul3A_484 = arith.mulf %get3A_457, %get3A_457 : vector<16xf32>
      %add3A_485 = arith.addf %scan3A_430, %mul3A_484 : vector<16xf32>
      %mul3A_486 = arith.mulf %get3A_461, %get3A_461 : vector<16xf32>
      %add3A_487 = arith.addf %scan3A_431, %mul3A_486 : vector<16xf32>
      %mul3A_488 = arith.mulf %get3A_465, %get3A_465 : vector<16xf32>
      %add3A_489 = arith.addf %scan3A_432, %mul3A_488 : vector<16xf32>
      %scan3A_490 = arith.constant 1 : i32
      %scan3A_491 = arith.constant 15 : i32
      %scan3A_492 = arith.addi %scan3A_490, %scan3A_491 : i32
      %scan3A_493 = arith.constant 1 : i32
      %scan3A_494:24 = scf.for %scan3A_536 = %scan3A_490 to %scan3A_492 step %scan3A_493 iter_args(%scan3A_537 = %get3A_437, %scan3A_538 = %get3A_441, %scan3A_539 = %get3A_445, %scan3A_540 = %get3A_449, %scan3A_541 = %get3A_453, %scan3A_542 = %get3A_457, %scan3A_543 = %get3A_461, %scan3A_544 = %get3A_465, %scan3A_545 = %add3A_466, %scan3A_546 = %add3A_467, %scan3A_547 = %add3A_468, %scan3A_548 = %add3A_469, %scan3A_549 = %add3A_470, %scan3A_550 = %add3A_471, %scan3A_551 = %add3A_472, %scan3A_552 = %add3A_473, %scan3A_553 = %add3A_475, %scan3A_554 = %add3A_477, %scan3A_555 = %add3A_479, %scan3A_556 = %add3A_481, %scan3A_557 = %add3A_483, %scan3A_558 = %add3A_485, %scan3A_559 = %add3A_487, %scan3A_560 = %add3A_489) -> (vector<16xf32>, vector<16xf32>, vector<16xf32>, vector<16xf32>, vector<16xf32>, vector<16xf32>, vector<16xf32>, vector<16xf32>, vector<16xf32>, vector<16xf32>, vector<16xf32>, vector<16xf32>, vector<16xf32>, vector<16xf32>, vector<16xf32>, vector<16xf32>, vector<16xf32>, vector<16xf32>, vector<16xf32>, vector<16xf32>, vector<16xf32>, vector<16xf32>, vector<16xf32>, vector<16xf32>)  : i32 {
        %add3A_561 = arith.addi %mul3A_434, %scan3A_536 : i32
        %get3A_562 = arith.index_cast %add3A_561 : i32 to index
        %get3A_563 = arith.constant 0 : index
        %get3A_564 = tpu.vector_load %arg7[%get3A_562, %get3A_563] {strides = array<i32>} : memref<256x128xf32, #tpu.memory_space<vmem>>, vector<1x16xf32>,
        %get3A_565 = vector.shape_cast %get3A_564 : vector<1x16xf32> to vector<16xf32>
        %add3A_566 = arith.addi %mul3A_434, %scan3A_536 : i32
        %get3A_567 = arith.index_cast %add3A_566 : i32 to index
        %get3A_568 = arith.constant 16 : index
        %get3A_569 = tpu.vector_load %arg7[%get3A_567, %get3A_568] {strides = array<i32>} : memref<256x128xf32, #tpu.memory_space<vmem>>, vector<1x16xf32>,
        %get3A_570 = vector.shape_cast %get3A_569 : vector<1x16xf32> to vector<16xf32>
        %add3A_571 = arith.addi %mul3A_434, %scan3A_536 : i32
        %get3A_572 = arith.index_cast %add3A_571 : i32 to index
        %get3A_573 = arith.constant 32 : index
        %get3A_574 = tpu.vector_load %arg7[%get3A_572, %get3A_573] {strides = array<i32>} : memref<256x128xf32, #tpu.memory_space<vmem>>, vector<1x16xf32>,
        %get3A_575 = vector.shape_cast %get3A_574 : vector<1x16xf32> to vector<16xf32>
        %add3A_576 = arith.addi %mul3A_434, %scan3A_536 : i32
        %get3A_577 = arith.index_cast %add3A_576 : i32 to index
        %get3A_578 = arith.constant 48 : index
        %get3A_579 = tpu.vector_load %arg7[%get3A_577, %get3A_578] {strides = array<i32>} : memref<256x128xf32, #tpu.memory_space<vmem>>, vector<1x16xf32>,
        %get3A_580 = vector.shape_cast %get3A_579 : vector<1x16xf32> to vector<16xf32>
        %add3A_581 = arith.addi %mul3A_434, %scan3A_536 : i32
        %get3A_582 = arith.index_cast %add3A_581 : i32 to index
        %get3A_583 = arith.constant 64 : index
        %get3A_584 = tpu.vector_load %arg7[%get3A_582, %get3A_583] {strides = array<i32>} : memref<256x128xf32, #tpu.memory_space<vmem>>, vector<1x16xf32>,
        %get3A_585 = vector.shape_cast %get3A_584 : vector<1x16xf32> to vector<16xf32>
        %add3A_586 = arith.addi %mul3A_434, %scan3A_536 : i32
        %get3A_587 = arith.index_cast %add3A_586 : i32 to index
        %get3A_588 = arith.constant 80 : index
        %get3A_589 = tpu.vector_load %arg7[%get3A_587, %get3A_588] {strides = array<i32>} : memref<256x128xf32, #tpu.memory_space<vmem>>, vector<1x16xf32>,
        %get3A_590 = vector.shape_cast %get3A_589 : vector<1x16xf32> to vector<16xf32>
        %add3A_591 = arith.addi %mul3A_434, %scan3A_536 : i32
        %get3A_592 = arith.index_cast %add3A_591 : i32 to index
        %get3A_593 = arith.constant 96 : index
        %get3A_594 = tpu.vector_load %arg7[%get3A_592, %get3A_593] {strides = array<i32>} : memref<256x128xf32, #tpu.memory_space<vmem>>, vector<1x16xf32>,
        %get3A_595 = vector.shape_cast %get3A_594 : vector<1x16xf32> to vector<16xf32>
        %add3A_596 = arith.addi %mul3A_434, %scan3A_536 : i32
        %get3A_597 = arith.index_cast %add3A_596 : i32 to index
        %get3A_598 = arith.constant 112 : index
        %get3A_599 = tpu.vector_load %arg7[%get3A_597, %get3A_598] {strides = array<i32>} : memref<256x128xf32, #tpu.memory_space<vmem>>, vector<1x16xf32>,
        %get3A_600 = vector.shape_cast %get3A_599 : vector<1x16xf32> to vector<16xf32>
        %max3A = arith.maximumf %scan3A_537, %get3A_565 : vector<16xf32>
        %max3A_601 = arith.maximumf %scan3A_538, %get3A_570 : vector<16xf32>
        %max3A_602 = arith.maximumf %scan3A_539, %get3A_575 : vector<16xf32>
        %max3A_603 = arith.maximumf %scan3A_540, %get3A_580 : vector<16xf32>
        %max3A_604 = arith.maximumf %scan3A_541, %get3A_585 : vector<16xf32>
        %max3A_605 = arith.maximumf %scan3A_542, %get3A_590 : vector<16xf32>
        %max3A_606 = arith.maximumf %scan3A_543, %get3A_595 : vector<16xf32>
        %max3A_607 = arith.maximumf %scan3A_544, %get3A_600 : vector<16xf32>
        %add3A_608 = arith.addf %scan3A_545, %get3A_565 : vector<16xf32>
        %add3A_609 = arith.addf %scan3A_546, %get3A_570 : vector<16xf32>
        %add3A_610 = arith.addf %scan3A_547, %get3A_575 : vector<16xf32>
        %add3A_611 = arith.addf %scan3A_548, %get3A_580 : vector<16xf32>
        %add3A_612 = arith.addf %scan3A_549, %get3A_585 : vector<16xf32>
        %add3A_613 = arith.addf %scan3A_550, %get3A_590 : vector<16xf32>
        %add3A_614 = arith.addf %scan3A_551, %get3A_595 : vector<16xf32>
        %add3A_615 = arith.addf %scan3A_552, %get3A_600 : vector<16xf32>
        %mul3A_616 = arith.mulf %get3A_565, %get3A_565 : vector<16xf32>
        %add3A_617 = arith.addf %scan3A_553, %mul3A_616 : vector<16xf32>
        %mul3A_618 = arith.mulf %get3A_570, %get3A_570 : vector<16xf32>
        %add3A_619 = arith.addf %scan3A_554, %mul3A_618 : vector<16xf32>
        %mul3A_620 = arith.mulf %get3A_575, %get3A_575 : vector<16xf32>
        %add3A_621 = arith.addf %scan3A_555, %mul3A_620 : vector<16xf32>
        %mul3A_622 = arith.mulf %get3A_580, %get3A_580 : vector<16xf32>
        %add3A_623 = arith.addf %scan3A_556, %mul3A_622 : vector<16xf32>
        %mul3A_624 = arith.mulf %get3A_585, %get3A_585 : vector<16xf32>
        %add3A_625 = arith.addf %scan3A_557, %mul3A_624 : vector<16xf32>
        %mul3A_626 = arith.mulf %get3A_590, %get3A_590 : vector<16xf32>
        %add3A_627 = arith.addf %scan3A_558, %mul3A_626 : vector<16xf32>
        %mul3A_628 = arith.mulf %get3A_595, %get3A_595 : vector<16xf32>
        %add3A_629 = arith.addf %scan3A_559, %mul3A_628 : vector<16xf32>
        %mul3A_630 = arith.mulf %get3A_600, %get3A_600 : vector<16xf32>
        %add3A_631 = arith.addf %scan3A_560, %mul3A_630 : vector<16xf32>
        scf.yield %max3A, %max3A_601, %max3A_602, %max3A_603, %max3A_604, %max3A_605, %max3A_606, %max3A_607, %add3A_608, %add3A_609, %add3A_610, %add3A_611, %add3A_612, %add3A_613, %add3A_614, %add3A_615, %add3A_617, %add3A_619, %add3A_621, %add3A_623, %add3A_625, %add3A_627, %add3A_629, %add3A_631 : vector<16xf32>, vector<16xf32>, vector<16xf32>, vector<16xf32>, vector<16xf32>, vector<16xf32>, vector<16xf32>, vector<16xf32>, vector<16xf32>, vector<16xf32>, vector<16xf32>, vector<16xf32>, vector<16xf32>, vector<16xf32>, vector<16xf32>, vector<16xf32>, vector<16xf32>, vector<16xf32>, vector<16xf32>, vector<16xf32>, vector<16xf32>, vector<16xf32>, vector<16xf32>, vector<16xf32>
      }
      %scan3A_495 = arith.constant 15 : i32
      %swap3A_496 = arith.index_cast %scan3A_416 : i32 to index
      %swap3A_497 = arith.constant 0 : index
      %swap3A_498 = tpu.vector_load %arg9[%swap3A_496, %swap3A_497] {strides = array<i32>} : memref<16x128xf32, #tpu.memory_space<vmem>>, vector<1x16xf32>,
      %swap3A_499 = vector.shape_cast %swap3A_498 : vector<1x16xf32> to vector<16xf32>
      %swap3A_500 = vector.shape_cast %scan3A_494#0 : vector<16xf32> to vector<1x16xf32>
      tpu.vector_store %arg9[%swap3A_496, %swap3A_497], %swap3A_500 {strides = array<i32>} : memref<16x128xf32, #tpu.memory_space<vmem>>, vector<1x16xf32>,
      %swap3A_501 = arith.index_cast %scan3A_416 : i32 to index
      %swap3A_502 = arith.constant 16 : index
      %swap3A_503 = tpu.vector_load %arg9[%swap3A_501, %swap3A_502] {strides = array<i32>} : memref<16x128xf32, #tpu.memory_space<vmem>>, vector<1x16xf32>,
      %swap3A_504 = vector.shape_cast %swap3A_503 : vector<1x16xf32> to vector<16xf32>
      %swap3A_505 = vector.shape_cast %scan3A_494#1 : vector<16xf32> to vector<1x16xf32>
      tpu.vector_store %arg9[%swap3A_501, %swap3A_502], %swap3A_505 {strides = array<i32>} : memref<16x128xf32, #tpu.memory_space<vmem>>, vector<1x16xf32>,
      %swap3A_506 = arith.index_cast %scan3A_416 : i32 to index
      %swap3A_507 = arith.constant 32 : index
      %swap3A_508 = tpu.vector_load %arg9[%swap3A_506, %swap3A_507] {strides = array<i32>} : memref<16x128xf32, #tpu.memory_space<vmem>>, vector<1x16xf32>,
      %swap3A_509 = vector.shape_cast %swap3A_508 : vector<1x16xf32> to vector<16xf32>
      %swap3A_510 = vector.shape_cast %scan3A_494#2 : vector<16xf32> to vector<1x16xf32>
      tpu.vector_store %arg9[%swap3A_506, %swap3A_507], %swap3A_510 {strides = array<i32>} : memref<16x128xf32, #tpu.memory_space<vmem>>, vector<1x16xf32>,
      %swap3A_511 = arith.index_cast %scan3A_416 : i32 to index
      %swap3A_512 = arith.constant 48 : index
      %swap3A_513 = tpu.vector_load %arg9[%swap3A_511, %swap3A_512] {strides = array<i32>} : memref<16x128xf32, #tpu.memory_space<vmem>>, vector<1x16xf32>,
      %swap3A_514 = vector.shape_cast %swap3A_513 : vector<1x16xf32> to vector<16xf32>
      %swap3A_515 = vector.shape_cast %scan3A_494#3 : vector<16xf32> to vector<1x16xf32>
      tpu.vector_store %arg9[%swap3A_511, %swap3A_512], %swap3A_515 {strides = array<i32>} : memref<16x128xf32, #tpu.memory_space<vmem>>, vector<1x16xf32>,
      %swap3A_516 = arith.index_cast %scan3A_416 : i32 to index
      %swap3A_517 = arith.constant 64 : index
      %swap3A_518 = tpu.vector_load %arg9[%swap3A_516, %swap3A_517] {strides = array<i32>} : memref<16x128xf32, #tpu.memory_space<vmem>>, vector<1x16xf32>,
      %swap3A_519 = vector.shape_cast %swap3A_518 : vector<1x16xf32> to vector<16xf32>
      %swap3A_520 = vector.shape_cast %scan3A_494#4 : vector<16xf32> to vector<1x16xf32>
      tpu.vector_store %arg9[%swap3A_516, %swap3A_517], %swap3A_520 {strides = array<i32>} : memref<16x128xf32, #tpu.memory_space<vmem>>, vector<1x16xf32>,
      %swap3A_521 = arith.index_cast %scan3A_416 : i32 to index
      %swap3A_522 = arith.constant 80 : index
      %swap3A_523 = tpu.vector_load %arg9[%swap3A_521, %swap3A_522] {strides = array<i32>} : memref<16x128xf32, #tpu.memory_space<vmem>>, vector<1x16xf32>,
      %swap3A_524 = vector.shape_cast %swap3A_523 : vector<1x16xf32> to vector<16xf32>
      %swap3A_525 = vector.shape_cast %scan3A_494#5 : vector<16xf32> to vector<1x16xf32>
      tpu.vector_store %arg9[%swap3A_521, %swap3A_522], %swap3A_525 {strides = array<i32>} : memref<16x128xf32, #tpu.memory_space<vmem>>, vector<1x16xf32>,
      %swap3A_526 = arith.index_cast %scan3A_416 : i32 to index
      %swap3A_527 = arith.constant 96 : index
      %swap3A_528 = tpu.vector_load %arg9[%swap3A_526, %swap3A_527] {strides = array<i32>} : memref<16x128xf32, #tpu.memory_space<vmem>>, vector<1x16xf32>,
      %swap3A_529 = vector.shape_cast %swap3A_528 : vector<1x16xf32> to vector<16xf32>
      %swap3A_530 = vector.shape_cast %scan3A_494#6 : vector<16xf32> to vector<1x16xf32>
      tpu.vector_store %arg9[%swap3A_526, %swap3A_527], %swap3A_530 {strides = array<i32>} : memref<16x128xf32, #tpu.memory_space<vmem>>, vector<1x16xf32>,
      %swap3A_531 = arith.index_cast %scan3A_416 : i32 to index
      %swap3A_532 = arith.constant 112 : index
      %swap3A_533 = tpu.vector_load %arg9[%swap3A_531, %swap3A_532] {strides = array<i32>} : memref<16x128xf32, #tpu.memory_space<vmem>>, vector<1x16xf32>,
      %swap3A_534 = vector.shape_cast %swap3A_533 : vector<1x16xf32> to vector<16xf32>
      %swap3A_535 = vector.shape_cast %scan3A_494#7 : vector<16xf32> to vector<1x16xf32>
      tpu.vector_store %arg9[%swap3A_531, %swap3A_532], %swap3A_535 {strides = array<i32>} : memref<16x128xf32, #tpu.memory_space<vmem>>, vector<1x16xf32>,
      scf.yield %scan3A_494#8, %scan3A_494#9, %scan3A_494#10, %scan3A_494#11, %scan3A_494#12, %scan3A_494#13, %scan3A_494#14, %scan3A_494#15, %scan3A_494#16, %scan3A_494#17, %scan3A_494#18, %scan3A_494#19, %scan3A_494#20, %scan3A_494#21, %scan3A_494#22, %scan3A_494#23 : vector<16xf32>, vector<16xf32>, vector<16xf32>, vector<16xf32>, vector<16xf32>, vector<16xf32>, vector<16xf32>, vector<16xf32>, vector<16xf32>, vector<16xf32>, vector<16xf32>, vector<16xf32>, vector<16xf32>, vector<16xf32>, vector<16xf32>, vector<16xf32>
    }
    %scan3A_61 = arith.constant 16 : i32
    %mul3A_62 = arith.constant 256 : i32
    %mul3A_63 = arith.muli %add3A, %mul3A_62 : i32
    %add3A_64 = arith.constant 32 : i32
    %add3A_65 = arith.addi %mul3A_63, %add3A_64 : i32
    "tpu.region"() ({
      %run_scoped3A = tpu.sem_alloc : memref<!tpu.dma_semaphore, #tpu.memory_space<semaphore_mem>>
      %dma_start3A_416 = arith.constant 0 : i32
      %dma_start3A_417 = tpu.memref_slice %arg4[%add3A_65, %dma_start3A_416] : memref<8192x128xf32, #tpu.memory_space<hbm>> -> memref<16x128xf32, #tpu.memory_space<hbm>>
      %dma_start3A_418 = arith.constant 0 : i32
      %dma_start3A_419 = tpu.memref_slice %arg4[%add3A_65, %dma_start3A_418] : memref<8192x128xf32, #tpu.memory_space<hbm>> -> memref<16x128xf32, #tpu.memory_space<hbm>>
      tpu.enqueue_dma source(%arg9 : memref<16x128xf32, #tpu.memory_space<vmem>>) target(%dma_start3A_419 : memref<16x128xf32, #tpu.memory_space<hbm>>) target_semaphore(%run_scoped3A : memref<!tpu.dma_semaphore, #tpu.memory_space<semaphore_mem>>)
      %dma_wait3A_420 = arith.constant 0 : i32
      %dma_wait3A_421 = tpu.memref_slice %arg4[%add3A_65, %dma_wait3A_420] : memref<8192x128xf32, #tpu.memory_space<hbm>> -> memref<16x128xf32, #tpu.memory_space<hbm>>
      %dma_wait3A_422 = arith.constant 0 : i32
      %dma_wait3A_423 = tpu.memref_slice %arg4[%add3A_65, %dma_wait3A_422] : memref<8192x128xf32, #tpu.memory_space<hbm>> -> memref<16x128xf32, #tpu.memory_space<hbm>>
      tpu.wait_dma2 semaphore(%run_scoped3A : memref<!tpu.dma_semaphore, #tpu.memory_space<semaphore_mem>>) src(%arg9 : memref<16x128xf32, #tpu.memory_space<vmem>>) dst(%dma_wait3A_423 : memref<16x128xf32, #tpu.memory_space<hbm>>)
      tpu.yield
    }) : () -> ()
    %dma_start3A_66 = arith.constant 1024 : i32
    %dma_start3A_67 = tpu.memref_slice %arg6[%dma_start3A_66] : memref<4096xi32, #tpu.memory_space<vmem>> -> memref<256xi32, #tpu.memory_space<vmem>>
    %dma_start3A_68 = arith.constant 0 : i32
    %dma_start3A_69 = arith.constant 0 : i32
    %dma_start3A_70 = tpu.memref_slice %arg2[%dma_start3A_68, %dma_start3A_69] : memref<16384x128xf32, #tpu.memory_space<hbm>> -> memref<16384x128xf32, #tpu.memory_space<hbm>>
    tpu.enqueue_indirect_dma source(%dma_start3A_70 : memref<16384x128xf32, #tpu.memory_space<hbm>>) target(%arg7 : memref<256x128xf32, #tpu.memory_space<vmem>>) offsets(%dma_start3A_67 : memref<256xi32, #tpu.memory_space<vmem>>) semaphore(%arg11 : memref<!tpu.dma_semaphore, #tpu.memory_space<semaphore_mem>>)
    %dma_wait3A_71 = arith.constant 768 : i32
    %dma_wait3A_72 = tpu.memref_slice %arg6[%dma_wait3A_71] : memref<4096xi32, #tpu.memory_space<vmem>> -> memref<256xi32, #tpu.memory_space<vmem>>
    %dma_wait3A_73 = arith.constant 0 : i32
    %dma_wait3A_74 = arith.constant 0 : i32
    %dma_wait3A_75 = tpu.memref_slice %arg2[%dma_wait3A_73, %dma_wait3A_74] : memref<16384x128xf32, #tpu.memory_space<hbm>> -> memref<16384x128xf32, #tpu.memory_space<hbm>>
    tpu.wait_indirect_dma semaphore(%arg12 : memref<!tpu.dma_semaphore, #tpu.memory_space<semaphore_mem>>) src(%dma_wait3A_75 : memref<16384x128xf32, #tpu.memory_space<hbm>>) dst(%arg8 : memref<256x128xf32, #tpu.memory_space<vmem>>)
    %scan3A_76 = arith.constant 0 : i32
    %scan3A_77 = arith.constant 16 : i32
    %scan3A_78 = arith.addi %scan3A_76, %scan3A_77 : i32
    %scan3A_79 = arith.constant 1 : i32
    %scan3A_80:16 = scf.for %scan3A_416 = %scan3A_76 to %scan3A_78 step %scan3A_79 iter_args(%scan3A_417 = %scan3A_60#0, %scan3A_418 = %scan3A_60#1, %scan3A_419 = %scan3A_60#2, %scan3A_420 = %scan3A_60#3, %scan3A_421 = %scan3A_60#4, %scan3A_422 = %scan3A_60#5, %scan3A_423 = %scan3A_60#6, %scan3A_424 = %scan3A_60#7, %scan3A_425 = %scan3A_60#8, %scan3A_426 = %scan3A_60#9, %scan3A_427 = %scan3A_60#10, %scan3A_428 = %scan3A_60#11, %scan3A_429 = %scan3A_60#12, %scan3A_430 = %scan3A_60#13, %scan3A_431 = %scan3A_60#14, %scan3A_432 = %scan3A_60#15) -> (vector<16xf32>, vector<16xf32>, vector<16xf32>, vector<16xf32>, vector<16xf32>, vector<16xf32>, vector<16xf32>, vector<16xf32>, vector<16xf32>, vector<16xf32>, vector<16xf32>, vector<16xf32>, vector<16xf32>, vector<16xf32>, vector<16xf32>, vector<16xf32>)  : i32 {
      %mul3A_433 = arith.constant 16 : i32
      %mul3A_434 = arith.muli %scan3A_416, %mul3A_433 : i32
      %get3A = arith.index_cast %mul3A_434 : i32 to index
      %get3A_435 = arith.constant 0 : index
      %get3A_436 = tpu.vector_load %arg8[%get3A, %get3A_435] {strides = array<i32>} : memref<256x128xf32, #tpu.memory_space<vmem>>, vector<1x16xf32>,
      %get3A_437 = vector.shape_cast %get3A_436 : vector<1x16xf32> to vector<16xf32>
      %get3A_438 = arith.index_cast %mul3A_434 : i32 to index
      %get3A_439 = arith.constant 16 : index
      %get3A_440 = tpu.vector_load %arg8[%get3A_438, %get3A_439] {strides = array<i32>} : memref<256x128xf32, #tpu.memory_space<vmem>>, vector<1x16xf32>,
      %get3A_441 = vector.shape_cast %get3A_440 : vector<1x16xf32> to vector<16xf32>
      %get3A_442 = arith.index_cast %mul3A_434 : i32 to index
      %get3A_443 = arith.constant 32 : index
      %get3A_444 = tpu.vector_load %arg8[%get3A_442, %get3A_443] {strides = array<i32>} : memref<256x128xf32, #tpu.memory_space<vmem>>, vector<1x16xf32>,
      %get3A_445 = vector.shape_cast %get3A_444 : vector<1x16xf32> to vector<16xf32>
      %get3A_446 = arith.index_cast %mul3A_434 : i32 to index
      %get3A_447 = arith.constant 48 : index
      %get3A_448 = tpu.vector_load %arg8[%get3A_446, %get3A_447] {strides = array<i32>} : memref<256x128xf32, #tpu.memory_space<vmem>>, vector<1x16xf32>,
      %get3A_449 = vector.shape_cast %get3A_448 : vector<1x16xf32> to vector<16xf32>
      %get3A_450 = arith.index_cast %mul3A_434 : i32 to index
      %get3A_451 = arith.constant 64 : index
      %get3A_452 = tpu.vector_load %arg8[%get3A_450, %get3A_451] {strides = array<i32>} : memref<256x128xf32, #tpu.memory_space<vmem>>, vector<1x16xf32>,
      %get3A_453 = vector.shape_cast %get3A_452 : vector<1x16xf32> to vector<16xf32>
      %get3A_454 = arith.index_cast %mul3A_434 : i32 to index
      %get3A_455 = arith.constant 80 : index
      %get3A_456 = tpu.vector_load %arg8[%get3A_454, %get3A_455] {strides = array<i32>} : memref<256x128xf32, #tpu.memory_space<vmem>>, vector<1x16xf32>,
      %get3A_457 = vector.shape_cast %get3A_456 : vector<1x16xf32> to vector<16xf32>
      %get3A_458 = arith.index_cast %mul3A_434 : i32 to index
      %get3A_459 = arith.constant 96 : index
      %get3A_460 = tpu.vector_load %arg8[%get3A_458, %get3A_459] {strides = array<i32>} : memref<256x128xf32, #tpu.memory_space<vmem>>, vector<1x16xf32>,
      %get3A_461 = vector.shape_cast %get3A_460 : vector<1x16xf32> to vector<16xf32>
      %get3A_462 = arith.index_cast %mul3A_434 : i32 to index
      %get3A_463 = arith.constant 112 : index
      %get3A_464 = tpu.vector_load %arg8[%get3A_462, %get3A_463] {strides = array<i32>} : memref<256x128xf32, #tpu.memory_space<vmem>>, vector<1x16xf32>,
      %get3A_465 = vector.shape_cast %get3A_464 : vector<1x16xf32> to vector<16xf32>
      %add3A_466 = arith.addf %scan3A_417, %get3A_437 : vector<16xf32>
      %add3A_467 = arith.addf %scan3A_418, %get3A_441 : vector<16xf32>
      %add3A_468 = arith.addf %scan3A_419, %get3A_445 : vector<16xf32>
      %add3A_469 = arith.addf %scan3A_420, %get3A_449 : vector<16xf32>
      %add3A_470 = arith.addf %scan3A_421, %get3A_453 : vector<16xf32>
      %add3A_471 = arith.addf %scan3A_422, %get3A_457 : vector<16xf32>
      %add3A_472 = arith.addf %scan3A_423, %get3A_461 : vector<16xf32>
      %add3A_473 = arith.addf %scan3A_424, %get3A_465 : vector<16xf32>
      %mul3A_474 = arith.mulf %get3A_437, %get3A_437 : vector<16xf32>
      %add3A_475 = arith.addf %scan3A_425, %mul3A_474 : vector<16xf32>
      %mul3A_476 = arith.mulf %get3A_441, %get3A_441 : vector<16xf32>
      %add3A_477 = arith.addf %scan3A_426, %mul3A_476 : vector<16xf32>
      %mul3A_478 = arith.mulf %get3A_445, %get3A_445 : vector<16xf32>
      %add3A_479 = arith.addf %scan3A_427, %mul3A_478 : vector<16xf32>
      %mul3A_480 = arith.mulf %get3A_449, %get3A_449 : vector<16xf32>
      %add3A_481 = arith.addf %scan3A_428, %mul3A_480 : vector<16xf32>
      %mul3A_482 = arith.mulf %get3A_453, %get3A_453 : vector<16xf32>
      %add3A_483 = arith.addf %scan3A_429, %mul3A_482 : vector<16xf32>
      %mul3A_484 = arith.mulf %get3A_457, %get3A_457 : vector<16xf32>
      %add3A_485 = arith.addf %scan3A_430, %mul3A_484 : vector<16xf32>
      %mul3A_486 = arith.mulf %get3A_461, %get3A_461 : vector<16xf32>
      %add3A_487 = arith.addf %scan3A_431, %mul3A_486 : vector<16xf32>
      %mul3A_488 = arith.mulf %get3A_465, %get3A_465 : vector<16xf32>
      %add3A_489 = arith.addf %scan3A_432, %mul3A_488 : vector<16xf32>
      %scan3A_490 = arith.constant 1 : i32
      %scan3A_491 = arith.constant 15 : i32
      %scan3A_492 = arith.addi %scan3A_490, %scan3A_491 : i32
      %scan3A_493 = arith.constant 1 : i32
      %scan3A_494:24 = scf.for %scan3A_536 = %scan3A_490 to %scan3A_492 step %scan3A_493 iter_args(%scan3A_537 = %get3A_437, %scan3A_538 = %get3A_441, %scan3A_539 = %get3A_445, %scan3A_540 = %get3A_449, %scan3A_541 = %get3A_453, %scan3A_542 = %get3A_457, %scan3A_543 = %get3A_461, %scan3A_544 = %get3A_465, %scan3A_545 = %add3A_466, %scan3A_546 = %add3A_467, %scan3A_547 = %add3A_468, %scan3A_548 = %add3A_469, %scan3A_549 = %add3A_470, %scan3A_550 = %add3A_471, %scan3A_551 = %add3A_472, %scan3A_552 = %add3A_473, %scan3A_553 = %add3A_475, %scan3A_554 = %add3A_477, %scan3A_555 = %add3A_479, %scan3A_556 = %add3A_481, %scan3A_557 = %add3A_483, %scan3A_558 = %add3A_485, %scan3A_559 = %add3A_487, %scan3A_560 = %add3A_489) -> (vector<16xf32>, vector<16xf32>, vector<16xf32>, vector<16xf32>, vector<16xf32>, vector<16xf32>, vector<16xf32>, vector<16xf32>, vector<16xf32>, vector<16xf32>, vector<16xf32>, vector<16xf32>, vector<16xf32>, vector<16xf32>, vector<16xf32>, vector<16xf32>, vector<16xf32>, vector<16xf32>, vector<16xf32>, vector<16xf32>, vector<16xf32>, vector<16xf32>, vector<16xf32>, vector<16xf32>)  : i32 {
        %add3A_561 = arith.addi %mul3A_434, %scan3A_536 : i32
        %get3A_562 = arith.index_cast %add3A_561 : i32 to index
        %get3A_563 = arith.constant 0 : index
        %get3A_564 = tpu.vector_load %arg8[%get3A_562, %get3A_563] {strides = array<i32>} : memref<256x128xf32, #tpu.memory_space<vmem>>, vector<1x16xf32>,
        %get3A_565 = vector.shape_cast %get3A_564 : vector<1x16xf32> to vector<16xf32>
        %add3A_566 = arith.addi %mul3A_434, %scan3A_536 : i32
        %get3A_567 = arith.index_cast %add3A_566 : i32 to index
        %get3A_568 = arith.constant 16 : index
        %get3A_569 = tpu.vector_load %arg8[%get3A_567, %get3A_568] {strides = array<i32>} : memref<256x128xf32, #tpu.memory_space<vmem>>, vector<1x16xf32>,
        %get3A_570 = vector.shape_cast %get3A_569 : vector<1x16xf32> to vector<16xf32>
        %add3A_571 = arith.addi %mul3A_434, %scan3A_536 : i32
        %get3A_572 = arith.index_cast %add3A_571 : i32 to index
        %get3A_573 = arith.constant 32 : index
        %get3A_574 = tpu.vector_load %arg8[%get3A_572, %get3A_573] {strides = array<i32>} : memref<256x128xf32, #tpu.memory_space<vmem>>, vector<1x16xf32>,
        %get3A_575 = vector.shape_cast %get3A_574 : vector<1x16xf32> to vector<16xf32>
        %add3A_576 = arith.addi %mul3A_434, %scan3A_536 : i32
        %get3A_577 = arith.index_cast %add3A_576 : i32 to index
        %get3A_578 = arith.constant 48 : index
        %get3A_579 = tpu.vector_load %arg8[%get3A_577, %get3A_578] {strides = array<i32>} : memref<256x128xf32, #tpu.memory_space<vmem>>, vector<1x16xf32>,
        %get3A_580 = vector.shape_cast %get3A_579 : vector<1x16xf32> to vector<16xf32>
        %add3A_581 = arith.addi %mul3A_434, %scan3A_536 : i32
        %get3A_582 = arith.index_cast %add3A_581 : i32 to index
        %get3A_583 = arith.constant 64 : index
        %get3A_584 = tpu.vector_load %arg8[%get3A_582, %get3A_583] {strides = array<i32>} : memref<256x128xf32, #tpu.memory_space<vmem>>, vector<1x16xf32>,
        %get3A_585 = vector.shape_cast %get3A_584 : vector<1x16xf32> to vector<16xf32>
        %add3A_586 = arith.addi %mul3A_434, %scan3A_536 : i32
        %get3A_587 = arith.index_cast %add3A_586 : i32 to index
        %get3A_588 = arith.constant 80 : index
        %get3A_589 = tpu.vector_load %arg8[%get3A_587, %get3A_588] {strides = array<i32>} : memref<256x128xf32, #tpu.memory_space<vmem>>, vector<1x16xf32>,
        %get3A_590 = vector.shape_cast %get3A_589 : vector<1x16xf32> to vector<16xf32>
        %add3A_591 = arith.addi %mul3A_434, %scan3A_536 : i32
        %get3A_592 = arith.index_cast %add3A_591 : i32 to index
        %get3A_593 = arith.constant 96 : index
        %get3A_594 = tpu.vector_load %arg8[%get3A_592, %get3A_593] {strides = array<i32>} : memref<256x128xf32, #tpu.memory_space<vmem>>, vector<1x16xf32>,
        %get3A_595 = vector.shape_cast %get3A_594 : vector<1x16xf32> to vector<16xf32>
        %add3A_596 = arith.addi %mul3A_434, %scan3A_536 : i32
        %get3A_597 = arith.index_cast %add3A_596 : i32 to index
        %get3A_598 = arith.constant 112 : index
        %get3A_599 = tpu.vector_load %arg8[%get3A_597, %get3A_598] {strides = array<i32>} : memref<256x128xf32, #tpu.memory_space<vmem>>, vector<1x16xf32>,
        %get3A_600 = vector.shape_cast %get3A_599 : vector<1x16xf32> to vector<16xf32>
        %max3A = arith.maximumf %scan3A_537, %get3A_565 : vector<16xf32>
        %max3A_601 = arith.maximumf %scan3A_538, %get3A_570 : vector<16xf32>
        %max3A_602 = arith.maximumf %scan3A_539, %get3A_575 : vector<16xf32>
        %max3A_603 = arith.maximumf %scan3A_540, %get3A_580 : vector<16xf32>
        %max3A_604 = arith.maximumf %scan3A_541, %get3A_585 : vector<16xf32>
        %max3A_605 = arith.maximumf %scan3A_542, %get3A_590 : vector<16xf32>
        %max3A_606 = arith.maximumf %scan3A_543, %get3A_595 : vector<16xf32>
        %max3A_607 = arith.maximumf %scan3A_544, %get3A_600 : vector<16xf32>
        %add3A_608 = arith.addf %scan3A_545, %get3A_565 : vector<16xf32>
        %add3A_609 = arith.addf %scan3A_546, %get3A_570 : vector<16xf32>
        %add3A_610 = arith.addf %scan3A_547, %get3A_575 : vector<16xf32>
        %add3A_611 = arith.addf %scan3A_548, %get3A_580 : vector<16xf32>
        %add3A_612 = arith.addf %scan3A_549, %get3A_585 : vector<16xf32>
        %add3A_613 = arith.addf %scan3A_550, %get3A_590 : vector<16xf32>
        %add3A_614 = arith.addf %scan3A_551, %get3A_595 : vector<16xf32>
        %add3A_615 = arith.addf %scan3A_552, %get3A_600 : vector<16xf32>
        %mul3A_616 = arith.mulf %get3A_565, %get3A_565 : vector<16xf32>
        %add3A_617 = arith.addf %scan3A_553, %mul3A_616 : vector<16xf32>
        %mul3A_618 = arith.mulf %get3A_570, %get3A_570 : vector<16xf32>
        %add3A_619 = arith.addf %scan3A_554, %mul3A_618 : vector<16xf32>
        %mul3A_620 = arith.mulf %get3A_575, %get3A_575 : vector<16xf32>
        %add3A_621 = arith.addf %scan3A_555, %mul3A_620 : vector<16xf32>
        %mul3A_622 = arith.mulf %get3A_580, %get3A_580 : vector<16xf32>
        %add3A_623 = arith.addf %scan3A_556, %mul3A_622 : vector<16xf32>
        %mul3A_624 = arith.mulf %get3A_585, %get3A_585 : vector<16xf32>
        %add3A_625 = arith.addf %scan3A_557, %mul3A_624 : vector<16xf32>
        %mul3A_626 = arith.mulf %get3A_590, %get3A_590 : vector<16xf32>
        %add3A_627 = arith.addf %scan3A_558, %mul3A_626 : vector<16xf32>
        %mul3A_628 = arith.mulf %get3A_595, %get3A_595 : vector<16xf32>
        %add3A_629 = arith.addf %scan3A_559, %mul3A_628 : vector<16xf32>
        %mul3A_630 = arith.mulf %get3A_600, %get3A_600 : vector<16xf32>
        %add3A_631 = arith.addf %scan3A_560, %mul3A_630 : vector<16xf32>
        scf.yield %max3A, %max3A_601, %max3A_602, %max3A_603, %max3A_604, %max3A_605, %max3A_606, %max3A_607, %add3A_608, %add3A_609, %add3A_610, %add3A_611, %add3A_612, %add3A_613, %add3A_614, %add3A_615, %add3A_617, %add3A_619, %add3A_621, %add3A_623, %add3A_625, %add3A_627, %add3A_629, %add3A_631 : vector<16xf32>, vector<16xf32>, vector<16xf32>, vector<16xf32>, vector<16xf32>, vector<16xf32>, vector<16xf32>, vector<16xf32>, vector<16xf32>, vector<16xf32>, vector<16xf32>, vector<16xf32>, vector<16xf32>, vector<16xf32>, vector<16xf32>, vector<16xf32>, vector<16xf32>, vector<16xf32>, vector<16xf32>, vector<16xf32>, vector<16xf32>, vector<16xf32>, vector<16xf32>, vector<16xf32>
      }
      %scan3A_495 = arith.constant 15 : i32
      %swap3A_496 = arith.index_cast %scan3A_416 : i32 to index
      %swap3A_497 = arith.constant 0 : index
      %swap3A_498 = tpu.vector_load %arg9[%swap3A_496, %swap3A_497] {strides = array<i32>} : memref<16x128xf32, #tpu.memory_space<vmem>>, vector<1x16xf32>,
      %swap3A_499 = vector.shape_cast %swap3A_498 : vector<1x16xf32> to vector<16xf32>
      %swap3A_500 = vector.shape_cast %scan3A_494#0 : vector<16xf32> to vector<1x16xf32>
      tpu.vector_store %arg9[%swap3A_496, %swap3A_497], %swap3A_500 {strides = array<i32>} : memref<16x128xf32, #tpu.memory_space<vmem>>, vector<1x16xf32>,
      %swap3A_501 = arith.index_cast %scan3A_416 : i32 to index
      %swap3A_502 = arith.constant 16 : index
      %swap3A_503 = tpu.vector_load %arg9[%swap3A_501, %swap3A_502] {strides = array<i32>} : memref<16x128xf32, #tpu.memory_space<vmem>>, vector<1x16xf32>,
      %swap3A_504 = vector.shape_cast %swap3A_503 : vector<1x16xf32> to vector<16xf32>
      %swap3A_505 = vector.shape_cast %scan3A_494#1 : vector<16xf32> to vector<1x16xf32>
      tpu.vector_store %arg9[%swap3A_501, %swap3A_502], %swap3A_505 {strides = array<i32>} : memref<16x128xf32, #tpu.memory_space<vmem>>, vector<1x16xf32>,
      %swap3A_506 = arith.index_cast %scan3A_416 : i32 to index
      %swap3A_507 = arith.constant 32 : index
      %swap3A_508 = tpu.vector_load %arg9[%swap3A_506, %swap3A_507] {strides = array<i32>} : memref<16x128xf32, #tpu.memory_space<vmem>>, vector<1x16xf32>,
      %swap3A_509 = vector.shape_cast %swap3A_508 : vector<1x16xf32> to vector<16xf32>
      %swap3A_510 = vector.shape_cast %scan3A_494#2 : vector<16xf32> to vector<1x16xf32>
      tpu.vector_store %arg9[%swap3A_506, %swap3A_507], %swap3A_510 {strides = array<i32>} : memref<16x128xf32, #tpu.memory_space<vmem>>, vector<1x16xf32>,
      %swap3A_511 = arith.index_cast %scan3A_416 : i32 to index
      %swap3A_512 = arith.constant 48 : index
      %swap3A_513 = tpu.vector_load %arg9[%swap3A_511, %swap3A_512] {strides = array<i32>} : memref<16x128xf32, #tpu.memory_space<vmem>>, vector<1x16xf32>,
      %swap3A_514 = vector.shape_cast %swap3A_513 : vector<1x16xf32> to vector<16xf32>
      %swap3A_515 = vector.shape_cast %scan3A_494#3 : vector<16xf32> to vector<1x16xf32>
      tpu.vector_store %arg9[%swap3A_511, %swap3A_512], %swap3A_515 {strides = array<i32>} : memref<16x128xf32, #tpu.memory_space<vmem>>, vector<1x16xf32>,
      %swap3A_516 = arith.index_cast %scan3A_416 : i32 to index
      %swap3A_517 = arith.constant 64 : index
      %swap3A_518 = tpu.vector_load %arg9[%swap3A_516, %swap3A_517] {strides = array<i32>} : memref<16x128xf32, #tpu.memory_space<vmem>>, vector<1x16xf32>,
      %swap3A_519 = vector.shape_cast %swap3A_518 : vector<1x16xf32> to vector<16xf32>
      %swap3A_520 = vector.shape_cast %scan3A_494#4 : vector<16xf32> to vector<1x16xf32>
      tpu.vector_store %arg9[%swap3A_516, %swap3A_517], %swap3A_520 {strides = array<i32>} : memref<16x128xf32, #tpu.memory_space<vmem>>, vector<1x16xf32>,
      %swap3A_521 = arith.index_cast %scan3A_416 : i32 to index
      %swap3A_522 = arith.constant 80 : index
      %swap3A_523 = tpu.vector_load %arg9[%swap3A_521, %swap3A_522] {strides = array<i32>} : memref<16x128xf32, #tpu.memory_space<vmem>>, vector<1x16xf32>,
      %swap3A_524 = vector.shape_cast %swap3A_523 : vector<1x16xf32> to vector<16xf32>
      %swap3A_525 = vector.shape_cast %scan3A_494#5 : vector<16xf32> to vector<1x16xf32>
      tpu.vector_store %arg9[%swap3A_521, %swap3A_522], %swap3A_525 {strides = array<i32>} : memref<16x128xf32, #tpu.memory_space<vmem>>, vector<1x16xf32>,
      %swap3A_526 = arith.index_cast %scan3A_416 : i32 to index
      %swap3A_527 = arith.constant 96 : index
      %swap3A_528 = tpu.vector_load %arg9[%swap3A_526, %swap3A_527] {strides = array<i32>} : memref<16x128xf32, #tpu.memory_space<vmem>>, vector<1x16xf32>,
      %swap3A_529 = vector.shape_cast %swap3A_528 : vector<1x16xf32> to vector<16xf32>
      %swap3A_530 = vector.shape_cast %scan3A_494#6 : vector<16xf32> to vector<1x16xf32>
      tpu.vector_store %arg9[%swap3A_526, %swap3A_527], %swap3A_530 {strides = array<i32>} : memref<16x128xf32, #tpu.memory_space<vmem>>, vector<1x16xf32>,
      %swap3A_531 = arith.index_cast %scan3A_416 : i32 to index
      %swap3A_532 = arith.constant 112 : index
      %swap3A_533 = tpu.vector_load %arg9[%swap3A_531, %swap3A_532] {strides = array<i32>} : memref<16x128xf32, #tpu.memory_space<vmem>>, vector<1x16xf32>,
      %swap3A_534 = vector.shape_cast %swap3A_533 : vector<1x16xf32> to vector<16xf32>
      %swap3A_535 = vector.shape_cast %scan3A_494#7 : vector<16xf32> to vector<1x16xf32>
      tpu.vector_store %arg9[%swap3A_531, %swap3A_532], %swap3A_535 {strides = array<i32>} : memref<16x128xf32, #tpu.memory_space<vmem>>, vector<1x16xf32>,
      scf.yield %scan3A_494#8, %scan3A_494#9, %scan3A_494#10, %scan3A_494#11, %scan3A_494#12, %scan3A_494#13, %scan3A_494#14, %scan3A_494#15, %scan3A_494#16, %scan3A_494#17, %scan3A_494#18, %scan3A_494#19, %scan3A_494#20, %scan3A_494#21, %scan3A_494#22, %scan3A_494#23 : vector<16xf32>, vector<16xf32>, vector<16xf32>, vector<16xf32>, vector<16xf32>, vector<16xf32>, vector<16xf32>, vector<16xf32>, vector<16xf32>, vector<16xf32>, vector<16xf32>, vector<16xf32>, vector<16xf32>, vector<16xf32>, vector<16xf32>, vector<16xf32>
    }
    %scan3A_81 = arith.constant 16 : i32
    %mul3A_82 = arith.constant 256 : i32
    %mul3A_83 = arith.muli %add3A, %mul3A_82 : i32
    %add3A_84 = arith.constant 48 : i32
    %add3A_85 = arith.addi %mul3A_83, %add3A_84 : i32
    "tpu.region"() ({
      %run_scoped3A = tpu.sem_alloc : memref<!tpu.dma_semaphore, #tpu.memory_space<semaphore_mem>>
      %dma_start3A_416 = arith.constant 0 : i32
      %dma_start3A_417 = tpu.memref_slice %arg4[%add3A_85, %dma_start3A_416] : memref<8192x128xf32, #tpu.memory_space<hbm>> -> memref<16x128xf32, #tpu.memory_space<hbm>>
      %dma_start3A_418 = arith.constant 0 : i32
      %dma_start3A_419 = tpu.memref_slice %arg4[%add3A_85, %dma_start3A_418] : memref<8192x128xf32, #tpu.memory_space<hbm>> -> memref<16x128xf32, #tpu.memory_space<hbm>>
      tpu.enqueue_dma source(%arg9 : memref<16x128xf32, #tpu.memory_space<vmem>>) target(%dma_start3A_419 : memref<16x128xf32, #tpu.memory_space<hbm>>) target_semaphore(%run_scoped3A : memref<!tpu.dma_semaphore, #tpu.memory_space<semaphore_mem>>)
      %dma_wait3A_420 = arith.constant 0 : i32
      %dma_wait3A_421 = tpu.memref_slice %arg4[%add3A_85, %dma_wait3A_420] : memref<8192x128xf32, #tpu.memory_space<hbm>> -> memref<16x128xf32, #tpu.memory_space<hbm>>
      %dma_wait3A_422 = arith.constant 0 : i32
      %dma_wait3A_423 = tpu.memref_slice %arg4[%add3A_85, %dma_wait3A_422] : memref<8192x128xf32, #tpu.memory_space<hbm>> -> memref<16x128xf32, #tpu.memory_space<hbm>>
      tpu.wait_dma2 semaphore(%run_scoped3A : memref<!tpu.dma_semaphore, #tpu.memory_space<semaphore_mem>>) src(%arg9 : memref<16x128xf32, #tpu.memory_space<vmem>>) dst(%dma_wait3A_423 : memref<16x128xf32, #tpu.memory_space<hbm>>)
      tpu.yield
    }) : () -> ()
    %dma_start3A_86 = arith.constant 1280 : i32
    %dma_start3A_87 = tpu.memref_slice %arg6[%dma_start3A_86] : memref<4096xi32, #tpu.memory_space<vmem>> -> memref<256xi32, #tpu.memory_space<vmem>>
    %dma_start3A_88 = arith.constant 0 : i32
    %dma_start3A_89 = arith.constant 0 : i32
    %dma_start3A_90 = tpu.memref_slice %arg2[%dma_start3A_88, %dma_start3A_89] : memref<16384x128xf32, #tpu.memory_space<hbm>> -> memref<16384x128xf32, #tpu.memory_space<hbm>>
    tpu.enqueue_indirect_dma source(%dma_start3A_90 : memref<16384x128xf32, #tpu.memory_space<hbm>>) target(%arg8 : memref<256x128xf32, #tpu.memory_space<vmem>>) offsets(%dma_start3A_87 : memref<256xi32, #tpu.memory_space<vmem>>) semaphore(%arg12 : memref<!tpu.dma_semaphore, #tpu.memory_space<semaphore_mem>>)
    %dma_wait3A_91 = arith.constant 1024 : i32
    %dma_wait3A_92 = tpu.memref_slice %arg6[%dma_wait3A_91] : memref<4096xi32, #tpu.memory_space<vmem>> -> memref<256xi32, #tpu.memory_space<vmem>>
    %dma_wait3A_93 = arith.constant 0 : i32
    %dma_wait3A_94 = arith.constant 0 : i32
    %dma_wait3A_95 = tpu.memref_slice %arg2[%dma_wait3A_93, %dma_wait3A_94] : memref<16384x128xf32, #tpu.memory_space<hbm>> -> memref<16384x128xf32, #tpu.memory_space<hbm>>
    tpu.wait_indirect_dma semaphore(%arg11 : memref<!tpu.dma_semaphore, #tpu.memory_space<semaphore_mem>>) src(%dma_wait3A_95 : memref<16384x128xf32, #tpu.memory_space<hbm>>) dst(%arg7 : memref<256x128xf32, #tpu.memory_space<vmem>>)
    %scan3A_96 = arith.constant 0 : i32
    %scan3A_97 = arith.constant 16 : i32
    %scan3A_98 = arith.addi %scan3A_96, %scan3A_97 : i32
    %scan3A_99 = arith.constant 1 : i32
    %scan3A_100:16 = scf.for %scan3A_416 = %scan3A_96 to %scan3A_98 step %scan3A_99 iter_args(%scan3A_417 = %scan3A_80#0, %scan3A_418 = %scan3A_80#1, %scan3A_419 = %scan3A_80#2, %scan3A_420 = %scan3A_80#3, %scan3A_421 = %scan3A_80#4, %scan3A_422 = %scan3A_80#5, %scan3A_423 = %scan3A_80#6, %scan3A_424 = %scan3A_80#7, %scan3A_425 = %scan3A_80#8, %scan3A_426 = %scan3A_80#9, %scan3A_427 = %scan3A_80#10, %scan3A_428 = %scan3A_80#11, %scan3A_429 = %scan3A_80#12, %scan3A_430 = %scan3A_80#13, %scan3A_431 = %scan3A_80#14, %scan3A_432 = %scan3A_80#15) -> (vector<16xf32>, vector<16xf32>, vector<16xf32>, vector<16xf32>, vector<16xf32>, vector<16xf32>, vector<16xf32>, vector<16xf32>, vector<16xf32>, vector<16xf32>, vector<16xf32>, vector<16xf32>, vector<16xf32>, vector<16xf32>, vector<16xf32>, vector<16xf32>)  : i32 {
      %mul3A_433 = arith.constant 16 : i32
      %mul3A_434 = arith.muli %scan3A_416, %mul3A_433 : i32
      %get3A = arith.index_cast %mul3A_434 : i32 to index
      %get3A_435 = arith.constant 0 : index
      %get3A_436 = tpu.vector_load %arg7[%get3A, %get3A_435] {strides = array<i32>} : memref<256x128xf32, #tpu.memory_space<vmem>>, vector<1x16xf32>,
      %get3A_437 = vector.shape_cast %get3A_436 : vector<1x16xf32> to vector<16xf32>
      %get3A_438 = arith.index_cast %mul3A_434 : i32 to index
      %get3A_439 = arith.constant 16 : index
      %get3A_440 = tpu.vector_load %arg7[%get3A_438, %get3A_439] {strides = array<i32>} : memref<256x128xf32, #tpu.memory_space<vmem>>, vector<1x16xf32>,
      %get3A_441 = vector.shape_cast %get3A_440 : vector<1x16xf32> to vector<16xf32>
      %get3A_442 = arith.index_cast %mul3A_434 : i32 to index
      %get3A_443 = arith.constant 32 : index
      %get3A_444 = tpu.vector_load %arg7[%get3A_442, %get3A_443] {strides = array<i32>} : memref<256x128xf32, #tpu.memory_space<vmem>>, vector<1x16xf32>,
      %get3A_445 = vector.shape_cast %get3A_444 : vector<1x16xf32> to vector<16xf32>
      %get3A_446 = arith.index_cast %mul3A_434 : i32 to index
      %get3A_447 = arith.constant 48 : index
      %get3A_448 = tpu.vector_load %arg7[%get3A_446, %get3A_447] {strides = array<i32>} : memref<256x128xf32, #tpu.memory_space<vmem>>, vector<1x16xf32>,
      %get3A_449 = vector.shape_cast %get3A_448 : vector<1x16xf32> to vector<16xf32>
      %get3A_450 = arith.index_cast %mul3A_434 : i32 to index
      %get3A_451 = arith.constant 64 : index
      %get3A_452 = tpu.vector_load %arg7[%get3A_450, %get3A_451] {strides = array<i32>} : memref<256x128xf32, #tpu.memory_space<vmem>>, vector<1x16xf32>,
      %get3A_453 = vector.shape_cast %get3A_452 : vector<1x16xf32> to vector<16xf32>
      %get3A_454 = arith.index_cast %mul3A_434 : i32 to index
      %get3A_455 = arith.constant 80 : index
      %get3A_456 = tpu.vector_load %arg7[%get3A_454, %get3A_455] {strides = array<i32>} : memref<256x128xf32, #tpu.memory_space<vmem>>, vector<1x16xf32>,
      %get3A_457 = vector.shape_cast %get3A_456 : vector<1x16xf32> to vector<16xf32>
      %get3A_458 = arith.index_cast %mul3A_434 : i32 to index
      %get3A_459 = arith.constant 96 : index
      %get3A_460 = tpu.vector_load %arg7[%get3A_458, %get3A_459] {strides = array<i32>} : memref<256x128xf32, #tpu.memory_space<vmem>>, vector<1x16xf32>,
      %get3A_461 = vector.shape_cast %get3A_460 : vector<1x16xf32> to vector<16xf32>
      %get3A_462 = arith.index_cast %mul3A_434 : i32 to index
      %get3A_463 = arith.constant 112 : index
      %get3A_464 = tpu.vector_load %arg7[%get3A_462, %get3A_463] {strides = array<i32>} : memref<256x128xf32, #tpu.memory_space<vmem>>, vector<1x16xf32>,
      %get3A_465 = vector.shape_cast %get3A_464 : vector<1x16xf32> to vector<16xf32>
      %add3A_466 = arith.addf %scan3A_417, %get3A_437 : vector<16xf32>
      %add3A_467 = arith.addf %scan3A_418, %get3A_441 : vector<16xf32>
      %add3A_468 = arith.addf %scan3A_419, %get3A_445 : vector<16xf32>
      %add3A_469 = arith.addf %scan3A_420, %get3A_449 : vector<16xf32>
      %add3A_470 = arith.addf %scan3A_421, %get3A_453 : vector<16xf32>
      %add3A_471 = arith.addf %scan3A_422, %get3A_457 : vector<16xf32>
      %add3A_472 = arith.addf %scan3A_423, %get3A_461 : vector<16xf32>
      %add3A_473 = arith.addf %scan3A_424, %get3A_465 : vector<16xf32>
      %mul3A_474 = arith.mulf %get3A_437, %get3A_437 : vector<16xf32>
      %add3A_475 = arith.addf %scan3A_425, %mul3A_474 : vector<16xf32>
      %mul3A_476 = arith.mulf %get3A_441, %get3A_441 : vector<16xf32>
      %add3A_477 = arith.addf %scan3A_426, %mul3A_476 : vector<16xf32>
      %mul3A_478 = arith.mulf %get3A_445, %get3A_445 : vector<16xf32>
      %add3A_479 = arith.addf %scan3A_427, %mul3A_478 : vector<16xf32>
      %mul3A_480 = arith.mulf %get3A_449, %get3A_449 : vector<16xf32>
      %add3A_481 = arith.addf %scan3A_428, %mul3A_480 : vector<16xf32>
      %mul3A_482 = arith.mulf %get3A_453, %get3A_453 : vector<16xf32>
      %add3A_483 = arith.addf %scan3A_429, %mul3A_482 : vector<16xf32>
      %mul3A_484 = arith.mulf %get3A_457, %get3A_457 : vector<16xf32>
      %add3A_485 = arith.addf %scan3A_430, %mul3A_484 : vector<16xf32>
      %mul3A_486 = arith.mulf %get3A_461, %get3A_461 : vector<16xf32>
      %add3A_487 = arith.addf %scan3A_431, %mul3A_486 : vector<16xf32>
      %mul3A_488 = arith.mulf %get3A_465, %get3A_465 : vector<16xf32>
      %add3A_489 = arith.addf %scan3A_432, %mul3A_488 : vector<16xf32>
      %scan3A_490 = arith.constant 1 : i32
      %scan3A_491 = arith.constant 15 : i32
      %scan3A_492 = arith.addi %scan3A_490, %scan3A_491 : i32
      %scan3A_493 = arith.constant 1 : i32
      %scan3A_494:24 = scf.for %scan3A_536 = %scan3A_490 to %scan3A_492 step %scan3A_493 iter_args(%scan3A_537 = %get3A_437, %scan3A_538 = %get3A_441, %scan3A_539 = %get3A_445, %scan3A_540 = %get3A_449, %scan3A_541 = %get3A_453, %scan3A_542 = %get3A_457, %scan3A_543 = %get3A_461, %scan3A_544 = %get3A_465, %scan3A_545 = %add3A_466, %scan3A_546 = %add3A_467, %scan3A_547 = %add3A_468, %scan3A_548 = %add3A_469, %scan3A_549 = %add3A_470, %scan3A_550 = %add3A_471, %scan3A_551 = %add3A_472, %scan3A_552 = %add3A_473, %scan3A_553 = %add3A_475, %scan3A_554 = %add3A_477, %scan3A_555 = %add3A_479, %scan3A_556 = %add3A_481, %scan3A_557 = %add3A_483, %scan3A_558 = %add3A_485, %scan3A_559 = %add3A_487, %scan3A_560 = %add3A_489) -> (vector<16xf32>, vector<16xf32>, vector<16xf32>, vector<16xf32>, vector<16xf32>, vector<16xf32>, vector<16xf32>, vector<16xf32>, vector<16xf32>, vector<16xf32>, vector<16xf32>, vector<16xf32>, vector<16xf32>, vector<16xf32>, vector<16xf32>, vector<16xf32>, vector<16xf32>, vector<16xf32>, vector<16xf32>, vector<16xf32>, vector<16xf32>, vector<16xf32>, vector<16xf32>, vector<16xf32>)  : i32 {
        %add3A_561 = arith.addi %mul3A_434, %scan3A_536 : i32
        %get3A_562 = arith.index_cast %add3A_561 : i32 to index
        %get3A_563 = arith.constant 0 : index
        %get3A_564 = tpu.vector_load %arg7[%get3A_562, %get3A_563] {strides = array<i32>} : memref<256x128xf32, #tpu.memory_space<vmem>>, vector<1x16xf32>,
        %get3A_565 = vector.shape_cast %get3A_564 : vector<1x16xf32> to vector<16xf32>
        %add3A_566 = arith.addi %mul3A_434, %scan3A_536 : i32
        %get3A_567 = arith.index_cast %add3A_566 : i32 to index
        %get3A_568 = arith.constant 16 : index
        %get3A_569 = tpu.vector_load %arg7[%get3A_567, %get3A_568] {strides = array<i32>} : memref<256x128xf32, #tpu.memory_space<vmem>>, vector<1x16xf32>,
        %get3A_570 = vector.shape_cast %get3A_569 : vector<1x16xf32> to vector<16xf32>
        %add3A_571 = arith.addi %mul3A_434, %scan3A_536 : i32
        %get3A_572 = arith.index_cast %add3A_571 : i32 to index
        %get3A_573 = arith.constant 32 : index
        %get3A_574 = tpu.vector_load %arg7[%get3A_572, %get3A_573] {strides = array<i32>} : memref<256x128xf32, #tpu.memory_space<vmem>>, vector<1x16xf32>,
        %get3A_575 = vector.shape_cast %get3A_574 : vector<1x16xf32> to vector<16xf32>
        %add3A_576 = arith.addi %mul3A_434, %scan3A_536 : i32
        %get3A_577 = arith.index_cast %add3A_576 : i32 to index
        %get3A_578 = arith.constant 48 : index
        %get3A_579 = tpu.vector_load %arg7[%get3A_577, %get3A_578] {strides = array<i32>} : memref<256x128xf32, #tpu.memory_space<vmem>>, vector<1x16xf32>,
        %get3A_580 = vector.shape_cast %get3A_579 : vector<1x16xf32> to vector<16xf32>
        %add3A_581 = arith.addi %mul3A_434, %scan3A_536 : i32
        %get3A_582 = arith.index_cast %add3A_581 : i32 to index
        %get3A_583 = arith.constant 64 : index
        %get3A_584 = tpu.vector_load %arg7[%get3A_582, %get3A_583] {strides = array<i32>} : memref<256x128xf32, #tpu.memory_space<vmem>>, vector<1x16xf32>,
        %get3A_585 = vector.shape_cast %get3A_584 : vector<1x16xf32> to vector<16xf32>
        %add3A_586 = arith.addi %mul3A_434, %scan3A_536 : i32
        %get3A_587 = arith.index_cast %add3A_586 : i32 to index
        %get3A_588 = arith.constant 80 : index
        %get3A_589 = tpu.vector_load %arg7[%get3A_587, %get3A_588] {strides = array<i32>} : memref<256x128xf32, #tpu.memory_space<vmem>>, vector<1x16xf32>,
        %get3A_590 = vector.shape_cast %get3A_589 : vector<1x16xf32> to vector<16xf32>
        %add3A_591 = arith.addi %mul3A_434, %scan3A_536 : i32
        %get3A_592 = arith.index_cast %add3A_591 : i32 to index
        %get3A_593 = arith.constant 96 : index
        %get3A_594 = tpu.vector_load %arg7[%get3A_592, %get3A_593] {strides = array<i32>} : memref<256x128xf32, #tpu.memory_space<vmem>>, vector<1x16xf32>,
        %get3A_595 = vector.shape_cast %get3A_594 : vector<1x16xf32> to vector<16xf32>
        %add3A_596 = arith.addi %mul3A_434, %scan3A_536 : i32
        %get3A_597 = arith.index_cast %add3A_596 : i32 to index
        %get3A_598 = arith.constant 112 : index
        %get3A_599 = tpu.vector_load %arg7[%get3A_597, %get3A_598] {strides = array<i32>} : memref<256x128xf32, #tpu.memory_space<vmem>>, vector<1x16xf32>,
        %get3A_600 = vector.shape_cast %get3A_599 : vector<1x16xf32> to vector<16xf32>
        %max3A = arith.maximumf %scan3A_537, %get3A_565 : vector<16xf32>
        %max3A_601 = arith.maximumf %scan3A_538, %get3A_570 : vector<16xf32>
        %max3A_602 = arith.maximumf %scan3A_539, %get3A_575 : vector<16xf32>
        %max3A_603 = arith.maximumf %scan3A_540, %get3A_580 : vector<16xf32>
        %max3A_604 = arith.maximumf %scan3A_541, %get3A_585 : vector<16xf32>
        %max3A_605 = arith.maximumf %scan3A_542, %get3A_590 : vector<16xf32>
        %max3A_606 = arith.maximumf %scan3A_543, %get3A_595 : vector<16xf32>
        %max3A_607 = arith.maximumf %scan3A_544, %get3A_600 : vector<16xf32>
        %add3A_608 = arith.addf %scan3A_545, %get3A_565 : vector<16xf32>
        %add3A_609 = arith.addf %scan3A_546, %get3A_570 : vector<16xf32>
        %add3A_610 = arith.addf %scan3A_547, %get3A_575 : vector<16xf32>
        %add3A_611 = arith.addf %scan3A_548, %get3A_580 : vector<16xf32>
        %add3A_612 = arith.addf %scan3A_549, %get3A_585 : vector<16xf32>
        %add3A_613 = arith.addf %scan3A_550, %get3A_590 : vector<16xf32>
        %add3A_614 = arith.addf %scan3A_551, %get3A_595 : vector<16xf32>
        %add3A_615 = arith.addf %scan3A_552, %get3A_600 : vector<16xf32>
        %mul3A_616 = arith.mulf %get3A_565, %get3A_565 : vector<16xf32>
        %add3A_617 = arith.addf %scan3A_553, %mul3A_616 : vector<16xf32>
        %mul3A_618 = arith.mulf %get3A_570, %get3A_570 : vector<16xf32>
        %add3A_619 = arith.addf %scan3A_554, %mul3A_618 : vector<16xf32>
        %mul3A_620 = arith.mulf %get3A_575, %get3A_575 : vector<16xf32>
        %add3A_621 = arith.addf %scan3A_555, %mul3A_620 : vector<16xf32>
        %mul3A_622 = arith.mulf %get3A_580, %get3A_580 : vector<16xf32>
        %add3A_623 = arith.addf %scan3A_556, %mul3A_622 : vector<16xf32>
        %mul3A_624 = arith.mulf %get3A_585, %get3A_585 : vector<16xf32>
        %add3A_625 = arith.addf %scan3A_557, %mul3A_624 : vector<16xf32>
        %mul3A_626 = arith.mulf %get3A_590, %get3A_590 : vector<16xf32>
        %add3A_627 = arith.addf %scan3A_558, %mul3A_626 : vector<16xf32>
        %mul3A_628 = arith.mulf %get3A_595, %get3A_595 : vector<16xf32>
        %add3A_629 = arith.addf %scan3A_559, %mul3A_628 : vector<16xf32>
        %mul3A_630 = arith.mulf %get3A_600, %get3A_600 : vector<16xf32>
        %add3A_631 = arith.addf %scan3A_560, %mul3A_630 : vector<16xf32>
        scf.yield %max3A, %max3A_601, %max3A_602, %max3A_603, %max3A_604, %max3A_605, %max3A_606, %max3A_607, %add3A_608, %add3A_609, %add3A_610, %add3A_611, %add3A_612, %add3A_613, %add3A_614, %add3A_615, %add3A_617, %add3A_619, %add3A_621, %add3A_623, %add3A_625, %add3A_627, %add3A_629, %add3A_631 : vector<16xf32>, vector<16xf32>, vector<16xf32>, vector<16xf32>, vector<16xf32>, vector<16xf32>, vector<16xf32>, vector<16xf32>, vector<16xf32>, vector<16xf32>, vector<16xf32>, vector<16xf32>, vector<16xf32>, vector<16xf32>, vector<16xf32>, vector<16xf32>, vector<16xf32>, vector<16xf32>, vector<16xf32>, vector<16xf32>, vector<16xf32>, vector<16xf32>, vector<16xf32>, vector<16xf32>
      }
      %scan3A_495 = arith.constant 15 : i32
      %swap3A_496 = arith.index_cast %scan3A_416 : i32 to index
      %swap3A_497 = arith.constant 0 : index
      %swap3A_498 = tpu.vector_load %arg9[%swap3A_496, %swap3A_497] {strides = array<i32>} : memref<16x128xf32, #tpu.memory_space<vmem>>, vector<1x16xf32>,
      %swap3A_499 = vector.shape_cast %swap3A_498 : vector<1x16xf32> to vector<16xf32>
      %swap3A_500 = vector.shape_cast %scan3A_494#0 : vector<16xf32> to vector<1x16xf32>
      tpu.vector_store %arg9[%swap3A_496, %swap3A_497], %swap3A_500 {strides = array<i32>} : memref<16x128xf32, #tpu.memory_space<vmem>>, vector<1x16xf32>,
      %swap3A_501 = arith.index_cast %scan3A_416 : i32 to index
      %swap3A_502 = arith.constant 16 : index
      %swap3A_503 = tpu.vector_load %arg9[%swap3A_501, %swap3A_502] {strides = array<i32>} : memref<16x128xf32, #tpu.memory_space<vmem>>, vector<1x16xf32>,
      %swap3A_504 = vector.shape_cast %swap3A_503 : vector<1x16xf32> to vector<16xf32>
      %swap3A_505 = vector.shape_cast %scan3A_494#1 : vector<16xf32> to vector<1x16xf32>
      tpu.vector_store %arg9[%swap3A_501, %swap3A_502], %swap3A_505 {strides = array<i32>} : memref<16x128xf32, #tpu.memory_space<vmem>>, vector<1x16xf32>,
      %swap3A_506 = arith.index_cast %scan3A_416 : i32 to index
      %swap3A_507 = arith.constant 32 : index
      %swap3A_508 = tpu.vector_load %arg9[%swap3A_506, %swap3A_507] {strides = array<i32>} : memref<16x128xf32, #tpu.memory_space<vmem>>, vector<1x16xf32>,
      %swap3A_509 = vector.shape_cast %swap3A_508 : vector<1x16xf32> to vector<16xf32>
      %swap3A_510 = vector.shape_cast %scan3A_494#2 : vector<16xf32> to vector<1x16xf32>
      tpu.vector_store %arg9[%swap3A_506, %swap3A_507], %swap3A_510 {strides = array<i32>} : memref<16x128xf32, #tpu.memory_space<vmem>>, vector<1x16xf32>,
      %swap3A_511 = arith.index_cast %scan3A_416 : i32 to index
      %swap3A_512 = arith.constant 48 : index
      %swap3A_513 = tpu.vector_load %arg9[%swap3A_511, %swap3A_512] {strides = array<i32>} : memref<16x128xf32, #tpu.memory_space<vmem>>, vector<1x16xf32>,
      %swap3A_514 = vector.shape_cast %swap3A_513 : vector<1x16xf32> to vector<16xf32>
      %swap3A_515 = vector.shape_cast %scan3A_494#3 : vector<16xf32> to vector<1x16xf32>
      tpu.vector_store %arg9[%swap3A_511, %swap3A_512], %swap3A_515 {strides = array<i32>} : memref<16x128xf32, #tpu.memory_space<vmem>>, vector<1x16xf32>,
      %swap3A_516 = arith.index_cast %scan3A_416 : i32 to index
      %swap3A_517 = arith.constant 64 : index
      %swap3A_518 = tpu.vector_load %arg9[%swap3A_516, %swap3A_517] {strides = array<i32>} : memref<16x128xf32, #tpu.memory_space<vmem>>, vector<1x16xf32>,
      %swap3A_519 = vector.shape_cast %swap3A_518 : vector<1x16xf32> to vector<16xf32>
      %swap3A_520 = vector.shape_cast %scan3A_494#4 : vector<16xf32> to vector<1x16xf32>
      tpu.vector_store %arg9[%swap3A_516, %swap3A_517], %swap3A_520 {strides = array<i32>} : memref<16x128xf32, #tpu.memory_space<vmem>>, vector<1x16xf32>,
      %swap3A_521 = arith.index_cast %scan3A_416 : i32 to index
      %swap3A_522 = arith.constant 80 : index
      %swap3A_523 = tpu.vector_load %arg9[%swap3A_521, %swap3A_522] {strides = array<i32>} : memref<16x128xf32, #tpu.memory_space<vmem>>, vector<1x16xf32>,
      %swap3A_524 = vector.shape_cast %swap3A_523 : vector<1x16xf32> to vector<16xf32>
      %swap3A_525 = vector.shape_cast %scan3A_494#5 : vector<16xf32> to vector<1x16xf32>
      tpu.vector_store %arg9[%swap3A_521, %swap3A_522], %swap3A_525 {strides = array<i32>} : memref<16x128xf32, #tpu.memory_space<vmem>>, vector<1x16xf32>,
      %swap3A_526 = arith.index_cast %scan3A_416 : i32 to index
      %swap3A_527 = arith.constant 96 : index
      %swap3A_528 = tpu.vector_load %arg9[%swap3A_526, %swap3A_527] {strides = array<i32>} : memref<16x128xf32, #tpu.memory_space<vmem>>, vector<1x16xf32>,
      %swap3A_529 = vector.shape_cast %swap3A_528 : vector<1x16xf32> to vector<16xf32>
      %swap3A_530 = vector.shape_cast %scan3A_494#6 : vector<16xf32> to vector<1x16xf32>
      tpu.vector_store %arg9[%swap3A_526, %swap3A_527], %swap3A_530 {strides = array<i32>} : memref<16x128xf32, #tpu.memory_space<vmem>>, vector<1x16xf32>,
      %swap3A_531 = arith.index_cast %scan3A_416 : i32 to index
      %swap3A_532 = arith.constant 112 : index
      %swap3A_533 = tpu.vector_load %arg9[%swap3A_531, %swap3A_532] {strides = array<i32>} : memref<16x128xf32, #tpu.memory_space<vmem>>, vector<1x16xf32>,
      %swap3A_534 = vector.shape_cast %swap3A_533 : vector<1x16xf32> to vector<16xf32>
      %swap3A_535 = vector.shape_cast %scan3A_494#7 : vector<16xf32> to vector<1x16xf32>
      tpu.vector_store %arg9[%swap3A_531, %swap3A_532], %swap3A_535 {strides = array<i32>} : memref<16x128xf32, #tpu.memory_space<vmem>>, vector<1x16xf32>,
      scf.yield %scan3A_494#8, %scan3A_494#9, %scan3A_494#10, %scan3A_494#11, %scan3A_494#12, %scan3A_494#13, %scan3A_494#14, %scan3A_494#15, %scan3A_494#16, %scan3A_494#17, %scan3A_494#18, %scan3A_494#19, %scan3A_494#20, %scan3A_494#21, %scan3A_494#22, %scan3A_494#23 : vector<16xf32>, vector<16xf32>, vector<16xf32>, vector<16xf32>, vector<16xf32>, vector<16xf32>, vector<16xf32>, vector<16xf32>, vector<16xf32>, vector<16xf32>, vector<16xf32>, vector<16xf32>, vector<16xf32>, vector<16xf32>, vector<16xf32>, vector<16xf32>
    }
    %scan3A_101 = arith.constant 16 : i32
    %mul3A_102 = arith.constant 256 : i32
    %mul3A_103 = arith.muli %add3A, %mul3A_102 : i32
    %add3A_104 = arith.constant 64 : i32
    %add3A_105 = arith.addi %mul3A_103, %add3A_104 : i32
    "tpu.region"() ({
      %run_scoped3A = tpu.sem_alloc : memref<!tpu.dma_semaphore, #tpu.memory_space<semaphore_mem>>
      %dma_start3A_416 = arith.constant 0 : i32
      %dma_start3A_417 = tpu.memref_slice %arg4[%add3A_105, %dma_start3A_416] : memref<8192x128xf32, #tpu.memory_space<hbm>> -> memref<16x128xf32, #tpu.memory_space<hbm>>
      %dma_start3A_418 = arith.constant 0 : i32
      %dma_start3A_419 = tpu.memref_slice %arg4[%add3A_105, %dma_start3A_418] : memref<8192x128xf32, #tpu.memory_space<hbm>> -> memref<16x128xf32, #tpu.memory_space<hbm>>
      tpu.enqueue_dma source(%arg9 : memref<16x128xf32, #tpu.memory_space<vmem>>) target(%dma_start3A_419 : memref<16x128xf32, #tpu.memory_space<hbm>>) target_semaphore(%run_scoped3A : memref<!tpu.dma_semaphore, #tpu.memory_space<semaphore_mem>>)
      %dma_wait3A_420 = arith.constant 0 : i32
      %dma_wait3A_421 = tpu.memref_slice %arg4[%add3A_105, %dma_wait3A_420] : memref<8192x128xf32, #tpu.memory_space<hbm>> -> memref<16x128xf32, #tpu.memory_space<hbm>>
      %dma_wait3A_422 = arith.constant 0 : i32
      %dma_wait3A_423 = tpu.memref_slice %arg4[%add3A_105, %dma_wait3A_422] : memref<8192x128xf32, #tpu.memory_space<hbm>> -> memref<16x128xf32, #tpu.memory_space<hbm>>
      tpu.wait_dma2 semaphore(%run_scoped3A : memref<!tpu.dma_semaphore, #tpu.memory_space<semaphore_mem>>) src(%arg9 : memref<16x128xf32, #tpu.memory_space<vmem>>) dst(%dma_wait3A_423 : memref<16x128xf32, #tpu.memory_space<hbm>>)
      tpu.yield
    }) : () -> ()
    %dma_start3A_106 = arith.constant 1536 : i32
    %dma_start3A_107 = tpu.memref_slice %arg6[%dma_start3A_106] : memref<4096xi32, #tpu.memory_space<vmem>> -> memref<256xi32, #tpu.memory_space<vmem>>
    %dma_start3A_108 = arith.constant 0 : i32
    %dma_start3A_109 = arith.constant 0 : i32
    %dma_start3A_110 = tpu.memref_slice %arg2[%dma_start3A_108, %dma_start3A_109] : memref<16384x128xf32, #tpu.memory_space<hbm>> -> memref<16384x128xf32, #tpu.memory_space<hbm>>
    tpu.enqueue_indirect_dma source(%dma_start3A_110 : memref<16384x128xf32, #tpu.memory_space<hbm>>) target(%arg7 : memref<256x128xf32, #tpu.memory_space<vmem>>) offsets(%dma_start3A_107 : memref<256xi32, #tpu.memory_space<vmem>>) semaphore(%arg11 : memref<!tpu.dma_semaphore, #tpu.memory_space<semaphore_mem>>)
    %dma_wait3A_111 = arith.constant 1280 : i32
    %dma_wait3A_112 = tpu.memref_slice %arg6[%dma_wait3A_111] : memref<4096xi32, #tpu.memory_space<vmem>> -> memref<256xi32, #tpu.memory_space<vmem>>
    %dma_wait3A_113 = arith.constant 0 : i32
    %dma_wait3A_114 = arith.constant 0 : i32
    %dma_wait3A_115 = tpu.memref_slice %arg2[%dma_wait3A_113, %dma_wait3A_114] : memref<16384x128xf32, #tpu.memory_space<hbm>> -> memref<16384x128xf32, #tpu.memory_space<hbm>>
    tpu.wait_indirect_dma semaphore(%arg12 : memref<!tpu.dma_semaphore, #tpu.memory_space<semaphore_mem>>) src(%dma_wait3A_115 : memref<16384x128xf32, #tpu.memory_space<hbm>>) dst(%arg8 : memref<256x128xf32, #tpu.memory_space<vmem>>)
    %scan3A_116 = arith.constant 0 : i32
    %scan3A_117 = arith.constant 16 : i32
    %scan3A_118 = arith.addi %scan3A_116, %scan3A_117 : i32
    %scan3A_119 = arith.constant 1 : i32
    %scan3A_120:16 = scf.for %scan3A_416 = %scan3A_116 to %scan3A_118 step %scan3A_119 iter_args(%scan3A_417 = %scan3A_100#0, %scan3A_418 = %scan3A_100#1, %scan3A_419 = %scan3A_100#2, %scan3A_420 = %scan3A_100#3, %scan3A_421 = %scan3A_100#4, %scan3A_422 = %scan3A_100#5, %scan3A_423 = %scan3A_100#6, %scan3A_424 = %scan3A_100#7, %scan3A_425 = %scan3A_100#8, %scan3A_426 = %scan3A_100#9, %scan3A_427 = %scan3A_100#10, %scan3A_428 = %scan3A_100#11, %scan3A_429 = %scan3A_100#12, %scan3A_430 = %scan3A_100#13, %scan3A_431 = %scan3A_100#14, %scan3A_432 = %scan3A_100#15) -> (vector<16xf32>, vector<16xf32>, vector<16xf32>, vector<16xf32>, vector<16xf32>, vector<16xf32>, vector<16xf32>, vector<16xf32>, vector<16xf32>, vector<16xf32>, vector<16xf32>, vector<16xf32>, vector<16xf32>, vector<16xf32>, vector<16xf32>, vector<16xf32>)  : i32 {
      %mul3A_433 = arith.constant 16 : i32
      %mul3A_434 = arith.muli %scan3A_416, %mul3A_433 : i32
      %get3A = arith.index_cast %mul3A_434 : i32 to index
      %get3A_435 = arith.constant 0 : index
      %get3A_436 = tpu.vector_load %arg8[%get3A, %get3A_435] {strides = array<i32>} : memref<256x128xf32, #tpu.memory_space<vmem>>, vector<1x16xf32>,
      %get3A_437 = vector.shape_cast %get3A_436 : vector<1x16xf32> to vector<16xf32>
      %get3A_438 = arith.index_cast %mul3A_434 : i32 to index
      %get3A_439 = arith.constant 16 : index
      %get3A_440 = tpu.vector_load %arg8[%get3A_438, %get3A_439] {strides = array<i32>} : memref<256x128xf32, #tpu.memory_space<vmem>>, vector<1x16xf32>,
      %get3A_441 = vector.shape_cast %get3A_440 : vector<1x16xf32> to vector<16xf32>
      %get3A_442 = arith.index_cast %mul3A_434 : i32 to index
      %get3A_443 = arith.constant 32 : index
      %get3A_444 = tpu.vector_load %arg8[%get3A_442, %get3A_443] {strides = array<i32>} : memref<256x128xf32, #tpu.memory_space<vmem>>, vector<1x16xf32>,
      %get3A_445 = vector.shape_cast %get3A_444 : vector<1x16xf32> to vector<16xf32>
      %get3A_446 = arith.index_cast %mul3A_434 : i32 to index
      %get3A_447 = arith.constant 48 : index
      %get3A_448 = tpu.vector_load %arg8[%get3A_446, %get3A_447] {strides = array<i32>} : memref<256x128xf32, #tpu.memory_space<vmem>>, vector<1x16xf32>,
      %get3A_449 = vector.shape_cast %get3A_448 : vector<1x16xf32> to vector<16xf32>
      %get3A_450 = arith.index_cast %mul3A_434 : i32 to index
      %get3A_451 = arith.constant 64 : index
      %get3A_452 = tpu.vector_load %arg8[%get3A_450, %get3A_451] {strides = array<i32>} : memref<256x128xf32, #tpu.memory_space<vmem>>, vector<1x16xf32>,
      %get3A_453 = vector.shape_cast %get3A_452 : vector<1x16xf32> to vector<16xf32>
      %get3A_454 = arith.index_cast %mul3A_434 : i32 to index
      %get3A_455 = arith.constant 80 : index
      %get3A_456 = tpu.vector_load %arg8[%get3A_454, %get3A_455] {strides = array<i32>} : memref<256x128xf32, #tpu.memory_space<vmem>>, vector<1x16xf32>,
      %get3A_457 = vector.shape_cast %get3A_456 : vector<1x16xf32> to vector<16xf32>
      %get3A_458 = arith.index_cast %mul3A_434 : i32 to index
      %get3A_459 = arith.constant 96 : index
      %get3A_460 = tpu.vector_load %arg8[%get3A_458, %get3A_459] {strides = array<i32>} : memref<256x128xf32, #tpu.memory_space<vmem>>, vector<1x16xf32>,
      %get3A_461 = vector.shape_cast %get3A_460 : vector<1x16xf32> to vector<16xf32>
      %get3A_462 = arith.index_cast %mul3A_434 : i32 to index
      %get3A_463 = arith.constant 112 : index
      %get3A_464 = tpu.vector_load %arg8[%get3A_462, %get3A_463] {strides = array<i32>} : memref<256x128xf32, #tpu.memory_space<vmem>>, vector<1x16xf32>,
      %get3A_465 = vector.shape_cast %get3A_464 : vector<1x16xf32> to vector<16xf32>
      %add3A_466 = arith.addf %scan3A_417, %get3A_437 : vector<16xf32>
      %add3A_467 = arith.addf %scan3A_418, %get3A_441 : vector<16xf32>
      %add3A_468 = arith.addf %scan3A_419, %get3A_445 : vector<16xf32>
      %add3A_469 = arith.addf %scan3A_420, %get3A_449 : vector<16xf32>
      %add3A_470 = arith.addf %scan3A_421, %get3A_453 : vector<16xf32>
      %add3A_471 = arith.addf %scan3A_422, %get3A_457 : vector<16xf32>
      %add3A_472 = arith.addf %scan3A_423, %get3A_461 : vector<16xf32>
      %add3A_473 = arith.addf %scan3A_424, %get3A_465 : vector<16xf32>
      %mul3A_474 = arith.mulf %get3A_437, %get3A_437 : vector<16xf32>
      %add3A_475 = arith.addf %scan3A_425, %mul3A_474 : vector<16xf32>
      %mul3A_476 = arith.mulf %get3A_441, %get3A_441 : vector<16xf32>
      %add3A_477 = arith.addf %scan3A_426, %mul3A_476 : vector<16xf32>
      %mul3A_478 = arith.mulf %get3A_445, %get3A_445 : vector<16xf32>
      %add3A_479 = arith.addf %scan3A_427, %mul3A_478 : vector<16xf32>
      %mul3A_480 = arith.mulf %get3A_449, %get3A_449 : vector<16xf32>
      %add3A_481 = arith.addf %scan3A_428, %mul3A_480 : vector<16xf32>
      %mul3A_482 = arith.mulf %get3A_453, %get3A_453 : vector<16xf32>
      %add3A_483 = arith.addf %scan3A_429, %mul3A_482 : vector<16xf32>
      %mul3A_484 = arith.mulf %get3A_457, %get3A_457 : vector<16xf32>
      %add3A_485 = arith.addf %scan3A_430, %mul3A_484 : vector<16xf32>
      %mul3A_486 = arith.mulf %get3A_461, %get3A_461 : vector<16xf32>
      %add3A_487 = arith.addf %scan3A_431, %mul3A_486 : vector<16xf32>
      %mul3A_488 = arith.mulf %get3A_465, %get3A_465 : vector<16xf32>
      %add3A_489 = arith.addf %scan3A_432, %mul3A_488 : vector<16xf32>
      %scan3A_490 = arith.constant 1 : i32
      %scan3A_491 = arith.constant 15 : i32
      %scan3A_492 = arith.addi %scan3A_490, %scan3A_491 : i32
      %scan3A_493 = arith.constant 1 : i32
      %scan3A_494:24 = scf.for %scan3A_536 = %scan3A_490 to %scan3A_492 step %scan3A_493 iter_args(%scan3A_537 = %get3A_437, %scan3A_538 = %get3A_441, %scan3A_539 = %get3A_445, %scan3A_540 = %get3A_449, %scan3A_541 = %get3A_453, %scan3A_542 = %get3A_457, %scan3A_543 = %get3A_461, %scan3A_544 = %get3A_465, %scan3A_545 = %add3A_466, %scan3A_546 = %add3A_467, %scan3A_547 = %add3A_468, %scan3A_548 = %add3A_469, %scan3A_549 = %add3A_470, %scan3A_550 = %add3A_471, %scan3A_551 = %add3A_472, %scan3A_552 = %add3A_473, %scan3A_553 = %add3A_475, %scan3A_554 = %add3A_477, %scan3A_555 = %add3A_479, %scan3A_556 = %add3A_481, %scan3A_557 = %add3A_483, %scan3A_558 = %add3A_485, %scan3A_559 = %add3A_487, %scan3A_560 = %add3A_489) -> (vector<16xf32>, vector<16xf32>, vector<16xf32>, vector<16xf32>, vector<16xf32>, vector<16xf32>, vector<16xf32>, vector<16xf32>, vector<16xf32>, vector<16xf32>, vector<16xf32>, vector<16xf32>, vector<16xf32>, vector<16xf32>, vector<16xf32>, vector<16xf32>, vector<16xf32>, vector<16xf32>, vector<16xf32>, vector<16xf32>, vector<16xf32>, vector<16xf32>, vector<16xf32>, vector<16xf32>)  : i32 {
        %add3A_561 = arith.addi %mul3A_434, %scan3A_536 : i32
        %get3A_562 = arith.index_cast %add3A_561 : i32 to index
        %get3A_563 = arith.constant 0 : index
        %get3A_564 = tpu.vector_load %arg8[%get3A_562, %get3A_563] {strides = array<i32>} : memref<256x128xf32, #tpu.memory_space<vmem>>, vector<1x16xf32>,
        %get3A_565 = vector.shape_cast %get3A_564 : vector<1x16xf32> to vector<16xf32>
        %add3A_566 = arith.addi %mul3A_434, %scan3A_536 : i32
        %get3A_567 = arith.index_cast %add3A_566 : i32 to index
        %get3A_568 = arith.constant 16 : index
        %get3A_569 = tpu.vector_load %arg8[%get3A_567, %get3A_568] {strides = array<i32>} : memref<256x128xf32, #tpu.memory_space<vmem>>, vector<1x16xf32>,
        %get3A_570 = vector.shape_cast %get3A_569 : vector<1x16xf32> to vector<16xf32>
        %add3A_571 = arith.addi %mul3A_434, %scan3A_536 : i32
        %get3A_572 = arith.index_cast %add3A_571 : i32 to index
        %get3A_573 = arith.constant 32 : index
        %get3A_574 = tpu.vector_load %arg8[%get3A_572, %get3A_573] {strides = array<i32>} : memref<256x128xf32, #tpu.memory_space<vmem>>, vector<1x16xf32>,
        %get3A_575 = vector.shape_cast %get3A_574 : vector<1x16xf32> to vector<16xf32>
        %add3A_576 = arith.addi %mul3A_434, %scan3A_536 : i32
        %get3A_577 = arith.index_cast %add3A_576 : i32 to index
        %get3A_578 = arith.constant 48 : index
        %get3A_579 = tpu.vector_load %arg8[%get3A_577, %get3A_578] {strides = array<i32>} : memref<256x128xf32, #tpu.memory_space<vmem>>, vector<1x16xf32>,
        %get3A_580 = vector.shape_cast %get3A_579 : vector<1x16xf32> to vector<16xf32>
        %add3A_581 = arith.addi %mul3A_434, %scan3A_536 : i32
        %get3A_582 = arith.index_cast %add3A_581 : i32 to index
        %get3A_583 = arith.constant 64 : index
        %get3A_584 = tpu.vector_load %arg8[%get3A_582, %get3A_583] {strides = array<i32>} : memref<256x128xf32, #tpu.memory_space<vmem>>, vector<1x16xf32>,
        %get3A_585 = vector.shape_cast %get3A_584 : vector<1x16xf32> to vector<16xf32>
        %add3A_586 = arith.addi %mul3A_434, %scan3A_536 : i32
        %get3A_587 = arith.index_cast %add3A_586 : i32 to index
        %get3A_588 = arith.constant 80 : index
        %get3A_589 = tpu.vector_load %arg8[%get3A_587, %get3A_588] {strides = array<i32>} : memref<256x128xf32, #tpu.memory_space<vmem>>, vector<1x16xf32>,
        %get3A_590 = vector.shape_cast %get3A_589 : vector<1x16xf32> to vector<16xf32>
        %add3A_591 = arith.addi %mul3A_434, %scan3A_536 : i32
        %get3A_592 = arith.index_cast %add3A_591 : i32 to index
        %get3A_593 = arith.constant 96 : index
        %get3A_594 = tpu.vector_load %arg8[%get3A_592, %get3A_593] {strides = array<i32>} : memref<256x128xf32, #tpu.memory_space<vmem>>, vector<1x16xf32>,
        %get3A_595 = vector.shape_cast %get3A_594 : vector<1x16xf32> to vector<16xf32>
        %add3A_596 = arith.addi %mul3A_434, %scan3A_536 : i32
        %get3A_597 = arith.index_cast %add3A_596 : i32 to index
        %get3A_598 = arith.constant 112 : index
        %get3A_599 = tpu.vector_load %arg8[%get3A_597, %get3A_598] {strides = array<i32>} : memref<256x128xf32, #tpu.memory_space<vmem>>, vector<1x16xf32>,
        %get3A_600 = vector.shape_cast %get3A_599 : vector<1x16xf32> to vector<16xf32>
        %max3A = arith.maximumf %scan3A_537, %get3A_565 : vector<16xf32>
        %max3A_601 = arith.maximumf %scan3A_538, %get3A_570 : vector<16xf32>
        %max3A_602 = arith.maximumf %scan3A_539, %get3A_575 : vector<16xf32>
        %max3A_603 = arith.maximumf %scan3A_540, %get3A_580 : vector<16xf32>
        %max3A_604 = arith.maximumf %scan3A_541, %get3A_585 : vector<16xf32>
        %max3A_605 = arith.maximumf %scan3A_542, %get3A_590 : vector<16xf32>
        %max3A_606 = arith.maximumf %scan3A_543, %get3A_595 : vector<16xf32>
        %max3A_607 = arith.maximumf %scan3A_544, %get3A_600 : vector<16xf32>
        %add3A_608 = arith.addf %scan3A_545, %get3A_565 : vector<16xf32>
        %add3A_609 = arith.addf %scan3A_546, %get3A_570 : vector<16xf32>
        %add3A_610 = arith.addf %scan3A_547, %get3A_575 : vector<16xf32>
        %add3A_611 = arith.addf %scan3A_548, %get3A_580 : vector<16xf32>
        %add3A_612 = arith.addf %scan3A_549, %get3A_585 : vector<16xf32>
        %add3A_613 = arith.addf %scan3A_550, %get3A_590 : vector<16xf32>
        %add3A_614 = arith.addf %scan3A_551, %get3A_595 : vector<16xf32>
        %add3A_615 = arith.addf %scan3A_552, %get3A_600 : vector<16xf32>
        %mul3A_616 = arith.mulf %get3A_565, %get3A_565 : vector<16xf32>
        %add3A_617 = arith.addf %scan3A_553, %mul3A_616 : vector<16xf32>
        %mul3A_618 = arith.mulf %get3A_570, %get3A_570 : vector<16xf32>
        %add3A_619 = arith.addf %scan3A_554, %mul3A_618 : vector<16xf32>
        %mul3A_620 = arith.mulf %get3A_575, %get3A_575 : vector<16xf32>
        %add3A_621 = arith.addf %scan3A_555, %mul3A_620 : vector<16xf32>
        %mul3A_622 = arith.mulf %get3A_580, %get3A_580 : vector<16xf32>
        %add3A_623 = arith.addf %scan3A_556, %mul3A_622 : vector<16xf32>
        %mul3A_624 = arith.mulf %get3A_585, %get3A_585 : vector<16xf32>
        %add3A_625 = arith.addf %scan3A_557, %mul3A_624 : vector<16xf32>
        %mul3A_626 = arith.mulf %get3A_590, %get3A_590 : vector<16xf32>
        %add3A_627 = arith.addf %scan3A_558, %mul3A_626 : vector<16xf32>
        %mul3A_628 = arith.mulf %get3A_595, %get3A_595 : vector<16xf32>
        %add3A_629 = arith.addf %scan3A_559, %mul3A_628 : vector<16xf32>
        %mul3A_630 = arith.mulf %get3A_600, %get3A_600 : vector<16xf32>
        %add3A_631 = arith.addf %scan3A_560, %mul3A_630 : vector<16xf32>
        scf.yield %max3A, %max3A_601, %max3A_602, %max3A_603, %max3A_604, %max3A_605, %max3A_606, %max3A_607, %add3A_608, %add3A_609, %add3A_610, %add3A_611, %add3A_612, %add3A_613, %add3A_614, %add3A_615, %add3A_617, %add3A_619, %add3A_621, %add3A_623, %add3A_625, %add3A_627, %add3A_629, %add3A_631 : vector<16xf32>, vector<16xf32>, vector<16xf32>, vector<16xf32>, vector<16xf32>, vector<16xf32>, vector<16xf32>, vector<16xf32>, vector<16xf32>, vector<16xf32>, vector<16xf32>, vector<16xf32>, vector<16xf32>, vector<16xf32>, vector<16xf32>, vector<16xf32>, vector<16xf32>, vector<16xf32>, vector<16xf32>, vector<16xf32>, vector<16xf32>, vector<16xf32>, vector<16xf32>, vector<16xf32>
      }
      %scan3A_495 = arith.constant 15 : i32
      %swap3A_496 = arith.index_cast %scan3A_416 : i32 to index
      %swap3A_497 = arith.constant 0 : index
      %swap3A_498 = tpu.vector_load %arg9[%swap3A_496, %swap3A_497] {strides = array<i32>} : memref<16x128xf32, #tpu.memory_space<vmem>>, vector<1x16xf32>,
      %swap3A_499 = vector.shape_cast %swap3A_498 : vector<1x16xf32> to vector<16xf32>
      %swap3A_500 = vector.shape_cast %scan3A_494#0 : vector<16xf32> to vector<1x16xf32>
      tpu.vector_store %arg9[%swap3A_496, %swap3A_497], %swap3A_500 {strides = array<i32>} : memref<16x128xf32, #tpu.memory_space<vmem>>, vector<1x16xf32>,
      %swap3A_501 = arith.index_cast %scan3A_416 : i32 to index
      %swap3A_502 = arith.constant 16 : index
      %swap3A_503 = tpu.vector_load %arg9[%swap3A_501, %swap3A_502] {strides = array<i32>} : memref<16x128xf32, #tpu.memory_space<vmem>>, vector<1x16xf32>,
      %swap3A_504 = vector.shape_cast %swap3A_503 : vector<1x16xf32> to vector<16xf32>
      %swap3A_505 = vector.shape_cast %scan3A_494#1 : vector<16xf32> to vector<1x16xf32>
      tpu.vector_store %arg9[%swap3A_501, %swap3A_502], %swap3A_505 {strides = array<i32>} : memref<16x128xf32, #tpu.memory_space<vmem>>, vector<1x16xf32>,
      %swap3A_506 = arith.index_cast %scan3A_416 : i32 to index
      %swap3A_507 = arith.constant 32 : index
      %swap3A_508 = tpu.vector_load %arg9[%swap3A_506, %swap3A_507] {strides = array<i32>} : memref<16x128xf32, #tpu.memory_space<vmem>>, vector<1x16xf32>,
      %swap3A_509 = vector.shape_cast %swap3A_508 : vector<1x16xf32> to vector<16xf32>
      %swap3A_510 = vector.shape_cast %scan3A_494#2 : vector<16xf32> to vector<1x16xf32>
      tpu.vector_store %arg9[%swap3A_506, %swap3A_507], %swap3A_510 {strides = array<i32>} : memref<16x128xf32, #tpu.memory_space<vmem>>, vector<1x16xf32>,
      %swap3A_511 = arith.index_cast %scan3A_416 : i32 to index
      %swap3A_512 = arith.constant 48 : index
      %swap3A_513 = tpu.vector_load %arg9[%swap3A_511, %swap3A_512] {strides = array<i32>} : memref<16x128xf32, #tpu.memory_space<vmem>>, vector<1x16xf32>,
      %swap3A_514 = vector.shape_cast %swap3A_513 : vector<1x16xf32> to vector<16xf32>
      %swap3A_515 = vector.shape_cast %scan3A_494#3 : vector<16xf32> to vector<1x16xf32>
      tpu.vector_store %arg9[%swap3A_511, %swap3A_512], %swap3A_515 {strides = array<i32>} : memref<16x128xf32, #tpu.memory_space<vmem>>, vector<1x16xf32>,
      %swap3A_516 = arith.index_cast %scan3A_416 : i32 to index
      %swap3A_517 = arith.constant 64 : index
      %swap3A_518 = tpu.vector_load %arg9[%swap3A_516, %swap3A_517] {strides = array<i32>} : memref<16x128xf32, #tpu.memory_space<vmem>>, vector<1x16xf32>,
      %swap3A_519 = vector.shape_cast %swap3A_518 : vector<1x16xf32> to vector<16xf32>
      %swap3A_520 = vector.shape_cast %scan3A_494#4 : vector<16xf32> to vector<1x16xf32>
      tpu.vector_store %arg9[%swap3A_516, %swap3A_517], %swap3A_520 {strides = array<i32>} : memref<16x128xf32, #tpu.memory_space<vmem>>, vector<1x16xf32>,
      %swap3A_521 = arith.index_cast %scan3A_416 : i32 to index
      %swap3A_522 = arith.constant 80 : index
      %swap3A_523 = tpu.vector_load %arg9[%swap3A_521, %swap3A_522] {strides = array<i32>} : memref<16x128xf32, #tpu.memory_space<vmem>>, vector<1x16xf32>,
      %swap3A_524 = vector.shape_cast %swap3A_523 : vector<1x16xf32> to vector<16xf32>
      %swap3A_525 = vector.shape_cast %scan3A_494#5 : vector<16xf32> to vector<1x16xf32>
      tpu.vector_store %arg9[%swap3A_521, %swap3A_522], %swap3A_525 {strides = array<i32>} : memref<16x128xf32, #tpu.memory_space<vmem>>, vector<1x16xf32>,
      %swap3A_526 = arith.index_cast %scan3A_416 : i32 to index
      %swap3A_527 = arith.constant 96 : index
      %swap3A_528 = tpu.vector_load %arg9[%swap3A_526, %swap3A_527] {strides = array<i32>} : memref<16x128xf32, #tpu.memory_space<vmem>>, vector<1x16xf32>,
      %swap3A_529 = vector.shape_cast %swap3A_528 : vector<1x16xf32> to vector<16xf32>
      %swap3A_530 = vector.shape_cast %scan3A_494#6 : vector<16xf32> to vector<1x16xf32>
      tpu.vector_store %arg9[%swap3A_526, %swap3A_527], %swap3A_530 {strides = array<i32>} : memref<16x128xf32, #tpu.memory_space<vmem>>, vector<1x16xf32>,
      %swap3A_531 = arith.index_cast %scan3A_416 : i32 to index
      %swap3A_532 = arith.constant 112 : index
      %swap3A_533 = tpu.vector_load %arg9[%swap3A_531, %swap3A_532] {strides = array<i32>} : memref<16x128xf32, #tpu.memory_space<vmem>>, vector<1x16xf32>,
      %swap3A_534 = vector.shape_cast %swap3A_533 : vector<1x16xf32> to vector<16xf32>
      %swap3A_535 = vector.shape_cast %scan3A_494#7 : vector<16xf32> to vector<1x16xf32>
      tpu.vector_store %arg9[%swap3A_531, %swap3A_532], %swap3A_535 {strides = array<i32>} : memref<16x128xf32, #tpu.memory_space<vmem>>, vector<1x16xf32>,
      scf.yield %scan3A_494#8, %scan3A_494#9, %scan3A_494#10, %scan3A_494#11, %scan3A_494#12, %scan3A_494#13, %scan3A_494#14, %scan3A_494#15, %scan3A_494#16, %scan3A_494#17, %scan3A_494#18, %scan3A_494#19, %scan3A_494#20, %scan3A_494#21, %scan3A_494#22, %scan3A_494#23 : vector<16xf32>, vector<16xf32>, vector<16xf32>, vector<16xf32>, vector<16xf32>, vector<16xf32>, vector<16xf32>, vector<16xf32>, vector<16xf32>, vector<16xf32>, vector<16xf32>, vector<16xf32>, vector<16xf32>, vector<16xf32>, vector<16xf32>, vector<16xf32>
    }
    %scan3A_121 = arith.constant 16 : i32
    %mul3A_122 = arith.constant 256 : i32
    %mul3A_123 = arith.muli %add3A, %mul3A_122 : i32
    %add3A_124 = arith.constant 80 : i32
    %add3A_125 = arith.addi %mul3A_123, %add3A_124 : i32
    "tpu.region"() ({
      %run_scoped3A = tpu.sem_alloc : memref<!tpu.dma_semaphore, #tpu.memory_space<semaphore_mem>>
      %dma_start3A_416 = arith.constant 0 : i32
      %dma_start3A_417 = tpu.memref_slice %arg4[%add3A_125, %dma_start3A_416] : memref<8192x128xf32, #tpu.memory_space<hbm>> -> memref<16x128xf32, #tpu.memory_space<hbm>>
      %dma_start3A_418 = arith.constant 0 : i32
      %dma_start3A_419 = tpu.memref_slice %arg4[%add3A_125, %dma_start3A_418] : memref<8192x128xf32, #tpu.memory_space<hbm>> -> memref<16x128xf32, #tpu.memory_space<hbm>>
      tpu.enqueue_dma source(%arg9 : memref<16x128xf32, #tpu.memory_space<vmem>>) target(%dma_start3A_419 : memref<16x128xf32, #tpu.memory_space<hbm>>) target_semaphore(%run_scoped3A : memref<!tpu.dma_semaphore, #tpu.memory_space<semaphore_mem>>)
      %dma_wait3A_420 = arith.constant 0 : i32
      %dma_wait3A_421 = tpu.memref_slice %arg4[%add3A_125, %dma_wait3A_420] : memref<8192x128xf32, #tpu.memory_space<hbm>> -> memref<16x128xf32, #tpu.memory_space<hbm>>
      %dma_wait3A_422 = arith.constant 0 : i32
      %dma_wait3A_423 = tpu.memref_slice %arg4[%add3A_125, %dma_wait3A_422] : memref<8192x128xf32, #tpu.memory_space<hbm>> -> memref<16x128xf32, #tpu.memory_space<hbm>>
      tpu.wait_dma2 semaphore(%run_scoped3A : memref<!tpu.dma_semaphore, #tpu.memory_space<semaphore_mem>>) src(%arg9 : memref<16x128xf32, #tpu.memory_space<vmem>>) dst(%dma_wait3A_423 : memref<16x128xf32, #tpu.memory_space<hbm>>)
      tpu.yield
    }) : () -> ()
    %dma_start3A_126 = arith.constant 1792 : i32
    %dma_start3A_127 = tpu.memref_slice %arg6[%dma_start3A_126] : memref<4096xi32, #tpu.memory_space<vmem>> -> memref<256xi32, #tpu.memory_space<vmem>>
    %dma_start3A_128 = arith.constant 0 : i32
    %dma_start3A_129 = arith.constant 0 : i32
    %dma_start3A_130 = tpu.memref_slice %arg2[%dma_start3A_128, %dma_start3A_129] : memref<16384x128xf32, #tpu.memory_space<hbm>> -> memref<16384x128xf32, #tpu.memory_space<hbm>>
    tpu.enqueue_indirect_dma source(%dma_start3A_130 : memref<16384x128xf32, #tpu.memory_space<hbm>>) target(%arg8 : memref<256x128xf32, #tpu.memory_space<vmem>>) offsets(%dma_start3A_127 : memref<256xi32, #tpu.memory_space<vmem>>) semaphore(%arg12 : memref<!tpu.dma_semaphore, #tpu.memory_space<semaphore_mem>>)
    %dma_wait3A_131 = arith.constant 1536 : i32
    %dma_wait3A_132 = tpu.memref_slice %arg6[%dma_wait3A_131] : memref<4096xi32, #tpu.memory_space<vmem>> -> memref<256xi32, #tpu.memory_space<vmem>>
    %dma_wait3A_133 = arith.constant 0 : i32
    %dma_wait3A_134 = arith.constant 0 : i32
    %dma_wait3A_135 = tpu.memref_slice %arg2[%dma_wait3A_133, %dma_wait3A_134] : memref<16384x128xf32, #tpu.memory_space<hbm>> -> memref<16384x128xf32, #tpu.memory_space<hbm>>
    tpu.wait_indirect_dma semaphore(%arg11 : memref<!tpu.dma_semaphore, #tpu.memory_space<semaphore_mem>>) src(%dma_wait3A_135 : memref<16384x128xf32, #tpu.memory_space<hbm>>) dst(%arg7 : memref<256x128xf32, #tpu.memory_space<vmem>>)
    %scan3A_136 = arith.constant 0 : i32
    %scan3A_137 = arith.constant 16 : i32
    %scan3A_138 = arith.addi %scan3A_136, %scan3A_137 : i32
    %scan3A_139 = arith.constant 1 : i32
    %scan3A_140:16 = scf.for %scan3A_416 = %scan3A_136 to %scan3A_138 step %scan3A_139 iter_args(%scan3A_417 = %scan3A_120#0, %scan3A_418 = %scan3A_120#1, %scan3A_419 = %scan3A_120#2, %scan3A_420 = %scan3A_120#3, %scan3A_421 = %scan3A_120#4, %scan3A_422 = %scan3A_120#5, %scan3A_423 = %scan3A_120#6, %scan3A_424 = %scan3A_120#7, %scan3A_425 = %scan3A_120#8, %scan3A_426 = %scan3A_120#9, %scan3A_427 = %scan3A_120#10, %scan3A_428 = %scan3A_120#11, %scan3A_429 = %scan3A_120#12, %scan3A_430 = %scan3A_120#13, %scan3A_431 = %scan3A_120#14, %scan3A_432 = %scan3A_120#15) -> (vector<16xf32>, vector<16xf32>, vector<16xf32>, vector<16xf32>, vector<16xf32>, vector<16xf32>, vector<16xf32>, vector<16xf32>, vector<16xf32>, vector<16xf32>, vector<16xf32>, vector<16xf32>, vector<16xf32>, vector<16xf32>, vector<16xf32>, vector<16xf32>)  : i32 {
      %mul3A_433 = arith.constant 16 : i32
      %mul3A_434 = arith.muli %scan3A_416, %mul3A_433 : i32
      %get3A = arith.index_cast %mul3A_434 : i32 to index
      %get3A_435 = arith.constant 0 : index
      %get3A_436 = tpu.vector_load %arg7[%get3A, %get3A_435] {strides = array<i32>} : memref<256x128xf32, #tpu.memory_space<vmem>>, vector<1x16xf32>,
      %get3A_437 = vector.shape_cast %get3A_436 : vector<1x16xf32> to vector<16xf32>
      %get3A_438 = arith.index_cast %mul3A_434 : i32 to index
      %get3A_439 = arith.constant 16 : index
      %get3A_440 = tpu.vector_load %arg7[%get3A_438, %get3A_439] {strides = array<i32>} : memref<256x128xf32, #tpu.memory_space<vmem>>, vector<1x16xf32>,
      %get3A_441 = vector.shape_cast %get3A_440 : vector<1x16xf32> to vector<16xf32>
      %get3A_442 = arith.index_cast %mul3A_434 : i32 to index
      %get3A_443 = arith.constant 32 : index
      %get3A_444 = tpu.vector_load %arg7[%get3A_442, %get3A_443] {strides = array<i32>} : memref<256x128xf32, #tpu.memory_space<vmem>>, vector<1x16xf32>,
      %get3A_445 = vector.shape_cast %get3A_444 : vector<1x16xf32> to vector<16xf32>
      %get3A_446 = arith.index_cast %mul3A_434 : i32 to index
      %get3A_447 = arith.constant 48 : index
      %get3A_448 = tpu.vector_load %arg7[%get3A_446, %get3A_447] {strides = array<i32>} : memref<256x128xf32, #tpu.memory_space<vmem>>, vector<1x16xf32>,
      %get3A_449 = vector.shape_cast %get3A_448 : vector<1x16xf32> to vector<16xf32>
      %get3A_450 = arith.index_cast %mul3A_434 : i32 to index
      %get3A_451 = arith.constant 64 : index
      %get3A_452 = tpu.vector_load %arg7[%get3A_450, %get3A_451] {strides = array<i32>} : memref<256x128xf32, #tpu.memory_space<vmem>>, vector<1x16xf32>,
      %get3A_453 = vector.shape_cast %get3A_452 : vector<1x16xf32> to vector<16xf32>
      %get3A_454 = arith.index_cast %mul3A_434 : i32 to index
      %get3A_455 = arith.constant 80 : index
      %get3A_456 = tpu.vector_load %arg7[%get3A_454, %get3A_455] {strides = array<i32>} : memref<256x128xf32, #tpu.memory_space<vmem>>, vector<1x16xf32>,
      %get3A_457 = vector.shape_cast %get3A_456 : vector<1x16xf32> to vector<16xf32>
      %get3A_458 = arith.index_cast %mul3A_434 : i32 to index
      %get3A_459 = arith.constant 96 : index
      %get3A_460 = tpu.vector_load %arg7[%get3A_458, %get3A_459] {strides = array<i32>} : memref<256x128xf32, #tpu.memory_space<vmem>>, vector<1x16xf32>,
      %get3A_461 = vector.shape_cast %get3A_460 : vector<1x16xf32> to vector<16xf32>
      %get3A_462 = arith.index_cast %mul3A_434 : i32 to index
      %get3A_463 = arith.constant 112 : index
      %get3A_464 = tpu.vector_load %arg7[%get3A_462, %get3A_463] {strides = array<i32>} : memref<256x128xf32, #tpu.memory_space<vmem>>, vector<1x16xf32>,
      %get3A_465 = vector.shape_cast %get3A_464 : vector<1x16xf32> to vector<16xf32>
      %add3A_466 = arith.addf %scan3A_417, %get3A_437 : vector<16xf32>
      %add3A_467 = arith.addf %scan3A_418, %get3A_441 : vector<16xf32>
      %add3A_468 = arith.addf %scan3A_419, %get3A_445 : vector<16xf32>
      %add3A_469 = arith.addf %scan3A_420, %get3A_449 : vector<16xf32>
      %add3A_470 = arith.addf %scan3A_421, %get3A_453 : vector<16xf32>
      %add3A_471 = arith.addf %scan3A_422, %get3A_457 : vector<16xf32>
      %add3A_472 = arith.addf %scan3A_423, %get3A_461 : vector<16xf32>
      %add3A_473 = arith.addf %scan3A_424, %get3A_465 : vector<16xf32>
      %mul3A_474 = arith.mulf %get3A_437, %get3A_437 : vector<16xf32>
      %add3A_475 = arith.addf %scan3A_425, %mul3A_474 : vector<16xf32>
      %mul3A_476 = arith.mulf %get3A_441, %get3A_441 : vector<16xf32>
      %add3A_477 = arith.addf %scan3A_426, %mul3A_476 : vector<16xf32>
      %mul3A_478 = arith.mulf %get3A_445, %get3A_445 : vector<16xf32>
      %add3A_479 = arith.addf %scan3A_427, %mul3A_478 : vector<16xf32>
      %mul3A_480 = arith.mulf %get3A_449, %get3A_449 : vector<16xf32>
      %add3A_481 = arith.addf %scan3A_428, %mul3A_480 : vector<16xf32>
      %mul3A_482 = arith.mulf %get3A_453, %get3A_453 : vector<16xf32>
      %add3A_483 = arith.addf %scan3A_429, %mul3A_482 : vector<16xf32>
      %mul3A_484 = arith.mulf %get3A_457, %get3A_457 : vector<16xf32>
      %add3A_485 = arith.addf %scan3A_430, %mul3A_484 : vector<16xf32>
      %mul3A_486 = arith.mulf %get3A_461, %get3A_461 : vector<16xf32>
      %add3A_487 = arith.addf %scan3A_431, %mul3A_486 : vector<16xf32>
      %mul3A_488 = arith.mulf %get3A_465, %get3A_465 : vector<16xf32>
      %add3A_489 = arith.addf %scan3A_432, %mul3A_488 : vector<16xf32>
      %scan3A_490 = arith.constant 1 : i32
      %scan3A_491 = arith.constant 15 : i32
      %scan3A_492 = arith.addi %scan3A_490, %scan3A_491 : i32
      %scan3A_493 = arith.constant 1 : i32
      %scan3A_494:24 = scf.for %scan3A_536 = %scan3A_490 to %scan3A_492 step %scan3A_493 iter_args(%scan3A_537 = %get3A_437, %scan3A_538 = %get3A_441, %scan3A_539 = %get3A_445, %scan3A_540 = %get3A_449, %scan3A_541 = %get3A_453, %scan3A_542 = %get3A_457, %scan3A_543 = %get3A_461, %scan3A_544 = %get3A_465, %scan3A_545 = %add3A_466, %scan3A_546 = %add3A_467, %scan3A_547 = %add3A_468, %scan3A_548 = %add3A_469, %scan3A_549 = %add3A_470, %scan3A_550 = %add3A_471, %scan3A_551 = %add3A_472, %scan3A_552 = %add3A_473, %scan3A_553 = %add3A_475, %scan3A_554 = %add3A_477, %scan3A_555 = %add3A_479, %scan3A_556 = %add3A_481, %scan3A_557 = %add3A_483, %scan3A_558 = %add3A_485, %scan3A_559 = %add3A_487, %scan3A_560 = %add3A_489) -> (vector<16xf32>, vector<16xf32>, vector<16xf32>, vector<16xf32>, vector<16xf32>, vector<16xf32>, vector<16xf32>, vector<16xf32>, vector<16xf32>, vector<16xf32>, vector<16xf32>, vector<16xf32>, vector<16xf32>, vector<16xf32>, vector<16xf32>, vector<16xf32>, vector<16xf32>, vector<16xf32>, vector<16xf32>, vector<16xf32>, vector<16xf32>, vector<16xf32>, vector<16xf32>, vector<16xf32>)  : i32 {
        %add3A_561 = arith.addi %mul3A_434, %scan3A_536 : i32
        %get3A_562 = arith.index_cast %add3A_561 : i32 to index
        %get3A_563 = arith.constant 0 : index
        %get3A_564 = tpu.vector_load %arg7[%get3A_562, %get3A_563] {strides = array<i32>} : memref<256x128xf32, #tpu.memory_space<vmem>>, vector<1x16xf32>,
        %get3A_565 = vector.shape_cast %get3A_564 : vector<1x16xf32> to vector<16xf32>
        %add3A_566 = arith.addi %mul3A_434, %scan3A_536 : i32
        %get3A_567 = arith.index_cast %add3A_566 : i32 to index
        %get3A_568 = arith.constant 16 : index
        %get3A_569 = tpu.vector_load %arg7[%get3A_567, %get3A_568] {strides = array<i32>} : memref<256x128xf32, #tpu.memory_space<vmem>>, vector<1x16xf32>,
        %get3A_570 = vector.shape_cast %get3A_569 : vector<1x16xf32> to vector<16xf32>
        %add3A_571 = arith.addi %mul3A_434, %scan3A_536 : i32
        %get3A_572 = arith.index_cast %add3A_571 : i32 to index
        %get3A_573 = arith.constant 32 : index
        %get3A_574 = tpu.vector_load %arg7[%get3A_572, %get3A_573] {strides = array<i32>} : memref<256x128xf32, #tpu.memory_space<vmem>>, vector<1x16xf32>,
        %get3A_575 = vector.shape_cast %get3A_574 : vector<1x16xf32> to vector<16xf32>
        %add3A_576 = arith.addi %mul3A_434, %scan3A_536 : i32
        %get3A_577 = arith.index_cast %add3A_576 : i32 to index
        %get3A_578 = arith.constant 48 : index
        %get3A_579 = tpu.vector_load %arg7[%get3A_577, %get3A_578] {strides = array<i32>} : memref<256x128xf32, #tpu.memory_space<vmem>>, vector<1x16xf32>,
        %get3A_580 = vector.shape_cast %get3A_579 : vector<1x16xf32> to vector<16xf32>
        %add3A_581 = arith.addi %mul3A_434, %scan3A_536 : i32
        %get3A_582 = arith.index_cast %add3A_581 : i32 to index
        %get3A_583 = arith.constant 64 : index
        %get3A_584 = tpu.vector_load %arg7[%get3A_582, %get3A_583] {strides = array<i32>} : memref<256x128xf32, #tpu.memory_space<vmem>>, vector<1x16xf32>,
        %get3A_585 = vector.shape_cast %get3A_584 : vector<1x16xf32> to vector<16xf32>
        %add3A_586 = arith.addi %mul3A_434, %scan3A_536 : i32
        %get3A_587 = arith.index_cast %add3A_586 : i32 to index
        %get3A_588 = arith.constant 80 : index
        %get3A_589 = tpu.vector_load %arg7[%get3A_587, %get3A_588] {strides = array<i32>} : memref<256x128xf32, #tpu.memory_space<vmem>>, vector<1x16xf32>,
        %get3A_590 = vector.shape_cast %get3A_589 : vector<1x16xf32> to vector<16xf32>
        %add3A_591 = arith.addi %mul3A_434, %scan3A_536 : i32
        %get3A_592 = arith.index_cast %add3A_591 : i32 to index
        %get3A_593 = arith.constant 96 : index
        %get3A_594 = tpu.vector_load %arg7[%get3A_592, %get3A_593] {strides = array<i32>} : memref<256x128xf32, #tpu.memory_space<vmem>>, vector<1x16xf32>,
        %get3A_595 = vector.shape_cast %get3A_594 : vector<1x16xf32> to vector<16xf32>
        %add3A_596 = arith.addi %mul3A_434, %scan3A_536 : i32
        %get3A_597 = arith.index_cast %add3A_596 : i32 to index
        %get3A_598 = arith.constant 112 : index
        %get3A_599 = tpu.vector_load %arg7[%get3A_597, %get3A_598] {strides = array<i32>} : memref<256x128xf32, #tpu.memory_space<vmem>>, vector<1x16xf32>,
        %get3A_600 = vector.shape_cast %get3A_599 : vector<1x16xf32> to vector<16xf32>
        %max3A = arith.maximumf %scan3A_537, %get3A_565 : vector<16xf32>
        %max3A_601 = arith.maximumf %scan3A_538, %get3A_570 : vector<16xf32>
        %max3A_602 = arith.maximumf %scan3A_539, %get3A_575 : vector<16xf32>
        %max3A_603 = arith.maximumf %scan3A_540, %get3A_580 : vector<16xf32>
        %max3A_604 = arith.maximumf %scan3A_541, %get3A_585 : vector<16xf32>
        %max3A_605 = arith.maximumf %scan3A_542, %get3A_590 : vector<16xf32>
        %max3A_606 = arith.maximumf %scan3A_543, %get3A_595 : vector<16xf32>
        %max3A_607 = arith.maximumf %scan3A_544, %get3A_600 : vector<16xf32>
        %add3A_608 = arith.addf %scan3A_545, %get3A_565 : vector<16xf32>
        %add3A_609 = arith.addf %scan3A_546, %get3A_570 : vector<16xf32>
        %add3A_610 = arith.addf %scan3A_547, %get3A_575 : vector<16xf32>
        %add3A_611 = arith.addf %scan3A_548, %get3A_580 : vector<16xf32>
        %add3A_612 = arith.addf %scan3A_549, %get3A_585 : vector<16xf32>
        %add3A_613 = arith.addf %scan3A_550, %get3A_590 : vector<16xf32>
        %add3A_614 = arith.addf %scan3A_551, %get3A_595 : vector<16xf32>
        %add3A_615 = arith.addf %scan3A_552, %get3A_600 : vector<16xf32>
        %mul3A_616 = arith.mulf %get3A_565, %get3A_565 : vector<16xf32>
        %add3A_617 = arith.addf %scan3A_553, %mul3A_616 : vector<16xf32>
        %mul3A_618 = arith.mulf %get3A_570, %get3A_570 : vector<16xf32>
        %add3A_619 = arith.addf %scan3A_554, %mul3A_618 : vector<16xf32>
        %mul3A_620 = arith.mulf %get3A_575, %get3A_575 : vector<16xf32>
        %add3A_621 = arith.addf %scan3A_555, %mul3A_620 : vector<16xf32>
        %mul3A_622 = arith.mulf %get3A_580, %get3A_580 : vector<16xf32>
        %add3A_623 = arith.addf %scan3A_556, %mul3A_622 : vector<16xf32>
        %mul3A_624 = arith.mulf %get3A_585, %get3A_585 : vector<16xf32>
        %add3A_625 = arith.addf %scan3A_557, %mul3A_624 : vector<16xf32>
        %mul3A_626 = arith.mulf %get3A_590, %get3A_590 : vector<16xf32>
        %add3A_627 = arith.addf %scan3A_558, %mul3A_626 : vector<16xf32>
        %mul3A_628 = arith.mulf %get3A_595, %get3A_595 : vector<16xf32>
        %add3A_629 = arith.addf %scan3A_559, %mul3A_628 : vector<16xf32>
        %mul3A_630 = arith.mulf %get3A_600, %get3A_600 : vector<16xf32>
        %add3A_631 = arith.addf %scan3A_560, %mul3A_630 : vector<16xf32>
        scf.yield %max3A, %max3A_601, %max3A_602, %max3A_603, %max3A_604, %max3A_605, %max3A_606, %max3A_607, %add3A_608, %add3A_609, %add3A_610, %add3A_611, %add3A_612, %add3A_613, %add3A_614, %add3A_615, %add3A_617, %add3A_619, %add3A_621, %add3A_623, %add3A_625, %add3A_627, %add3A_629, %add3A_631 : vector<16xf32>, vector<16xf32>, vector<16xf32>, vector<16xf32>, vector<16xf32>, vector<16xf32>, vector<16xf32>, vector<16xf32>, vector<16xf32>, vector<16xf32>, vector<16xf32>, vector<16xf32>, vector<16xf32>, vector<16xf32>, vector<16xf32>, vector<16xf32>, vector<16xf32>, vector<16xf32>, vector<16xf32>, vector<16xf32>, vector<16xf32>, vector<16xf32>, vector<16xf32>, vector<16xf32>
      }
      %scan3A_495 = arith.constant 15 : i32
      %swap3A_496 = arith.index_cast %scan3A_416 : i32 to index
      %swap3A_497 = arith.constant 0 : index
      %swap3A_498 = tpu.vector_load %arg9[%swap3A_496, %swap3A_497] {strides = array<i32>} : memref<16x128xf32, #tpu.memory_space<vmem>>, vector<1x16xf32>,
      %swap3A_499 = vector.shape_cast %swap3A_498 : vector<1x16xf32> to vector<16xf32>
      %swap3A_500 = vector.shape_cast %scan3A_494#0 : vector<16xf32> to vector<1x16xf32>
      tpu.vector_store %arg9[%swap3A_496, %swap3A_497], %swap3A_500 {strides = array<i32>} : memref<16x128xf32, #tpu.memory_space<vmem>>, vector<1x16xf32>,
      %swap3A_501 = arith.index_cast %scan3A_416 : i32 to index
      %swap3A_502 = arith.constant 16 : index
      %swap3A_503 = tpu.vector_load %arg9[%swap3A_501, %swap3A_502] {strides = array<i32>} : memref<16x128xf32, #tpu.memory_space<vmem>>, vector<1x16xf32>,
      %swap3A_504 = vector.shape_cast %swap3A_503 : vector<1x16xf32> to vector<16xf32>
      %swap3A_505 = vector.shape_cast %scan3A_494#1 : vector<16xf32> to vector<1x16xf32>
      tpu.vector_store %arg9[%swap3A_501, %swap3A_502], %swap3A_505 {strides = array<i32>} : memref<16x128xf32, #tpu.memory_space<vmem>>, vector<1x16xf32>,
      %swap3A_506 = arith.index_cast %scan3A_416 : i32 to index
      %swap3A_507 = arith.constant 32 : index
      %swap3A_508 = tpu.vector_load %arg9[%swap3A_506, %swap3A_507] {strides = array<i32>} : memref<16x128xf32, #tpu.memory_space<vmem>>, vector<1x16xf32>,
      %swap3A_509 = vector.shape_cast %swap3A_508 : vector<1x16xf32> to vector<16xf32>
      %swap3A_510 = vector.shape_cast %scan3A_494#2 : vector<16xf32> to vector<1x16xf32>
      tpu.vector_store %arg9[%swap3A_506, %swap3A_507], %swap3A_510 {strides = array<i32>} : memref<16x128xf32, #tpu.memory_space<vmem>>, vector<1x16xf32>,
      %swap3A_511 = arith.index_cast %scan3A_416 : i32 to index
      %swap3A_512 = arith.constant 48 : index
      %swap3A_513 = tpu.vector_load %arg9[%swap3A_511, %swap3A_512] {strides = array<i32>} : memref<16x128xf32, #tpu.memory_space<vmem>>, vector<1x16xf32>,
      %swap3A_514 = vector.shape_cast %swap3A_513 : vector<1x16xf32> to vector<16xf32>
      %swap3A_515 = vector.shape_cast %scan3A_494#3 : vector<16xf32> to vector<1x16xf32>
      tpu.vector_store %arg9[%swap3A_511, %swap3A_512], %swap3A_515 {strides = array<i32>} : memref<16x128xf32, #tpu.memory_space<vmem>>, vector<1x16xf32>,
      %swap3A_516 = arith.index_cast %scan3A_416 : i32 to index
      %swap3A_517 = arith.constant 64 : index
      %swap3A_518 = tpu.vector_load %arg9[%swap3A_516, %swap3A_517] {strides = array<i32>} : memref<16x128xf32, #tpu.memory_space<vmem>>, vector<1x16xf32>,
      %swap3A_519 = vector.shape_cast %swap3A_518 : vector<1x16xf32> to vector<16xf32>
      %swap3A_520 = vector.shape_cast %scan3A_494#4 : vector<16xf32> to vector<1x16xf32>
      tpu.vector_store %arg9[%swap3A_516, %swap3A_517], %swap3A_520 {strides = array<i32>} : memref<16x128xf32, #tpu.memory_space<vmem>>, vector<1x16xf32>,
      %swap3A_521 = arith.index_cast %scan3A_416 : i32 to index
      %swap3A_522 = arith.constant 80 : index
      %swap3A_523 = tpu.vector_load %arg9[%swap3A_521, %swap3A_522] {strides = array<i32>} : memref<16x128xf32, #tpu.memory_space<vmem>>, vector<1x16xf32>,
      %swap3A_524 = vector.shape_cast %swap3A_523 : vector<1x16xf32> to vector<16xf32>
      %swap3A_525 = vector.shape_cast %scan3A_494#5 : vector<16xf32> to vector<1x16xf32>
      tpu.vector_store %arg9[%swap3A_521, %swap3A_522], %swap3A_525 {strides = array<i32>} : memref<16x128xf32, #tpu.memory_space<vmem>>, vector<1x16xf32>,
      %swap3A_526 = arith.index_cast %scan3A_416 : i32 to index
      %swap3A_527 = arith.constant 96 : index
      %swap3A_528 = tpu.vector_load %arg9[%swap3A_526, %swap3A_527] {strides = array<i32>} : memref<16x128xf32, #tpu.memory_space<vmem>>, vector<1x16xf32>,
      %swap3A_529 = vector.shape_cast %swap3A_528 : vector<1x16xf32> to vector<16xf32>
      %swap3A_530 = vector.shape_cast %scan3A_494#6 : vector<16xf32> to vector<1x16xf32>
      tpu.vector_store %arg9[%swap3A_526, %swap3A_527], %swap3A_530 {strides = array<i32>} : memref<16x128xf32, #tpu.memory_space<vmem>>, vector<1x16xf32>,
      %swap3A_531 = arith.index_cast %scan3A_416 : i32 to index
      %swap3A_532 = arith.constant 112 : index
      %swap3A_533 = tpu.vector_load %arg9[%swap3A_531, %swap3A_532] {strides = array<i32>} : memref<16x128xf32, #tpu.memory_space<vmem>>, vector<1x16xf32>,
      %swap3A_534 = vector.shape_cast %swap3A_533 : vector<1x16xf32> to vector<16xf32>
      %swap3A_535 = vector.shape_cast %scan3A_494#7 : vector<16xf32> to vector<1x16xf32>
      tpu.vector_store %arg9[%swap3A_531, %swap3A_532], %swap3A_535 {strides = array<i32>} : memref<16x128xf32, #tpu.memory_space<vmem>>, vector<1x16xf32>,
      scf.yield %scan3A_494#8, %scan3A_494#9, %scan3A_494#10, %scan3A_494#11, %scan3A_494#12, %scan3A_494#13, %scan3A_494#14, %scan3A_494#15, %scan3A_494#16, %scan3A_494#17, %scan3A_494#18, %scan3A_494#19, %scan3A_494#20, %scan3A_494#21, %scan3A_494#22, %scan3A_494#23 : vector<16xf32>, vector<16xf32>, vector<16xf32>, vector<16xf32>, vector<16xf32>, vector<16xf32>, vector<16xf32>, vector<16xf32>, vector<16xf32>, vector<16xf32>, vector<16xf32>, vector<16xf32>, vector<16xf32>, vector<16xf32>, vector<16xf32>, vector<16xf32>
    }
    %scan3A_141 = arith.constant 16 : i32
    %mul3A_142 = arith.constant 256 : i32
    %mul3A_143 = arith.muli %add3A, %mul3A_142 : i32
    %add3A_144 = arith.constant 96 : i32
    %add3A_145 = arith.addi %mul3A_143, %add3A_144 : i32
    "tpu.region"() ({
      %run_scoped3A = tpu.sem_alloc : memref<!tpu.dma_semaphore, #tpu.memory_space<semaphore_mem>>
      %dma_start3A_416 = arith.constant 0 : i32
      %dma_start3A_417 = tpu.memref_slice %arg4[%add3A_145, %dma_start3A_416] : memref<8192x128xf32, #tpu.memory_space<hbm>> -> memref<16x128xf32, #tpu.memory_space<hbm>>
      %dma_start3A_418 = arith.constant 0 : i32
      %dma_start3A_419 = tpu.memref_slice %arg4[%add3A_145, %dma_start3A_418] : memref<8192x128xf32, #tpu.memory_space<hbm>> -> memref<16x128xf32, #tpu.memory_space<hbm>>
      tpu.enqueue_dma source(%arg9 : memref<16x128xf32, #tpu.memory_space<vmem>>) target(%dma_start3A_419 : memref<16x128xf32, #tpu.memory_space<hbm>>) target_semaphore(%run_scoped3A : memref<!tpu.dma_semaphore, #tpu.memory_space<semaphore_mem>>)
      %dma_wait3A_420 = arith.constant 0 : i32
      %dma_wait3A_421 = tpu.memref_slice %arg4[%add3A_145, %dma_wait3A_420] : memref<8192x128xf32, #tpu.memory_space<hbm>> -> memref<16x128xf32, #tpu.memory_space<hbm>>
      %dma_wait3A_422 = arith.constant 0 : i32
      %dma_wait3A_423 = tpu.memref_slice %arg4[%add3A_145, %dma_wait3A_422] : memref<8192x128xf32, #tpu.memory_space<hbm>> -> memref<16x128xf32, #tpu.memory_space<hbm>>
      tpu.wait_dma2 semaphore(%run_scoped3A : memref<!tpu.dma_semaphore, #tpu.memory_space<semaphore_mem>>) src(%arg9 : memref<16x128xf32, #tpu.memory_space<vmem>>) dst(%dma_wait3A_423 : memref<16x128xf32, #tpu.memory_space<hbm>>)
      tpu.yield
    }) : () -> ()
    %dma_start3A_146 = arith.constant 2048 : i32
    %dma_start3A_147 = tpu.memref_slice %arg6[%dma_start3A_146] : memref<4096xi32, #tpu.memory_space<vmem>> -> memref<256xi32, #tpu.memory_space<vmem>>
    %dma_start3A_148 = arith.constant 0 : i32
    %dma_start3A_149 = arith.constant 0 : i32
    %dma_start3A_150 = tpu.memref_slice %arg2[%dma_start3A_148, %dma_start3A_149] : memref<16384x128xf32, #tpu.memory_space<hbm>> -> memref<16384x128xf32, #tpu.memory_space<hbm>>
    tpu.enqueue_indirect_dma source(%dma_start3A_150 : memref<16384x128xf32, #tpu.memory_space<hbm>>) target(%arg7 : memref<256x128xf32, #tpu.memory_space<vmem>>) offsets(%dma_start3A_147 : memref<256xi32, #tpu.memory_space<vmem>>) semaphore(%arg11 : memref<!tpu.dma_semaphore, #tpu.memory_space<semaphore_mem>>)
    %dma_wait3A_151 = arith.constant 1792 : i32
    %dma_wait3A_152 = tpu.memref_slice %arg6[%dma_wait3A_151] : memref<4096xi32, #tpu.memory_space<vmem>> -> memref<256xi32, #tpu.memory_space<vmem>>
    %dma_wait3A_153 = arith.constant 0 : i32
    %dma_wait3A_154 = arith.constant 0 : i32
    %dma_wait3A_155 = tpu.memref_slice %arg2[%dma_wait3A_153, %dma_wait3A_154] : memref<16384x128xf32, #tpu.memory_space<hbm>> -> memref<16384x128xf32, #tpu.memory_space<hbm>>
    tpu.wait_indirect_dma semaphore(%arg12 : memref<!tpu.dma_semaphore, #tpu.memory_space<semaphore_mem>>) src(%dma_wait3A_155 : memref<16384x128xf32, #tpu.memory_space<hbm>>) dst(%arg8 : memref<256x128xf32, #tpu.memory_space<vmem>>)
    %scan3A_156 = arith.constant 0 : i32
    %scan3A_157 = arith.constant 16 : i32
    %scan3A_158 = arith.addi %scan3A_156, %scan3A_157 : i32
    %scan3A_159 = arith.constant 1 : i32
    %scan3A_160:16 = scf.for %scan3A_416 = %scan3A_156 to %scan3A_158 step %scan3A_159 iter_args(%scan3A_417 = %scan3A_140#0, %scan3A_418 = %scan3A_140#1, %scan3A_419 = %scan3A_140#2, %scan3A_420 = %scan3A_140#3, %scan3A_421 = %scan3A_140#4, %scan3A_422 = %scan3A_140#5, %scan3A_423 = %scan3A_140#6, %scan3A_424 = %scan3A_140#7, %scan3A_425 = %scan3A_140#8, %scan3A_426 = %scan3A_140#9, %scan3A_427 = %scan3A_140#10, %scan3A_428 = %scan3A_140#11, %scan3A_429 = %scan3A_140#12, %scan3A_430 = %scan3A_140#13, %scan3A_431 = %scan3A_140#14, %scan3A_432 = %scan3A_140#15) -> (vector<16xf32>, vector<16xf32>, vector<16xf32>, vector<16xf32>, vector<16xf32>, vector<16xf32>, vector<16xf32>, vector<16xf32>, vector<16xf32>, vector<16xf32>, vector<16xf32>, vector<16xf32>, vector<16xf32>, vector<16xf32>, vector<16xf32>, vector<16xf32>)  : i32 {
      %mul3A_433 = arith.constant 16 : i32
      %mul3A_434 = arith.muli %scan3A_416, %mul3A_433 : i32
      %get3A = arith.index_cast %mul3A_434 : i32 to index
      %get3A_435 = arith.constant 0 : index
      %get3A_436 = tpu.vector_load %arg8[%get3A, %get3A_435] {strides = array<i32>} : memref<256x128xf32, #tpu.memory_space<vmem>>, vector<1x16xf32>,
      %get3A_437 = vector.shape_cast %get3A_436 : vector<1x16xf32> to vector<16xf32>
      %get3A_438 = arith.index_cast %mul3A_434 : i32 to index
      %get3A_439 = arith.constant 16 : index
      %get3A_440 = tpu.vector_load %arg8[%get3A_438, %get3A_439] {strides = array<i32>} : memref<256x128xf32, #tpu.memory_space<vmem>>, vector<1x16xf32>,
      %get3A_441 = vector.shape_cast %get3A_440 : vector<1x16xf32> to vector<16xf32>
      %get3A_442 = arith.index_cast %mul3A_434 : i32 to index
      %get3A_443 = arith.constant 32 : index
      %get3A_444 = tpu.vector_load %arg8[%get3A_442, %get3A_443] {strides = array<i32>} : memref<256x128xf32, #tpu.memory_space<vmem>>, vector<1x16xf32>,
      %get3A_445 = vector.shape_cast %get3A_444 : vector<1x16xf32> to vector<16xf32>
      %get3A_446 = arith.index_cast %mul3A_434 : i32 to index
      %get3A_447 = arith.constant 48 : index
      %get3A_448 = tpu.vector_load %arg8[%get3A_446, %get3A_447] {strides = array<i32>} : memref<256x128xf32, #tpu.memory_space<vmem>>, vector<1x16xf32>,
      %get3A_449 = vector.shape_cast %get3A_448 : vector<1x16xf32> to vector<16xf32>
      %get3A_450 = arith.index_cast %mul3A_434 : i32 to index
      %get3A_451 = arith.constant 64 : index
      %get3A_452 = tpu.vector_load %arg8[%get3A_450, %get3A_451] {strides = array<i32>} : memref<256x128xf32, #tpu.memory_space<vmem>>, vector<1x16xf32>,
      %get3A_453 = vector.shape_cast %get3A_452 : vector<1x16xf32> to vector<16xf32>
      %get3A_454 = arith.index_cast %mul3A_434 : i32 to index
      %get3A_455 = arith.constant 80 : index
      %get3A_456 = tpu.vector_load %arg8[%get3A_454, %get3A_455] {strides = array<i32>} : memref<256x128xf32, #tpu.memory_space<vmem>>, vector<1x16xf32>,
      %get3A_457 = vector.shape_cast %get3A_456 : vector<1x16xf32> to vector<16xf32>
      %get3A_458 = arith.index_cast %mul3A_434 : i32 to index
      %get3A_459 = arith.constant 96 : index
      %get3A_460 = tpu.vector_load %arg8[%get3A_458, %get3A_459] {strides = array<i32>} : memref<256x128xf32, #tpu.memory_space<vmem>>, vector<1x16xf32>,
      %get3A_461 = vector.shape_cast %get3A_460 : vector<1x16xf32> to vector<16xf32>
      %get3A_462 = arith.index_cast %mul3A_434 : i32 to index
      %get3A_463 = arith.constant 112 : index
      %get3A_464 = tpu.vector_load %arg8[%get3A_462, %get3A_463] {strides = array<i32>} : memref<256x128xf32, #tpu.memory_space<vmem>>, vector<1x16xf32>,
      %get3A_465 = vector.shape_cast %get3A_464 : vector<1x16xf32> to vector<16xf32>
      %add3A_466 = arith.addf %scan3A_417, %get3A_437 : vector<16xf32>
      %add3A_467 = arith.addf %scan3A_418, %get3A_441 : vector<16xf32>
      %add3A_468 = arith.addf %scan3A_419, %get3A_445 : vector<16xf32>
      %add3A_469 = arith.addf %scan3A_420, %get3A_449 : vector<16xf32>
      %add3A_470 = arith.addf %scan3A_421, %get3A_453 : vector<16xf32>
      %add3A_471 = arith.addf %scan3A_422, %get3A_457 : vector<16xf32>
      %add3A_472 = arith.addf %scan3A_423, %get3A_461 : vector<16xf32>
      %add3A_473 = arith.addf %scan3A_424, %get3A_465 : vector<16xf32>
      %mul3A_474 = arith.mulf %get3A_437, %get3A_437 : vector<16xf32>
      %add3A_475 = arith.addf %scan3A_425, %mul3A_474 : vector<16xf32>
      %mul3A_476 = arith.mulf %get3A_441, %get3A_441 : vector<16xf32>
      %add3A_477 = arith.addf %scan3A_426, %mul3A_476 : vector<16xf32>
      %mul3A_478 = arith.mulf %get3A_445, %get3A_445 : vector<16xf32>
      %add3A_479 = arith.addf %scan3A_427, %mul3A_478 : vector<16xf32>
      %mul3A_480 = arith.mulf %get3A_449, %get3A_449 : vector<16xf32>
      %add3A_481 = arith.addf %scan3A_428, %mul3A_480 : vector<16xf32>
      %mul3A_482 = arith.mulf %get3A_453, %get3A_453 : vector<16xf32>
      %add3A_483 = arith.addf %scan3A_429, %mul3A_482 : vector<16xf32>
      %mul3A_484 = arith.mulf %get3A_457, %get3A_457 : vector<16xf32>
      %add3A_485 = arith.addf %scan3A_430, %mul3A_484 : vector<16xf32>
      %mul3A_486 = arith.mulf %get3A_461, %get3A_461 : vector<16xf32>
      %add3A_487 = arith.addf %scan3A_431, %mul3A_486 : vector<16xf32>
      %mul3A_488 = arith.mulf %get3A_465, %get3A_465 : vector<16xf32>
      %add3A_489 = arith.addf %scan3A_432, %mul3A_488 : vector<16xf32>
      %scan3A_490 = arith.constant 1 : i32
      %scan3A_491 = arith.constant 15 : i32
      %scan3A_492 = arith.addi %scan3A_490, %scan3A_491 : i32
      %scan3A_493 = arith.constant 1 : i32
      %scan3A_494:24 = scf.for %scan3A_536 = %scan3A_490 to %scan3A_492 step %scan3A_493 iter_args(%scan3A_537 = %get3A_437, %scan3A_538 = %get3A_441, %scan3A_539 = %get3A_445, %scan3A_540 = %get3A_449, %scan3A_541 = %get3A_453, %scan3A_542 = %get3A_457, %scan3A_543 = %get3A_461, %scan3A_544 = %get3A_465, %scan3A_545 = %add3A_466, %scan3A_546 = %add3A_467, %scan3A_547 = %add3A_468, %scan3A_548 = %add3A_469, %scan3A_549 = %add3A_470, %scan3A_550 = %add3A_471, %scan3A_551 = %add3A_472, %scan3A_552 = %add3A_473, %scan3A_553 = %add3A_475, %scan3A_554 = %add3A_477, %scan3A_555 = %add3A_479, %scan3A_556 = %add3A_481, %scan3A_557 = %add3A_483, %scan3A_558 = %add3A_485, %scan3A_559 = %add3A_487, %scan3A_560 = %add3A_489) -> (vector<16xf32>, vector<16xf32>, vector<16xf32>, vector<16xf32>, vector<16xf32>, vector<16xf32>, vector<16xf32>, vector<16xf32>, vector<16xf32>, vector<16xf32>, vector<16xf32>, vector<16xf32>, vector<16xf32>, vector<16xf32>, vector<16xf32>, vector<16xf32>, vector<16xf32>, vector<16xf32>, vector<16xf32>, vector<16xf32>, vector<16xf32>, vector<16xf32>, vector<16xf32>, vector<16xf32>)  : i32 {
        %add3A_561 = arith.addi %mul3A_434, %scan3A_536 : i32
        %get3A_562 = arith.index_cast %add3A_561 : i32 to index
        %get3A_563 = arith.constant 0 : index
        %get3A_564 = tpu.vector_load %arg8[%get3A_562, %get3A_563] {strides = array<i32>} : memref<256x128xf32, #tpu.memory_space<vmem>>, vector<1x16xf32>,
        %get3A_565 = vector.shape_cast %get3A_564 : vector<1x16xf32> to vector<16xf32>
        %add3A_566 = arith.addi %mul3A_434, %scan3A_536 : i32
        %get3A_567 = arith.index_cast %add3A_566 : i32 to index
        %get3A_568 = arith.constant 16 : index
        %get3A_569 = tpu.vector_load %arg8[%get3A_567, %get3A_568] {strides = array<i32>} : memref<256x128xf32, #tpu.memory_space<vmem>>, vector<1x16xf32>,
        %get3A_570 = vector.shape_cast %get3A_569 : vector<1x16xf32> to vector<16xf32>
        %add3A_571 = arith.addi %mul3A_434, %scan3A_536 : i32
        %get3A_572 = arith.index_cast %add3A_571 : i32 to index
        %get3A_573 = arith.constant 32 : index
        %get3A_574 = tpu.vector_load %arg8[%get3A_572, %get3A_573] {strides = array<i32>} : memref<256x128xf32, #tpu.memory_space<vmem>>, vector<1x16xf32>,
        %get3A_575 = vector.shape_cast %get3A_574 : vector<1x16xf32> to vector<16xf32>
        %add3A_576 = arith.addi %mul3A_434, %scan3A_536 : i32
        %get3A_577 = arith.index_cast %add3A_576 : i32 to index
        %get3A_578 = arith.constant 48 : index
        %get3A_579 = tpu.vector_load %arg8[%get3A_577, %get3A_578] {strides = array<i32>} : memref<256x128xf32, #tpu.memory_space<vmem>>, vector<1x16xf32>,
        %get3A_580 = vector.shape_cast %get3A_579 : vector<1x16xf32> to vector<16xf32>
        %add3A_581 = arith.addi %mul3A_434, %scan3A_536 : i32
        %get3A_582 = arith.index_cast %add3A_581 : i32 to index
        %get3A_583 = arith.constant 64 : index
        %get3A_584 = tpu.vector_load %arg8[%get3A_582, %get3A_583] {strides = array<i32>} : memref<256x128xf32, #tpu.memory_space<vmem>>, vector<1x16xf32>,
        %get3A_585 = vector.shape_cast %get3A_584 : vector<1x16xf32> to vector<16xf32>
        %add3A_586 = arith.addi %mul3A_434, %scan3A_536 : i32
        %get3A_587 = arith.index_cast %add3A_586 : i32 to index
        %get3A_588 = arith.constant 80 : index
        %get3A_589 = tpu.vector_load %arg8[%get3A_587, %get3A_588] {strides = array<i32>} : memref<256x128xf32, #tpu.memory_space<vmem>>, vector<1x16xf32>,
        %get3A_590 = vector.shape_cast %get3A_589 : vector<1x16xf32> to vector<16xf32>
        %add3A_591 = arith.addi %mul3A_434, %scan3A_536 : i32
        %get3A_592 = arith.index_cast %add3A_591 : i32 to index
        %get3A_593 = arith.constant 96 : index
        %get3A_594 = tpu.vector_load %arg8[%get3A_592, %get3A_593] {strides = array<i32>} : memref<256x128xf32, #tpu.memory_space<vmem>>, vector<1x16xf32>,
        %get3A_595 = vector.shape_cast %get3A_594 : vector<1x16xf32> to vector<16xf32>
        %add3A_596 = arith.addi %mul3A_434, %scan3A_536 : i32
        %get3A_597 = arith.index_cast %add3A_596 : i32 to index
        %get3A_598 = arith.constant 112 : index
        %get3A_599 = tpu.vector_load %arg8[%get3A_597, %get3A_598] {strides = array<i32>} : memref<256x128xf32, #tpu.memory_space<vmem>>, vector<1x16xf32>,
        %get3A_600 = vector.shape_cast %get3A_599 : vector<1x16xf32> to vector<16xf32>
        %max3A = arith.maximumf %scan3A_537, %get3A_565 : vector<16xf32>
        %max3A_601 = arith.maximumf %scan3A_538, %get3A_570 : vector<16xf32>
        %max3A_602 = arith.maximumf %scan3A_539, %get3A_575 : vector<16xf32>
        %max3A_603 = arith.maximumf %scan3A_540, %get3A_580 : vector<16xf32>
        %max3A_604 = arith.maximumf %scan3A_541, %get3A_585 : vector<16xf32>
        %max3A_605 = arith.maximumf %scan3A_542, %get3A_590 : vector<16xf32>
        %max3A_606 = arith.maximumf %scan3A_543, %get3A_595 : vector<16xf32>
        %max3A_607 = arith.maximumf %scan3A_544, %get3A_600 : vector<16xf32>
        %add3A_608 = arith.addf %scan3A_545, %get3A_565 : vector<16xf32>
        %add3A_609 = arith.addf %scan3A_546, %get3A_570 : vector<16xf32>
        %add3A_610 = arith.addf %scan3A_547, %get3A_575 : vector<16xf32>
        %add3A_611 = arith.addf %scan3A_548, %get3A_580 : vector<16xf32>
        %add3A_612 = arith.addf %scan3A_549, %get3A_585 : vector<16xf32>
        %add3A_613 = arith.addf %scan3A_550, %get3A_590 : vector<16xf32>
        %add3A_614 = arith.addf %scan3A_551, %get3A_595 : vector<16xf32>
        %add3A_615 = arith.addf %scan3A_552, %get3A_600 : vector<16xf32>
        %mul3A_616 = arith.mulf %get3A_565, %get3A_565 : vector<16xf32>
        %add3A_617 = arith.addf %scan3A_553, %mul3A_616 : vector<16xf32>
        %mul3A_618 = arith.mulf %get3A_570, %get3A_570 : vector<16xf32>
        %add3A_619 = arith.addf %scan3A_554, %mul3A_618 : vector<16xf32>
        %mul3A_620 = arith.mulf %get3A_575, %get3A_575 : vector<16xf32>
        %add3A_621 = arith.addf %scan3A_555, %mul3A_620 : vector<16xf32>
        %mul3A_622 = arith.mulf %get3A_580, %get3A_580 : vector<16xf32>
        %add3A_623 = arith.addf %scan3A_556, %mul3A_622 : vector<16xf32>
        %mul3A_624 = arith.mulf %get3A_585, %get3A_585 : vector<16xf32>
        %add3A_625 = arith.addf %scan3A_557, %mul3A_624 : vector<16xf32>
        %mul3A_626 = arith.mulf %get3A_590, %get3A_590 : vector<16xf32>
        %add3A_627 = arith.addf %scan3A_558, %mul3A_626 : vector<16xf32>
        %mul3A_628 = arith.mulf %get3A_595, %get3A_595 : vector<16xf32>
        %add3A_629 = arith.addf %scan3A_559, %mul3A_628 : vector<16xf32>
        %mul3A_630 = arith.mulf %get3A_600, %get3A_600 : vector<16xf32>
        %add3A_631 = arith.addf %scan3A_560, %mul3A_630 : vector<16xf32>
        scf.yield %max3A, %max3A_601, %max3A_602, %max3A_603, %max3A_604, %max3A_605, %max3A_606, %max3A_607, %add3A_608, %add3A_609, %add3A_610, %add3A_611, %add3A_612, %add3A_613, %add3A_614, %add3A_615, %add3A_617, %add3A_619, %add3A_621, %add3A_623, %add3A_625, %add3A_627, %add3A_629, %add3A_631 : vector<16xf32>, vector<16xf32>, vector<16xf32>, vector<16xf32>, vector<16xf32>, vector<16xf32>, vector<16xf32>, vector<16xf32>, vector<16xf32>, vector<16xf32>, vector<16xf32>, vector<16xf32>, vector<16xf32>, vector<16xf32>, vector<16xf32>, vector<16xf32>, vector<16xf32>, vector<16xf32>, vector<16xf32>, vector<16xf32>, vector<16xf32>, vector<16xf32>, vector<16xf32>, vector<16xf32>
      }
      %scan3A_495 = arith.constant 15 : i32
      %swap3A_496 = arith.index_cast %scan3A_416 : i32 to index
      %swap3A_497 = arith.constant 0 : index
      %swap3A_498 = tpu.vector_load %arg9[%swap3A_496, %swap3A_497] {strides = array<i32>} : memref<16x128xf32, #tpu.memory_space<vmem>>, vector<1x16xf32>,
      %swap3A_499 = vector.shape_cast %swap3A_498 : vector<1x16xf32> to vector<16xf32>
      %swap3A_500 = vector.shape_cast %scan3A_494#0 : vector<16xf32> to vector<1x16xf32>
      tpu.vector_store %arg9[%swap3A_496, %swap3A_497], %swap3A_500 {strides = array<i32>} : memref<16x128xf32, #tpu.memory_space<vmem>>, vector<1x16xf32>,
      %swap3A_501 = arith.index_cast %scan3A_416 : i32 to index
      %swap3A_502 = arith.constant 16 : index
      %swap3A_503 = tpu.vector_load %arg9[%swap3A_501, %swap3A_502] {strides = array<i32>} : memref<16x128xf32, #tpu.memory_space<vmem>>, vector<1x16xf32>,
      %swap3A_504 = vector.shape_cast %swap3A_503 : vector<1x16xf32> to vector<16xf32>
      %swap3A_505 = vector.shape_cast %scan3A_494#1 : vector<16xf32> to vector<1x16xf32>
      tpu.vector_store %arg9[%swap3A_501, %swap3A_502], %swap3A_505 {strides = array<i32>} : memref<16x128xf32, #tpu.memory_space<vmem>>, vector<1x16xf32>,
      %swap3A_506 = arith.index_cast %scan3A_416 : i32 to index
      %swap3A_507 = arith.constant 32 : index
      %swap3A_508 = tpu.vector_load %arg9[%swap3A_506, %swap3A_507] {strides = array<i32>} : memref<16x128xf32, #tpu.memory_space<vmem>>, vector<1x16xf32>,
      %swap3A_509 = vector.shape_cast %swap3A_508 : vector<1x16xf32> to vector<16xf32>
      %swap3A_510 = vector.shape_cast %scan3A_494#2 : vector<16xf32> to vector<1x16xf32>
      tpu.vector_store %arg9[%swap3A_506, %swap3A_507], %swap3A_510 {strides = array<i32>} : memref<16x128xf32, #tpu.memory_space<vmem>>, vector<1x16xf32>,
      %swap3A_511 = arith.index_cast %scan3A_416 : i32 to index
      %swap3A_512 = arith.constant 48 : index
      %swap3A_513 = tpu.vector_load %arg9[%swap3A_511, %swap3A_512] {strides = array<i32>} : memref<16x128xf32, #tpu.memory_space<vmem>>, vector<1x16xf32>,
      %swap3A_514 = vector.shape_cast %swap3A_513 : vector<1x16xf32> to vector<16xf32>
      %swap3A_515 = vector.shape_cast %scan3A_494#3 : vector<16xf32> to vector<1x16xf32>
      tpu.vector_store %arg9[%swap3A_511, %swap3A_512], %swap3A_515 {strides = array<i32>} : memref<16x128xf32, #tpu.memory_space<vmem>>, vector<1x16xf32>,
      %swap3A_516 = arith.index_cast %scan3A_416 : i32 to index
      %swap3A_517 = arith.constant 64 : index
      %swap3A_518 = tpu.vector_load %arg9[%swap3A_516, %swap3A_517] {strides = array<i32>} : memref<16x128xf32, #tpu.memory_space<vmem>>, vector<1x16xf32>,
      %swap3A_519 = vector.shape_cast %swap3A_518 : vector<1x16xf32> to vector<16xf32>
      %swap3A_520 = vector.shape_cast %scan3A_494#4 : vector<16xf32> to vector<1x16xf32>
      tpu.vector_store %arg9[%swap3A_516, %swap3A_517], %swap3A_520 {strides = array<i32>} : memref<16x128xf32, #tpu.memory_space<vmem>>, vector<1x16xf32>,
      %swap3A_521 = arith.index_cast %scan3A_416 : i32 to index
      %swap3A_522 = arith.constant 80 : index
      %swap3A_523 = tpu.vector_load %arg9[%swap3A_521, %swap3A_522] {strides = array<i32>} : memref<16x128xf32, #tpu.memory_space<vmem>>, vector<1x16xf32>,
      %swap3A_524 = vector.shape_cast %swap3A_523 : vector<1x16xf32> to vector<16xf32>
      %swap3A_525 = vector.shape_cast %scan3A_494#5 : vector<16xf32> to vector<1x16xf32>
      tpu.vector_store %arg9[%swap3A_521, %swap3A_522], %swap3A_525 {strides = array<i32>} : memref<16x128xf32, #tpu.memory_space<vmem>>, vector<1x16xf32>,
      %swap3A_526 = arith.index_cast %scan3A_416 : i32 to index
      %swap3A_527 = arith.constant 96 : index
      %swap3A_528 = tpu.vector_load %arg9[%swap3A_526, %swap3A_527] {strides = array<i32>} : memref<16x128xf32, #tpu.memory_space<vmem>>, vector<1x16xf32>,
      %swap3A_529 = vector.shape_cast %swap3A_528 : vector<1x16xf32> to vector<16xf32>
      %swap3A_530 = vector.shape_cast %scan3A_494#6 : vector<16xf32> to vector<1x16xf32>
      tpu.vector_store %arg9[%swap3A_526, %swap3A_527], %swap3A_530 {strides = array<i32>} : memref<16x128xf32, #tpu.memory_space<vmem>>, vector<1x16xf32>,
      %swap3A_531 = arith.index_cast %scan3A_416 : i32 to index
      %swap3A_532 = arith.constant 112 : index
      %swap3A_533 = tpu.vector_load %arg9[%swap3A_531, %swap3A_532] {strides = array<i32>} : memref<16x128xf32, #tpu.memory_space<vmem>>, vector<1x16xf32>,
      %swap3A_534 = vector.shape_cast %swap3A_533 : vector<1x16xf32> to vector<16xf32>
      %swap3A_535 = vector.shape_cast %scan3A_494#7 : vector<16xf32> to vector<1x16xf32>
      tpu.vector_store %arg9[%swap3A_531, %swap3A_532], %swap3A_535 {strides = array<i32>} : memref<16x128xf32, #tpu.memory_space<vmem>>, vector<1x16xf32>,
      scf.yield %scan3A_494#8, %scan3A_494#9, %scan3A_494#10, %scan3A_494#11, %scan3A_494#12, %scan3A_494#13, %scan3A_494#14, %scan3A_494#15, %scan3A_494#16, %scan3A_494#17, %scan3A_494#18, %scan3A_494#19, %scan3A_494#20, %scan3A_494#21, %scan3A_494#22, %scan3A_494#23 : vector<16xf32>, vector<16xf32>, vector<16xf32>, vector<16xf32>, vector<16xf32>, vector<16xf32>, vector<16xf32>, vector<16xf32>, vector<16xf32>, vector<16xf32>, vector<16xf32>, vector<16xf32>, vector<16xf32>, vector<16xf32>, vector<16xf32>, vector<16xf32>
    }
    %scan3A_161 = arith.constant 16 : i32
    %mul3A_162 = arith.constant 256 : i32
    %mul3A_163 = arith.muli %add3A, %mul3A_162 : i32
    %add3A_164 = arith.constant 112 : i32
    %add3A_165 = arith.addi %mul3A_163, %add3A_164 : i32
    "tpu.region"() ({
      %run_scoped3A = tpu.sem_alloc : memref<!tpu.dma_semaphore, #tpu.memory_space<semaphore_mem>>
      %dma_start3A_416 = arith.constant 0 : i32
      %dma_start3A_417 = tpu.memref_slice %arg4[%add3A_165, %dma_start3A_416] : memref<8192x128xf32, #tpu.memory_space<hbm>> -> memref<16x128xf32, #tpu.memory_space<hbm>>
      %dma_start3A_418 = arith.constant 0 : i32
      %dma_start3A_419 = tpu.memref_slice %arg4[%add3A_165, %dma_start3A_418] : memref<8192x128xf32, #tpu.memory_space<hbm>> -> memref<16x128xf32, #tpu.memory_space<hbm>>
      tpu.enqueue_dma source(%arg9 : memref<16x128xf32, #tpu.memory_space<vmem>>) target(%dma_start3A_419 : memref<16x128xf32, #tpu.memory_space<hbm>>) target_semaphore(%run_scoped3A : memref<!tpu.dma_semaphore, #tpu.memory_space<semaphore_mem>>)
      %dma_wait3A_420 = arith.constant 0 : i32
      %dma_wait3A_421 = tpu.memref_slice %arg4[%add3A_165, %dma_wait3A_420] : memref<8192x128xf32, #tpu.memory_space<hbm>> -> memref<16x128xf32, #tpu.memory_space<hbm>>
      %dma_wait3A_422 = arith.constant 0 : i32
      %dma_wait3A_423 = tpu.memref_slice %arg4[%add3A_165, %dma_wait3A_422] : memref<8192x128xf32, #tpu.memory_space<hbm>> -> memref<16x128xf32, #tpu.memory_space<hbm>>
      tpu.wait_dma2 semaphore(%run_scoped3A : memref<!tpu.dma_semaphore, #tpu.memory_space<semaphore_mem>>) src(%arg9 : memref<16x128xf32, #tpu.memory_space<vmem>>) dst(%dma_wait3A_423 : memref<16x128xf32, #tpu.memory_space<hbm>>)
      tpu.yield
    }) : () -> ()
    %dma_start3A_166 = arith.constant 2304 : i32
    %dma_start3A_167 = tpu.memref_slice %arg6[%dma_start3A_166] : memref<4096xi32, #tpu.memory_space<vmem>> -> memref<256xi32, #tpu.memory_space<vmem>>
    %dma_start3A_168 = arith.constant 0 : i32
    %dma_start3A_169 = arith.constant 0 : i32
    %dma_start3A_170 = tpu.memref_slice %arg2[%dma_start3A_168, %dma_start3A_169] : memref<16384x128xf32, #tpu.memory_space<hbm>> -> memref<16384x128xf32, #tpu.memory_space<hbm>>
    tpu.enqueue_indirect_dma source(%dma_start3A_170 : memref<16384x128xf32, #tpu.memory_space<hbm>>) target(%arg8 : memref<256x128xf32, #tpu.memory_space<vmem>>) offsets(%dma_start3A_167 : memref<256xi32, #tpu.memory_space<vmem>>) semaphore(%arg12 : memref<!tpu.dma_semaphore, #tpu.memory_space<semaphore_mem>>)
    %dma_wait3A_171 = arith.constant 2048 : i32
    %dma_wait3A_172 = tpu.memref_slice %arg6[%dma_wait3A_171] : memref<4096xi32, #tpu.memory_space<vmem>> -> memref<256xi32, #tpu.memory_space<vmem>>
    %dma_wait3A_173 = arith.constant 0 : i32
    %dma_wait3A_174 = arith.constant 0 : i32
    %dma_wait3A_175 = tpu.memref_slice %arg2[%dma_wait3A_173, %dma_wait3A_174] : memref<16384x128xf32, #tpu.memory_space<hbm>> -> memref<16384x128xf32, #tpu.memory_space<hbm>>
    tpu.wait_indirect_dma semaphore(%arg11 : memref<!tpu.dma_semaphore, #tpu.memory_space<semaphore_mem>>) src(%dma_wait3A_175 : memref<16384x128xf32, #tpu.memory_space<hbm>>) dst(%arg7 : memref<256x128xf32, #tpu.memory_space<vmem>>)
    %scan3A_176 = arith.constant 0 : i32
    %scan3A_177 = arith.constant 16 : i32
    %scan3A_178 = arith.addi %scan3A_176, %scan3A_177 : i32
    %scan3A_179 = arith.constant 1 : i32
    %scan3A_180:16 = scf.for %scan3A_416 = %scan3A_176 to %scan3A_178 step %scan3A_179 iter_args(%scan3A_417 = %scan3A_160#0, %scan3A_418 = %scan3A_160#1, %scan3A_419 = %scan3A_160#2, %scan3A_420 = %scan3A_160#3, %scan3A_421 = %scan3A_160#4, %scan3A_422 = %scan3A_160#5, %scan3A_423 = %scan3A_160#6, %scan3A_424 = %scan3A_160#7, %scan3A_425 = %scan3A_160#8, %scan3A_426 = %scan3A_160#9, %scan3A_427 = %scan3A_160#10, %scan3A_428 = %scan3A_160#11, %scan3A_429 = %scan3A_160#12, %scan3A_430 = %scan3A_160#13, %scan3A_431 = %scan3A_160#14, %scan3A_432 = %scan3A_160#15) -> (vector<16xf32>, vector<16xf32>, vector<16xf32>, vector<16xf32>, vector<16xf32>, vector<16xf32>, vector<16xf32>, vector<16xf32>, vector<16xf32>, vector<16xf32>, vector<16xf32>, vector<16xf32>, vector<16xf32>, vector<16xf32>, vector<16xf32>, vector<16xf32>)  : i32 {
      %mul3A_433 = arith.constant 16 : i32
      %mul3A_434 = arith.muli %scan3A_416, %mul3A_433 : i32
      %get3A = arith.index_cast %mul3A_434 : i32 to index
      %get3A_435 = arith.constant 0 : index
      %get3A_436 = tpu.vector_load %arg7[%get3A, %get3A_435] {strides = array<i32>} : memref<256x128xf32, #tpu.memory_space<vmem>>, vector<1x16xf32>,
      %get3A_437 = vector.shape_cast %get3A_436 : vector<1x16xf32> to vector<16xf32>
      %get3A_438 = arith.index_cast %mul3A_434 : i32 to index
      %get3A_439 = arith.constant 16 : index
      %get3A_440 = tpu.vector_load %arg7[%get3A_438, %get3A_439] {strides = array<i32>} : memref<256x128xf32, #tpu.memory_space<vmem>>, vector<1x16xf32>,
      %get3A_441 = vector.shape_cast %get3A_440 : vector<1x16xf32> to vector<16xf32>
      %get3A_442 = arith.index_cast %mul3A_434 : i32 to index
      %get3A_443 = arith.constant 32 : index
      %get3A_444 = tpu.vector_load %arg7[%get3A_442, %get3A_443] {strides = array<i32>} : memref<256x128xf32, #tpu.memory_space<vmem>>, vector<1x16xf32>,
      %get3A_445 = vector.shape_cast %get3A_444 : vector<1x16xf32> to vector<16xf32>
      %get3A_446 = arith.index_cast %mul3A_434 : i32 to index
      %get3A_447 = arith.constant 48 : index
      %get3A_448 = tpu.vector_load %arg7[%get3A_446, %get3A_447] {strides = array<i32>} : memref<256x128xf32, #tpu.memory_space<vmem>>, vector<1x16xf32>,
      %get3A_449 = vector.shape_cast %get3A_448 : vector<1x16xf32> to vector<16xf32>
      %get3A_450 = arith.index_cast %mul3A_434 : i32 to index
      %get3A_451 = arith.constant 64 : index
      %get3A_452 = tpu.vector_load %arg7[%get3A_450, %get3A_451] {strides = array<i32>} : memref<256x128xf32, #tpu.memory_space<vmem>>, vector<1x16xf32>,
      %get3A_453 = vector.shape_cast %get3A_452 : vector<1x16xf32> to vector<16xf32>
      %get3A_454 = arith.index_cast %mul3A_434 : i32 to index
      %get3A_455 = arith.constant 80 : index
      %get3A_456 = tpu.vector_load %arg7[%get3A_454, %get3A_455] {strides = array<i32>} : memref<256x128xf32, #tpu.memory_space<vmem>>, vector<1x16xf32>,
      %get3A_457 = vector.shape_cast %get3A_456 : vector<1x16xf32> to vector<16xf32>
      %get3A_458 = arith.index_cast %mul3A_434 : i32 to index
      %get3A_459 = arith.constant 96 : index
      %get3A_460 = tpu.vector_load %arg7[%get3A_458, %get3A_459] {strides = array<i32>} : memref<256x128xf32, #tpu.memory_space<vmem>>, vector<1x16xf32>,
      %get3A_461 = vector.shape_cast %get3A_460 : vector<1x16xf32> to vector<16xf32>
      %get3A_462 = arith.index_cast %mul3A_434 : i32 to index
      %get3A_463 = arith.constant 112 : index
      %get3A_464 = tpu.vector_load %arg7[%get3A_462, %get3A_463] {strides = array<i32>} : memref<256x128xf32, #tpu.memory_space<vmem>>, vector<1x16xf32>,
      %get3A_465 = vector.shape_cast %get3A_464 : vector<1x16xf32> to vector<16xf32>
      %add3A_466 = arith.addf %scan3A_417, %get3A_437 : vector<16xf32>
      %add3A_467 = arith.addf %scan3A_418, %get3A_441 : vector<16xf32>
      %add3A_468 = arith.addf %scan3A_419, %get3A_445 : vector<16xf32>
      %add3A_469 = arith.addf %scan3A_420, %get3A_449 : vector<16xf32>
      %add3A_470 = arith.addf %scan3A_421, %get3A_453 : vector<16xf32>
      %add3A_471 = arith.addf %scan3A_422, %get3A_457 : vector<16xf32>
      %add3A_472 = arith.addf %scan3A_423, %get3A_461 : vector<16xf32>
      %add3A_473 = arith.addf %scan3A_424, %get3A_465 : vector<16xf32>
      %mul3A_474 = arith.mulf %get3A_437, %get3A_437 : vector<16xf32>
      %add3A_475 = arith.addf %scan3A_425, %mul3A_474 : vector<16xf32>
      %mul3A_476 = arith.mulf %get3A_441, %get3A_441 : vector<16xf32>
      %add3A_477 = arith.addf %scan3A_426, %mul3A_476 : vector<16xf32>
      %mul3A_478 = arith.mulf %get3A_445, %get3A_445 : vector<16xf32>
      %add3A_479 = arith.addf %scan3A_427, %mul3A_478 : vector<16xf32>
      %mul3A_480 = arith.mulf %get3A_449, %get3A_449 : vector<16xf32>
      %add3A_481 = arith.addf %scan3A_428, %mul3A_480 : vector<16xf32>
      %mul3A_482 = arith.mulf %get3A_453, %get3A_453 : vector<16xf32>
      %add3A_483 = arith.addf %scan3A_429, %mul3A_482 : vector<16xf32>
      %mul3A_484 = arith.mulf %get3A_457, %get3A_457 : vector<16xf32>
      %add3A_485 = arith.addf %scan3A_430, %mul3A_484 : vector<16xf32>
      %mul3A_486 = arith.mulf %get3A_461, %get3A_461 : vector<16xf32>
      %add3A_487 = arith.addf %scan3A_431, %mul3A_486 : vector<16xf32>
      %mul3A_488 = arith.mulf %get3A_465, %get3A_465 : vector<16xf32>
      %add3A_489 = arith.addf %scan3A_432, %mul3A_488 : vector<16xf32>
      %scan3A_490 = arith.constant 1 : i32
      %scan3A_491 = arith.constant 15 : i32
      %scan3A_492 = arith.addi %scan3A_490, %scan3A_491 : i32
      %scan3A_493 = arith.constant 1 : i32
      %scan3A_494:24 = scf.for %scan3A_536 = %scan3A_490 to %scan3A_492 step %scan3A_493 iter_args(%scan3A_537 = %get3A_437, %scan3A_538 = %get3A_441, %scan3A_539 = %get3A_445, %scan3A_540 = %get3A_449, %scan3A_541 = %get3A_453, %scan3A_542 = %get3A_457, %scan3A_543 = %get3A_461, %scan3A_544 = %get3A_465, %scan3A_545 = %add3A_466, %scan3A_546 = %add3A_467, %scan3A_547 = %add3A_468, %scan3A_548 = %add3A_469, %scan3A_549 = %add3A_470, %scan3A_550 = %add3A_471, %scan3A_551 = %add3A_472, %scan3A_552 = %add3A_473, %scan3A_553 = %add3A_475, %scan3A_554 = %add3A_477, %scan3A_555 = %add3A_479, %scan3A_556 = %add3A_481, %scan3A_557 = %add3A_483, %scan3A_558 = %add3A_485, %scan3A_559 = %add3A_487, %scan3A_560 = %add3A_489) -> (vector<16xf32>, vector<16xf32>, vector<16xf32>, vector<16xf32>, vector<16xf32>, vector<16xf32>, vector<16xf32>, vector<16xf32>, vector<16xf32>, vector<16xf32>, vector<16xf32>, vector<16xf32>, vector<16xf32>, vector<16xf32>, vector<16xf32>, vector<16xf32>, vector<16xf32>, vector<16xf32>, vector<16xf32>, vector<16xf32>, vector<16xf32>, vector<16xf32>, vector<16xf32>, vector<16xf32>)  : i32 {
        %add3A_561 = arith.addi %mul3A_434, %scan3A_536 : i32
        %get3A_562 = arith.index_cast %add3A_561 : i32 to index
        %get3A_563 = arith.constant 0 : index
        %get3A_564 = tpu.vector_load %arg7[%get3A_562, %get3A_563] {strides = array<i32>} : memref<256x128xf32, #tpu.memory_space<vmem>>, vector<1x16xf32>,
        %get3A_565 = vector.shape_cast %get3A_564 : vector<1x16xf32> to vector<16xf32>
        %add3A_566 = arith.addi %mul3A_434, %scan3A_536 : i32
        %get3A_567 = arith.index_cast %add3A_566 : i32 to index
        %get3A_568 = arith.constant 16 : index
        %get3A_569 = tpu.vector_load %arg7[%get3A_567, %get3A_568] {strides = array<i32>} : memref<256x128xf32, #tpu.memory_space<vmem>>, vector<1x16xf32>,
        %get3A_570 = vector.shape_cast %get3A_569 : vector<1x16xf32> to vector<16xf32>
        %add3A_571 = arith.addi %mul3A_434, %scan3A_536 : i32
        %get3A_572 = arith.index_cast %add3A_571 : i32 to index
        %get3A_573 = arith.constant 32 : index
        %get3A_574 = tpu.vector_load %arg7[%get3A_572, %get3A_573] {strides = array<i32>} : memref<256x128xf32, #tpu.memory_space<vmem>>, vector<1x16xf32>,
        %get3A_575 = vector.shape_cast %get3A_574 : vector<1x16xf32> to vector<16xf32>
        %add3A_576 = arith.addi %mul3A_434, %scan3A_536 : i32
        %get3A_577 = arith.index_cast %add3A_576 : i32 to index
        %get3A_578 = arith.constant 48 : index
        %get3A_579 = tpu.vector_load %arg7[%get3A_577, %get3A_578] {strides = array<i32>} : memref<256x128xf32, #tpu.memory_space<vmem>>, vector<1x16xf32>,
        %get3A_580 = vector.shape_cast %get3A_579 : vector<1x16xf32> to vector<16xf32>
        %add3A_581 = arith.addi %mul3A_434, %scan3A_536 : i32
        %get3A_582 = arith.index_cast %add3A_581 : i32 to index
        %get3A_583 = arith.constant 64 : index
        %get3A_584 = tpu.vector_load %arg7[%get3A_582, %get3A_583] {strides = array<i32>} : memref<256x128xf32, #tpu.memory_space<vmem>>, vector<1x16xf32>,
        %get3A_585 = vector.shape_cast %get3A_584 : vector<1x16xf32> to vector<16xf32>
        %add3A_586 = arith.addi %mul3A_434, %scan3A_536 : i32
        %get3A_587 = arith.index_cast %add3A_586 : i32 to index
        %get3A_588 = arith.constant 80 : index
        %get3A_589 = tpu.vector_load %arg7[%get3A_587, %get3A_588] {strides = array<i32>} : memref<256x128xf32, #tpu.memory_space<vmem>>, vector<1x16xf32>,
        %get3A_590 = vector.shape_cast %get3A_589 : vector<1x16xf32> to vector<16xf32>
        %add3A_591 = arith.addi %mul3A_434, %scan3A_536 : i32
        %get3A_592 = arith.index_cast %add3A_591 : i32 to index
        %get3A_593 = arith.constant 96 : index
        %get3A_594 = tpu.vector_load %arg7[%get3A_592, %get3A_593] {strides = array<i32>} : memref<256x128xf32, #tpu.memory_space<vmem>>, vector<1x16xf32>,
        %get3A_595 = vector.shape_cast %get3A_594 : vector<1x16xf32> to vector<16xf32>
        %add3A_596 = arith.addi %mul3A_434, %scan3A_536 : i32
        %get3A_597 = arith.index_cast %add3A_596 : i32 to index
        %get3A_598 = arith.constant 112 : index
        %get3A_599 = tpu.vector_load %arg7[%get3A_597, %get3A_598] {strides = array<i32>} : memref<256x128xf32, #tpu.memory_space<vmem>>, vector<1x16xf32>,
        %get3A_600 = vector.shape_cast %get3A_599 : vector<1x16xf32> to vector<16xf32>
        %max3A = arith.maximumf %scan3A_537, %get3A_565 : vector<16xf32>
        %max3A_601 = arith.maximumf %scan3A_538, %get3A_570 : vector<16xf32>
        %max3A_602 = arith.maximumf %scan3A_539, %get3A_575 : vector<16xf32>
        %max3A_603 = arith.maximumf %scan3A_540, %get3A_580 : vector<16xf32>
        %max3A_604 = arith.maximumf %scan3A_541, %get3A_585 : vector<16xf32>
        %max3A_605 = arith.maximumf %scan3A_542, %get3A_590 : vector<16xf32>
        %max3A_606 = arith.maximumf %scan3A_543, %get3A_595 : vector<16xf32>
        %max3A_607 = arith.maximumf %scan3A_544, %get3A_600 : vector<16xf32>
        %add3A_608 = arith.addf %scan3A_545, %get3A_565 : vector<16xf32>
        %add3A_609 = arith.addf %scan3A_546, %get3A_570 : vector<16xf32>
        %add3A_610 = arith.addf %scan3A_547, %get3A_575 : vector<16xf32>
        %add3A_611 = arith.addf %scan3A_548, %get3A_580 : vector<16xf32>
        %add3A_612 = arith.addf %scan3A_549, %get3A_585 : vector<16xf32>
        %add3A_613 = arith.addf %scan3A_550, %get3A_590 : vector<16xf32>
        %add3A_614 = arith.addf %scan3A_551, %get3A_595 : vector<16xf32>
        %add3A_615 = arith.addf %scan3A_552, %get3A_600 : vector<16xf32>
        %mul3A_616 = arith.mulf %get3A_565, %get3A_565 : vector<16xf32>
        %add3A_617 = arith.addf %scan3A_553, %mul3A_616 : vector<16xf32>
        %mul3A_618 = arith.mulf %get3A_570, %get3A_570 : vector<16xf32>
        %add3A_619 = arith.addf %scan3A_554, %mul3A_618 : vector<16xf32>
        %mul3A_620 = arith.mulf %get3A_575, %get3A_575 : vector<16xf32>
        %add3A_621 = arith.addf %scan3A_555, %mul3A_620 : vector<16xf32>
        %mul3A_622 = arith.mulf %get3A_580, %get3A_580 : vector<16xf32>
        %add3A_623 = arith.addf %scan3A_556, %mul3A_622 : vector<16xf32>
        %mul3A_624 = arith.mulf %get3A_585, %get3A_585 : vector<16xf32>
        %add3A_625 = arith.addf %scan3A_557, %mul3A_624 : vector<16xf32>
        %mul3A_626 = arith.mulf %get3A_590, %get3A_590 : vector<16xf32>
        %add3A_627 = arith.addf %scan3A_558, %mul3A_626 : vector<16xf32>
        %mul3A_628 = arith.mulf %get3A_595, %get3A_595 : vector<16xf32>
        %add3A_629 = arith.addf %scan3A_559, %mul3A_628 : vector<16xf32>
        %mul3A_630 = arith.mulf %get3A_600, %get3A_600 : vector<16xf32>
        %add3A_631 = arith.addf %scan3A_560, %mul3A_630 : vector<16xf32>
        scf.yield %max3A, %max3A_601, %max3A_602, %max3A_603, %max3A_604, %max3A_605, %max3A_606, %max3A_607, %add3A_608, %add3A_609, %add3A_610, %add3A_611, %add3A_612, %add3A_613, %add3A_614, %add3A_615, %add3A_617, %add3A_619, %add3A_621, %add3A_623, %add3A_625, %add3A_627, %add3A_629, %add3A_631 : vector<16xf32>, vector<16xf32>, vector<16xf32>, vector<16xf32>, vector<16xf32>, vector<16xf32>, vector<16xf32>, vector<16xf32>, vector<16xf32>, vector<16xf32>, vector<16xf32>, vector<16xf32>, vector<16xf32>, vector<16xf32>, vector<16xf32>, vector<16xf32>, vector<16xf32>, vector<16xf32>, vector<16xf32>, vector<16xf32>, vector<16xf32>, vector<16xf32>, vector<16xf32>, vector<16xf32>
      }
      %scan3A_495 = arith.constant 15 : i32
      %swap3A_496 = arith.index_cast %scan3A_416 : i32 to index
      %swap3A_497 = arith.constant 0 : index
      %swap3A_498 = tpu.vector_load %arg9[%swap3A_496, %swap3A_497] {strides = array<i32>} : memref<16x128xf32, #tpu.memory_space<vmem>>, vector<1x16xf32>,
      %swap3A_499 = vector.shape_cast %swap3A_498 : vector<1x16xf32> to vector<16xf32>
      %swap3A_500 = vector.shape_cast %scan3A_494#0 : vector<16xf32> to vector<1x16xf32>
      tpu.vector_store %arg9[%swap3A_496, %swap3A_497], %swap3A_500 {strides = array<i32>} : memref<16x128xf32, #tpu.memory_space<vmem>>, vector<1x16xf32>,
      %swap3A_501 = arith.index_cast %scan3A_416 : i32 to index
      %swap3A_502 = arith.constant 16 : index
      %swap3A_503 = tpu.vector_load %arg9[%swap3A_501, %swap3A_502] {strides = array<i32>} : memref<16x128xf32, #tpu.memory_space<vmem>>, vector<1x16xf32>,
      %swap3A_504 = vector.shape_cast %swap3A_503 : vector<1x16xf32> to vector<16xf32>
      %swap3A_505 = vector.shape_cast %scan3A_494#1 : vector<16xf32> to vector<1x16xf32>
      tpu.vector_store %arg9[%swap3A_501, %swap3A_502], %swap3A_505 {strides = array<i32>} : memref<16x128xf32, #tpu.memory_space<vmem>>, vector<1x16xf32>,
      %swap3A_506 = arith.index_cast %scan3A_416 : i32 to index
      %swap3A_507 = arith.constant 32 : index
      %swap3A_508 = tpu.vector_load %arg9[%swap3A_506, %swap3A_507] {strides = array<i32>} : memref<16x128xf32, #tpu.memory_space<vmem>>, vector<1x16xf32>,
      %swap3A_509 = vector.shape_cast %swap3A_508 : vector<1x16xf32> to vector<16xf32>
      %swap3A_510 = vector.shape_cast %scan3A_494#2 : vector<16xf32> to vector<1x16xf32>
      tpu.vector_store %arg9[%swap3A_506, %swap3A_507], %swap3A_510 {strides = array<i32>} : memref<16x128xf32, #tpu.memory_space<vmem>>, vector<1x16xf32>,
      %swap3A_511 = arith.index_cast %scan3A_416 : i32 to index
      %swap3A_512 = arith.constant 48 : index
      %swap3A_513 = tpu.vector_load %arg9[%swap3A_511, %swap3A_512] {strides = array<i32>} : memref<16x128xf32, #tpu.memory_space<vmem>>, vector<1x16xf32>,
      %swap3A_514 = vector.shape_cast %swap3A_513 : vector<1x16xf32> to vector<16xf32>
      %swap3A_515 = vector.shape_cast %scan3A_494#3 : vector<16xf32> to vector<1x16xf32>
      tpu.vector_store %arg9[%swap3A_511, %swap3A_512], %swap3A_515 {strides = array<i32>} : memref<16x128xf32, #tpu.memory_space<vmem>>, vector<1x16xf32>,
      %swap3A_516 = arith.index_cast %scan3A_416 : i32 to index
      %swap3A_517 = arith.constant 64 : index
      %swap3A_518 = tpu.vector_load %arg9[%swap3A_516, %swap3A_517] {strides = array<i32>} : memref<16x128xf32, #tpu.memory_space<vmem>>, vector<1x16xf32>,
      %swap3A_519 = vector.shape_cast %swap3A_518 : vector<1x16xf32> to vector<16xf32>
      %swap3A_520 = vector.shape_cast %scan3A_494#4 : vector<16xf32> to vector<1x16xf32>
      tpu.vector_store %arg9[%swap3A_516, %swap3A_517], %swap3A_520 {strides = array<i32>} : memref<16x128xf32, #tpu.memory_space<vmem>>, vector<1x16xf32>,
      %swap3A_521 = arith.index_cast %scan3A_416 : i32 to index
      %swap3A_522 = arith.constant 80 : index
      %swap3A_523 = tpu.vector_load %arg9[%swap3A_521, %swap3A_522] {strides = array<i32>} : memref<16x128xf32, #tpu.memory_space<vmem>>, vector<1x16xf32>,
      %swap3A_524 = vector.shape_cast %swap3A_523 : vector<1x16xf32> to vector<16xf32>
      %swap3A_525 = vector.shape_cast %scan3A_494#5 : vector<16xf32> to vector<1x16xf32>
      tpu.vector_store %arg9[%swap3A_521, %swap3A_522], %swap3A_525 {strides = array<i32>} : memref<16x128xf32, #tpu.memory_space<vmem>>, vector<1x16xf32>,
      %swap3A_526 = arith.index_cast %scan3A_416 : i32 to index
      %swap3A_527 = arith.constant 96 : index
      %swap3A_528 = tpu.vector_load %arg9[%swap3A_526, %swap3A_527] {strides = array<i32>} : memref<16x128xf32, #tpu.memory_space<vmem>>, vector<1x16xf32>,
      %swap3A_529 = vector.shape_cast %swap3A_528 : vector<1x16xf32> to vector<16xf32>
      %swap3A_530 = vector.shape_cast %scan3A_494#6 : vector<16xf32> to vector<1x16xf32>
      tpu.vector_store %arg9[%swap3A_526, %swap3A_527], %swap3A_530 {strides = array<i32>} : memref<16x128xf32, #tpu.memory_space<vmem>>, vector<1x16xf32>,
      %swap3A_531 = arith.index_cast %scan3A_416 : i32 to index
      %swap3A_532 = arith.constant 112 : index
      %swap3A_533 = tpu.vector_load %arg9[%swap3A_531, %swap3A_532] {strides = array<i32>} : memref<16x128xf32, #tpu.memory_space<vmem>>, vector<1x16xf32>,
      %swap3A_534 = vector.shape_cast %swap3A_533 : vector<1x16xf32> to vector<16xf32>
      %swap3A_535 = vector.shape_cast %scan3A_494#7 : vector<16xf32> to vector<1x16xf32>
      tpu.vector_store %arg9[%swap3A_531, %swap3A_532], %swap3A_535 {strides = array<i32>} : memref<16x128xf32, #tpu.memory_space<vmem>>, vector<1x16xf32>,
      scf.yield %scan3A_494#8, %scan3A_494#9, %scan3A_494#10, %scan3A_494#11, %scan3A_494#12, %scan3A_494#13, %scan3A_494#14, %scan3A_494#15, %scan3A_494#16, %scan3A_494#17, %scan3A_494#18, %scan3A_494#19, %scan3A_494#20, %scan3A_494#21, %scan3A_494#22, %scan3A_494#23 : vector<16xf32>, vector<16xf32>, vector<16xf32>, vector<16xf32>, vector<16xf32>, vector<16xf32>, vector<16xf32>, vector<16xf32>, vector<16xf32>, vector<16xf32>, vector<16xf32>, vector<16xf32>, vector<16xf32>, vector<16xf32>, vector<16xf32>, vector<16xf32>
    }
    %scan3A_181 = arith.constant 16 : i32
    %mul3A_182 = arith.constant 256 : i32
    %mul3A_183 = arith.muli %add3A, %mul3A_182 : i32
    %add3A_184 = arith.constant 128 : i32
    %add3A_185 = arith.addi %mul3A_183, %add3A_184 : i32
    "tpu.region"() ({
      %run_scoped3A = tpu.sem_alloc : memref<!tpu.dma_semaphore, #tpu.memory_space<semaphore_mem>>
      %dma_start3A_416 = arith.constant 0 : i32
      %dma_start3A_417 = tpu.memref_slice %arg4[%add3A_185, %dma_start3A_416] : memref<8192x128xf32, #tpu.memory_space<hbm>> -> memref<16x128xf32, #tpu.memory_space<hbm>>
      %dma_start3A_418 = arith.constant 0 : i32
      %dma_start3A_419 = tpu.memref_slice %arg4[%add3A_185, %dma_start3A_418] : memref<8192x128xf32, #tpu.memory_space<hbm>> -> memref<16x128xf32, #tpu.memory_space<hbm>>
      tpu.enqueue_dma source(%arg9 : memref<16x128xf32, #tpu.memory_space<vmem>>) target(%dma_start3A_419 : memref<16x128xf32, #tpu.memory_space<hbm>>) target_semaphore(%run_scoped3A : memref<!tpu.dma_semaphore, #tpu.memory_space<semaphore_mem>>)
      %dma_wait3A_420 = arith.constant 0 : i32
      %dma_wait3A_421 = tpu.memref_slice %arg4[%add3A_185, %dma_wait3A_420] : memref<8192x128xf32, #tpu.memory_space<hbm>> -> memref<16x128xf32, #tpu.memory_space<hbm>>
      %dma_wait3A_422 = arith.constant 0 : i32
      %dma_wait3A_423 = tpu.memref_slice %arg4[%add3A_185, %dma_wait3A_422] : memref<8192x128xf32, #tpu.memory_space<hbm>> -> memref<16x128xf32, #tpu.memory_space<hbm>>
      tpu.wait_dma2 semaphore(%run_scoped3A : memref<!tpu.dma_semaphore, #tpu.memory_space<semaphore_mem>>) src(%arg9 : memref<16x128xf32, #tpu.memory_space<vmem>>) dst(%dma_wait3A_423 : memref<16x128xf32, #tpu.memory_space<hbm>>)
      tpu.yield
    }) : () -> ()
    %dma_start3A_186 = arith.constant 2560 : i32
    %dma_start3A_187 = tpu.memref_slice %arg6[%dma_start3A_186] : memref<4096xi32, #tpu.memory_space<vmem>> -> memref<256xi32, #tpu.memory_space<vmem>>
    %dma_start3A_188 = arith.constant 0 : i32
    %dma_start3A_189 = arith.constant 0 : i32
    %dma_start3A_190 = tpu.memref_slice %arg2[%dma_start3A_188, %dma_start3A_189] : memref<16384x128xf32, #tpu.memory_space<hbm>> -> memref<16384x128xf32, #tpu.memory_space<hbm>>
    tpu.enqueue_indirect_dma source(%dma_start3A_190 : memref<16384x128xf32, #tpu.memory_space<hbm>>) target(%arg7 : memref<256x128xf32, #tpu.memory_space<vmem>>) offsets(%dma_start3A_187 : memref<256xi32, #tpu.memory_space<vmem>>) semaphore(%arg11 : memref<!tpu.dma_semaphore, #tpu.memory_space<semaphore_mem>>)
    %dma_wait3A_191 = arith.constant 2304 : i32
    %dma_wait3A_192 = tpu.memref_slice %arg6[%dma_wait3A_191] : memref<4096xi32, #tpu.memory_space<vmem>> -> memref<256xi32, #tpu.memory_space<vmem>>
    %dma_wait3A_193 = arith.constant 0 : i32
    %dma_wait3A_194 = arith.constant 0 : i32
    %dma_wait3A_195 = tpu.memref_slice %arg2[%dma_wait3A_193, %dma_wait3A_194] : memref<16384x128xf32, #tpu.memory_space<hbm>> -> memref<16384x128xf32, #tpu.memory_space<hbm>>
    tpu.wait_indirect_dma semaphore(%arg12 : memref<!tpu.dma_semaphore, #tpu.memory_space<semaphore_mem>>) src(%dma_wait3A_195 : memref<16384x128xf32, #tpu.memory_space<hbm>>) dst(%arg8 : memref<256x128xf32, #tpu.memory_space<vmem>>)
    %scan3A_196 = arith.constant 0 : i32
    %scan3A_197 = arith.constant 16 : i32
    %scan3A_198 = arith.addi %scan3A_196, %scan3A_197 : i32
    %scan3A_199 = arith.constant 1 : i32
    %scan3A_200:16 = scf.for %scan3A_416 = %scan3A_196 to %scan3A_198 step %scan3A_199 iter_args(%scan3A_417 = %scan3A_180#0, %scan3A_418 = %scan3A_180#1, %scan3A_419 = %scan3A_180#2, %scan3A_420 = %scan3A_180#3, %scan3A_421 = %scan3A_180#4, %scan3A_422 = %scan3A_180#5, %scan3A_423 = %scan3A_180#6, %scan3A_424 = %scan3A_180#7, %scan3A_425 = %scan3A_180#8, %scan3A_426 = %scan3A_180#9, %scan3A_427 = %scan3A_180#10, %scan3A_428 = %scan3A_180#11, %scan3A_429 = %scan3A_180#12, %scan3A_430 = %scan3A_180#13, %scan3A_431 = %scan3A_180#14, %scan3A_432 = %scan3A_180#15) -> (vector<16xf32>, vector<16xf32>, vector<16xf32>, vector<16xf32>, vector<16xf32>, vector<16xf32>, vector<16xf32>, vector<16xf32>, vector<16xf32>, vector<16xf32>, vector<16xf32>, vector<16xf32>, vector<16xf32>, vector<16xf32>, vector<16xf32>, vector<16xf32>)  : i32 {
      %mul3A_433 = arith.constant 16 : i32
      %mul3A_434 = arith.muli %scan3A_416, %mul3A_433 : i32
      %get3A = arith.index_cast %mul3A_434 : i32 to index
      %get3A_435 = arith.constant 0 : index
      %get3A_436 = tpu.vector_load %arg8[%get3A, %get3A_435] {strides = array<i32>} : memref<256x128xf32, #tpu.memory_space<vmem>>, vector<1x16xf32>,
      %get3A_437 = vector.shape_cast %get3A_436 : vector<1x16xf32> to vector<16xf32>
      %get3A_438 = arith.index_cast %mul3A_434 : i32 to index
      %get3A_439 = arith.constant 16 : index
      %get3A_440 = tpu.vector_load %arg8[%get3A_438, %get3A_439] {strides = array<i32>} : memref<256x128xf32, #tpu.memory_space<vmem>>, vector<1x16xf32>,
      %get3A_441 = vector.shape_cast %get3A_440 : vector<1x16xf32> to vector<16xf32>
      %get3A_442 = arith.index_cast %mul3A_434 : i32 to index
      %get3A_443 = arith.constant 32 : index
      %get3A_444 = tpu.vector_load %arg8[%get3A_442, %get3A_443] {strides = array<i32>} : memref<256x128xf32, #tpu.memory_space<vmem>>, vector<1x16xf32>,
      %get3A_445 = vector.shape_cast %get3A_444 : vector<1x16xf32> to vector<16xf32>
      %get3A_446 = arith.index_cast %mul3A_434 : i32 to index
      %get3A_447 = arith.constant 48 : index
      %get3A_448 = tpu.vector_load %arg8[%get3A_446, %get3A_447] {strides = array<i32>} : memref<256x128xf32, #tpu.memory_space<vmem>>, vector<1x16xf32>,
      %get3A_449 = vector.shape_cast %get3A_448 : vector<1x16xf32> to vector<16xf32>
      %get3A_450 = arith.index_cast %mul3A_434 : i32 to index
      %get3A_451 = arith.constant 64 : index
      %get3A_452 = tpu.vector_load %arg8[%get3A_450, %get3A_451] {strides = array<i32>} : memref<256x128xf32, #tpu.memory_space<vmem>>, vector<1x16xf32>,
      %get3A_453 = vector.shape_cast %get3A_452 : vector<1x16xf32> to vector<16xf32>
      %get3A_454 = arith.index_cast %mul3A_434 : i32 to index
      %get3A_455 = arith.constant 80 : index
      %get3A_456 = tpu.vector_load %arg8[%get3A_454, %get3A_455] {strides = array<i32>} : memref<256x128xf32, #tpu.memory_space<vmem>>, vector<1x16xf32>,
      %get3A_457 = vector.shape_cast %get3A_456 : vector<1x16xf32> to vector<16xf32>
      %get3A_458 = arith.index_cast %mul3A_434 : i32 to index
      %get3A_459 = arith.constant 96 : index
      %get3A_460 = tpu.vector_load %arg8[%get3A_458, %get3A_459] {strides = array<i32>} : memref<256x128xf32, #tpu.memory_space<vmem>>, vector<1x16xf32>,
      %get3A_461 = vector.shape_cast %get3A_460 : vector<1x16xf32> to vector<16xf32>
      %get3A_462 = arith.index_cast %mul3A_434 : i32 to index
      %get3A_463 = arith.constant 112 : index
      %get3A_464 = tpu.vector_load %arg8[%get3A_462, %get3A_463] {strides = array<i32>} : memref<256x128xf32, #tpu.memory_space<vmem>>, vector<1x16xf32>,
      %get3A_465 = vector.shape_cast %get3A_464 : vector<1x16xf32> to vector<16xf32>
      %add3A_466 = arith.addf %scan3A_417, %get3A_437 : vector<16xf32>
      %add3A_467 = arith.addf %scan3A_418, %get3A_441 : vector<16xf32>
      %add3A_468 = arith.addf %scan3A_419, %get3A_445 : vector<16xf32>
      %add3A_469 = arith.addf %scan3A_420, %get3A_449 : vector<16xf32>
      %add3A_470 = arith.addf %scan3A_421, %get3A_453 : vector<16xf32>
      %add3A_471 = arith.addf %scan3A_422, %get3A_457 : vector<16xf32>
      %add3A_472 = arith.addf %scan3A_423, %get3A_461 : vector<16xf32>
      %add3A_473 = arith.addf %scan3A_424, %get3A_465 : vector<16xf32>
      %mul3A_474 = arith.mulf %get3A_437, %get3A_437 : vector<16xf32>
      %add3A_475 = arith.addf %scan3A_425, %mul3A_474 : vector<16xf32>
      %mul3A_476 = arith.mulf %get3A_441, %get3A_441 : vector<16xf32>
      %add3A_477 = arith.addf %scan3A_426, %mul3A_476 : vector<16xf32>
      %mul3A_478 = arith.mulf %get3A_445, %get3A_445 : vector<16xf32>
      %add3A_479 = arith.addf %scan3A_427, %mul3A_478 : vector<16xf32>
      %mul3A_480 = arith.mulf %get3A_449, %get3A_449 : vector<16xf32>
      %add3A_481 = arith.addf %scan3A_428, %mul3A_480 : vector<16xf32>
      %mul3A_482 = arith.mulf %get3A_453, %get3A_453 : vector<16xf32>
      %add3A_483 = arith.addf %scan3A_429, %mul3A_482 : vector<16xf32>
      %mul3A_484 = arith.mulf %get3A_457, %get3A_457 : vector<16xf32>
      %add3A_485 = arith.addf %scan3A_430, %mul3A_484 : vector<16xf32>
      %mul3A_486 = arith.mulf %get3A_461, %get3A_461 : vector<16xf32>
      %add3A_487 = arith.addf %scan3A_431, %mul3A_486 : vector<16xf32>
      %mul3A_488 = arith.mulf %get3A_465, %get3A_465 : vector<16xf32>
      %add3A_489 = arith.addf %scan3A_432, %mul3A_488 : vector<16xf32>
      %scan3A_490 = arith.constant 1 : i32
      %scan3A_491 = arith.constant 15 : i32
      %scan3A_492 = arith.addi %scan3A_490, %scan3A_491 : i32
      %scan3A_493 = arith.constant 1 : i32
      %scan3A_494:24 = scf.for %scan3A_536 = %scan3A_490 to %scan3A_492 step %scan3A_493 iter_args(%scan3A_537 = %get3A_437, %scan3A_538 = %get3A_441, %scan3A_539 = %get3A_445, %scan3A_540 = %get3A_449, %scan3A_541 = %get3A_453, %scan3A_542 = %get3A_457, %scan3A_543 = %get3A_461, %scan3A_544 = %get3A_465, %scan3A_545 = %add3A_466, %scan3A_546 = %add3A_467, %scan3A_547 = %add3A_468, %scan3A_548 = %add3A_469, %scan3A_549 = %add3A_470, %scan3A_550 = %add3A_471, %scan3A_551 = %add3A_472, %scan3A_552 = %add3A_473, %scan3A_553 = %add3A_475, %scan3A_554 = %add3A_477, %scan3A_555 = %add3A_479, %scan3A_556 = %add3A_481, %scan3A_557 = %add3A_483, %scan3A_558 = %add3A_485, %scan3A_559 = %add3A_487, %scan3A_560 = %add3A_489) -> (vector<16xf32>, vector<16xf32>, vector<16xf32>, vector<16xf32>, vector<16xf32>, vector<16xf32>, vector<16xf32>, vector<16xf32>, vector<16xf32>, vector<16xf32>, vector<16xf32>, vector<16xf32>, vector<16xf32>, vector<16xf32>, vector<16xf32>, vector<16xf32>, vector<16xf32>, vector<16xf32>, vector<16xf32>, vector<16xf32>, vector<16xf32>, vector<16xf32>, vector<16xf32>, vector<16xf32>)  : i32 {
        %add3A_561 = arith.addi %mul3A_434, %scan3A_536 : i32
        %get3A_562 = arith.index_cast %add3A_561 : i32 to index
        %get3A_563 = arith.constant 0 : index
        %get3A_564 = tpu.vector_load %arg8[%get3A_562, %get3A_563] {strides = array<i32>} : memref<256x128xf32, #tpu.memory_space<vmem>>, vector<1x16xf32>,
        %get3A_565 = vector.shape_cast %get3A_564 : vector<1x16xf32> to vector<16xf32>
        %add3A_566 = arith.addi %mul3A_434, %scan3A_536 : i32
        %get3A_567 = arith.index_cast %add3A_566 : i32 to index
        %get3A_568 = arith.constant 16 : index
        %get3A_569 = tpu.vector_load %arg8[%get3A_567, %get3A_568] {strides = array<i32>} : memref<256x128xf32, #tpu.memory_space<vmem>>, vector<1x16xf32>,
        %get3A_570 = vector.shape_cast %get3A_569 : vector<1x16xf32> to vector<16xf32>
        %add3A_571 = arith.addi %mul3A_434, %scan3A_536 : i32
        %get3A_572 = arith.index_cast %add3A_571 : i32 to index
        %get3A_573 = arith.constant 32 : index
        %get3A_574 = tpu.vector_load %arg8[%get3A_572, %get3A_573] {strides = array<i32>} : memref<256x128xf32, #tpu.memory_space<vmem>>, vector<1x16xf32>,
        %get3A_575 = vector.shape_cast %get3A_574 : vector<1x16xf32> to vector<16xf32>
        %add3A_576 = arith.addi %mul3A_434, %scan3A_536 : i32
        %get3A_577 = arith.index_cast %add3A_576 : i32 to index
        %get3A_578 = arith.constant 48 : index
        %get3A_579 = tpu.vector_load %arg8[%get3A_577, %get3A_578] {strides = array<i32>} : memref<256x128xf32, #tpu.memory_space<vmem>>, vector<1x16xf32>,
        %get3A_580 = vector.shape_cast %get3A_579 : vector<1x16xf32> to vector<16xf32>
        %add3A_581 = arith.addi %mul3A_434, %scan3A_536 : i32
        %get3A_582 = arith.index_cast %add3A_581 : i32 to index
        %get3A_583 = arith.constant 64 : index
        %get3A_584 = tpu.vector_load %arg8[%get3A_582, %get3A_583] {strides = array<i32>} : memref<256x128xf32, #tpu.memory_space<vmem>>, vector<1x16xf32>,
        %get3A_585 = vector.shape_cast %get3A_584 : vector<1x16xf32> to vector<16xf32>
        %add3A_586 = arith.addi %mul3A_434, %scan3A_536 : i32
        %get3A_587 = arith.index_cast %add3A_586 : i32 to index
        %get3A_588 = arith.constant 80 : index
        %get3A_589 = tpu.vector_load %arg8[%get3A_587, %get3A_588] {strides = array<i32>} : memref<256x128xf32, #tpu.memory_space<vmem>>, vector<1x16xf32>,
        %get3A_590 = vector.shape_cast %get3A_589 : vector<1x16xf32> to vector<16xf32>
        %add3A_591 = arith.addi %mul3A_434, %scan3A_536 : i32
        %get3A_592 = arith.index_cast %add3A_591 : i32 to index
        %get3A_593 = arith.constant 96 : index
        %get3A_594 = tpu.vector_load %arg8[%get3A_592, %get3A_593] {strides = array<i32>} : memref<256x128xf32, #tpu.memory_space<vmem>>, vector<1x16xf32>,
        %get3A_595 = vector.shape_cast %get3A_594 : vector<1x16xf32> to vector<16xf32>
        %add3A_596 = arith.addi %mul3A_434, %scan3A_536 : i32
        %get3A_597 = arith.index_cast %add3A_596 : i32 to index
        %get3A_598 = arith.constant 112 : index
        %get3A_599 = tpu.vector_load %arg8[%get3A_597, %get3A_598] {strides = array<i32>} : memref<256x128xf32, #tpu.memory_space<vmem>>, vector<1x16xf32>,
        %get3A_600 = vector.shape_cast %get3A_599 : vector<1x16xf32> to vector<16xf32>
        %max3A = arith.maximumf %scan3A_537, %get3A_565 : vector<16xf32>
        %max3A_601 = arith.maximumf %scan3A_538, %get3A_570 : vector<16xf32>
        %max3A_602 = arith.maximumf %scan3A_539, %get3A_575 : vector<16xf32>
        %max3A_603 = arith.maximumf %scan3A_540, %get3A_580 : vector<16xf32>
        %max3A_604 = arith.maximumf %scan3A_541, %get3A_585 : vector<16xf32>
        %max3A_605 = arith.maximumf %scan3A_542, %get3A_590 : vector<16xf32>
        %max3A_606 = arith.maximumf %scan3A_543, %get3A_595 : vector<16xf32>
        %max3A_607 = arith.maximumf %scan3A_544, %get3A_600 : vector<16xf32>
        %add3A_608 = arith.addf %scan3A_545, %get3A_565 : vector<16xf32>
        %add3A_609 = arith.addf %scan3A_546, %get3A_570 : vector<16xf32>
        %add3A_610 = arith.addf %scan3A_547, %get3A_575 : vector<16xf32>
        %add3A_611 = arith.addf %scan3A_548, %get3A_580 : vector<16xf32>
        %add3A_612 = arith.addf %scan3A_549, %get3A_585 : vector<16xf32>
        %add3A_613 = arith.addf %scan3A_550, %get3A_590 : vector<16xf32>
        %add3A_614 = arith.addf %scan3A_551, %get3A_595 : vector<16xf32>
        %add3A_615 = arith.addf %scan3A_552, %get3A_600 : vector<16xf32>
        %mul3A_616 = arith.mulf %get3A_565, %get3A_565 : vector<16xf32>
        %add3A_617 = arith.addf %scan3A_553, %mul3A_616 : vector<16xf32>
        %mul3A_618 = arith.mulf %get3A_570, %get3A_570 : vector<16xf32>
        %add3A_619 = arith.addf %scan3A_554, %mul3A_618 : vector<16xf32>
        %mul3A_620 = arith.mulf %get3A_575, %get3A_575 : vector<16xf32>
        %add3A_621 = arith.addf %scan3A_555, %mul3A_620 : vector<16xf32>
        %mul3A_622 = arith.mulf %get3A_580, %get3A_580 : vector<16xf32>
        %add3A_623 = arith.addf %scan3A_556, %mul3A_622 : vector<16xf32>
        %mul3A_624 = arith.mulf %get3A_585, %get3A_585 : vector<16xf32>
        %add3A_625 = arith.addf %scan3A_557, %mul3A_624 : vector<16xf32>
        %mul3A_626 = arith.mulf %get3A_590, %get3A_590 : vector<16xf32>
        %add3A_627 = arith.addf %scan3A_558, %mul3A_626 : vector<16xf32>
        %mul3A_628 = arith.mulf %get3A_595, %get3A_595 : vector<16xf32>
        %add3A_629 = arith.addf %scan3A_559, %mul3A_628 : vector<16xf32>
        %mul3A_630 = arith.mulf %get3A_600, %get3A_600 : vector<16xf32>
        %add3A_631 = arith.addf %scan3A_560, %mul3A_630 : vector<16xf32>
        scf.yield %max3A, %max3A_601, %max3A_602, %max3A_603, %max3A_604, %max3A_605, %max3A_606, %max3A_607, %add3A_608, %add3A_609, %add3A_610, %add3A_611, %add3A_612, %add3A_613, %add3A_614, %add3A_615, %add3A_617, %add3A_619, %add3A_621, %add3A_623, %add3A_625, %add3A_627, %add3A_629, %add3A_631 : vector<16xf32>, vector<16xf32>, vector<16xf32>, vector<16xf32>, vector<16xf32>, vector<16xf32>, vector<16xf32>, vector<16xf32>, vector<16xf32>, vector<16xf32>, vector<16xf32>, vector<16xf32>, vector<16xf32>, vector<16xf32>, vector<16xf32>, vector<16xf32>, vector<16xf32>, vector<16xf32>, vector<16xf32>, vector<16xf32>, vector<16xf32>, vector<16xf32>, vector<16xf32>, vector<16xf32>
      }
      %scan3A_495 = arith.constant 15 : i32
      %swap3A_496 = arith.index_cast %scan3A_416 : i32 to index
      %swap3A_497 = arith.constant 0 : index
      %swap3A_498 = tpu.vector_load %arg9[%swap3A_496, %swap3A_497] {strides = array<i32>} : memref<16x128xf32, #tpu.memory_space<vmem>>, vector<1x16xf32>,
      %swap3A_499 = vector.shape_cast %swap3A_498 : vector<1x16xf32> to vector<16xf32>
      %swap3A_500 = vector.shape_cast %scan3A_494#0 : vector<16xf32> to vector<1x16xf32>
      tpu.vector_store %arg9[%swap3A_496, %swap3A_497], %swap3A_500 {strides = array<i32>} : memref<16x128xf32, #tpu.memory_space<vmem>>, vector<1x16xf32>,
      %swap3A_501 = arith.index_cast %scan3A_416 : i32 to index
      %swap3A_502 = arith.constant 16 : index
      %swap3A_503 = tpu.vector_load %arg9[%swap3A_501, %swap3A_502] {strides = array<i32>} : memref<16x128xf32, #tpu.memory_space<vmem>>, vector<1x16xf32>,
      %swap3A_504 = vector.shape_cast %swap3A_503 : vector<1x16xf32> to vector<16xf32>
      %swap3A_505 = vector.shape_cast %scan3A_494#1 : vector<16xf32> to vector<1x16xf32>
      tpu.vector_store %arg9[%swap3A_501, %swap3A_502], %swap3A_505 {strides = array<i32>} : memref<16x128xf32, #tpu.memory_space<vmem>>, vector<1x16xf32>,
      %swap3A_506 = arith.index_cast %scan3A_416 : i32 to index
      %swap3A_507 = arith.constant 32 : index
      %swap3A_508 = tpu.vector_load %arg9[%swap3A_506, %swap3A_507] {strides = array<i32>} : memref<16x128xf32, #tpu.memory_space<vmem>>, vector<1x16xf32>,
      %swap3A_509 = vector.shape_cast %swap3A_508 : vector<1x16xf32> to vector<16xf32>
      %swap3A_510 = vector.shape_cast %scan3A_494#2 : vector<16xf32> to vector<1x16xf32>
      tpu.vector_store %arg9[%swap3A_506, %swap3A_507], %swap3A_510 {strides = array<i32>} : memref<16x128xf32, #tpu.memory_space<vmem>>, vector<1x16xf32>,
      %swap3A_511 = arith.index_cast %scan3A_416 : i32 to index
      %swap3A_512 = arith.constant 48 : index
      %swap3A_513 = tpu.vector_load %arg9[%swap3A_511, %swap3A_512] {strides = array<i32>} : memref<16x128xf32, #tpu.memory_space<vmem>>, vector<1x16xf32>,
      %swap3A_514 = vector.shape_cast %swap3A_513 : vector<1x16xf32> to vector<16xf32>
      %swap3A_515 = vector.shape_cast %scan3A_494#3 : vector<16xf32> to vector<1x16xf32>
      tpu.vector_store %arg9[%swap3A_511, %swap3A_512], %swap3A_515 {strides = array<i32>} : memref<16x128xf32, #tpu.memory_space<vmem>>, vector<1x16xf32>,
      %swap3A_516 = arith.index_cast %scan3A_416 : i32 to index
      %swap3A_517 = arith.constant 64 : index
      %swap3A_518 = tpu.vector_load %arg9[%swap3A_516, %swap3A_517] {strides = array<i32>} : memref<16x128xf32, #tpu.memory_space<vmem>>, vector<1x16xf32>,
      %swap3A_519 = vector.shape_cast %swap3A_518 : vector<1x16xf32> to vector<16xf32>
      %swap3A_520 = vector.shape_cast %scan3A_494#4 : vector<16xf32> to vector<1x16xf32>
      tpu.vector_store %arg9[%swap3A_516, %swap3A_517], %swap3A_520 {strides = array<i32>} : memref<16x128xf32, #tpu.memory_space<vmem>>, vector<1x16xf32>,
      %swap3A_521 = arith.index_cast %scan3A_416 : i32 to index
      %swap3A_522 = arith.constant 80 : index
      %swap3A_523 = tpu.vector_load %arg9[%swap3A_521, %swap3A_522] {strides = array<i32>} : memref<16x128xf32, #tpu.memory_space<vmem>>, vector<1x16xf32>,
      %swap3A_524 = vector.shape_cast %swap3A_523 : vector<1x16xf32> to vector<16xf32>
      %swap3A_525 = vector.shape_cast %scan3A_494#5 : vector<16xf32> to vector<1x16xf32>
      tpu.vector_store %arg9[%swap3A_521, %swap3A_522], %swap3A_525 {strides = array<i32>} : memref<16x128xf32, #tpu.memory_space<vmem>>, vector<1x16xf32>,
      %swap3A_526 = arith.index_cast %scan3A_416 : i32 to index
      %swap3A_527 = arith.constant 96 : index
      %swap3A_528 = tpu.vector_load %arg9[%swap3A_526, %swap3A_527] {strides = array<i32>} : memref<16x128xf32, #tpu.memory_space<vmem>>, vector<1x16xf32>,
      %swap3A_529 = vector.shape_cast %swap3A_528 : vector<1x16xf32> to vector<16xf32>
      %swap3A_530 = vector.shape_cast %scan3A_494#6 : vector<16xf32> to vector<1x16xf32>
      tpu.vector_store %arg9[%swap3A_526, %swap3A_527], %swap3A_530 {strides = array<i32>} : memref<16x128xf32, #tpu.memory_space<vmem>>, vector<1x16xf32>,
      %swap3A_531 = arith.index_cast %scan3A_416 : i32 to index
      %swap3A_532 = arith.constant 112 : index
      %swap3A_533 = tpu.vector_load %arg9[%swap3A_531, %swap3A_532] {strides = array<i32>} : memref<16x128xf32, #tpu.memory_space<vmem>>, vector<1x16xf32>,
      %swap3A_534 = vector.shape_cast %swap3A_533 : vector<1x16xf32> to vector<16xf32>
      %swap3A_535 = vector.shape_cast %scan3A_494#7 : vector<16xf32> to vector<1x16xf32>
      tpu.vector_store %arg9[%swap3A_531, %swap3A_532], %swap3A_535 {strides = array<i32>} : memref<16x128xf32, #tpu.memory_space<vmem>>, vector<1x16xf32>,
      scf.yield %scan3A_494#8, %scan3A_494#9, %scan3A_494#10, %scan3A_494#11, %scan3A_494#12, %scan3A_494#13, %scan3A_494#14, %scan3A_494#15, %scan3A_494#16, %scan3A_494#17, %scan3A_494#18, %scan3A_494#19, %scan3A_494#20, %scan3A_494#21, %scan3A_494#22, %scan3A_494#23 : vector<16xf32>, vector<16xf32>, vector<16xf32>, vector<16xf32>, vector<16xf32>, vector<16xf32>, vector<16xf32>, vector<16xf32>, vector<16xf32>, vector<16xf32>, vector<16xf32>, vector<16xf32>, vector<16xf32>, vector<16xf32>, vector<16xf32>, vector<16xf32>
    }
    %scan3A_201 = arith.constant 16 : i32
    %mul3A_202 = arith.constant 256 : i32
    %mul3A_203 = arith.muli %add3A, %mul3A_202 : i32
    %add3A_204 = arith.constant 144 : i32
    %add3A_205 = arith.addi %mul3A_203, %add3A_204 : i32
    "tpu.region"() ({
      %run_scoped3A = tpu.sem_alloc : memref<!tpu.dma_semaphore, #tpu.memory_space<semaphore_mem>>
      %dma_start3A_416 = arith.constant 0 : i32
      %dma_start3A_417 = tpu.memref_slice %arg4[%add3A_205, %dma_start3A_416] : memref<8192x128xf32, #tpu.memory_space<hbm>> -> memref<16x128xf32, #tpu.memory_space<hbm>>
      %dma_start3A_418 = arith.constant 0 : i32
      %dma_start3A_419 = tpu.memref_slice %arg4[%add3A_205, %dma_start3A_418] : memref<8192x128xf32, #tpu.memory_space<hbm>> -> memref<16x128xf32, #tpu.memory_space<hbm>>
      tpu.enqueue_dma source(%arg9 : memref<16x128xf32, #tpu.memory_space<vmem>>) target(%dma_start3A_419 : memref<16x128xf32, #tpu.memory_space<hbm>>) target_semaphore(%run_scoped3A : memref<!tpu.dma_semaphore, #tpu.memory_space<semaphore_mem>>)
      %dma_wait3A_420 = arith.constant 0 : i32
      %dma_wait3A_421 = tpu.memref_slice %arg4[%add3A_205, %dma_wait3A_420] : memref<8192x128xf32, #tpu.memory_space<hbm>> -> memref<16x128xf32, #tpu.memory_space<hbm>>
      %dma_wait3A_422 = arith.constant 0 : i32
      %dma_wait3A_423 = tpu.memref_slice %arg4[%add3A_205, %dma_wait3A_422] : memref<8192x128xf32, #tpu.memory_space<hbm>> -> memref<16x128xf32, #tpu.memory_space<hbm>>
      tpu.wait_dma2 semaphore(%run_scoped3A : memref<!tpu.dma_semaphore, #tpu.memory_space<semaphore_mem>>) src(%arg9 : memref<16x128xf32, #tpu.memory_space<vmem>>) dst(%dma_wait3A_423 : memref<16x128xf32, #tpu.memory_space<hbm>>)
      tpu.yield
    }) : () -> ()
    %dma_start3A_206 = arith.constant 2816 : i32
    %dma_start3A_207 = tpu.memref_slice %arg6[%dma_start3A_206] : memref<4096xi32, #tpu.memory_space<vmem>> -> memref<256xi32, #tpu.memory_space<vmem>>
    %dma_start3A_208 = arith.constant 0 : i32
    %dma_start3A_209 = arith.constant 0 : i32
    %dma_start3A_210 = tpu.memref_slice %arg2[%dma_start3A_208, %dma_start3A_209] : memref<16384x128xf32, #tpu.memory_space<hbm>> -> memref<16384x128xf32, #tpu.memory_space<hbm>>
    tpu.enqueue_indirect_dma source(%dma_start3A_210 : memref<16384x128xf32, #tpu.memory_space<hbm>>) target(%arg8 : memref<256x128xf32, #tpu.memory_space<vmem>>) offsets(%dma_start3A_207 : memref<256xi32, #tpu.memory_space<vmem>>) semaphore(%arg12 : memref<!tpu.dma_semaphore, #tpu.memory_space<semaphore_mem>>)
    %dma_wait3A_211 = arith.constant 2560 : i32
    %dma_wait3A_212 = tpu.memref_slice %arg6[%dma_wait3A_211] : memref<4096xi32, #tpu.memory_space<vmem>> -> memref<256xi32, #tpu.memory_space<vmem>>
    %dma_wait3A_213 = arith.constant 0 : i32
    %dma_wait3A_214 = arith.constant 0 : i32
    %dma_wait3A_215 = tpu.memref_slice %arg2[%dma_wait3A_213, %dma_wait3A_214] : memref<16384x128xf32, #tpu.memory_space<hbm>> -> memref<16384x128xf32, #tpu.memory_space<hbm>>
    tpu.wait_indirect_dma semaphore(%arg11 : memref<!tpu.dma_semaphore, #tpu.memory_space<semaphore_mem>>) src(%dma_wait3A_215 : memref<16384x128xf32, #tpu.memory_space<hbm>>) dst(%arg7 : memref<256x128xf32, #tpu.memory_space<vmem>>)
    %scan3A_216 = arith.constant 0 : i32
    %scan3A_217 = arith.constant 16 : i32
    %scan3A_218 = arith.addi %scan3A_216, %scan3A_217 : i32
    %scan3A_219 = arith.constant 1 : i32
    %scan3A_220:16 = scf.for %scan3A_416 = %scan3A_216 to %scan3A_218 step %scan3A_219 iter_args(%scan3A_417 = %scan3A_200#0, %scan3A_418 = %scan3A_200#1, %scan3A_419 = %scan3A_200#2, %scan3A_420 = %scan3A_200#3, %scan3A_421 = %scan3A_200#4, %scan3A_422 = %scan3A_200#5, %scan3A_423 = %scan3A_200#6, %scan3A_424 = %scan3A_200#7, %scan3A_425 = %scan3A_200#8, %scan3A_426 = %scan3A_200#9, %scan3A_427 = %scan3A_200#10, %scan3A_428 = %scan3A_200#11, %scan3A_429 = %scan3A_200#12, %scan3A_430 = %scan3A_200#13, %scan3A_431 = %scan3A_200#14, %scan3A_432 = %scan3A_200#15) -> (vector<16xf32>, vector<16xf32>, vector<16xf32>, vector<16xf32>, vector<16xf32>, vector<16xf32>, vector<16xf32>, vector<16xf32>, vector<16xf32>, vector<16xf32>, vector<16xf32>, vector<16xf32>, vector<16xf32>, vector<16xf32>, vector<16xf32>, vector<16xf32>)  : i32 {
      %mul3A_433 = arith.constant 16 : i32
      %mul3A_434 = arith.muli %scan3A_416, %mul3A_433 : i32
      %get3A = arith.index_cast %mul3A_434 : i32 to index
      %get3A_435 = arith.constant 0 : index
      %get3A_436 = tpu.vector_load %arg7[%get3A, %get3A_435] {strides = array<i32>} : memref<256x128xf32, #tpu.memory_space<vmem>>, vector<1x16xf32>,
      %get3A_437 = vector.shape_cast %get3A_436 : vector<1x16xf32> to vector<16xf32>
      %get3A_438 = arith.index_cast %mul3A_434 : i32 to index
      %get3A_439 = arith.constant 16 : index
      %get3A_440 = tpu.vector_load %arg7[%get3A_438, %get3A_439] {strides = array<i32>} : memref<256x128xf32, #tpu.memory_space<vmem>>, vector<1x16xf32>,
      %get3A_441 = vector.shape_cast %get3A_440 : vector<1x16xf32> to vector<16xf32>
      %get3A_442 = arith.index_cast %mul3A_434 : i32 to index
      %get3A_443 = arith.constant 32 : index
      %get3A_444 = tpu.vector_load %arg7[%get3A_442, %get3A_443] {strides = array<i32>} : memref<256x128xf32, #tpu.memory_space<vmem>>, vector<1x16xf32>,
      %get3A_445 = vector.shape_cast %get3A_444 : vector<1x16xf32> to vector<16xf32>
      %get3A_446 = arith.index_cast %mul3A_434 : i32 to index
      %get3A_447 = arith.constant 48 : index
      %get3A_448 = tpu.vector_load %arg7[%get3A_446, %get3A_447] {strides = array<i32>} : memref<256x128xf32, #tpu.memory_space<vmem>>, vector<1x16xf32>,
      %get3A_449 = vector.shape_cast %get3A_448 : vector<1x16xf32> to vector<16xf32>
      %get3A_450 = arith.index_cast %mul3A_434 : i32 to index
      %get3A_451 = arith.constant 64 : index
      %get3A_452 = tpu.vector_load %arg7[%get3A_450, %get3A_451] {strides = array<i32>} : memref<256x128xf32, #tpu.memory_space<vmem>>, vector<1x16xf32>,
      %get3A_453 = vector.shape_cast %get3A_452 : vector<1x16xf32> to vector<16xf32>
      %get3A_454 = arith.index_cast %mul3A_434 : i32 to index
      %get3A_455 = arith.constant 80 : index
      %get3A_456 = tpu.vector_load %arg7[%get3A_454, %get3A_455] {strides = array<i32>} : memref<256x128xf32, #tpu.memory_space<vmem>>, vector<1x16xf32>,
      %get3A_457 = vector.shape_cast %get3A_456 : vector<1x16xf32> to vector<16xf32>
      %get3A_458 = arith.index_cast %mul3A_434 : i32 to index
      %get3A_459 = arith.constant 96 : index
      %get3A_460 = tpu.vector_load %arg7[%get3A_458, %get3A_459] {strides = array<i32>} : memref<256x128xf32, #tpu.memory_space<vmem>>, vector<1x16xf32>,
      %get3A_461 = vector.shape_cast %get3A_460 : vector<1x16xf32> to vector<16xf32>
      %get3A_462 = arith.index_cast %mul3A_434 : i32 to index
      %get3A_463 = arith.constant 112 : index
      %get3A_464 = tpu.vector_load %arg7[%get3A_462, %get3A_463] {strides = array<i32>} : memref<256x128xf32, #tpu.memory_space<vmem>>, vector<1x16xf32>,
      %get3A_465 = vector.shape_cast %get3A_464 : vector<1x16xf32> to vector<16xf32>
      %add3A_466 = arith.addf %scan3A_417, %get3A_437 : vector<16xf32>
      %add3A_467 = arith.addf %scan3A_418, %get3A_441 : vector<16xf32>
      %add3A_468 = arith.addf %scan3A_419, %get3A_445 : vector<16xf32>
      %add3A_469 = arith.addf %scan3A_420, %get3A_449 : vector<16xf32>
      %add3A_470 = arith.addf %scan3A_421, %get3A_453 : vector<16xf32>
      %add3A_471 = arith.addf %scan3A_422, %get3A_457 : vector<16xf32>
      %add3A_472 = arith.addf %scan3A_423, %get3A_461 : vector<16xf32>
      %add3A_473 = arith.addf %scan3A_424, %get3A_465 : vector<16xf32>
      %mul3A_474 = arith.mulf %get3A_437, %get3A_437 : vector<16xf32>
      %add3A_475 = arith.addf %scan3A_425, %mul3A_474 : vector<16xf32>
      %mul3A_476 = arith.mulf %get3A_441, %get3A_441 : vector<16xf32>
      %add3A_477 = arith.addf %scan3A_426, %mul3A_476 : vector<16xf32>
      %mul3A_478 = arith.mulf %get3A_445, %get3A_445 : vector<16xf32>
      %add3A_479 = arith.addf %scan3A_427, %mul3A_478 : vector<16xf32>
      %mul3A_480 = arith.mulf %get3A_449, %get3A_449 : vector<16xf32>
      %add3A_481 = arith.addf %scan3A_428, %mul3A_480 : vector<16xf32>
      %mul3A_482 = arith.mulf %get3A_453, %get3A_453 : vector<16xf32>
      %add3A_483 = arith.addf %scan3A_429, %mul3A_482 : vector<16xf32>
      %mul3A_484 = arith.mulf %get3A_457, %get3A_457 : vector<16xf32>
      %add3A_485 = arith.addf %scan3A_430, %mul3A_484 : vector<16xf32>
      %mul3A_486 = arith.mulf %get3A_461, %get3A_461 : vector<16xf32>
      %add3A_487 = arith.addf %scan3A_431, %mul3A_486 : vector<16xf32>
      %mul3A_488 = arith.mulf %get3A_465, %get3A_465 : vector<16xf32>
      %add3A_489 = arith.addf %scan3A_432, %mul3A_488 : vector<16xf32>
      %scan3A_490 = arith.constant 1 : i32
      %scan3A_491 = arith.constant 15 : i32
      %scan3A_492 = arith.addi %scan3A_490, %scan3A_491 : i32
      %scan3A_493 = arith.constant 1 : i32
      %scan3A_494:24 = scf.for %scan3A_536 = %scan3A_490 to %scan3A_492 step %scan3A_493 iter_args(%scan3A_537 = %get3A_437, %scan3A_538 = %get3A_441, %scan3A_539 = %get3A_445, %scan3A_540 = %get3A_449, %scan3A_541 = %get3A_453, %scan3A_542 = %get3A_457, %scan3A_543 = %get3A_461, %scan3A_544 = %get3A_465, %scan3A_545 = %add3A_466, %scan3A_546 = %add3A_467, %scan3A_547 = %add3A_468, %scan3A_548 = %add3A_469, %scan3A_549 = %add3A_470, %scan3A_550 = %add3A_471, %scan3A_551 = %add3A_472, %scan3A_552 = %add3A_473, %scan3A_553 = %add3A_475, %scan3A_554 = %add3A_477, %scan3A_555 = %add3A_479, %scan3A_556 = %add3A_481, %scan3A_557 = %add3A_483, %scan3A_558 = %add3A_485, %scan3A_559 = %add3A_487, %scan3A_560 = %add3A_489) -> (vector<16xf32>, vector<16xf32>, vector<16xf32>, vector<16xf32>, vector<16xf32>, vector<16xf32>, vector<16xf32>, vector<16xf32>, vector<16xf32>, vector<16xf32>, vector<16xf32>, vector<16xf32>, vector<16xf32>, vector<16xf32>, vector<16xf32>, vector<16xf32>, vector<16xf32>, vector<16xf32>, vector<16xf32>, vector<16xf32>, vector<16xf32>, vector<16xf32>, vector<16xf32>, vector<16xf32>)  : i32 {
        %add3A_561 = arith.addi %mul3A_434, %scan3A_536 : i32
        %get3A_562 = arith.index_cast %add3A_561 : i32 to index
        %get3A_563 = arith.constant 0 : index
        %get3A_564 = tpu.vector_load %arg7[%get3A_562, %get3A_563] {strides = array<i32>} : memref<256x128xf32, #tpu.memory_space<vmem>>, vector<1x16xf32>,
        %get3A_565 = vector.shape_cast %get3A_564 : vector<1x16xf32> to vector<16xf32>
        %add3A_566 = arith.addi %mul3A_434, %scan3A_536 : i32
        %get3A_567 = arith.index_cast %add3A_566 : i32 to index
        %get3A_568 = arith.constant 16 : index
        %get3A_569 = tpu.vector_load %arg7[%get3A_567, %get3A_568] {strides = array<i32>} : memref<256x128xf32, #tpu.memory_space<vmem>>, vector<1x16xf32>,
        %get3A_570 = vector.shape_cast %get3A_569 : vector<1x16xf32> to vector<16xf32>
        %add3A_571 = arith.addi %mul3A_434, %scan3A_536 : i32
        %get3A_572 = arith.index_cast %add3A_571 : i32 to index
        %get3A_573 = arith.constant 32 : index
        %get3A_574 = tpu.vector_load %arg7[%get3A_572, %get3A_573] {strides = array<i32>} : memref<256x128xf32, #tpu.memory_space<vmem>>, vector<1x16xf32>,
        %get3A_575 = vector.shape_cast %get3A_574 : vector<1x16xf32> to vector<16xf32>
        %add3A_576 = arith.addi %mul3A_434, %scan3A_536 : i32
        %get3A_577 = arith.index_cast %add3A_576 : i32 to index
        %get3A_578 = arith.constant 48 : index
        %get3A_579 = tpu.vector_load %arg7[%get3A_577, %get3A_578] {strides = array<i32>} : memref<256x128xf32, #tpu.memory_space<vmem>>, vector<1x16xf32>,
        %get3A_580 = vector.shape_cast %get3A_579 : vector<1x16xf32> to vector<16xf32>
        %add3A_581 = arith.addi %mul3A_434, %scan3A_536 : i32
        %get3A_582 = arith.index_cast %add3A_581 : i32 to index
        %get3A_583 = arith.constant 64 : index
        %get3A_584 = tpu.vector_load %arg7[%get3A_582, %get3A_583] {strides = array<i32>} : memref<256x128xf32, #tpu.memory_space<vmem>>, vector<1x16xf32>,
        %get3A_585 = vector.shape_cast %get3A_584 : vector<1x16xf32> to vector<16xf32>
        %add3A_586 = arith.addi %mul3A_434, %scan3A_536 : i32
        %get3A_587 = arith.index_cast %add3A_586 : i32 to index
        %get3A_588 = arith.constant 80 : index
        %get3A_589 = tpu.vector_load %arg7[%get3A_587, %get3A_588] {strides = array<i32>} : memref<256x128xf32, #tpu.memory_space<vmem>>, vector<1x16xf32>,
        %get3A_590 = vector.shape_cast %get3A_589 : vector<1x16xf32> to vector<16xf32>
        %add3A_591 = arith.addi %mul3A_434, %scan3A_536 : i32
        %get3A_592 = arith.index_cast %add3A_591 : i32 to index
        %get3A_593 = arith.constant 96 : index
        %get3A_594 = tpu.vector_load %arg7[%get3A_592, %get3A_593] {strides = array<i32>} : memref<256x128xf32, #tpu.memory_space<vmem>>, vector<1x16xf32>,
        %get3A_595 = vector.shape_cast %get3A_594 : vector<1x16xf32> to vector<16xf32>
        %add3A_596 = arith.addi %mul3A_434, %scan3A_536 : i32
        %get3A_597 = arith.index_cast %add3A_596 : i32 to index
        %get3A_598 = arith.constant 112 : index
        %get3A_599 = tpu.vector_load %arg7[%get3A_597, %get3A_598] {strides = array<i32>} : memref<256x128xf32, #tpu.memory_space<vmem>>, vector<1x16xf32>,
        %get3A_600 = vector.shape_cast %get3A_599 : vector<1x16xf32> to vector<16xf32>
        %max3A = arith.maximumf %scan3A_537, %get3A_565 : vector<16xf32>
        %max3A_601 = arith.maximumf %scan3A_538, %get3A_570 : vector<16xf32>
        %max3A_602 = arith.maximumf %scan3A_539, %get3A_575 : vector<16xf32>
        %max3A_603 = arith.maximumf %scan3A_540, %get3A_580 : vector<16xf32>
        %max3A_604 = arith.maximumf %scan3A_541, %get3A_585 : vector<16xf32>
        %max3A_605 = arith.maximumf %scan3A_542, %get3A_590 : vector<16xf32>
        %max3A_606 = arith.maximumf %scan3A_543, %get3A_595 : vector<16xf32>
        %max3A_607 = arith.maximumf %scan3A_544, %get3A_600 : vector<16xf32>
        %add3A_608 = arith.addf %scan3A_545, %get3A_565 : vector<16xf32>
        %add3A_609 = arith.addf %scan3A_546, %get3A_570 : vector<16xf32>
        %add3A_610 = arith.addf %scan3A_547, %get3A_575 : vector<16xf32>
        %add3A_611 = arith.addf %scan3A_548, %get3A_580 : vector<16xf32>
        %add3A_612 = arith.addf %scan3A_549, %get3A_585 : vector<16xf32>
        %add3A_613 = arith.addf %scan3A_550, %get3A_590 : vector<16xf32>
        %add3A_614 = arith.addf %scan3A_551, %get3A_595 : vector<16xf32>
        %add3A_615 = arith.addf %scan3A_552, %get3A_600 : vector<16xf32>
        %mul3A_616 = arith.mulf %get3A_565, %get3A_565 : vector<16xf32>
        %add3A_617 = arith.addf %scan3A_553, %mul3A_616 : vector<16xf32>
        %mul3A_618 = arith.mulf %get3A_570, %get3A_570 : vector<16xf32>
        %add3A_619 = arith.addf %scan3A_554, %mul3A_618 : vector<16xf32>
        %mul3A_620 = arith.mulf %get3A_575, %get3A_575 : vector<16xf32>
        %add3A_621 = arith.addf %scan3A_555, %mul3A_620 : vector<16xf32>
        %mul3A_622 = arith.mulf %get3A_580, %get3A_580 : vector<16xf32>
        %add3A_623 = arith.addf %scan3A_556, %mul3A_622 : vector<16xf32>
        %mul3A_624 = arith.mulf %get3A_585, %get3A_585 : vector<16xf32>
        %add3A_625 = arith.addf %scan3A_557, %mul3A_624 : vector<16xf32>
        %mul3A_626 = arith.mulf %get3A_590, %get3A_590 : vector<16xf32>
        %add3A_627 = arith.addf %scan3A_558, %mul3A_626 : vector<16xf32>
        %mul3A_628 = arith.mulf %get3A_595, %get3A_595 : vector<16xf32>
        %add3A_629 = arith.addf %scan3A_559, %mul3A_628 : vector<16xf32>
        %mul3A_630 = arith.mulf %get3A_600, %get3A_600 : vector<16xf32>
        %add3A_631 = arith.addf %scan3A_560, %mul3A_630 : vector<16xf32>
        scf.yield %max3A, %max3A_601, %max3A_602, %max3A_603, %max3A_604, %max3A_605, %max3A_606, %max3A_607, %add3A_608, %add3A_609, %add3A_610, %add3A_611, %add3A_612, %add3A_613, %add3A_614, %add3A_615, %add3A_617, %add3A_619, %add3A_621, %add3A_623, %add3A_625, %add3A_627, %add3A_629, %add3A_631 : vector<16xf32>, vector<16xf32>, vector<16xf32>, vector<16xf32>, vector<16xf32>, vector<16xf32>, vector<16xf32>, vector<16xf32>, vector<16xf32>, vector<16xf32>, vector<16xf32>, vector<16xf32>, vector<16xf32>, vector<16xf32>, vector<16xf32>, vector<16xf32>, vector<16xf32>, vector<16xf32>, vector<16xf32>, vector<16xf32>, vector<16xf32>, vector<16xf32>, vector<16xf32>, vector<16xf32>
      }
      %scan3A_495 = arith.constant 15 : i32
      %swap3A_496 = arith.index_cast %scan3A_416 : i32 to index
      %swap3A_497 = arith.constant 0 : index
      %swap3A_498 = tpu.vector_load %arg9[%swap3A_496, %swap3A_497] {strides = array<i32>} : memref<16x128xf32, #tpu.memory_space<vmem>>, vector<1x16xf32>,
      %swap3A_499 = vector.shape_cast %swap3A_498 : vector<1x16xf32> to vector<16xf32>
      %swap3A_500 = vector.shape_cast %scan3A_494#0 : vector<16xf32> to vector<1x16xf32>
      tpu.vector_store %arg9[%swap3A_496, %swap3A_497], %swap3A_500 {strides = array<i32>} : memref<16x128xf32, #tpu.memory_space<vmem>>, vector<1x16xf32>,
      %swap3A_501 = arith.index_cast %scan3A_416 : i32 to index
      %swap3A_502 = arith.constant 16 : index
      %swap3A_503 = tpu.vector_load %arg9[%swap3A_501, %swap3A_502] {strides = array<i32>} : memref<16x128xf32, #tpu.memory_space<vmem>>, vector<1x16xf32>,
      %swap3A_504 = vector.shape_cast %swap3A_503 : vector<1x16xf32> to vector<16xf32>
      %swap3A_505 = vector.shape_cast %scan3A_494#1 : vector<16xf32> to vector<1x16xf32>
      tpu.vector_store %arg9[%swap3A_501, %swap3A_502], %swap3A_505 {strides = array<i32>} : memref<16x128xf32, #tpu.memory_space<vmem>>, vector<1x16xf32>,
      %swap3A_506 = arith.index_cast %scan3A_416 : i32 to index
      %swap3A_507 = arith.constant 32 : index
      %swap3A_508 = tpu.vector_load %arg9[%swap3A_506, %swap3A_507] {strides = array<i32>} : memref<16x128xf32, #tpu.memory_space<vmem>>, vector<1x16xf32>,
      %swap3A_509 = vector.shape_cast %swap3A_508 : vector<1x16xf32> to vector<16xf32>
      %swap3A_510 = vector.shape_cast %scan3A_494#2 : vector<16xf32> to vector<1x16xf32>
      tpu.vector_store %arg9[%swap3A_506, %swap3A_507], %swap3A_510 {strides = array<i32>} : memref<16x128xf32, #tpu.memory_space<vmem>>, vector<1x16xf32>,
      %swap3A_511 = arith.index_cast %scan3A_416 : i32 to index
      %swap3A_512 = arith.constant 48 : index
      %swap3A_513 = tpu.vector_load %arg9[%swap3A_511, %swap3A_512] {strides = array<i32>} : memref<16x128xf32, #tpu.memory_space<vmem>>, vector<1x16xf32>,
      %swap3A_514 = vector.shape_cast %swap3A_513 : vector<1x16xf32> to vector<16xf32>
      %swap3A_515 = vector.shape_cast %scan3A_494#3 : vector<16xf32> to vector<1x16xf32>
      tpu.vector_store %arg9[%swap3A_511, %swap3A_512], %swap3A_515 {strides = array<i32>} : memref<16x128xf32, #tpu.memory_space<vmem>>, vector<1x16xf32>,
      %swap3A_516 = arith.index_cast %scan3A_416 : i32 to index
      %swap3A_517 = arith.constant 64 : index
      %swap3A_518 = tpu.vector_load %arg9[%swap3A_516, %swap3A_517] {strides = array<i32>} : memref<16x128xf32, #tpu.memory_space<vmem>>, vector<1x16xf32>,
      %swap3A_519 = vector.shape_cast %swap3A_518 : vector<1x16xf32> to vector<16xf32>
      %swap3A_520 = vector.shape_cast %scan3A_494#4 : vector<16xf32> to vector<1x16xf32>
      tpu.vector_store %arg9[%swap3A_516, %swap3A_517], %swap3A_520 {strides = array<i32>} : memref<16x128xf32, #tpu.memory_space<vmem>>, vector<1x16xf32>,
      %swap3A_521 = arith.index_cast %scan3A_416 : i32 to index
      %swap3A_522 = arith.constant 80 : index
      %swap3A_523 = tpu.vector_load %arg9[%swap3A_521, %swap3A_522] {strides = array<i32>} : memref<16x128xf32, #tpu.memory_space<vmem>>, vector<1x16xf32>,
      %swap3A_524 = vector.shape_cast %swap3A_523 : vector<1x16xf32> to vector<16xf32>
      %swap3A_525 = vector.shape_cast %scan3A_494#5 : vector<16xf32> to vector<1x16xf32>
      tpu.vector_store %arg9[%swap3A_521, %swap3A_522], %swap3A_525 {strides = array<i32>} : memref<16x128xf32, #tpu.memory_space<vmem>>, vector<1x16xf32>,
      %swap3A_526 = arith.index_cast %scan3A_416 : i32 to index
      %swap3A_527 = arith.constant 96 : index
      %swap3A_528 = tpu.vector_load %arg9[%swap3A_526, %swap3A_527] {strides = array<i32>} : memref<16x128xf32, #tpu.memory_space<vmem>>, vector<1x16xf32>,
      %swap3A_529 = vector.shape_cast %swap3A_528 : vector<1x16xf32> to vector<16xf32>
      %swap3A_530 = vector.shape_cast %scan3A_494#6 : vector<16xf32> to vector<1x16xf32>
      tpu.vector_store %arg9[%swap3A_526, %swap3A_527], %swap3A_530 {strides = array<i32>} : memref<16x128xf32, #tpu.memory_space<vmem>>, vector<1x16xf32>,
      %swap3A_531 = arith.index_cast %scan3A_416 : i32 to index
      %swap3A_532 = arith.constant 112 : index
      %swap3A_533 = tpu.vector_load %arg9[%swap3A_531, %swap3A_532] {strides = array<i32>} : memref<16x128xf32, #tpu.memory_space<vmem>>, vector<1x16xf32>,
      %swap3A_534 = vector.shape_cast %swap3A_533 : vector<1x16xf32> to vector<16xf32>
      %swap3A_535 = vector.shape_cast %scan3A_494#7 : vector<16xf32> to vector<1x16xf32>
      tpu.vector_store %arg9[%swap3A_531, %swap3A_532], %swap3A_535 {strides = array<i32>} : memref<16x128xf32, #tpu.memory_space<vmem>>, vector<1x16xf32>,
      scf.yield %scan3A_494#8, %scan3A_494#9, %scan3A_494#10, %scan3A_494#11, %scan3A_494#12, %scan3A_494#13, %scan3A_494#14, %scan3A_494#15, %scan3A_494#16, %scan3A_494#17, %scan3A_494#18, %scan3A_494#19, %scan3A_494#20, %scan3A_494#21, %scan3A_494#22, %scan3A_494#23 : vector<16xf32>, vector<16xf32>, vector<16xf32>, vector<16xf32>, vector<16xf32>, vector<16xf32>, vector<16xf32>, vector<16xf32>, vector<16xf32>, vector<16xf32>, vector<16xf32>, vector<16xf32>, vector<16xf32>, vector<16xf32>, vector<16xf32>, vector<16xf32>
    }
    %scan3A_221 = arith.constant 16 : i32
    %mul3A_222 = arith.constant 256 : i32
    %mul3A_223 = arith.muli %add3A, %mul3A_222 : i32
    %add3A_224 = arith.constant 160 : i32
    %add3A_225 = arith.addi %mul3A_223, %add3A_224 : i32
    "tpu.region"() ({
      %run_scoped3A = tpu.sem_alloc : memref<!tpu.dma_semaphore, #tpu.memory_space<semaphore_mem>>
      %dma_start3A_416 = arith.constant 0 : i32
      %dma_start3A_417 = tpu.memref_slice %arg4[%add3A_225, %dma_start3A_416] : memref<8192x128xf32, #tpu.memory_space<hbm>> -> memref<16x128xf32, #tpu.memory_space<hbm>>
      %dma_start3A_418 = arith.constant 0 : i32
      %dma_start3A_419 = tpu.memref_slice %arg4[%add3A_225, %dma_start3A_418] : memref<8192x128xf32, #tpu.memory_space<hbm>> -> memref<16x128xf32, #tpu.memory_space<hbm>>
      tpu.enqueue_dma source(%arg9 : memref<16x128xf32, #tpu.memory_space<vmem>>) target(%dma_start3A_419 : memref<16x128xf32, #tpu.memory_space<hbm>>) target_semaphore(%run_scoped3A : memref<!tpu.dma_semaphore, #tpu.memory_space<semaphore_mem>>)
      %dma_wait3A_420 = arith.constant 0 : i32
      %dma_wait3A_421 = tpu.memref_slice %arg4[%add3A_225, %dma_wait3A_420] : memref<8192x128xf32, #tpu.memory_space<hbm>> -> memref<16x128xf32, #tpu.memory_space<hbm>>
      %dma_wait3A_422 = arith.constant 0 : i32
      %dma_wait3A_423 = tpu.memref_slice %arg4[%add3A_225, %dma_wait3A_422] : memref<8192x128xf32, #tpu.memory_space<hbm>> -> memref<16x128xf32, #tpu.memory_space<hbm>>
      tpu.wait_dma2 semaphore(%run_scoped3A : memref<!tpu.dma_semaphore, #tpu.memory_space<semaphore_mem>>) src(%arg9 : memref<16x128xf32, #tpu.memory_space<vmem>>) dst(%dma_wait3A_423 : memref<16x128xf32, #tpu.memory_space<hbm>>)
      tpu.yield
    }) : () -> ()
    %dma_start3A_226 = arith.constant 3072 : i32
    %dma_start3A_227 = tpu.memref_slice %arg6[%dma_start3A_226] : memref<4096xi32, #tpu.memory_space<vmem>> -> memref<256xi32, #tpu.memory_space<vmem>>
    %dma_start3A_228 = arith.constant 0 : i32
    %dma_start3A_229 = arith.constant 0 : i32
    %dma_start3A_230 = tpu.memref_slice %arg2[%dma_start3A_228, %dma_start3A_229] : memref<16384x128xf32, #tpu.memory_space<hbm>> -> memref<16384x128xf32, #tpu.memory_space<hbm>>
    tpu.enqueue_indirect_dma source(%dma_start3A_230 : memref<16384x128xf32, #tpu.memory_space<hbm>>) target(%arg7 : memref<256x128xf32, #tpu.memory_space<vmem>>) offsets(%dma_start3A_227 : memref<256xi32, #tpu.memory_space<vmem>>) semaphore(%arg11 : memref<!tpu.dma_semaphore, #tpu.memory_space<semaphore_mem>>)
    %dma_wait3A_231 = arith.constant 2816 : i32
    %dma_wait3A_232 = tpu.memref_slice %arg6[%dma_wait3A_231] : memref<4096xi32, #tpu.memory_space<vmem>> -> memref<256xi32, #tpu.memory_space<vmem>>
    %dma_wait3A_233 = arith.constant 0 : i32
    %dma_wait3A_234 = arith.constant 0 : i32
    %dma_wait3A_235 = tpu.memref_slice %arg2[%dma_wait3A_233, %dma_wait3A_234] : memref<16384x128xf32, #tpu.memory_space<hbm>> -> memref<16384x128xf32, #tpu.memory_space<hbm>>
    tpu.wait_indirect_dma semaphore(%arg12 : memref<!tpu.dma_semaphore, #tpu.memory_space<semaphore_mem>>) src(%dma_wait3A_235 : memref<16384x128xf32, #tpu.memory_space<hbm>>) dst(%arg8 : memref<256x128xf32, #tpu.memory_space<vmem>>)
    %scan3A_236 = arith.constant 0 : i32
    %scan3A_237 = arith.constant 16 : i32
    %scan3A_238 = arith.addi %scan3A_236, %scan3A_237 : i32
    %scan3A_239 = arith.constant 1 : i32
    %scan3A_240:16 = scf.for %scan3A_416 = %scan3A_236 to %scan3A_238 step %scan3A_239 iter_args(%scan3A_417 = %scan3A_220#0, %scan3A_418 = %scan3A_220#1, %scan3A_419 = %scan3A_220#2, %scan3A_420 = %scan3A_220#3, %scan3A_421 = %scan3A_220#4, %scan3A_422 = %scan3A_220#5, %scan3A_423 = %scan3A_220#6, %scan3A_424 = %scan3A_220#7, %scan3A_425 = %scan3A_220#8, %scan3A_426 = %scan3A_220#9, %scan3A_427 = %scan3A_220#10, %scan3A_428 = %scan3A_220#11, %scan3A_429 = %scan3A_220#12, %scan3A_430 = %scan3A_220#13, %scan3A_431 = %scan3A_220#14, %scan3A_432 = %scan3A_220#15) -> (vector<16xf32>, vector<16xf32>, vector<16xf32>, vector<16xf32>, vector<16xf32>, vector<16xf32>, vector<16xf32>, vector<16xf32>, vector<16xf32>, vector<16xf32>, vector<16xf32>, vector<16xf32>, vector<16xf32>, vector<16xf32>, vector<16xf32>, vector<16xf32>)  : i32 {
      %mul3A_433 = arith.constant 16 : i32
      %mul3A_434 = arith.muli %scan3A_416, %mul3A_433 : i32
      %get3A = arith.index_cast %mul3A_434 : i32 to index
      %get3A_435 = arith.constant 0 : index
      %get3A_436 = tpu.vector_load %arg8[%get3A, %get3A_435] {strides = array<i32>} : memref<256x128xf32, #tpu.memory_space<vmem>>, vector<1x16xf32>,
      %get3A_437 = vector.shape_cast %get3A_436 : vector<1x16xf32> to vector<16xf32>
      %get3A_438 = arith.index_cast %mul3A_434 : i32 to index
      %get3A_439 = arith.constant 16 : index
      %get3A_440 = tpu.vector_load %arg8[%get3A_438, %get3A_439] {strides = array<i32>} : memref<256x128xf32, #tpu.memory_space<vmem>>, vector<1x16xf32>,
      %get3A_441 = vector.shape_cast %get3A_440 : vector<1x16xf32> to vector<16xf32>
      %get3A_442 = arith.index_cast %mul3A_434 : i32 to index
      %get3A_443 = arith.constant 32 : index
      %get3A_444 = tpu.vector_load %arg8[%get3A_442, %get3A_443] {strides = array<i32>} : memref<256x128xf32, #tpu.memory_space<vmem>>, vector<1x16xf32>,
      %get3A_445 = vector.shape_cast %get3A_444 : vector<1x16xf32> to vector<16xf32>
      %get3A_446 = arith.index_cast %mul3A_434 : i32 to index
      %get3A_447 = arith.constant 48 : index
      %get3A_448 = tpu.vector_load %arg8[%get3A_446, %get3A_447] {strides = array<i32>} : memref<256x128xf32, #tpu.memory_space<vmem>>, vector<1x16xf32>,
      %get3A_449 = vector.shape_cast %get3A_448 : vector<1x16xf32> to vector<16xf32>
      %get3A_450 = arith.index_cast %mul3A_434 : i32 to index
      %get3A_451 = arith.constant 64 : index
      %get3A_452 = tpu.vector_load %arg8[%get3A_450, %get3A_451] {strides = array<i32>} : memref<256x128xf32, #tpu.memory_space<vmem>>, vector<1x16xf32>,
      %get3A_453 = vector.shape_cast %get3A_452 : vector<1x16xf32> to vector<16xf32>
      %get3A_454 = arith.index_cast %mul3A_434 : i32 to index
      %get3A_455 = arith.constant 80 : index
      %get3A_456 = tpu.vector_load %arg8[%get3A_454, %get3A_455] {strides = array<i32>} : memref<256x128xf32, #tpu.memory_space<vmem>>, vector<1x16xf32>,
      %get3A_457 = vector.shape_cast %get3A_456 : vector<1x16xf32> to vector<16xf32>
      %get3A_458 = arith.index_cast %mul3A_434 : i32 to index
      %get3A_459 = arith.constant 96 : index
      %get3A_460 = tpu.vector_load %arg8[%get3A_458, %get3A_459] {strides = array<i32>} : memref<256x128xf32, #tpu.memory_space<vmem>>, vector<1x16xf32>,
      %get3A_461 = vector.shape_cast %get3A_460 : vector<1x16xf32> to vector<16xf32>
      %get3A_462 = arith.index_cast %mul3A_434 : i32 to index
      %get3A_463 = arith.constant 112 : index
      %get3A_464 = tpu.vector_load %arg8[%get3A_462, %get3A_463] {strides = array<i32>} : memref<256x128xf32, #tpu.memory_space<vmem>>, vector<1x16xf32>,
      %get3A_465 = vector.shape_cast %get3A_464 : vector<1x16xf32> to vector<16xf32>
      %add3A_466 = arith.addf %scan3A_417, %get3A_437 : vector<16xf32>
      %add3A_467 = arith.addf %scan3A_418, %get3A_441 : vector<16xf32>
      %add3A_468 = arith.addf %scan3A_419, %get3A_445 : vector<16xf32>
      %add3A_469 = arith.addf %scan3A_420, %get3A_449 : vector<16xf32>
      %add3A_470 = arith.addf %scan3A_421, %get3A_453 : vector<16xf32>
      %add3A_471 = arith.addf %scan3A_422, %get3A_457 : vector<16xf32>
      %add3A_472 = arith.addf %scan3A_423, %get3A_461 : vector<16xf32>
      %add3A_473 = arith.addf %scan3A_424, %get3A_465 : vector<16xf32>
      %mul3A_474 = arith.mulf %get3A_437, %get3A_437 : vector<16xf32>
      %add3A_475 = arith.addf %scan3A_425, %mul3A_474 : vector<16xf32>
      %mul3A_476 = arith.mulf %get3A_441, %get3A_441 : vector<16xf32>
      %add3A_477 = arith.addf %scan3A_426, %mul3A_476 : vector<16xf32>
      %mul3A_478 = arith.mulf %get3A_445, %get3A_445 : vector<16xf32>
      %add3A_479 = arith.addf %scan3A_427, %mul3A_478 : vector<16xf32>
      %mul3A_480 = arith.mulf %get3A_449, %get3A_449 : vector<16xf32>
      %add3A_481 = arith.addf %scan3A_428, %mul3A_480 : vector<16xf32>
      %mul3A_482 = arith.mulf %get3A_453, %get3A_453 : vector<16xf32>
      %add3A_483 = arith.addf %scan3A_429, %mul3A_482 : vector<16xf32>
      %mul3A_484 = arith.mulf %get3A_457, %get3A_457 : vector<16xf32>
      %add3A_485 = arith.addf %scan3A_430, %mul3A_484 : vector<16xf32>
      %mul3A_486 = arith.mulf %get3A_461, %get3A_461 : vector<16xf32>
      %add3A_487 = arith.addf %scan3A_431, %mul3A_486 : vector<16xf32>
      %mul3A_488 = arith.mulf %get3A_465, %get3A_465 : vector<16xf32>
      %add3A_489 = arith.addf %scan3A_432, %mul3A_488 : vector<16xf32>
      %scan3A_490 = arith.constant 1 : i32
      %scan3A_491 = arith.constant 15 : i32
      %scan3A_492 = arith.addi %scan3A_490, %scan3A_491 : i32
      %scan3A_493 = arith.constant 1 : i32
      %scan3A_494:24 = scf.for %scan3A_536 = %scan3A_490 to %scan3A_492 step %scan3A_493 iter_args(%scan3A_537 = %get3A_437, %scan3A_538 = %get3A_441, %scan3A_539 = %get3A_445, %scan3A_540 = %get3A_449, %scan3A_541 = %get3A_453, %scan3A_542 = %get3A_457, %scan3A_543 = %get3A_461, %scan3A_544 = %get3A_465, %scan3A_545 = %add3A_466, %scan3A_546 = %add3A_467, %scan3A_547 = %add3A_468, %scan3A_548 = %add3A_469, %scan3A_549 = %add3A_470, %scan3A_550 = %add3A_471, %scan3A_551 = %add3A_472, %scan3A_552 = %add3A_473, %scan3A_553 = %add3A_475, %scan3A_554 = %add3A_477, %scan3A_555 = %add3A_479, %scan3A_556 = %add3A_481, %scan3A_557 = %add3A_483, %scan3A_558 = %add3A_485, %scan3A_559 = %add3A_487, %scan3A_560 = %add3A_489) -> (vector<16xf32>, vector<16xf32>, vector<16xf32>, vector<16xf32>, vector<16xf32>, vector<16xf32>, vector<16xf32>, vector<16xf32>, vector<16xf32>, vector<16xf32>, vector<16xf32>, vector<16xf32>, vector<16xf32>, vector<16xf32>, vector<16xf32>, vector<16xf32>, vector<16xf32>, vector<16xf32>, vector<16xf32>, vector<16xf32>, vector<16xf32>, vector<16xf32>, vector<16xf32>, vector<16xf32>)  : i32 {
        %add3A_561 = arith.addi %mul3A_434, %scan3A_536 : i32
        %get3A_562 = arith.index_cast %add3A_561 : i32 to index
        %get3A_563 = arith.constant 0 : index
        %get3A_564 = tpu.vector_load %arg8[%get3A_562, %get3A_563] {strides = array<i32>} : memref<256x128xf32, #tpu.memory_space<vmem>>, vector<1x16xf32>,
        %get3A_565 = vector.shape_cast %get3A_564 : vector<1x16xf32> to vector<16xf32>
        %add3A_566 = arith.addi %mul3A_434, %scan3A_536 : i32
        %get3A_567 = arith.index_cast %add3A_566 : i32 to index
        %get3A_568 = arith.constant 16 : index
        %get3A_569 = tpu.vector_load %arg8[%get3A_567, %get3A_568] {strides = array<i32>} : memref<256x128xf32, #tpu.memory_space<vmem>>, vector<1x16xf32>,
        %get3A_570 = vector.shape_cast %get3A_569 : vector<1x16xf32> to vector<16xf32>
        %add3A_571 = arith.addi %mul3A_434, %scan3A_536 : i32
        %get3A_572 = arith.index_cast %add3A_571 : i32 to index
        %get3A_573 = arith.constant 32 : index
        %get3A_574 = tpu.vector_load %arg8[%get3A_572, %get3A_573] {strides = array<i32>} : memref<256x128xf32, #tpu.memory_space<vmem>>, vector<1x16xf32>,
        %get3A_575 = vector.shape_cast %get3A_574 : vector<1x16xf32> to vector<16xf32>
        %add3A_576 = arith.addi %mul3A_434, %scan3A_536 : i32
        %get3A_577 = arith.index_cast %add3A_576 : i32 to index
        %get3A_578 = arith.constant 48 : index
        %get3A_579 = tpu.vector_load %arg8[%get3A_577, %get3A_578] {strides = array<i32>} : memref<256x128xf32, #tpu.memory_space<vmem>>, vector<1x16xf32>,
        %get3A_580 = vector.shape_cast %get3A_579 : vector<1x16xf32> to vector<16xf32>
        %add3A_581 = arith.addi %mul3A_434, %scan3A_536 : i32
        %get3A_582 = arith.index_cast %add3A_581 : i32 to index
        %get3A_583 = arith.constant 64 : index
        %get3A_584 = tpu.vector_load %arg8[%get3A_582, %get3A_583] {strides = array<i32>} : memref<256x128xf32, #tpu.memory_space<vmem>>, vector<1x16xf32>,
        %get3A_585 = vector.shape_cast %get3A_584 : vector<1x16xf32> to vector<16xf32>
        %add3A_586 = arith.addi %mul3A_434, %scan3A_536 : i32
        %get3A_587 = arith.index_cast %add3A_586 : i32 to index
        %get3A_588 = arith.constant 80 : index
        %get3A_589 = tpu.vector_load %arg8[%get3A_587, %get3A_588] {strides = array<i32>} : memref<256x128xf32, #tpu.memory_space<vmem>>, vector<1x16xf32>,
        %get3A_590 = vector.shape_cast %get3A_589 : vector<1x16xf32> to vector<16xf32>
        %add3A_591 = arith.addi %mul3A_434, %scan3A_536 : i32
        %get3A_592 = arith.index_cast %add3A_591 : i32 to index
        %get3A_593 = arith.constant 96 : index
        %get3A_594 = tpu.vector_load %arg8[%get3A_592, %get3A_593] {strides = array<i32>} : memref<256x128xf32, #tpu.memory_space<vmem>>, vector<1x16xf32>,
        %get3A_595 = vector.shape_cast %get3A_594 : vector<1x16xf32> to vector<16xf32>
        %add3A_596 = arith.addi %mul3A_434, %scan3A_536 : i32
        %get3A_597 = arith.index_cast %add3A_596 : i32 to index
        %get3A_598 = arith.constant 112 : index
        %get3A_599 = tpu.vector_load %arg8[%get3A_597, %get3A_598] {strides = array<i32>} : memref<256x128xf32, #tpu.memory_space<vmem>>, vector<1x16xf32>,
        %get3A_600 = vector.shape_cast %get3A_599 : vector<1x16xf32> to vector<16xf32>
        %max3A = arith.maximumf %scan3A_537, %get3A_565 : vector<16xf32>
        %max3A_601 = arith.maximumf %scan3A_538, %get3A_570 : vector<16xf32>
        %max3A_602 = arith.maximumf %scan3A_539, %get3A_575 : vector<16xf32>
        %max3A_603 = arith.maximumf %scan3A_540, %get3A_580 : vector<16xf32>
        %max3A_604 = arith.maximumf %scan3A_541, %get3A_585 : vector<16xf32>
        %max3A_605 = arith.maximumf %scan3A_542, %get3A_590 : vector<16xf32>
        %max3A_606 = arith.maximumf %scan3A_543, %get3A_595 : vector<16xf32>
        %max3A_607 = arith.maximumf %scan3A_544, %get3A_600 : vector<16xf32>
        %add3A_608 = arith.addf %scan3A_545, %get3A_565 : vector<16xf32>
        %add3A_609 = arith.addf %scan3A_546, %get3A_570 : vector<16xf32>
        %add3A_610 = arith.addf %scan3A_547, %get3A_575 : vector<16xf32>
        %add3A_611 = arith.addf %scan3A_548, %get3A_580 : vector<16xf32>
        %add3A_612 = arith.addf %scan3A_549, %get3A_585 : vector<16xf32>
        %add3A_613 = arith.addf %scan3A_550, %get3A_590 : vector<16xf32>
        %add3A_614 = arith.addf %scan3A_551, %get3A_595 : vector<16xf32>
        %add3A_615 = arith.addf %scan3A_552, %get3A_600 : vector<16xf32>
        %mul3A_616 = arith.mulf %get3A_565, %get3A_565 : vector<16xf32>
        %add3A_617 = arith.addf %scan3A_553, %mul3A_616 : vector<16xf32>
        %mul3A_618 = arith.mulf %get3A_570, %get3A_570 : vector<16xf32>
        %add3A_619 = arith.addf %scan3A_554, %mul3A_618 : vector<16xf32>
        %mul3A_620 = arith.mulf %get3A_575, %get3A_575 : vector<16xf32>
        %add3A_621 = arith.addf %scan3A_555, %mul3A_620 : vector<16xf32>
        %mul3A_622 = arith.mulf %get3A_580, %get3A_580 : vector<16xf32>
        %add3A_623 = arith.addf %scan3A_556, %mul3A_622 : vector<16xf32>
        %mul3A_624 = arith.mulf %get3A_585, %get3A_585 : vector<16xf32>
        %add3A_625 = arith.addf %scan3A_557, %mul3A_624 : vector<16xf32>
        %mul3A_626 = arith.mulf %get3A_590, %get3A_590 : vector<16xf32>
        %add3A_627 = arith.addf %scan3A_558, %mul3A_626 : vector<16xf32>
        %mul3A_628 = arith.mulf %get3A_595, %get3A_595 : vector<16xf32>
        %add3A_629 = arith.addf %scan3A_559, %mul3A_628 : vector<16xf32>
        %mul3A_630 = arith.mulf %get3A_600, %get3A_600 : vector<16xf32>
        %add3A_631 = arith.addf %scan3A_560, %mul3A_630 : vector<16xf32>
        scf.yield %max3A, %max3A_601, %max3A_602, %max3A_603, %max3A_604, %max3A_605, %max3A_606, %max3A_607, %add3A_608, %add3A_609, %add3A_610, %add3A_611, %add3A_612, %add3A_613, %add3A_614, %add3A_615, %add3A_617, %add3A_619, %add3A_621, %add3A_623, %add3A_625, %add3A_627, %add3A_629, %add3A_631 : vector<16xf32>, vector<16xf32>, vector<16xf32>, vector<16xf32>, vector<16xf32>, vector<16xf32>, vector<16xf32>, vector<16xf32>, vector<16xf32>, vector<16xf32>, vector<16xf32>, vector<16xf32>, vector<16xf32>, vector<16xf32>, vector<16xf32>, vector<16xf32>, vector<16xf32>, vector<16xf32>, vector<16xf32>, vector<16xf32>, vector<16xf32>, vector<16xf32>, vector<16xf32>, vector<16xf32>
      }
      %scan3A_495 = arith.constant 15 : i32
      %swap3A_496 = arith.index_cast %scan3A_416 : i32 to index
      %swap3A_497 = arith.constant 0 : index
      %swap3A_498 = tpu.vector_load %arg9[%swap3A_496, %swap3A_497] {strides = array<i32>} : memref<16x128xf32, #tpu.memory_space<vmem>>, vector<1x16xf32>,
      %swap3A_499 = vector.shape_cast %swap3A_498 : vector<1x16xf32> to vector<16xf32>
      %swap3A_500 = vector.shape_cast %scan3A_494#0 : vector<16xf32> to vector<1x16xf32>
      tpu.vector_store %arg9[%swap3A_496, %swap3A_497], %swap3A_500 {strides = array<i32>} : memref<16x128xf32, #tpu.memory_space<vmem>>, vector<1x16xf32>,
      %swap3A_501 = arith.index_cast %scan3A_416 : i32 to index
      %swap3A_502 = arith.constant 16 : index
      %swap3A_503 = tpu.vector_load %arg9[%swap3A_501, %swap3A_502] {strides = array<i32>} : memref<16x128xf32, #tpu.memory_space<vmem>>, vector<1x16xf32>,
      %swap3A_504 = vector.shape_cast %swap3A_503 : vector<1x16xf32> to vector<16xf32>
      %swap3A_505 = vector.shape_cast %scan3A_494#1 : vector<16xf32> to vector<1x16xf32>
      tpu.vector_store %arg9[%swap3A_501, %swap3A_502], %swap3A_505 {strides = array<i32>} : memref<16x128xf32, #tpu.memory_space<vmem>>, vector<1x16xf32>,
      %swap3A_506 = arith.index_cast %scan3A_416 : i32 to index
      %swap3A_507 = arith.constant 32 : index
      %swap3A_508 = tpu.vector_load %arg9[%swap3A_506, %swap3A_507] {strides = array<i32>} : memref<16x128xf32, #tpu.memory_space<vmem>>, vector<1x16xf32>,
      %swap3A_509 = vector.shape_cast %swap3A_508 : vector<1x16xf32> to vector<16xf32>
      %swap3A_510 = vector.shape_cast %scan3A_494#2 : vector<16xf32> to vector<1x16xf32>
      tpu.vector_store %arg9[%swap3A_506, %swap3A_507], %swap3A_510 {strides = array<i32>} : memref<16x128xf32, #tpu.memory_space<vmem>>, vector<1x16xf32>,
      %swap3A_511 = arith.index_cast %scan3A_416 : i32 to index
      %swap3A_512 = arith.constant 48 : index
      %swap3A_513 = tpu.vector_load %arg9[%swap3A_511, %swap3A_512] {strides = array<i32>} : memref<16x128xf32, #tpu.memory_space<vmem>>, vector<1x16xf32>,
      %swap3A_514 = vector.shape_cast %swap3A_513 : vector<1x16xf32> to vector<16xf32>
      %swap3A_515 = vector.shape_cast %scan3A_494#3 : vector<16xf32> to vector<1x16xf32>
      tpu.vector_store %arg9[%swap3A_511, %swap3A_512], %swap3A_515 {strides = array<i32>} : memref<16x128xf32, #tpu.memory_space<vmem>>, vector<1x16xf32>,
      %swap3A_516 = arith.index_cast %scan3A_416 : i32 to index
      %swap3A_517 = arith.constant 64 : index
      %swap3A_518 = tpu.vector_load %arg9[%swap3A_516, %swap3A_517] {strides = array<i32>} : memref<16x128xf32, #tpu.memory_space<vmem>>, vector<1x16xf32>,
      %swap3A_519 = vector.shape_cast %swap3A_518 : vector<1x16xf32> to vector<16xf32>
      %swap3A_520 = vector.shape_cast %scan3A_494#4 : vector<16xf32> to vector<1x16xf32>
      tpu.vector_store %arg9[%swap3A_516, %swap3A_517], %swap3A_520 {strides = array<i32>} : memref<16x128xf32, #tpu.memory_space<vmem>>, vector<1x16xf32>,
      %swap3A_521 = arith.index_cast %scan3A_416 : i32 to index
      %swap3A_522 = arith.constant 80 : index
      %swap3A_523 = tpu.vector_load %arg9[%swap3A_521, %swap3A_522] {strides = array<i32>} : memref<16x128xf32, #tpu.memory_space<vmem>>, vector<1x16xf32>,
      %swap3A_524 = vector.shape_cast %swap3A_523 : vector<1x16xf32> to vector<16xf32>
      %swap3A_525 = vector.shape_cast %scan3A_494#5 : vector<16xf32> to vector<1x16xf32>
      tpu.vector_store %arg9[%swap3A_521, %swap3A_522], %swap3A_525 {strides = array<i32>} : memref<16x128xf32, #tpu.memory_space<vmem>>, vector<1x16xf32>,
      %swap3A_526 = arith.index_cast %scan3A_416 : i32 to index
      %swap3A_527 = arith.constant 96 : index
      %swap3A_528 = tpu.vector_load %arg9[%swap3A_526, %swap3A_527] {strides = array<i32>} : memref<16x128xf32, #tpu.memory_space<vmem>>, vector<1x16xf32>,
      %swap3A_529 = vector.shape_cast %swap3A_528 : vector<1x16xf32> to vector<16xf32>
      %swap3A_530 = vector.shape_cast %scan3A_494#6 : vector<16xf32> to vector<1x16xf32>
      tpu.vector_store %arg9[%swap3A_526, %swap3A_527], %swap3A_530 {strides = array<i32>} : memref<16x128xf32, #tpu.memory_space<vmem>>, vector<1x16xf32>,
      %swap3A_531 = arith.index_cast %scan3A_416 : i32 to index
      %swap3A_532 = arith.constant 112 : index
      %swap3A_533 = tpu.vector_load %arg9[%swap3A_531, %swap3A_532] {strides = array<i32>} : memref<16x128xf32, #tpu.memory_space<vmem>>, vector<1x16xf32>,
      %swap3A_534 = vector.shape_cast %swap3A_533 : vector<1x16xf32> to vector<16xf32>
      %swap3A_535 = vector.shape_cast %scan3A_494#7 : vector<16xf32> to vector<1x16xf32>
      tpu.vector_store %arg9[%swap3A_531, %swap3A_532], %swap3A_535 {strides = array<i32>} : memref<16x128xf32, #tpu.memory_space<vmem>>, vector<1x16xf32>,
      scf.yield %scan3A_494#8, %scan3A_494#9, %scan3A_494#10, %scan3A_494#11, %scan3A_494#12, %scan3A_494#13, %scan3A_494#14, %scan3A_494#15, %scan3A_494#16, %scan3A_494#17, %scan3A_494#18, %scan3A_494#19, %scan3A_494#20, %scan3A_494#21, %scan3A_494#22, %scan3A_494#23 : vector<16xf32>, vector<16xf32>, vector<16xf32>, vector<16xf32>, vector<16xf32>, vector<16xf32>, vector<16xf32>, vector<16xf32>, vector<16xf32>, vector<16xf32>, vector<16xf32>, vector<16xf32>, vector<16xf32>, vector<16xf32>, vector<16xf32>, vector<16xf32>
    }
    %scan3A_241 = arith.constant 16 : i32
    %mul3A_242 = arith.constant 256 : i32
    %mul3A_243 = arith.muli %add3A, %mul3A_242 : i32
    %add3A_244 = arith.constant 176 : i32
    %add3A_245 = arith.addi %mul3A_243, %add3A_244 : i32
    "tpu.region"() ({
      %run_scoped3A = tpu.sem_alloc : memref<!tpu.dma_semaphore, #tpu.memory_space<semaphore_mem>>
      %dma_start3A_416 = arith.constant 0 : i32
      %dma_start3A_417 = tpu.memref_slice %arg4[%add3A_245, %dma_start3A_416] : memref<8192x128xf32, #tpu.memory_space<hbm>> -> memref<16x128xf32, #tpu.memory_space<hbm>>
      %dma_start3A_418 = arith.constant 0 : i32
      %dma_start3A_419 = tpu.memref_slice %arg4[%add3A_245, %dma_start3A_418] : memref<8192x128xf32, #tpu.memory_space<hbm>> -> memref<16x128xf32, #tpu.memory_space<hbm>>
      tpu.enqueue_dma source(%arg9 : memref<16x128xf32, #tpu.memory_space<vmem>>) target(%dma_start3A_419 : memref<16x128xf32, #tpu.memory_space<hbm>>) target_semaphore(%run_scoped3A : memref<!tpu.dma_semaphore, #tpu.memory_space<semaphore_mem>>)
      %dma_wait3A_420 = arith.constant 0 : i32
      %dma_wait3A_421 = tpu.memref_slice %arg4[%add3A_245, %dma_wait3A_420] : memref<8192x128xf32, #tpu.memory_space<hbm>> -> memref<16x128xf32, #tpu.memory_space<hbm>>
      %dma_wait3A_422 = arith.constant 0 : i32
      %dma_wait3A_423 = tpu.memref_slice %arg4[%add3A_245, %dma_wait3A_422] : memref<8192x128xf32, #tpu.memory_space<hbm>> -> memref<16x128xf32, #tpu.memory_space<hbm>>
      tpu.wait_dma2 semaphore(%run_scoped3A : memref<!tpu.dma_semaphore, #tpu.memory_space<semaphore_mem>>) src(%arg9 : memref<16x128xf32, #tpu.memory_space<vmem>>) dst(%dma_wait3A_423 : memref<16x128xf32, #tpu.memory_space<hbm>>)
      tpu.yield
    }) : () -> ()
    %dma_start3A_246 = arith.constant 3328 : i32
    %dma_start3A_247 = tpu.memref_slice %arg6[%dma_start3A_246] : memref<4096xi32, #tpu.memory_space<vmem>> -> memref<256xi32, #tpu.memory_space<vmem>>
    %dma_start3A_248 = arith.constant 0 : i32
    %dma_start3A_249 = arith.constant 0 : i32
    %dma_start3A_250 = tpu.memref_slice %arg2[%dma_start3A_248, %dma_start3A_249] : memref<16384x128xf32, #tpu.memory_space<hbm>> -> memref<16384x128xf32, #tpu.memory_space<hbm>>
    tpu.enqueue_indirect_dma source(%dma_start3A_250 : memref<16384x128xf32, #tpu.memory_space<hbm>>) target(%arg8 : memref<256x128xf32, #tpu.memory_space<vmem>>) offsets(%dma_start3A_247 : memref<256xi32, #tpu.memory_space<vmem>>) semaphore(%arg12 : memref<!tpu.dma_semaphore, #tpu.memory_space<semaphore_mem>>)
    %dma_wait3A_251 = arith.constant 3072 : i32
    %dma_wait3A_252 = tpu.memref_slice %arg6[%dma_wait3A_251] : memref<4096xi32, #tpu.memory_space<vmem>> -> memref<256xi32, #tpu.memory_space<vmem>>
    %dma_wait3A_253 = arith.constant 0 : i32
    %dma_wait3A_254 = arith.constant 0 : i32
    %dma_wait3A_255 = tpu.memref_slice %arg2[%dma_wait3A_253, %dma_wait3A_254] : memref<16384x128xf32, #tpu.memory_space<hbm>> -> memref<16384x128xf32, #tpu.memory_space<hbm>>
    tpu.wait_indirect_dma semaphore(%arg11 : memref<!tpu.dma_semaphore, #tpu.memory_space<semaphore_mem>>) src(%dma_wait3A_255 : memref<16384x128xf32, #tpu.memory_space<hbm>>) dst(%arg7 : memref<256x128xf32, #tpu.memory_space<vmem>>)
    %scan3A_256 = arith.constant 0 : i32
    %scan3A_257 = arith.constant 16 : i32
    %scan3A_258 = arith.addi %scan3A_256, %scan3A_257 : i32
    %scan3A_259 = arith.constant 1 : i32
    %scan3A_260:16 = scf.for %scan3A_416 = %scan3A_256 to %scan3A_258 step %scan3A_259 iter_args(%scan3A_417 = %scan3A_240#0, %scan3A_418 = %scan3A_240#1, %scan3A_419 = %scan3A_240#2, %scan3A_420 = %scan3A_240#3, %scan3A_421 = %scan3A_240#4, %scan3A_422 = %scan3A_240#5, %scan3A_423 = %scan3A_240#6, %scan3A_424 = %scan3A_240#7, %scan3A_425 = %scan3A_240#8, %scan3A_426 = %scan3A_240#9, %scan3A_427 = %scan3A_240#10, %scan3A_428 = %scan3A_240#11, %scan3A_429 = %scan3A_240#12, %scan3A_430 = %scan3A_240#13, %scan3A_431 = %scan3A_240#14, %scan3A_432 = %scan3A_240#15) -> (vector<16xf32>, vector<16xf32>, vector<16xf32>, vector<16xf32>, vector<16xf32>, vector<16xf32>, vector<16xf32>, vector<16xf32>, vector<16xf32>, vector<16xf32>, vector<16xf32>, vector<16xf32>, vector<16xf32>, vector<16xf32>, vector<16xf32>, vector<16xf32>)  : i32 {
      %mul3A_433 = arith.constant 16 : i32
      %mul3A_434 = arith.muli %scan3A_416, %mul3A_433 : i32
      %get3A = arith.index_cast %mul3A_434 : i32 to index
      %get3A_435 = arith.constant 0 : index
      %get3A_436 = tpu.vector_load %arg7[%get3A, %get3A_435] {strides = array<i32>} : memref<256x128xf32, #tpu.memory_space<vmem>>, vector<1x16xf32>,
      %get3A_437 = vector.shape_cast %get3A_436 : vector<1x16xf32> to vector<16xf32>
      %get3A_438 = arith.index_cast %mul3A_434 : i32 to index
      %get3A_439 = arith.constant 16 : index
      %get3A_440 = tpu.vector_load %arg7[%get3A_438, %get3A_439] {strides = array<i32>} : memref<256x128xf32, #tpu.memory_space<vmem>>, vector<1x16xf32>,
      %get3A_441 = vector.shape_cast %get3A_440 : vector<1x16xf32> to vector<16xf32>
      %get3A_442 = arith.index_cast %mul3A_434 : i32 to index
      %get3A_443 = arith.constant 32 : index
      %get3A_444 = tpu.vector_load %arg7[%get3A_442, %get3A_443] {strides = array<i32>} : memref<256x128xf32, #tpu.memory_space<vmem>>, vector<1x16xf32>,
      %get3A_445 = vector.shape_cast %get3A_444 : vector<1x16xf32> to vector<16xf32>
      %get3A_446 = arith.index_cast %mul3A_434 : i32 to index
      %get3A_447 = arith.constant 48 : index
      %get3A_448 = tpu.vector_load %arg7[%get3A_446, %get3A_447] {strides = array<i32>} : memref<256x128xf32, #tpu.memory_space<vmem>>, vector<1x16xf32>,
      %get3A_449 = vector.shape_cast %get3A_448 : vector<1x16xf32> to vector<16xf32>
      %get3A_450 = arith.index_cast %mul3A_434 : i32 to index
      %get3A_451 = arith.constant 64 : index
      %get3A_452 = tpu.vector_load %arg7[%get3A_450, %get3A_451] {strides = array<i32>} : memref<256x128xf32, #tpu.memory_space<vmem>>, vector<1x16xf32>,
      %get3A_453 = vector.shape_cast %get3A_452 : vector<1x16xf32> to vector<16xf32>
      %get3A_454 = arith.index_cast %mul3A_434 : i32 to index
      %get3A_455 = arith.constant 80 : index
      %get3A_456 = tpu.vector_load %arg7[%get3A_454, %get3A_455] {strides = array<i32>} : memref<256x128xf32, #tpu.memory_space<vmem>>, vector<1x16xf32>,
      %get3A_457 = vector.shape_cast %get3A_456 : vector<1x16xf32> to vector<16xf32>
      %get3A_458 = arith.index_cast %mul3A_434 : i32 to index
      %get3A_459 = arith.constant 96 : index
      %get3A_460 = tpu.vector_load %arg7[%get3A_458, %get3A_459] {strides = array<i32>} : memref<256x128xf32, #tpu.memory_space<vmem>>, vector<1x16xf32>,
      %get3A_461 = vector.shape_cast %get3A_460 : vector<1x16xf32> to vector<16xf32>
      %get3A_462 = arith.index_cast %mul3A_434 : i32 to index
      %get3A_463 = arith.constant 112 : index
      %get3A_464 = tpu.vector_load %arg7[%get3A_462, %get3A_463] {strides = array<i32>} : memref<256x128xf32, #tpu.memory_space<vmem>>, vector<1x16xf32>,
      %get3A_465 = vector.shape_cast %get3A_464 : vector<1x16xf32> to vector<16xf32>
      %add3A_466 = arith.addf %scan3A_417, %get3A_437 : vector<16xf32>
      %add3A_467 = arith.addf %scan3A_418, %get3A_441 : vector<16xf32>
      %add3A_468 = arith.addf %scan3A_419, %get3A_445 : vector<16xf32>
      %add3A_469 = arith.addf %scan3A_420, %get3A_449 : vector<16xf32>
      %add3A_470 = arith.addf %scan3A_421, %get3A_453 : vector<16xf32>
      %add3A_471 = arith.addf %scan3A_422, %get3A_457 : vector<16xf32>
      %add3A_472 = arith.addf %scan3A_423, %get3A_461 : vector<16xf32>
      %add3A_473 = arith.addf %scan3A_424, %get3A_465 : vector<16xf32>
      %mul3A_474 = arith.mulf %get3A_437, %get3A_437 : vector<16xf32>
      %add3A_475 = arith.addf %scan3A_425, %mul3A_474 : vector<16xf32>
      %mul3A_476 = arith.mulf %get3A_441, %get3A_441 : vector<16xf32>
      %add3A_477 = arith.addf %scan3A_426, %mul3A_476 : vector<16xf32>
      %mul3A_478 = arith.mulf %get3A_445, %get3A_445 : vector<16xf32>
      %add3A_479 = arith.addf %scan3A_427, %mul3A_478 : vector<16xf32>
      %mul3A_480 = arith.mulf %get3A_449, %get3A_449 : vector<16xf32>
      %add3A_481 = arith.addf %scan3A_428, %mul3A_480 : vector<16xf32>
      %mul3A_482 = arith.mulf %get3A_453, %get3A_453 : vector<16xf32>
      %add3A_483 = arith.addf %scan3A_429, %mul3A_482 : vector<16xf32>
      %mul3A_484 = arith.mulf %get3A_457, %get3A_457 : vector<16xf32>
      %add3A_485 = arith.addf %scan3A_430, %mul3A_484 : vector<16xf32>
      %mul3A_486 = arith.mulf %get3A_461, %get3A_461 : vector<16xf32>
      %add3A_487 = arith.addf %scan3A_431, %mul3A_486 : vector<16xf32>
      %mul3A_488 = arith.mulf %get3A_465, %get3A_465 : vector<16xf32>
      %add3A_489 = arith.addf %scan3A_432, %mul3A_488 : vector<16xf32>
      %scan3A_490 = arith.constant 1 : i32
      %scan3A_491 = arith.constant 15 : i32
      %scan3A_492 = arith.addi %scan3A_490, %scan3A_491 : i32
      %scan3A_493 = arith.constant 1 : i32
      %scan3A_494:24 = scf.for %scan3A_536 = %scan3A_490 to %scan3A_492 step %scan3A_493 iter_args(%scan3A_537 = %get3A_437, %scan3A_538 = %get3A_441, %scan3A_539 = %get3A_445, %scan3A_540 = %get3A_449, %scan3A_541 = %get3A_453, %scan3A_542 = %get3A_457, %scan3A_543 = %get3A_461, %scan3A_544 = %get3A_465, %scan3A_545 = %add3A_466, %scan3A_546 = %add3A_467, %scan3A_547 = %add3A_468, %scan3A_548 = %add3A_469, %scan3A_549 = %add3A_470, %scan3A_550 = %add3A_471, %scan3A_551 = %add3A_472, %scan3A_552 = %add3A_473, %scan3A_553 = %add3A_475, %scan3A_554 = %add3A_477, %scan3A_555 = %add3A_479, %scan3A_556 = %add3A_481, %scan3A_557 = %add3A_483, %scan3A_558 = %add3A_485, %scan3A_559 = %add3A_487, %scan3A_560 = %add3A_489) -> (vector<16xf32>, vector<16xf32>, vector<16xf32>, vector<16xf32>, vector<16xf32>, vector<16xf32>, vector<16xf32>, vector<16xf32>, vector<16xf32>, vector<16xf32>, vector<16xf32>, vector<16xf32>, vector<16xf32>, vector<16xf32>, vector<16xf32>, vector<16xf32>, vector<16xf32>, vector<16xf32>, vector<16xf32>, vector<16xf32>, vector<16xf32>, vector<16xf32>, vector<16xf32>, vector<16xf32>)  : i32 {
        %add3A_561 = arith.addi %mul3A_434, %scan3A_536 : i32
        %get3A_562 = arith.index_cast %add3A_561 : i32 to index
        %get3A_563 = arith.constant 0 : index
        %get3A_564 = tpu.vector_load %arg7[%get3A_562, %get3A_563] {strides = array<i32>} : memref<256x128xf32, #tpu.memory_space<vmem>>, vector<1x16xf32>,
        %get3A_565 = vector.shape_cast %get3A_564 : vector<1x16xf32> to vector<16xf32>
        %add3A_566 = arith.addi %mul3A_434, %scan3A_536 : i32
        %get3A_567 = arith.index_cast %add3A_566 : i32 to index
        %get3A_568 = arith.constant 16 : index
        %get3A_569 = tpu.vector_load %arg7[%get3A_567, %get3A_568] {strides = array<i32>} : memref<256x128xf32, #tpu.memory_space<vmem>>, vector<1x16xf32>,
        %get3A_570 = vector.shape_cast %get3A_569 : vector<1x16xf32> to vector<16xf32>
        %add3A_571 = arith.addi %mul3A_434, %scan3A_536 : i32
        %get3A_572 = arith.index_cast %add3A_571 : i32 to index
        %get3A_573 = arith.constant 32 : index
        %get3A_574 = tpu.vector_load %arg7[%get3A_572, %get3A_573] {strides = array<i32>} : memref<256x128xf32, #tpu.memory_space<vmem>>, vector<1x16xf32>,
        %get3A_575 = vector.shape_cast %get3A_574 : vector<1x16xf32> to vector<16xf32>
        %add3A_576 = arith.addi %mul3A_434, %scan3A_536 : i32
        %get3A_577 = arith.index_cast %add3A_576 : i32 to index
        %get3A_578 = arith.constant 48 : index
        %get3A_579 = tpu.vector_load %arg7[%get3A_577, %get3A_578] {strides = array<i32>} : memref<256x128xf32, #tpu.memory_space<vmem>>, vector<1x16xf32>,
        %get3A_580 = vector.shape_cast %get3A_579 : vector<1x16xf32> to vector<16xf32>
        %add3A_581 = arith.addi %mul3A_434, %scan3A_536 : i32
        %get3A_582 = arith.index_cast %add3A_581 : i32 to index
        %get3A_583 = arith.constant 64 : index
        %get3A_584 = tpu.vector_load %arg7[%get3A_582, %get3A_583] {strides = array<i32>} : memref<256x128xf32, #tpu.memory_space<vmem>>, vector<1x16xf32>,
        %get3A_585 = vector.shape_cast %get3A_584 : vector<1x16xf32> to vector<16xf32>
        %add3A_586 = arith.addi %mul3A_434, %scan3A_536 : i32
        %get3A_587 = arith.index_cast %add3A_586 : i32 to index
        %get3A_588 = arith.constant 80 : index
        %get3A_589 = tpu.vector_load %arg7[%get3A_587, %get3A_588] {strides = array<i32>} : memref<256x128xf32, #tpu.memory_space<vmem>>, vector<1x16xf32>,
        %get3A_590 = vector.shape_cast %get3A_589 : vector<1x16xf32> to vector<16xf32>
        %add3A_591 = arith.addi %mul3A_434, %scan3A_536 : i32
        %get3A_592 = arith.index_cast %add3A_591 : i32 to index
        %get3A_593 = arith.constant 96 : index
        %get3A_594 = tpu.vector_load %arg7[%get3A_592, %get3A_593] {strides = array<i32>} : memref<256x128xf32, #tpu.memory_space<vmem>>, vector<1x16xf32>,
        %get3A_595 = vector.shape_cast %get3A_594 : vector<1x16xf32> to vector<16xf32>
        %add3A_596 = arith.addi %mul3A_434, %scan3A_536 : i32
        %get3A_597 = arith.index_cast %add3A_596 : i32 to index
        %get3A_598 = arith.constant 112 : index
        %get3A_599 = tpu.vector_load %arg7[%get3A_597, %get3A_598] {strides = array<i32>} : memref<256x128xf32, #tpu.memory_space<vmem>>, vector<1x16xf32>,
        %get3A_600 = vector.shape_cast %get3A_599 : vector<1x16xf32> to vector<16xf32>
        %max3A = arith.maximumf %scan3A_537, %get3A_565 : vector<16xf32>
        %max3A_601 = arith.maximumf %scan3A_538, %get3A_570 : vector<16xf32>
        %max3A_602 = arith.maximumf %scan3A_539, %get3A_575 : vector<16xf32>
        %max3A_603 = arith.maximumf %scan3A_540, %get3A_580 : vector<16xf32>
        %max3A_604 = arith.maximumf %scan3A_541, %get3A_585 : vector<16xf32>
        %max3A_605 = arith.maximumf %scan3A_542, %get3A_590 : vector<16xf32>
        %max3A_606 = arith.maximumf %scan3A_543, %get3A_595 : vector<16xf32>
        %max3A_607 = arith.maximumf %scan3A_544, %get3A_600 : vector<16xf32>
        %add3A_608 = arith.addf %scan3A_545, %get3A_565 : vector<16xf32>
        %add3A_609 = arith.addf %scan3A_546, %get3A_570 : vector<16xf32>
        %add3A_610 = arith.addf %scan3A_547, %get3A_575 : vector<16xf32>
        %add3A_611 = arith.addf %scan3A_548, %get3A_580 : vector<16xf32>
        %add3A_612 = arith.addf %scan3A_549, %get3A_585 : vector<16xf32>
        %add3A_613 = arith.addf %scan3A_550, %get3A_590 : vector<16xf32>
        %add3A_614 = arith.addf %scan3A_551, %get3A_595 : vector<16xf32>
        %add3A_615 = arith.addf %scan3A_552, %get3A_600 : vector<16xf32>
        %mul3A_616 = arith.mulf %get3A_565, %get3A_565 : vector<16xf32>
        %add3A_617 = arith.addf %scan3A_553, %mul3A_616 : vector<16xf32>
        %mul3A_618 = arith.mulf %get3A_570, %get3A_570 : vector<16xf32>
        %add3A_619 = arith.addf %scan3A_554, %mul3A_618 : vector<16xf32>
        %mul3A_620 = arith.mulf %get3A_575, %get3A_575 : vector<16xf32>
        %add3A_621 = arith.addf %scan3A_555, %mul3A_620 : vector<16xf32>
        %mul3A_622 = arith.mulf %get3A_580, %get3A_580 : vector<16xf32>
        %add3A_623 = arith.addf %scan3A_556, %mul3A_622 : vector<16xf32>
        %mul3A_624 = arith.mulf %get3A_585, %get3A_585 : vector<16xf32>
        %add3A_625 = arith.addf %scan3A_557, %mul3A_624 : vector<16xf32>
        %mul3A_626 = arith.mulf %get3A_590, %get3A_590 : vector<16xf32>
        %add3A_627 = arith.addf %scan3A_558, %mul3A_626 : vector<16xf32>
        %mul3A_628 = arith.mulf %get3A_595, %get3A_595 : vector<16xf32>
        %add3A_629 = arith.addf %scan3A_559, %mul3A_628 : vector<16xf32>
        %mul3A_630 = arith.mulf %get3A_600, %get3A_600 : vector<16xf32>
        %add3A_631 = arith.addf %scan3A_560, %mul3A_630 : vector<16xf32>
        scf.yield %max3A, %max3A_601, %max3A_602, %max3A_603, %max3A_604, %max3A_605, %max3A_606, %max3A_607, %add3A_608, %add3A_609, %add3A_610, %add3A_611, %add3A_612, %add3A_613, %add3A_614, %add3A_615, %add3A_617, %add3A_619, %add3A_621, %add3A_623, %add3A_625, %add3A_627, %add3A_629, %add3A_631 : vector<16xf32>, vector<16xf32>, vector<16xf32>, vector<16xf32>, vector<16xf32>, vector<16xf32>, vector<16xf32>, vector<16xf32>, vector<16xf32>, vector<16xf32>, vector<16xf32>, vector<16xf32>, vector<16xf32>, vector<16xf32>, vector<16xf32>, vector<16xf32>, vector<16xf32>, vector<16xf32>, vector<16xf32>, vector<16xf32>, vector<16xf32>, vector<16xf32>, vector<16xf32>, vector<16xf32>
      }
      %scan3A_495 = arith.constant 15 : i32
      %swap3A_496 = arith.index_cast %scan3A_416 : i32 to index
      %swap3A_497 = arith.constant 0 : index
      %swap3A_498 = tpu.vector_load %arg9[%swap3A_496, %swap3A_497] {strides = array<i32>} : memref<16x128xf32, #tpu.memory_space<vmem>>, vector<1x16xf32>,
      %swap3A_499 = vector.shape_cast %swap3A_498 : vector<1x16xf32> to vector<16xf32>
      %swap3A_500 = vector.shape_cast %scan3A_494#0 : vector<16xf32> to vector<1x16xf32>
      tpu.vector_store %arg9[%swap3A_496, %swap3A_497], %swap3A_500 {strides = array<i32>} : memref<16x128xf32, #tpu.memory_space<vmem>>, vector<1x16xf32>,
      %swap3A_501 = arith.index_cast %scan3A_416 : i32 to index
      %swap3A_502 = arith.constant 16 : index
      %swap3A_503 = tpu.vector_load %arg9[%swap3A_501, %swap3A_502] {strides = array<i32>} : memref<16x128xf32, #tpu.memory_space<vmem>>, vector<1x16xf32>,
      %swap3A_504 = vector.shape_cast %swap3A_503 : vector<1x16xf32> to vector<16xf32>
      %swap3A_505 = vector.shape_cast %scan3A_494#1 : vector<16xf32> to vector<1x16xf32>
      tpu.vector_store %arg9[%swap3A_501, %swap3A_502], %swap3A_505 {strides = array<i32>} : memref<16x128xf32, #tpu.memory_space<vmem>>, vector<1x16xf32>,
      %swap3A_506 = arith.index_cast %scan3A_416 : i32 to index
      %swap3A_507 = arith.constant 32 : index
      %swap3A_508 = tpu.vector_load %arg9[%swap3A_506, %swap3A_507] {strides = array<i32>} : memref<16x128xf32, #tpu.memory_space<vmem>>, vector<1x16xf32>,
      %swap3A_509 = vector.shape_cast %swap3A_508 : vector<1x16xf32> to vector<16xf32>
      %swap3A_510 = vector.shape_cast %scan3A_494#2 : vector<16xf32> to vector<1x16xf32>
      tpu.vector_store %arg9[%swap3A_506, %swap3A_507], %swap3A_510 {strides = array<i32>} : memref<16x128xf32, #tpu.memory_space<vmem>>, vector<1x16xf32>,
      %swap3A_511 = arith.index_cast %scan3A_416 : i32 to index
      %swap3A_512 = arith.constant 48 : index
      %swap3A_513 = tpu.vector_load %arg9[%swap3A_511, %swap3A_512] {strides = array<i32>} : memref<16x128xf32, #tpu.memory_space<vmem>>, vector<1x16xf32>,
      %swap3A_514 = vector.shape_cast %swap3A_513 : vector<1x16xf32> to vector<16xf32>
      %swap3A_515 = vector.shape_cast %scan3A_494#3 : vector<16xf32> to vector<1x16xf32>
      tpu.vector_store %arg9[%swap3A_511, %swap3A_512], %swap3A_515 {strides = array<i32>} : memref<16x128xf32, #tpu.memory_space<vmem>>, vector<1x16xf32>,
      %swap3A_516 = arith.index_cast %scan3A_416 : i32 to index
      %swap3A_517 = arith.constant 64 : index
      %swap3A_518 = tpu.vector_load %arg9[%swap3A_516, %swap3A_517] {strides = array<i32>} : memref<16x128xf32, #tpu.memory_space<vmem>>, vector<1x16xf32>,
      %swap3A_519 = vector.shape_cast %swap3A_518 : vector<1x16xf32> to vector<16xf32>
      %swap3A_520 = vector.shape_cast %scan3A_494#4 : vector<16xf32> to vector<1x16xf32>
      tpu.vector_store %arg9[%swap3A_516, %swap3A_517], %swap3A_520 {strides = array<i32>} : memref<16x128xf32, #tpu.memory_space<vmem>>, vector<1x16xf32>,
      %swap3A_521 = arith.index_cast %scan3A_416 : i32 to index
      %swap3A_522 = arith.constant 80 : index
      %swap3A_523 = tpu.vector_load %arg9[%swap3A_521, %swap3A_522] {strides = array<i32>} : memref<16x128xf32, #tpu.memory_space<vmem>>, vector<1x16xf32>,
      %swap3A_524 = vector.shape_cast %swap3A_523 : vector<1x16xf32> to vector<16xf32>
      %swap3A_525 = vector.shape_cast %scan3A_494#5 : vector<16xf32> to vector<1x16xf32>
      tpu.vector_store %arg9[%swap3A_521, %swap3A_522], %swap3A_525 {strides = array<i32>} : memref<16x128xf32, #tpu.memory_space<vmem>>, vector<1x16xf32>,
      %swap3A_526 = arith.index_cast %scan3A_416 : i32 to index
      %swap3A_527 = arith.constant 96 : index
      %swap3A_528 = tpu.vector_load %arg9[%swap3A_526, %swap3A_527] {strides = array<i32>} : memref<16x128xf32, #tpu.memory_space<vmem>>, vector<1x16xf32>,
      %swap3A_529 = vector.shape_cast %swap3A_528 : vector<1x16xf32> to vector<16xf32>
      %swap3A_530 = vector.shape_cast %scan3A_494#6 : vector<16xf32> to vector<1x16xf32>
      tpu.vector_store %arg9[%swap3A_526, %swap3A_527], %swap3A_530 {strides = array<i32>} : memref<16x128xf32, #tpu.memory_space<vmem>>, vector<1x16xf32>,
      %swap3A_531 = arith.index_cast %scan3A_416 : i32 to index
      %swap3A_532 = arith.constant 112 : index
      %swap3A_533 = tpu.vector_load %arg9[%swap3A_531, %swap3A_532] {strides = array<i32>} : memref<16x128xf32, #tpu.memory_space<vmem>>, vector<1x16xf32>,
      %swap3A_534 = vector.shape_cast %swap3A_533 : vector<1x16xf32> to vector<16xf32>
      %swap3A_535 = vector.shape_cast %scan3A_494#7 : vector<16xf32> to vector<1x16xf32>
      tpu.vector_store %arg9[%swap3A_531, %swap3A_532], %swap3A_535 {strides = array<i32>} : memref<16x128xf32, #tpu.memory_space<vmem>>, vector<1x16xf32>,
      scf.yield %scan3A_494#8, %scan3A_494#9, %scan3A_494#10, %scan3A_494#11, %scan3A_494#12, %scan3A_494#13, %scan3A_494#14, %scan3A_494#15, %scan3A_494#16, %scan3A_494#17, %scan3A_494#18, %scan3A_494#19, %scan3A_494#20, %scan3A_494#21, %scan3A_494#22, %scan3A_494#23 : vector<16xf32>, vector<16xf32>, vector<16xf32>, vector<16xf32>, vector<16xf32>, vector<16xf32>, vector<16xf32>, vector<16xf32>, vector<16xf32>, vector<16xf32>, vector<16xf32>, vector<16xf32>, vector<16xf32>, vector<16xf32>, vector<16xf32>, vector<16xf32>
    }
    %scan3A_261 = arith.constant 16 : i32
    %mul3A_262 = arith.constant 256 : i32
    %mul3A_263 = arith.muli %add3A, %mul3A_262 : i32
    %add3A_264 = arith.constant 192 : i32
    %add3A_265 = arith.addi %mul3A_263, %add3A_264 : i32
    "tpu.region"() ({
      %run_scoped3A = tpu.sem_alloc : memref<!tpu.dma_semaphore, #tpu.memory_space<semaphore_mem>>
      %dma_start3A_416 = arith.constant 0 : i32
      %dma_start3A_417 = tpu.memref_slice %arg4[%add3A_265, %dma_start3A_416] : memref<8192x128xf32, #tpu.memory_space<hbm>> -> memref<16x128xf32, #tpu.memory_space<hbm>>
      %dma_start3A_418 = arith.constant 0 : i32
      %dma_start3A_419 = tpu.memref_slice %arg4[%add3A_265, %dma_start3A_418] : memref<8192x128xf32, #tpu.memory_space<hbm>> -> memref<16x128xf32, #tpu.memory_space<hbm>>
      tpu.enqueue_dma source(%arg9 : memref<16x128xf32, #tpu.memory_space<vmem>>) target(%dma_start3A_419 : memref<16x128xf32, #tpu.memory_space<hbm>>) target_semaphore(%run_scoped3A : memref<!tpu.dma_semaphore, #tpu.memory_space<semaphore_mem>>)
      %dma_wait3A_420 = arith.constant 0 : i32
      %dma_wait3A_421 = tpu.memref_slice %arg4[%add3A_265, %dma_wait3A_420] : memref<8192x128xf32, #tpu.memory_space<hbm>> -> memref<16x128xf32, #tpu.memory_space<hbm>>
      %dma_wait3A_422 = arith.constant 0 : i32
      %dma_wait3A_423 = tpu.memref_slice %arg4[%add3A_265, %dma_wait3A_422] : memref<8192x128xf32, #tpu.memory_space<hbm>> -> memref<16x128xf32, #tpu.memory_space<hbm>>
      tpu.wait_dma2 semaphore(%run_scoped3A : memref<!tpu.dma_semaphore, #tpu.memory_space<semaphore_mem>>) src(%arg9 : memref<16x128xf32, #tpu.memory_space<vmem>>) dst(%dma_wait3A_423 : memref<16x128xf32, #tpu.memory_space<hbm>>)
      tpu.yield
    }) : () -> ()
    %dma_start3A_266 = arith.constant 3584 : i32
    %dma_start3A_267 = tpu.memref_slice %arg6[%dma_start3A_266] : memref<4096xi32, #tpu.memory_space<vmem>> -> memref<256xi32, #tpu.memory_space<vmem>>
    %dma_start3A_268 = arith.constant 0 : i32
    %dma_start3A_269 = arith.constant 0 : i32
    %dma_start3A_270 = tpu.memref_slice %arg2[%dma_start3A_268, %dma_start3A_269] : memref<16384x128xf32, #tpu.memory_space<hbm>> -> memref<16384x128xf32, #tpu.memory_space<hbm>>
    tpu.enqueue_indirect_dma source(%dma_start3A_270 : memref<16384x128xf32, #tpu.memory_space<hbm>>) target(%arg7 : memref<256x128xf32, #tpu.memory_space<vmem>>) offsets(%dma_start3A_267 : memref<256xi32, #tpu.memory_space<vmem>>) semaphore(%arg11 : memref<!tpu.dma_semaphore, #tpu.memory_space<semaphore_mem>>)
    %dma_wait3A_271 = arith.constant 3328 : i32
    %dma_wait3A_272 = tpu.memref_slice %arg6[%dma_wait3A_271] : memref<4096xi32, #tpu.memory_space<vmem>> -> memref<256xi32, #tpu.memory_space<vmem>>
    %dma_wait3A_273 = arith.constant 0 : i32
    %dma_wait3A_274 = arith.constant 0 : i32
    %dma_wait3A_275 = tpu.memref_slice %arg2[%dma_wait3A_273, %dma_wait3A_274] : memref<16384x128xf32, #tpu.memory_space<hbm>> -> memref<16384x128xf32, #tpu.memory_space<hbm>>
    tpu.wait_indirect_dma semaphore(%arg12 : memref<!tpu.dma_semaphore, #tpu.memory_space<semaphore_mem>>) src(%dma_wait3A_275 : memref<16384x128xf32, #tpu.memory_space<hbm>>) dst(%arg8 : memref<256x128xf32, #tpu.memory_space<vmem>>)
    %scan3A_276 = arith.constant 0 : i32
    %scan3A_277 = arith.constant 16 : i32
    %scan3A_278 = arith.addi %scan3A_276, %scan3A_277 : i32
    %scan3A_279 = arith.constant 1 : i32
    %scan3A_280:16 = scf.for %scan3A_416 = %scan3A_276 to %scan3A_278 step %scan3A_279 iter_args(%scan3A_417 = %scan3A_260#0, %scan3A_418 = %scan3A_260#1, %scan3A_419 = %scan3A_260#2, %scan3A_420 = %scan3A_260#3, %scan3A_421 = %scan3A_260#4, %scan3A_422 = %scan3A_260#5, %scan3A_423 = %scan3A_260#6, %scan3A_424 = %scan3A_260#7, %scan3A_425 = %scan3A_260#8, %scan3A_426 = %scan3A_260#9, %scan3A_427 = %scan3A_260#10, %scan3A_428 = %scan3A_260#11, %scan3A_429 = %scan3A_260#12, %scan3A_430 = %scan3A_260#13, %scan3A_431 = %scan3A_260#14, %scan3A_432 = %scan3A_260#15) -> (vector<16xf32>, vector<16xf32>, vector<16xf32>, vector<16xf32>, vector<16xf32>, vector<16xf32>, vector<16xf32>, vector<16xf32>, vector<16xf32>, vector<16xf32>, vector<16xf32>, vector<16xf32>, vector<16xf32>, vector<16xf32>, vector<16xf32>, vector<16xf32>)  : i32 {
      %mul3A_433 = arith.constant 16 : i32
      %mul3A_434 = arith.muli %scan3A_416, %mul3A_433 : i32
      %get3A = arith.index_cast %mul3A_434 : i32 to index
      %get3A_435 = arith.constant 0 : index
      %get3A_436 = tpu.vector_load %arg8[%get3A, %get3A_435] {strides = array<i32>} : memref<256x128xf32, #tpu.memory_space<vmem>>, vector<1x16xf32>,
      %get3A_437 = vector.shape_cast %get3A_436 : vector<1x16xf32> to vector<16xf32>
      %get3A_438 = arith.index_cast %mul3A_434 : i32 to index
      %get3A_439 = arith.constant 16 : index
      %get3A_440 = tpu.vector_load %arg8[%get3A_438, %get3A_439] {strides = array<i32>} : memref<256x128xf32, #tpu.memory_space<vmem>>, vector<1x16xf32>,
      %get3A_441 = vector.shape_cast %get3A_440 : vector<1x16xf32> to vector<16xf32>
      %get3A_442 = arith.index_cast %mul3A_434 : i32 to index
      %get3A_443 = arith.constant 32 : index
      %get3A_444 = tpu.vector_load %arg8[%get3A_442, %get3A_443] {strides = array<i32>} : memref<256x128xf32, #tpu.memory_space<vmem>>, vector<1x16xf32>,
      %get3A_445 = vector.shape_cast %get3A_444 : vector<1x16xf32> to vector<16xf32>
      %get3A_446 = arith.index_cast %mul3A_434 : i32 to index
      %get3A_447 = arith.constant 48 : index
      %get3A_448 = tpu.vector_load %arg8[%get3A_446, %get3A_447] {strides = array<i32>} : memref<256x128xf32, #tpu.memory_space<vmem>>, vector<1x16xf32>,
      %get3A_449 = vector.shape_cast %get3A_448 : vector<1x16xf32> to vector<16xf32>
      %get3A_450 = arith.index_cast %mul3A_434 : i32 to index
      %get3A_451 = arith.constant 64 : index
      %get3A_452 = tpu.vector_load %arg8[%get3A_450, %get3A_451] {strides = array<i32>} : memref<256x128xf32, #tpu.memory_space<vmem>>, vector<1x16xf32>,
      %get3A_453 = vector.shape_cast %get3A_452 : vector<1x16xf32> to vector<16xf32>
      %get3A_454 = arith.index_cast %mul3A_434 : i32 to index
      %get3A_455 = arith.constant 80 : index
      %get3A_456 = tpu.vector_load %arg8[%get3A_454, %get3A_455] {strides = array<i32>} : memref<256x128xf32, #tpu.memory_space<vmem>>, vector<1x16xf32>,
      %get3A_457 = vector.shape_cast %get3A_456 : vector<1x16xf32> to vector<16xf32>
      %get3A_458 = arith.index_cast %mul3A_434 : i32 to index
      %get3A_459 = arith.constant 96 : index
      %get3A_460 = tpu.vector_load %arg8[%get3A_458, %get3A_459] {strides = array<i32>} : memref<256x128xf32, #tpu.memory_space<vmem>>, vector<1x16xf32>,
      %get3A_461 = vector.shape_cast %get3A_460 : vector<1x16xf32> to vector<16xf32>
      %get3A_462 = arith.index_cast %mul3A_434 : i32 to index
      %get3A_463 = arith.constant 112 : index
      %get3A_464 = tpu.vector_load %arg8[%get3A_462, %get3A_463] {strides = array<i32>} : memref<256x128xf32, #tpu.memory_space<vmem>>, vector<1x16xf32>,
      %get3A_465 = vector.shape_cast %get3A_464 : vector<1x16xf32> to vector<16xf32>
      %add3A_466 = arith.addf %scan3A_417, %get3A_437 : vector<16xf32>
      %add3A_467 = arith.addf %scan3A_418, %get3A_441 : vector<16xf32>
      %add3A_468 = arith.addf %scan3A_419, %get3A_445 : vector<16xf32>
      %add3A_469 = arith.addf %scan3A_420, %get3A_449 : vector<16xf32>
      %add3A_470 = arith.addf %scan3A_421, %get3A_453 : vector<16xf32>
      %add3A_471 = arith.addf %scan3A_422, %get3A_457 : vector<16xf32>
      %add3A_472 = arith.addf %scan3A_423, %get3A_461 : vector<16xf32>
      %add3A_473 = arith.addf %scan3A_424, %get3A_465 : vector<16xf32>
      %mul3A_474 = arith.mulf %get3A_437, %get3A_437 : vector<16xf32>
      %add3A_475 = arith.addf %scan3A_425, %mul3A_474 : vector<16xf32>
      %mul3A_476 = arith.mulf %get3A_441, %get3A_441 : vector<16xf32>
      %add3A_477 = arith.addf %scan3A_426, %mul3A_476 : vector<16xf32>
      %mul3A_478 = arith.mulf %get3A_445, %get3A_445 : vector<16xf32>
      %add3A_479 = arith.addf %scan3A_427, %mul3A_478 : vector<16xf32>
      %mul3A_480 = arith.mulf %get3A_449, %get3A_449 : vector<16xf32>
      %add3A_481 = arith.addf %scan3A_428, %mul3A_480 : vector<16xf32>
      %mul3A_482 = arith.mulf %get3A_453, %get3A_453 : vector<16xf32>
      %add3A_483 = arith.addf %scan3A_429, %mul3A_482 : vector<16xf32>
      %mul3A_484 = arith.mulf %get3A_457, %get3A_457 : vector<16xf32>
      %add3A_485 = arith.addf %scan3A_430, %mul3A_484 : vector<16xf32>
      %mul3A_486 = arith.mulf %get3A_461, %get3A_461 : vector<16xf32>
      %add3A_487 = arith.addf %scan3A_431, %mul3A_486 : vector<16xf32>
      %mul3A_488 = arith.mulf %get3A_465, %get3A_465 : vector<16xf32>
      %add3A_489 = arith.addf %scan3A_432, %mul3A_488 : vector<16xf32>
      %scan3A_490 = arith.constant 1 : i32
      %scan3A_491 = arith.constant 15 : i32
      %scan3A_492 = arith.addi %scan3A_490, %scan3A_491 : i32
      %scan3A_493 = arith.constant 1 : i32
      %scan3A_494:24 = scf.for %scan3A_536 = %scan3A_490 to %scan3A_492 step %scan3A_493 iter_args(%scan3A_537 = %get3A_437, %scan3A_538 = %get3A_441, %scan3A_539 = %get3A_445, %scan3A_540 = %get3A_449, %scan3A_541 = %get3A_453, %scan3A_542 = %get3A_457, %scan3A_543 = %get3A_461, %scan3A_544 = %get3A_465, %scan3A_545 = %add3A_466, %scan3A_546 = %add3A_467, %scan3A_547 = %add3A_468, %scan3A_548 = %add3A_469, %scan3A_549 = %add3A_470, %scan3A_550 = %add3A_471, %scan3A_551 = %add3A_472, %scan3A_552 = %add3A_473, %scan3A_553 = %add3A_475, %scan3A_554 = %add3A_477, %scan3A_555 = %add3A_479, %scan3A_556 = %add3A_481, %scan3A_557 = %add3A_483, %scan3A_558 = %add3A_485, %scan3A_559 = %add3A_487, %scan3A_560 = %add3A_489) -> (vector<16xf32>, vector<16xf32>, vector<16xf32>, vector<16xf32>, vector<16xf32>, vector<16xf32>, vector<16xf32>, vector<16xf32>, vector<16xf32>, vector<16xf32>, vector<16xf32>, vector<16xf32>, vector<16xf32>, vector<16xf32>, vector<16xf32>, vector<16xf32>, vector<16xf32>, vector<16xf32>, vector<16xf32>, vector<16xf32>, vector<16xf32>, vector<16xf32>, vector<16xf32>, vector<16xf32>)  : i32 {
        %add3A_561 = arith.addi %mul3A_434, %scan3A_536 : i32
        %get3A_562 = arith.index_cast %add3A_561 : i32 to index
        %get3A_563 = arith.constant 0 : index
        %get3A_564 = tpu.vector_load %arg8[%get3A_562, %get3A_563] {strides = array<i32>} : memref<256x128xf32, #tpu.memory_space<vmem>>, vector<1x16xf32>,
        %get3A_565 = vector.shape_cast %get3A_564 : vector<1x16xf32> to vector<16xf32>
        %add3A_566 = arith.addi %mul3A_434, %scan3A_536 : i32
        %get3A_567 = arith.index_cast %add3A_566 : i32 to index
        %get3A_568 = arith.constant 16 : index
        %get3A_569 = tpu.vector_load %arg8[%get3A_567, %get3A_568] {strides = array<i32>} : memref<256x128xf32, #tpu.memory_space<vmem>>, vector<1x16xf32>,
        %get3A_570 = vector.shape_cast %get3A_569 : vector<1x16xf32> to vector<16xf32>
        %add3A_571 = arith.addi %mul3A_434, %scan3A_536 : i32
        %get3A_572 = arith.index_cast %add3A_571 : i32 to index
        %get3A_573 = arith.constant 32 : index
        %get3A_574 = tpu.vector_load %arg8[%get3A_572, %get3A_573] {strides = array<i32>} : memref<256x128xf32, #tpu.memory_space<vmem>>, vector<1x16xf32>,
        %get3A_575 = vector.shape_cast %get3A_574 : vector<1x16xf32> to vector<16xf32>
        %add3A_576 = arith.addi %mul3A_434, %scan3A_536 : i32
        %get3A_577 = arith.index_cast %add3A_576 : i32 to index
        %get3A_578 = arith.constant 48 : index
        %get3A_579 = tpu.vector_load %arg8[%get3A_577, %get3A_578] {strides = array<i32>} : memref<256x128xf32, #tpu.memory_space<vmem>>, vector<1x16xf32>,
        %get3A_580 = vector.shape_cast %get3A_579 : vector<1x16xf32> to vector<16xf32>
        %add3A_581 = arith.addi %mul3A_434, %scan3A_536 : i32
        %get3A_582 = arith.index_cast %add3A_581 : i32 to index
        %get3A_583 = arith.constant 64 : index
        %get3A_584 = tpu.vector_load %arg8[%get3A_582, %get3A_583] {strides = array<i32>} : memref<256x128xf32, #tpu.memory_space<vmem>>, vector<1x16xf32>,
        %get3A_585 = vector.shape_cast %get3A_584 : vector<1x16xf32> to vector<16xf32>
        %add3A_586 = arith.addi %mul3A_434, %scan3A_536 : i32
        %get3A_587 = arith.index_cast %add3A_586 : i32 to index
        %get3A_588 = arith.constant 80 : index
        %get3A_589 = tpu.vector_load %arg8[%get3A_587, %get3A_588] {strides = array<i32>} : memref<256x128xf32, #tpu.memory_space<vmem>>, vector<1x16xf32>,
        %get3A_590 = vector.shape_cast %get3A_589 : vector<1x16xf32> to vector<16xf32>
        %add3A_591 = arith.addi %mul3A_434, %scan3A_536 : i32
        %get3A_592 = arith.index_cast %add3A_591 : i32 to index
        %get3A_593 = arith.constant 96 : index
        %get3A_594 = tpu.vector_load %arg8[%get3A_592, %get3A_593] {strides = array<i32>} : memref<256x128xf32, #tpu.memory_space<vmem>>, vector<1x16xf32>,
        %get3A_595 = vector.shape_cast %get3A_594 : vector<1x16xf32> to vector<16xf32>
        %add3A_596 = arith.addi %mul3A_434, %scan3A_536 : i32
        %get3A_597 = arith.index_cast %add3A_596 : i32 to index
        %get3A_598 = arith.constant 112 : index
        %get3A_599 = tpu.vector_load %arg8[%get3A_597, %get3A_598] {strides = array<i32>} : memref<256x128xf32, #tpu.memory_space<vmem>>, vector<1x16xf32>,
        %get3A_600 = vector.shape_cast %get3A_599 : vector<1x16xf32> to vector<16xf32>
        %max3A = arith.maximumf %scan3A_537, %get3A_565 : vector<16xf32>
        %max3A_601 = arith.maximumf %scan3A_538, %get3A_570 : vector<16xf32>
        %max3A_602 = arith.maximumf %scan3A_539, %get3A_575 : vector<16xf32>
        %max3A_603 = arith.maximumf %scan3A_540, %get3A_580 : vector<16xf32>
        %max3A_604 = arith.maximumf %scan3A_541, %get3A_585 : vector<16xf32>
        %max3A_605 = arith.maximumf %scan3A_542, %get3A_590 : vector<16xf32>
        %max3A_606 = arith.maximumf %scan3A_543, %get3A_595 : vector<16xf32>
        %max3A_607 = arith.maximumf %scan3A_544, %get3A_600 : vector<16xf32>
        %add3A_608 = arith.addf %scan3A_545, %get3A_565 : vector<16xf32>
        %add3A_609 = arith.addf %scan3A_546, %get3A_570 : vector<16xf32>
        %add3A_610 = arith.addf %scan3A_547, %get3A_575 : vector<16xf32>
        %add3A_611 = arith.addf %scan3A_548, %get3A_580 : vector<16xf32>
        %add3A_612 = arith.addf %scan3A_549, %get3A_585 : vector<16xf32>
        %add3A_613 = arith.addf %scan3A_550, %get3A_590 : vector<16xf32>
        %add3A_614 = arith.addf %scan3A_551, %get3A_595 : vector<16xf32>
        %add3A_615 = arith.addf %scan3A_552, %get3A_600 : vector<16xf32>
        %mul3A_616 = arith.mulf %get3A_565, %get3A_565 : vector<16xf32>
        %add3A_617 = arith.addf %scan3A_553, %mul3A_616 : vector<16xf32>
        %mul3A_618 = arith.mulf %get3A_570, %get3A_570 : vector<16xf32>
        %add3A_619 = arith.addf %scan3A_554, %mul3A_618 : vector<16xf32>
        %mul3A_620 = arith.mulf %get3A_575, %get3A_575 : vector<16xf32>
        %add3A_621 = arith.addf %scan3A_555, %mul3A_620 : vector<16xf32>
        %mul3A_622 = arith.mulf %get3A_580, %get3A_580 : vector<16xf32>
        %add3A_623 = arith.addf %scan3A_556, %mul3A_622 : vector<16xf32>
        %mul3A_624 = arith.mulf %get3A_585, %get3A_585 : vector<16xf32>
        %add3A_625 = arith.addf %scan3A_557, %mul3A_624 : vector<16xf32>
        %mul3A_626 = arith.mulf %get3A_590, %get3A_590 : vector<16xf32>
        %add3A_627 = arith.addf %scan3A_558, %mul3A_626 : vector<16xf32>
        %mul3A_628 = arith.mulf %get3A_595, %get3A_595 : vector<16xf32>
        %add3A_629 = arith.addf %scan3A_559, %mul3A_628 : vector<16xf32>
        %mul3A_630 = arith.mulf %get3A_600, %get3A_600 : vector<16xf32>
        %add3A_631 = arith.addf %scan3A_560, %mul3A_630 : vector<16xf32>
        scf.yield %max3A, %max3A_601, %max3A_602, %max3A_603, %max3A_604, %max3A_605, %max3A_606, %max3A_607, %add3A_608, %add3A_609, %add3A_610, %add3A_611, %add3A_612, %add3A_613, %add3A_614, %add3A_615, %add3A_617, %add3A_619, %add3A_621, %add3A_623, %add3A_625, %add3A_627, %add3A_629, %add3A_631 : vector<16xf32>, vector<16xf32>, vector<16xf32>, vector<16xf32>, vector<16xf32>, vector<16xf32>, vector<16xf32>, vector<16xf32>, vector<16xf32>, vector<16xf32>, vector<16xf32>, vector<16xf32>, vector<16xf32>, vector<16xf32>, vector<16xf32>, vector<16xf32>, vector<16xf32>, vector<16xf32>, vector<16xf32>, vector<16xf32>, vector<16xf32>, vector<16xf32>, vector<16xf32>, vector<16xf32>
      }
      %scan3A_495 = arith.constant 15 : i32
      %swap3A_496 = arith.index_cast %scan3A_416 : i32 to index
      %swap3A_497 = arith.constant 0 : index
      %swap3A_498 = tpu.vector_load %arg9[%swap3A_496, %swap3A_497] {strides = array<i32>} : memref<16x128xf32, #tpu.memory_space<vmem>>, vector<1x16xf32>,
      %swap3A_499 = vector.shape_cast %swap3A_498 : vector<1x16xf32> to vector<16xf32>
      %swap3A_500 = vector.shape_cast %scan3A_494#0 : vector<16xf32> to vector<1x16xf32>
      tpu.vector_store %arg9[%swap3A_496, %swap3A_497], %swap3A_500 {strides = array<i32>} : memref<16x128xf32, #tpu.memory_space<vmem>>, vector<1x16xf32>,
      %swap3A_501 = arith.index_cast %scan3A_416 : i32 to index
      %swap3A_502 = arith.constant 16 : index
      %swap3A_503 = tpu.vector_load %arg9[%swap3A_501, %swap3A_502] {strides = array<i32>} : memref<16x128xf32, #tpu.memory_space<vmem>>, vector<1x16xf32>,
      %swap3A_504 = vector.shape_cast %swap3A_503 : vector<1x16xf32> to vector<16xf32>
      %swap3A_505 = vector.shape_cast %scan3A_494#1 : vector<16xf32> to vector<1x16xf32>
      tpu.vector_store %arg9[%swap3A_501, %swap3A_502], %swap3A_505 {strides = array<i32>} : memref<16x128xf32, #tpu.memory_space<vmem>>, vector<1x16xf32>,
      %swap3A_506 = arith.index_cast %scan3A_416 : i32 to index
      %swap3A_507 = arith.constant 32 : index
      %swap3A_508 = tpu.vector_load %arg9[%swap3A_506, %swap3A_507] {strides = array<i32>} : memref<16x128xf32, #tpu.memory_space<vmem>>, vector<1x16xf32>,
      %swap3A_509 = vector.shape_cast %swap3A_508 : vector<1x16xf32> to vector<16xf32>
      %swap3A_510 = vector.shape_cast %scan3A_494#2 : vector<16xf32> to vector<1x16xf32>
      tpu.vector_store %arg9[%swap3A_506, %swap3A_507], %swap3A_510 {strides = array<i32>} : memref<16x128xf32, #tpu.memory_space<vmem>>, vector<1x16xf32>,
      %swap3A_511 = arith.index_cast %scan3A_416 : i32 to index
      %swap3A_512 = arith.constant 48 : index
      %swap3A_513 = tpu.vector_load %arg9[%swap3A_511, %swap3A_512] {strides = array<i32>} : memref<16x128xf32, #tpu.memory_space<vmem>>, vector<1x16xf32>,
      %swap3A_514 = vector.shape_cast %swap3A_513 : vector<1x16xf32> to vector<16xf32>
      %swap3A_515 = vector.shape_cast %scan3A_494#3 : vector<16xf32> to vector<1x16xf32>
      tpu.vector_store %arg9[%swap3A_511, %swap3A_512], %swap3A_515 {strides = array<i32>} : memref<16x128xf32, #tpu.memory_space<vmem>>, vector<1x16xf32>,
      %swap3A_516 = arith.index_cast %scan3A_416 : i32 to index
      %swap3A_517 = arith.constant 64 : index
      %swap3A_518 = tpu.vector_load %arg9[%swap3A_516, %swap3A_517] {strides = array<i32>} : memref<16x128xf32, #tpu.memory_space<vmem>>, vector<1x16xf32>,
      %swap3A_519 = vector.shape_cast %swap3A_518 : vector<1x16xf32> to vector<16xf32>
      %swap3A_520 = vector.shape_cast %scan3A_494#4 : vector<16xf32> to vector<1x16xf32>
      tpu.vector_store %arg9[%swap3A_516, %swap3A_517], %swap3A_520 {strides = array<i32>} : memref<16x128xf32, #tpu.memory_space<vmem>>, vector<1x16xf32>,
      %swap3A_521 = arith.index_cast %scan3A_416 : i32 to index
      %swap3A_522 = arith.constant 80 : index
      %swap3A_523 = tpu.vector_load %arg9[%swap3A_521, %swap3A_522] {strides = array<i32>} : memref<16x128xf32, #tpu.memory_space<vmem>>, vector<1x16xf32>,
      %swap3A_524 = vector.shape_cast %swap3A_523 : vector<1x16xf32> to vector<16xf32>
      %swap3A_525 = vector.shape_cast %scan3A_494#5 : vector<16xf32> to vector<1x16xf32>
      tpu.vector_store %arg9[%swap3A_521, %swap3A_522], %swap3A_525 {strides = array<i32>} : memref<16x128xf32, #tpu.memory_space<vmem>>, vector<1x16xf32>,
      %swap3A_526 = arith.index_cast %scan3A_416 : i32 to index
      %swap3A_527 = arith.constant 96 : index
      %swap3A_528 = tpu.vector_load %arg9[%swap3A_526, %swap3A_527] {strides = array<i32>} : memref<16x128xf32, #tpu.memory_space<vmem>>, vector<1x16xf32>,
      %swap3A_529 = vector.shape_cast %swap3A_528 : vector<1x16xf32> to vector<16xf32>
      %swap3A_530 = vector.shape_cast %scan3A_494#6 : vector<16xf32> to vector<1x16xf32>
      tpu.vector_store %arg9[%swap3A_526, %swap3A_527], %swap3A_530 {strides = array<i32>} : memref<16x128xf32, #tpu.memory_space<vmem>>, vector<1x16xf32>,
      %swap3A_531 = arith.index_cast %scan3A_416 : i32 to index
      %swap3A_532 = arith.constant 112 : index
      %swap3A_533 = tpu.vector_load %arg9[%swap3A_531, %swap3A_532] {strides = array<i32>} : memref<16x128xf32, #tpu.memory_space<vmem>>, vector<1x16xf32>,
      %swap3A_534 = vector.shape_cast %swap3A_533 : vector<1x16xf32> to vector<16xf32>
      %swap3A_535 = vector.shape_cast %scan3A_494#7 : vector<16xf32> to vector<1x16xf32>
      tpu.vector_store %arg9[%swap3A_531, %swap3A_532], %swap3A_535 {strides = array<i32>} : memref<16x128xf32, #tpu.memory_space<vmem>>, vector<1x16xf32>,
      scf.yield %scan3A_494#8, %scan3A_494#9, %scan3A_494#10, %scan3A_494#11, %scan3A_494#12, %scan3A_494#13, %scan3A_494#14, %scan3A_494#15, %scan3A_494#16, %scan3A_494#17, %scan3A_494#18, %scan3A_494#19, %scan3A_494#20, %scan3A_494#21, %scan3A_494#22, %scan3A_494#23 : vector<16xf32>, vector<16xf32>, vector<16xf32>, vector<16xf32>, vector<16xf32>, vector<16xf32>, vector<16xf32>, vector<16xf32>, vector<16xf32>, vector<16xf32>, vector<16xf32>, vector<16xf32>, vector<16xf32>, vector<16xf32>, vector<16xf32>, vector<16xf32>
    }
    %scan3A_281 = arith.constant 16 : i32
    %mul3A_282 = arith.constant 256 : i32
    %mul3A_283 = arith.muli %add3A, %mul3A_282 : i32
    %add3A_284 = arith.constant 208 : i32
    %add3A_285 = arith.addi %mul3A_283, %add3A_284 : i32
    "tpu.region"() ({
      %run_scoped3A = tpu.sem_alloc : memref<!tpu.dma_semaphore, #tpu.memory_space<semaphore_mem>>
      %dma_start3A_416 = arith.constant 0 : i32
      %dma_start3A_417 = tpu.memref_slice %arg4[%add3A_285, %dma_start3A_416] : memref<8192x128xf32, #tpu.memory_space<hbm>> -> memref<16x128xf32, #tpu.memory_space<hbm>>
      %dma_start3A_418 = arith.constant 0 : i32
      %dma_start3A_419 = tpu.memref_slice %arg4[%add3A_285, %dma_start3A_418] : memref<8192x128xf32, #tpu.memory_space<hbm>> -> memref<16x128xf32, #tpu.memory_space<hbm>>
      tpu.enqueue_dma source(%arg9 : memref<16x128xf32, #tpu.memory_space<vmem>>) target(%dma_start3A_419 : memref<16x128xf32, #tpu.memory_space<hbm>>) target_semaphore(%run_scoped3A : memref<!tpu.dma_semaphore, #tpu.memory_space<semaphore_mem>>)
      %dma_wait3A_420 = arith.constant 0 : i32
      %dma_wait3A_421 = tpu.memref_slice %arg4[%add3A_285, %dma_wait3A_420] : memref<8192x128xf32, #tpu.memory_space<hbm>> -> memref<16x128xf32, #tpu.memory_space<hbm>>
      %dma_wait3A_422 = arith.constant 0 : i32
      %dma_wait3A_423 = tpu.memref_slice %arg4[%add3A_285, %dma_wait3A_422] : memref<8192x128xf32, #tpu.memory_space<hbm>> -> memref<16x128xf32, #tpu.memory_space<hbm>>
      tpu.wait_dma2 semaphore(%run_scoped3A : memref<!tpu.dma_semaphore, #tpu.memory_space<semaphore_mem>>) src(%arg9 : memref<16x128xf32, #tpu.memory_space<vmem>>) dst(%dma_wait3A_423 : memref<16x128xf32, #tpu.memory_space<hbm>>)
      tpu.yield
    }) : () -> ()
    %dma_start3A_286 = arith.constant 3840 : i32
    %dma_start3A_287 = tpu.memref_slice %arg6[%dma_start3A_286] : memref<4096xi32, #tpu.memory_space<vmem>> -> memref<256xi32, #tpu.memory_space<vmem>>
    %dma_start3A_288 = arith.constant 0 : i32
    %dma_start3A_289 = arith.constant 0 : i32
    %dma_start3A_290 = tpu.memref_slice %arg2[%dma_start3A_288, %dma_start3A_289] : memref<16384x128xf32, #tpu.memory_space<hbm>> -> memref<16384x128xf32, #tpu.memory_space<hbm>>
    tpu.enqueue_indirect_dma source(%dma_start3A_290 : memref<16384x128xf32, #tpu.memory_space<hbm>>) target(%arg8 : memref<256x128xf32, #tpu.memory_space<vmem>>) offsets(%dma_start3A_287 : memref<256xi32, #tpu.memory_space<vmem>>) semaphore(%arg12 : memref<!tpu.dma_semaphore, #tpu.memory_space<semaphore_mem>>)
    %dma_wait3A_291 = arith.constant 3584 : i32
    %dma_wait3A_292 = tpu.memref_slice %arg6[%dma_wait3A_291] : memref<4096xi32, #tpu.memory_space<vmem>> -> memref<256xi32, #tpu.memory_space<vmem>>
    %dma_wait3A_293 = arith.constant 0 : i32
    %dma_wait3A_294 = arith.constant 0 : i32
    %dma_wait3A_295 = tpu.memref_slice %arg2[%dma_wait3A_293, %dma_wait3A_294] : memref<16384x128xf32, #tpu.memory_space<hbm>> -> memref<16384x128xf32, #tpu.memory_space<hbm>>
    tpu.wait_indirect_dma semaphore(%arg11 : memref<!tpu.dma_semaphore, #tpu.memory_space<semaphore_mem>>) src(%dma_wait3A_295 : memref<16384x128xf32, #tpu.memory_space<hbm>>) dst(%arg7 : memref<256x128xf32, #tpu.memory_space<vmem>>)
    %scan3A_296 = arith.constant 0 : i32
    %scan3A_297 = arith.constant 16 : i32
    %scan3A_298 = arith.addi %scan3A_296, %scan3A_297 : i32
    %scan3A_299 = arith.constant 1 : i32
    %scan3A_300:16 = scf.for %scan3A_416 = %scan3A_296 to %scan3A_298 step %scan3A_299 iter_args(%scan3A_417 = %scan3A_280#0, %scan3A_418 = %scan3A_280#1, %scan3A_419 = %scan3A_280#2, %scan3A_420 = %scan3A_280#3, %scan3A_421 = %scan3A_280#4, %scan3A_422 = %scan3A_280#5, %scan3A_423 = %scan3A_280#6, %scan3A_424 = %scan3A_280#7, %scan3A_425 = %scan3A_280#8, %scan3A_426 = %scan3A_280#9, %scan3A_427 = %scan3A_280#10, %scan3A_428 = %scan3A_280#11, %scan3A_429 = %scan3A_280#12, %scan3A_430 = %scan3A_280#13, %scan3A_431 = %scan3A_280#14, %scan3A_432 = %scan3A_280#15) -> (vector<16xf32>, vector<16xf32>, vector<16xf32>, vector<16xf32>, vector<16xf32>, vector<16xf32>, vector<16xf32>, vector<16xf32>, vector<16xf32>, vector<16xf32>, vector<16xf32>, vector<16xf32>, vector<16xf32>, vector<16xf32>, vector<16xf32>, vector<16xf32>)  : i32 {
      %mul3A_433 = arith.constant 16 : i32
      %mul3A_434 = arith.muli %scan3A_416, %mul3A_433 : i32
      %get3A = arith.index_cast %mul3A_434 : i32 to index
      %get3A_435 = arith.constant 0 : index
      %get3A_436 = tpu.vector_load %arg7[%get3A, %get3A_435] {strides = array<i32>} : memref<256x128xf32, #tpu.memory_space<vmem>>, vector<1x16xf32>,
      %get3A_437 = vector.shape_cast %get3A_436 : vector<1x16xf32> to vector<16xf32>
      %get3A_438 = arith.index_cast %mul3A_434 : i32 to index
      %get3A_439 = arith.constant 16 : index
      %get3A_440 = tpu.vector_load %arg7[%get3A_438, %get3A_439] {strides = array<i32>} : memref<256x128xf32, #tpu.memory_space<vmem>>, vector<1x16xf32>,
      %get3A_441 = vector.shape_cast %get3A_440 : vector<1x16xf32> to vector<16xf32>
      %get3A_442 = arith.index_cast %mul3A_434 : i32 to index
      %get3A_443 = arith.constant 32 : index
      %get3A_444 = tpu.vector_load %arg7[%get3A_442, %get3A_443] {strides = array<i32>} : memref<256x128xf32, #tpu.memory_space<vmem>>, vector<1x16xf32>,
      %get3A_445 = vector.shape_cast %get3A_444 : vector<1x16xf32> to vector<16xf32>
      %get3A_446 = arith.index_cast %mul3A_434 : i32 to index
      %get3A_447 = arith.constant 48 : index
      %get3A_448 = tpu.vector_load %arg7[%get3A_446, %get3A_447] {strides = array<i32>} : memref<256x128xf32, #tpu.memory_space<vmem>>, vector<1x16xf32>,
      %get3A_449 = vector.shape_cast %get3A_448 : vector<1x16xf32> to vector<16xf32>
      %get3A_450 = arith.index_cast %mul3A_434 : i32 to index
      %get3A_451 = arith.constant 64 : index
      %get3A_452 = tpu.vector_load %arg7[%get3A_450, %get3A_451] {strides = array<i32>} : memref<256x128xf32, #tpu.memory_space<vmem>>, vector<1x16xf32>,
      %get3A_453 = vector.shape_cast %get3A_452 : vector<1x16xf32> to vector<16xf32>
      %get3A_454 = arith.index_cast %mul3A_434 : i32 to index
      %get3A_455 = arith.constant 80 : index
      %get3A_456 = tpu.vector_load %arg7[%get3A_454, %get3A_455] {strides = array<i32>} : memref<256x128xf32, #tpu.memory_space<vmem>>, vector<1x16xf32>,
      %get3A_457 = vector.shape_cast %get3A_456 : vector<1x16xf32> to vector<16xf32>
      %get3A_458 = arith.index_cast %mul3A_434 : i32 to index
      %get3A_459 = arith.constant 96 : index
      %get3A_460 = tpu.vector_load %arg7[%get3A_458, %get3A_459] {strides = array<i32>} : memref<256x128xf32, #tpu.memory_space<vmem>>, vector<1x16xf32>,
      %get3A_461 = vector.shape_cast %get3A_460 : vector<1x16xf32> to vector<16xf32>
      %get3A_462 = arith.index_cast %mul3A_434 : i32 to index
      %get3A_463 = arith.constant 112 : index
      %get3A_464 = tpu.vector_load %arg7[%get3A_462, %get3A_463] {strides = array<i32>} : memref<256x128xf32, #tpu.memory_space<vmem>>, vector<1x16xf32>,
      %get3A_465 = vector.shape_cast %get3A_464 : vector<1x16xf32> to vector<16xf32>
      %add3A_466 = arith.addf %scan3A_417, %get3A_437 : vector<16xf32>
      %add3A_467 = arith.addf %scan3A_418, %get3A_441 : vector<16xf32>
      %add3A_468 = arith.addf %scan3A_419, %get3A_445 : vector<16xf32>
      %add3A_469 = arith.addf %scan3A_420, %get3A_449 : vector<16xf32>
      %add3A_470 = arith.addf %scan3A_421, %get3A_453 : vector<16xf32>
      %add3A_471 = arith.addf %scan3A_422, %get3A_457 : vector<16xf32>
      %add3A_472 = arith.addf %scan3A_423, %get3A_461 : vector<16xf32>
      %add3A_473 = arith.addf %scan3A_424, %get3A_465 : vector<16xf32>
      %mul3A_474 = arith.mulf %get3A_437, %get3A_437 : vector<16xf32>
      %add3A_475 = arith.addf %scan3A_425, %mul3A_474 : vector<16xf32>
      %mul3A_476 = arith.mulf %get3A_441, %get3A_441 : vector<16xf32>
      %add3A_477 = arith.addf %scan3A_426, %mul3A_476 : vector<16xf32>
      %mul3A_478 = arith.mulf %get3A_445, %get3A_445 : vector<16xf32>
      %add3A_479 = arith.addf %scan3A_427, %mul3A_478 : vector<16xf32>
      %mul3A_480 = arith.mulf %get3A_449, %get3A_449 : vector<16xf32>
      %add3A_481 = arith.addf %scan3A_428, %mul3A_480 : vector<16xf32>
      %mul3A_482 = arith.mulf %get3A_453, %get3A_453 : vector<16xf32>
      %add3A_483 = arith.addf %scan3A_429, %mul3A_482 : vector<16xf32>
      %mul3A_484 = arith.mulf %get3A_457, %get3A_457 : vector<16xf32>
      %add3A_485 = arith.addf %scan3A_430, %mul3A_484 : vector<16xf32>
      %mul3A_486 = arith.mulf %get3A_461, %get3A_461 : vector<16xf32>
      %add3A_487 = arith.addf %scan3A_431, %mul3A_486 : vector<16xf32>
      %mul3A_488 = arith.mulf %get3A_465, %get3A_465 : vector<16xf32>
      %add3A_489 = arith.addf %scan3A_432, %mul3A_488 : vector<16xf32>
      %scan3A_490 = arith.constant 1 : i32
      %scan3A_491 = arith.constant 15 : i32
      %scan3A_492 = arith.addi %scan3A_490, %scan3A_491 : i32
      %scan3A_493 = arith.constant 1 : i32
      %scan3A_494:24 = scf.for %scan3A_536 = %scan3A_490 to %scan3A_492 step %scan3A_493 iter_args(%scan3A_537 = %get3A_437, %scan3A_538 = %get3A_441, %scan3A_539 = %get3A_445, %scan3A_540 = %get3A_449, %scan3A_541 = %get3A_453, %scan3A_542 = %get3A_457, %scan3A_543 = %get3A_461, %scan3A_544 = %get3A_465, %scan3A_545 = %add3A_466, %scan3A_546 = %add3A_467, %scan3A_547 = %add3A_468, %scan3A_548 = %add3A_469, %scan3A_549 = %add3A_470, %scan3A_550 = %add3A_471, %scan3A_551 = %add3A_472, %scan3A_552 = %add3A_473, %scan3A_553 = %add3A_475, %scan3A_554 = %add3A_477, %scan3A_555 = %add3A_479, %scan3A_556 = %add3A_481, %scan3A_557 = %add3A_483, %scan3A_558 = %add3A_485, %scan3A_559 = %add3A_487, %scan3A_560 = %add3A_489) -> (vector<16xf32>, vector<16xf32>, vector<16xf32>, vector<16xf32>, vector<16xf32>, vector<16xf32>, vector<16xf32>, vector<16xf32>, vector<16xf32>, vector<16xf32>, vector<16xf32>, vector<16xf32>, vector<16xf32>, vector<16xf32>, vector<16xf32>, vector<16xf32>, vector<16xf32>, vector<16xf32>, vector<16xf32>, vector<16xf32>, vector<16xf32>, vector<16xf32>, vector<16xf32>, vector<16xf32>)  : i32 {
        %add3A_561 = arith.addi %mul3A_434, %scan3A_536 : i32
        %get3A_562 = arith.index_cast %add3A_561 : i32 to index
        %get3A_563 = arith.constant 0 : index
        %get3A_564 = tpu.vector_load %arg7[%get3A_562, %get3A_563] {strides = array<i32>} : memref<256x128xf32, #tpu.memory_space<vmem>>, vector<1x16xf32>,
        %get3A_565 = vector.shape_cast %get3A_564 : vector<1x16xf32> to vector<16xf32>
        %add3A_566 = arith.addi %mul3A_434, %scan3A_536 : i32
        %get3A_567 = arith.index_cast %add3A_566 : i32 to index
        %get3A_568 = arith.constant 16 : index
        %get3A_569 = tpu.vector_load %arg7[%get3A_567, %get3A_568] {strides = array<i32>} : memref<256x128xf32, #tpu.memory_space<vmem>>, vector<1x16xf32>,
        %get3A_570 = vector.shape_cast %get3A_569 : vector<1x16xf32> to vector<16xf32>
        %add3A_571 = arith.addi %mul3A_434, %scan3A_536 : i32
        %get3A_572 = arith.index_cast %add3A_571 : i32 to index
        %get3A_573 = arith.constant 32 : index
        %get3A_574 = tpu.vector_load %arg7[%get3A_572, %get3A_573] {strides = array<i32>} : memref<256x128xf32, #tpu.memory_space<vmem>>, vector<1x16xf32>,
        %get3A_575 = vector.shape_cast %get3A_574 : vector<1x16xf32> to vector<16xf32>
        %add3A_576 = arith.addi %mul3A_434, %scan3A_536 : i32
        %get3A_577 = arith.index_cast %add3A_576 : i32 to index
        %get3A_578 = arith.constant 48 : index
        %get3A_579 = tpu.vector_load %arg7[%get3A_577, %get3A_578] {strides = array<i32>} : memref<256x128xf32, #tpu.memory_space<vmem>>, vector<1x16xf32>,
        %get3A_580 = vector.shape_cast %get3A_579 : vector<1x16xf32> to vector<16xf32>
        %add3A_581 = arith.addi %mul3A_434, %scan3A_536 : i32
        %get3A_582 = arith.index_cast %add3A_581 : i32 to index
        %get3A_583 = arith.constant 64 : index
        %get3A_584 = tpu.vector_load %arg7[%get3A_582, %get3A_583] {strides = array<i32>} : memref<256x128xf32, #tpu.memory_space<vmem>>, vector<1x16xf32>,
        %get3A_585 = vector.shape_cast %get3A_584 : vector<1x16xf32> to vector<16xf32>
        %add3A_586 = arith.addi %mul3A_434, %scan3A_536 : i32
        %get3A_587 = arith.index_cast %add3A_586 : i32 to index
        %get3A_588 = arith.constant 80 : index
        %get3A_589 = tpu.vector_load %arg7[%get3A_587, %get3A_588] {strides = array<i32>} : memref<256x128xf32, #tpu.memory_space<vmem>>, vector<1x16xf32>,
        %get3A_590 = vector.shape_cast %get3A_589 : vector<1x16xf32> to vector<16xf32>
        %add3A_591 = arith.addi %mul3A_434, %scan3A_536 : i32
        %get3A_592 = arith.index_cast %add3A_591 : i32 to index
        %get3A_593 = arith.constant 96 : index
        %get3A_594 = tpu.vector_load %arg7[%get3A_592, %get3A_593] {strides = array<i32>} : memref<256x128xf32, #tpu.memory_space<vmem>>, vector<1x16xf32>,
        %get3A_595 = vector.shape_cast %get3A_594 : vector<1x16xf32> to vector<16xf32>
        %add3A_596 = arith.addi %mul3A_434, %scan3A_536 : i32
        %get3A_597 = arith.index_cast %add3A_596 : i32 to index
        %get3A_598 = arith.constant 112 : index
        %get3A_599 = tpu.vector_load %arg7[%get3A_597, %get3A_598] {strides = array<i32>} : memref<256x128xf32, #tpu.memory_space<vmem>>, vector<1x16xf32>,
        %get3A_600 = vector.shape_cast %get3A_599 : vector<1x16xf32> to vector<16xf32>
        %max3A = arith.maximumf %scan3A_537, %get3A_565 : vector<16xf32>
        %max3A_601 = arith.maximumf %scan3A_538, %get3A_570 : vector<16xf32>
        %max3A_602 = arith.maximumf %scan3A_539, %get3A_575 : vector<16xf32>
        %max3A_603 = arith.maximumf %scan3A_540, %get3A_580 : vector<16xf32>
        %max3A_604 = arith.maximumf %scan3A_541, %get3A_585 : vector<16xf32>
        %max3A_605 = arith.maximumf %scan3A_542, %get3A_590 : vector<16xf32>
        %max3A_606 = arith.maximumf %scan3A_543, %get3A_595 : vector<16xf32>
        %max3A_607 = arith.maximumf %scan3A_544, %get3A_600 : vector<16xf32>
        %add3A_608 = arith.addf %scan3A_545, %get3A_565 : vector<16xf32>
        %add3A_609 = arith.addf %scan3A_546, %get3A_570 : vector<16xf32>
        %add3A_610 = arith.addf %scan3A_547, %get3A_575 : vector<16xf32>
        %add3A_611 = arith.addf %scan3A_548, %get3A_580 : vector<16xf32>
        %add3A_612 = arith.addf %scan3A_549, %get3A_585 : vector<16xf32>
        %add3A_613 = arith.addf %scan3A_550, %get3A_590 : vector<16xf32>
        %add3A_614 = arith.addf %scan3A_551, %get3A_595 : vector<16xf32>
        %add3A_615 = arith.addf %scan3A_552, %get3A_600 : vector<16xf32>
        %mul3A_616 = arith.mulf %get3A_565, %get3A_565 : vector<16xf32>
        %add3A_617 = arith.addf %scan3A_553, %mul3A_616 : vector<16xf32>
        %mul3A_618 = arith.mulf %get3A_570, %get3A_570 : vector<16xf32>
        %add3A_619 = arith.addf %scan3A_554, %mul3A_618 : vector<16xf32>
        %mul3A_620 = arith.mulf %get3A_575, %get3A_575 : vector<16xf32>
        %add3A_621 = arith.addf %scan3A_555, %mul3A_620 : vector<16xf32>
        %mul3A_622 = arith.mulf %get3A_580, %get3A_580 : vector<16xf32>
        %add3A_623 = arith.addf %scan3A_556, %mul3A_622 : vector<16xf32>
        %mul3A_624 = arith.mulf %get3A_585, %get3A_585 : vector<16xf32>
        %add3A_625 = arith.addf %scan3A_557, %mul3A_624 : vector<16xf32>
        %mul3A_626 = arith.mulf %get3A_590, %get3A_590 : vector<16xf32>
        %add3A_627 = arith.addf %scan3A_558, %mul3A_626 : vector<16xf32>
        %mul3A_628 = arith.mulf %get3A_595, %get3A_595 : vector<16xf32>
        %add3A_629 = arith.addf %scan3A_559, %mul3A_628 : vector<16xf32>
        %mul3A_630 = arith.mulf %get3A_600, %get3A_600 : vector<16xf32>
        %add3A_631 = arith.addf %scan3A_560, %mul3A_630 : vector<16xf32>
        scf.yield %max3A, %max3A_601, %max3A_602, %max3A_603, %max3A_604, %max3A_605, %max3A_606, %max3A_607, %add3A_608, %add3A_609, %add3A_610, %add3A_611, %add3A_612, %add3A_613, %add3A_614, %add3A_615, %add3A_617, %add3A_619, %add3A_621, %add3A_623, %add3A_625, %add3A_627, %add3A_629, %add3A_631 : vector<16xf32>, vector<16xf32>, vector<16xf32>, vector<16xf32>, vector<16xf32>, vector<16xf32>, vector<16xf32>, vector<16xf32>, vector<16xf32>, vector<16xf32>, vector<16xf32>, vector<16xf32>, vector<16xf32>, vector<16xf32>, vector<16xf32>, vector<16xf32>, vector<16xf32>, vector<16xf32>, vector<16xf32>, vector<16xf32>, vector<16xf32>, vector<16xf32>, vector<16xf32>, vector<16xf32>
      }
      %scan3A_495 = arith.constant 15 : i32
      %swap3A_496 = arith.index_cast %scan3A_416 : i32 to index
      %swap3A_497 = arith.constant 0 : index
      %swap3A_498 = tpu.vector_load %arg9[%swap3A_496, %swap3A_497] {strides = array<i32>} : memref<16x128xf32, #tpu.memory_space<vmem>>, vector<1x16xf32>,
      %swap3A_499 = vector.shape_cast %swap3A_498 : vector<1x16xf32> to vector<16xf32>
      %swap3A_500 = vector.shape_cast %scan3A_494#0 : vector<16xf32> to vector<1x16xf32>
      tpu.vector_store %arg9[%swap3A_496, %swap3A_497], %swap3A_500 {strides = array<i32>} : memref<16x128xf32, #tpu.memory_space<vmem>>, vector<1x16xf32>,
      %swap3A_501 = arith.index_cast %scan3A_416 : i32 to index
      %swap3A_502 = arith.constant 16 : index
      %swap3A_503 = tpu.vector_load %arg9[%swap3A_501, %swap3A_502] {strides = array<i32>} : memref<16x128xf32, #tpu.memory_space<vmem>>, vector<1x16xf32>,
      %swap3A_504 = vector.shape_cast %swap3A_503 : vector<1x16xf32> to vector<16xf32>
      %swap3A_505 = vector.shape_cast %scan3A_494#1 : vector<16xf32> to vector<1x16xf32>
      tpu.vector_store %arg9[%swap3A_501, %swap3A_502], %swap3A_505 {strides = array<i32>} : memref<16x128xf32, #tpu.memory_space<vmem>>, vector<1x16xf32>,
      %swap3A_506 = arith.index_cast %scan3A_416 : i32 to index
      %swap3A_507 = arith.constant 32 : index
      %swap3A_508 = tpu.vector_load %arg9[%swap3A_506, %swap3A_507] {strides = array<i32>} : memref<16x128xf32, #tpu.memory_space<vmem>>, vector<1x16xf32>,
      %swap3A_509 = vector.shape_cast %swap3A_508 : vector<1x16xf32> to vector<16xf32>
      %swap3A_510 = vector.shape_cast %scan3A_494#2 : vector<16xf32> to vector<1x16xf32>
      tpu.vector_store %arg9[%swap3A_506, %swap3A_507], %swap3A_510 {strides = array<i32>} : memref<16x128xf32, #tpu.memory_space<vmem>>, vector<1x16xf32>,
      %swap3A_511 = arith.index_cast %scan3A_416 : i32 to index
      %swap3A_512 = arith.constant 48 : index
      %swap3A_513 = tpu.vector_load %arg9[%swap3A_511, %swap3A_512] {strides = array<i32>} : memref<16x128xf32, #tpu.memory_space<vmem>>, vector<1x16xf32>,
      %swap3A_514 = vector.shape_cast %swap3A_513 : vector<1x16xf32> to vector<16xf32>
      %swap3A_515 = vector.shape_cast %scan3A_494#3 : vector<16xf32> to vector<1x16xf32>
      tpu.vector_store %arg9[%swap3A_511, %swap3A_512], %swap3A_515 {strides = array<i32>} : memref<16x128xf32, #tpu.memory_space<vmem>>, vector<1x16xf32>,
      %swap3A_516 = arith.index_cast %scan3A_416 : i32 to index
      %swap3A_517 = arith.constant 64 : index
      %swap3A_518 = tpu.vector_load %arg9[%swap3A_516, %swap3A_517] {strides = array<i32>} : memref<16x128xf32, #tpu.memory_space<vmem>>, vector<1x16xf32>,
      %swap3A_519 = vector.shape_cast %swap3A_518 : vector<1x16xf32> to vector<16xf32>
      %swap3A_520 = vector.shape_cast %scan3A_494#4 : vector<16xf32> to vector<1x16xf32>
      tpu.vector_store %arg9[%swap3A_516, %swap3A_517], %swap3A_520 {strides = array<i32>} : memref<16x128xf32, #tpu.memory_space<vmem>>, vector<1x16xf32>,
      %swap3A_521 = arith.index_cast %scan3A_416 : i32 to index
      %swap3A_522 = arith.constant 80 : index
      %swap3A_523 = tpu.vector_load %arg9[%swap3A_521, %swap3A_522] {strides = array<i32>} : memref<16x128xf32, #tpu.memory_space<vmem>>, vector<1x16xf32>,
      %swap3A_524 = vector.shape_cast %swap3A_523 : vector<1x16xf32> to vector<16xf32>
      %swap3A_525 = vector.shape_cast %scan3A_494#5 : vector<16xf32> to vector<1x16xf32>
      tpu.vector_store %arg9[%swap3A_521, %swap3A_522], %swap3A_525 {strides = array<i32>} : memref<16x128xf32, #tpu.memory_space<vmem>>, vector<1x16xf32>,
      %swap3A_526 = arith.index_cast %scan3A_416 : i32 to index
      %swap3A_527 = arith.constant 96 : index
      %swap3A_528 = tpu.vector_load %arg9[%swap3A_526, %swap3A_527] {strides = array<i32>} : memref<16x128xf32, #tpu.memory_space<vmem>>, vector<1x16xf32>,
      %swap3A_529 = vector.shape_cast %swap3A_528 : vector<1x16xf32> to vector<16xf32>
      %swap3A_530 = vector.shape_cast %scan3A_494#6 : vector<16xf32> to vector<1x16xf32>
      tpu.vector_store %arg9[%swap3A_526, %swap3A_527], %swap3A_530 {strides = array<i32>} : memref<16x128xf32, #tpu.memory_space<vmem>>, vector<1x16xf32>,
      %swap3A_531 = arith.index_cast %scan3A_416 : i32 to index
      %swap3A_532 = arith.constant 112 : index
      %swap3A_533 = tpu.vector_load %arg9[%swap3A_531, %swap3A_532] {strides = array<i32>} : memref<16x128xf32, #tpu.memory_space<vmem>>, vector<1x16xf32>,
      %swap3A_534 = vector.shape_cast %swap3A_533 : vector<1x16xf32> to vector<16xf32>
      %swap3A_535 = vector.shape_cast %scan3A_494#7 : vector<16xf32> to vector<1x16xf32>
      tpu.vector_store %arg9[%swap3A_531, %swap3A_532], %swap3A_535 {strides = array<i32>} : memref<16x128xf32, #tpu.memory_space<vmem>>, vector<1x16xf32>,
      scf.yield %scan3A_494#8, %scan3A_494#9, %scan3A_494#10, %scan3A_494#11, %scan3A_494#12, %scan3A_494#13, %scan3A_494#14, %scan3A_494#15, %scan3A_494#16, %scan3A_494#17, %scan3A_494#18, %scan3A_494#19, %scan3A_494#20, %scan3A_494#21, %scan3A_494#22, %scan3A_494#23 : vector<16xf32>, vector<16xf32>, vector<16xf32>, vector<16xf32>, vector<16xf32>, vector<16xf32>, vector<16xf32>, vector<16xf32>, vector<16xf32>, vector<16xf32>, vector<16xf32>, vector<16xf32>, vector<16xf32>, vector<16xf32>, vector<16xf32>, vector<16xf32>
    }
    %scan3A_301 = arith.constant 16 : i32
    %mul3A_302 = arith.constant 256 : i32
    %mul3A_303 = arith.muli %add3A, %mul3A_302 : i32
    %add3A_304 = arith.constant 224 : i32
    %add3A_305 = arith.addi %mul3A_303, %add3A_304 : i32
    "tpu.region"() ({
      %run_scoped3A = tpu.sem_alloc : memref<!tpu.dma_semaphore, #tpu.memory_space<semaphore_mem>>
      %dma_start3A_416 = arith.constant 0 : i32
      %dma_start3A_417 = tpu.memref_slice %arg4[%add3A_305, %dma_start3A_416] : memref<8192x128xf32, #tpu.memory_space<hbm>> -> memref<16x128xf32, #tpu.memory_space<hbm>>
      %dma_start3A_418 = arith.constant 0 : i32
      %dma_start3A_419 = tpu.memref_slice %arg4[%add3A_305, %dma_start3A_418] : memref<8192x128xf32, #tpu.memory_space<hbm>> -> memref<16x128xf32, #tpu.memory_space<hbm>>
      tpu.enqueue_dma source(%arg9 : memref<16x128xf32, #tpu.memory_space<vmem>>) target(%dma_start3A_419 : memref<16x128xf32, #tpu.memory_space<hbm>>) target_semaphore(%run_scoped3A : memref<!tpu.dma_semaphore, #tpu.memory_space<semaphore_mem>>)
      %dma_wait3A_420 = arith.constant 0 : i32
      %dma_wait3A_421 = tpu.memref_slice %arg4[%add3A_305, %dma_wait3A_420] : memref<8192x128xf32, #tpu.memory_space<hbm>> -> memref<16x128xf32, #tpu.memory_space<hbm>>
      %dma_wait3A_422 = arith.constant 0 : i32
      %dma_wait3A_423 = tpu.memref_slice %arg4[%add3A_305, %dma_wait3A_422] : memref<8192x128xf32, #tpu.memory_space<hbm>> -> memref<16x128xf32, #tpu.memory_space<hbm>>
      tpu.wait_dma2 semaphore(%run_scoped3A : memref<!tpu.dma_semaphore, #tpu.memory_space<semaphore_mem>>) src(%arg9 : memref<16x128xf32, #tpu.memory_space<vmem>>) dst(%dma_wait3A_423 : memref<16x128xf32, #tpu.memory_space<hbm>>)
      tpu.yield
    }) : () -> ()
    %dma_wait3A_306 = arith.constant 3840 : i32
    %dma_wait3A_307 = tpu.memref_slice %arg6[%dma_wait3A_306] : memref<4096xi32, #tpu.memory_space<vmem>> -> memref<256xi32, #tpu.memory_space<vmem>>
    %dma_wait3A_308 = arith.constant 0 : i32
    %dma_wait3A_309 = arith.constant 0 : i32
    %dma_wait3A_310 = tpu.memref_slice %arg2[%dma_wait3A_308, %dma_wait3A_309] : memref<16384x128xf32, #tpu.memory_space<hbm>> -> memref<16384x128xf32, #tpu.memory_space<hbm>>
    tpu.wait_indirect_dma semaphore(%arg12 : memref<!tpu.dma_semaphore, #tpu.memory_space<semaphore_mem>>) src(%dma_wait3A_310 : memref<16384x128xf32, #tpu.memory_space<hbm>>) dst(%arg8 : memref<256x128xf32, #tpu.memory_space<vmem>>)
    %scan3A_311 = arith.constant 0 : i32
    %scan3A_312 = arith.constant 16 : i32
    %scan3A_313 = arith.addi %scan3A_311, %scan3A_312 : i32
    %scan3A_314 = arith.constant 1 : i32
    %scan3A_315:16 = scf.for %scan3A_416 = %scan3A_311 to %scan3A_313 step %scan3A_314 iter_args(%scan3A_417 = %scan3A_300#0, %scan3A_418 = %scan3A_300#1, %scan3A_419 = %scan3A_300#2, %scan3A_420 = %scan3A_300#3, %scan3A_421 = %scan3A_300#4, %scan3A_422 = %scan3A_300#5, %scan3A_423 = %scan3A_300#6, %scan3A_424 = %scan3A_300#7, %scan3A_425 = %scan3A_300#8, %scan3A_426 = %scan3A_300#9, %scan3A_427 = %scan3A_300#10, %scan3A_428 = %scan3A_300#11, %scan3A_429 = %scan3A_300#12, %scan3A_430 = %scan3A_300#13, %scan3A_431 = %scan3A_300#14, %scan3A_432 = %scan3A_300#15) -> (vector<16xf32>, vector<16xf32>, vector<16xf32>, vector<16xf32>, vector<16xf32>, vector<16xf32>, vector<16xf32>, vector<16xf32>, vector<16xf32>, vector<16xf32>, vector<16xf32>, vector<16xf32>, vector<16xf32>, vector<16xf32>, vector<16xf32>, vector<16xf32>)  : i32 {
      %mul3A_433 = arith.constant 16 : i32
      %mul3A_434 = arith.muli %scan3A_416, %mul3A_433 : i32
      %get3A = arith.index_cast %mul3A_434 : i32 to index
      %get3A_435 = arith.constant 0 : index
      %get3A_436 = tpu.vector_load %arg8[%get3A, %get3A_435] {strides = array<i32>} : memref<256x128xf32, #tpu.memory_space<vmem>>, vector<1x16xf32>,
      %get3A_437 = vector.shape_cast %get3A_436 : vector<1x16xf32> to vector<16xf32>
      %get3A_438 = arith.index_cast %mul3A_434 : i32 to index
      %get3A_439 = arith.constant 16 : index
      %get3A_440 = tpu.vector_load %arg8[%get3A_438, %get3A_439] {strides = array<i32>} : memref<256x128xf32, #tpu.memory_space<vmem>>, vector<1x16xf32>,
      %get3A_441 = vector.shape_cast %get3A_440 : vector<1x16xf32> to vector<16xf32>
      %get3A_442 = arith.index_cast %mul3A_434 : i32 to index
      %get3A_443 = arith.constant 32 : index
      %get3A_444 = tpu.vector_load %arg8[%get3A_442, %get3A_443] {strides = array<i32>} : memref<256x128xf32, #tpu.memory_space<vmem>>, vector<1x16xf32>,
      %get3A_445 = vector.shape_cast %get3A_444 : vector<1x16xf32> to vector<16xf32>
      %get3A_446 = arith.index_cast %mul3A_434 : i32 to index
      %get3A_447 = arith.constant 48 : index
      %get3A_448 = tpu.vector_load %arg8[%get3A_446, %get3A_447] {strides = array<i32>} : memref<256x128xf32, #tpu.memory_space<vmem>>, vector<1x16xf32>,
      %get3A_449 = vector.shape_cast %get3A_448 : vector<1x16xf32> to vector<16xf32>
      %get3A_450 = arith.index_cast %mul3A_434 : i32 to index
      %get3A_451 = arith.constant 64 : index
      %get3A_452 = tpu.vector_load %arg8[%get3A_450, %get3A_451] {strides = array<i32>} : memref<256x128xf32, #tpu.memory_space<vmem>>, vector<1x16xf32>,
      %get3A_453 = vector.shape_cast %get3A_452 : vector<1x16xf32> to vector<16xf32>
      %get3A_454 = arith.index_cast %mul3A_434 : i32 to index
      %get3A_455 = arith.constant 80 : index
      %get3A_456 = tpu.vector_load %arg8[%get3A_454, %get3A_455] {strides = array<i32>} : memref<256x128xf32, #tpu.memory_space<vmem>>, vector<1x16xf32>,
      %get3A_457 = vector.shape_cast %get3A_456 : vector<1x16xf32> to vector<16xf32>
      %get3A_458 = arith.index_cast %mul3A_434 : i32 to index
      %get3A_459 = arith.constant 96 : index
      %get3A_460 = tpu.vector_load %arg8[%get3A_458, %get3A_459] {strides = array<i32>} : memref<256x128xf32, #tpu.memory_space<vmem>>, vector<1x16xf32>,
      %get3A_461 = vector.shape_cast %get3A_460 : vector<1x16xf32> to vector<16xf32>
      %get3A_462 = arith.index_cast %mul3A_434 : i32 to index
      %get3A_463 = arith.constant 112 : index
      %get3A_464 = tpu.vector_load %arg8[%get3A_462, %get3A_463] {strides = array<i32>} : memref<256x128xf32, #tpu.memory_space<vmem>>, vector<1x16xf32>,
      %get3A_465 = vector.shape_cast %get3A_464 : vector<1x16xf32> to vector<16xf32>
      %add3A_466 = arith.addf %scan3A_417, %get3A_437 : vector<16xf32>
      %add3A_467 = arith.addf %scan3A_418, %get3A_441 : vector<16xf32>
      %add3A_468 = arith.addf %scan3A_419, %get3A_445 : vector<16xf32>
      %add3A_469 = arith.addf %scan3A_420, %get3A_449 : vector<16xf32>
      %add3A_470 = arith.addf %scan3A_421, %get3A_453 : vector<16xf32>
      %add3A_471 = arith.addf %scan3A_422, %get3A_457 : vector<16xf32>
      %add3A_472 = arith.addf %scan3A_423, %get3A_461 : vector<16xf32>
      %add3A_473 = arith.addf %scan3A_424, %get3A_465 : vector<16xf32>
      %mul3A_474 = arith.mulf %get3A_437, %get3A_437 : vector<16xf32>
      %add3A_475 = arith.addf %scan3A_425, %mul3A_474 : vector<16xf32>
      %mul3A_476 = arith.mulf %get3A_441, %get3A_441 : vector<16xf32>
      %add3A_477 = arith.addf %scan3A_426, %mul3A_476 : vector<16xf32>
      %mul3A_478 = arith.mulf %get3A_445, %get3A_445 : vector<16xf32>
      %add3A_479 = arith.addf %scan3A_427, %mul3A_478 : vector<16xf32>
      %mul3A_480 = arith.mulf %get3A_449, %get3A_449 : vector<16xf32>
      %add3A_481 = arith.addf %scan3A_428, %mul3A_480 : vector<16xf32>
      %mul3A_482 = arith.mulf %get3A_453, %get3A_453 : vector<16xf32>
      %add3A_483 = arith.addf %scan3A_429, %mul3A_482 : vector<16xf32>
      %mul3A_484 = arith.mulf %get3A_457, %get3A_457 : vector<16xf32>
      %add3A_485 = arith.addf %scan3A_430, %mul3A_484 : vector<16xf32>
      %mul3A_486 = arith.mulf %get3A_461, %get3A_461 : vector<16xf32>
      %add3A_487 = arith.addf %scan3A_431, %mul3A_486 : vector<16xf32>
      %mul3A_488 = arith.mulf %get3A_465, %get3A_465 : vector<16xf32>
      %add3A_489 = arith.addf %scan3A_432, %mul3A_488 : vector<16xf32>
      %scan3A_490 = arith.constant 1 : i32
      %scan3A_491 = arith.constant 15 : i32
      %scan3A_492 = arith.addi %scan3A_490, %scan3A_491 : i32
      %scan3A_493 = arith.constant 1 : i32
      %scan3A_494:24 = scf.for %scan3A_536 = %scan3A_490 to %scan3A_492 step %scan3A_493 iter_args(%scan3A_537 = %get3A_437, %scan3A_538 = %get3A_441, %scan3A_539 = %get3A_445, %scan3A_540 = %get3A_449, %scan3A_541 = %get3A_453, %scan3A_542 = %get3A_457, %scan3A_543 = %get3A_461, %scan3A_544 = %get3A_465, %scan3A_545 = %add3A_466, %scan3A_546 = %add3A_467, %scan3A_547 = %add3A_468, %scan3A_548 = %add3A_469, %scan3A_549 = %add3A_470, %scan3A_550 = %add3A_471, %scan3A_551 = %add3A_472, %scan3A_552 = %add3A_473, %scan3A_553 = %add3A_475, %scan3A_554 = %add3A_477, %scan3A_555 = %add3A_479, %scan3A_556 = %add3A_481, %scan3A_557 = %add3A_483, %scan3A_558 = %add3A_485, %scan3A_559 = %add3A_487, %scan3A_560 = %add3A_489) -> (vector<16xf32>, vector<16xf32>, vector<16xf32>, vector<16xf32>, vector<16xf32>, vector<16xf32>, vector<16xf32>, vector<16xf32>, vector<16xf32>, vector<16xf32>, vector<16xf32>, vector<16xf32>, vector<16xf32>, vector<16xf32>, vector<16xf32>, vector<16xf32>, vector<16xf32>, vector<16xf32>, vector<16xf32>, vector<16xf32>, vector<16xf32>, vector<16xf32>, vector<16xf32>, vector<16xf32>)  : i32 {
        %add3A_561 = arith.addi %mul3A_434, %scan3A_536 : i32
        %get3A_562 = arith.index_cast %add3A_561 : i32 to index
        %get3A_563 = arith.constant 0 : index
        %get3A_564 = tpu.vector_load %arg8[%get3A_562, %get3A_563] {strides = array<i32>} : memref<256x128xf32, #tpu.memory_space<vmem>>, vector<1x16xf32>,
        %get3A_565 = vector.shape_cast %get3A_564 : vector<1x16xf32> to vector<16xf32>
        %add3A_566 = arith.addi %mul3A_434, %scan3A_536 : i32
        %get3A_567 = arith.index_cast %add3A_566 : i32 to index
        %get3A_568 = arith.constant 16 : index
        %get3A_569 = tpu.vector_load %arg8[%get3A_567, %get3A_568] {strides = array<i32>} : memref<256x128xf32, #tpu.memory_space<vmem>>, vector<1x16xf32>,
        %get3A_570 = vector.shape_cast %get3A_569 : vector<1x16xf32> to vector<16xf32>
        %add3A_571 = arith.addi %mul3A_434, %scan3A_536 : i32
        %get3A_572 = arith.index_cast %add3A_571 : i32 to index
        %get3A_573 = arith.constant 32 : index
        %get3A_574 = tpu.vector_load %arg8[%get3A_572, %get3A_573] {strides = array<i32>} : memref<256x128xf32, #tpu.memory_space<vmem>>, vector<1x16xf32>,
        %get3A_575 = vector.shape_cast %get3A_574 : vector<1x16xf32> to vector<16xf32>
        %add3A_576 = arith.addi %mul3A_434, %scan3A_536 : i32
        %get3A_577 = arith.index_cast %add3A_576 : i32 to index
        %get3A_578 = arith.constant 48 : index
        %get3A_579 = tpu.vector_load %arg8[%get3A_577, %get3A_578] {strides = array<i32>} : memref<256x128xf32, #tpu.memory_space<vmem>>, vector<1x16xf32>,
        %get3A_580 = vector.shape_cast %get3A_579 : vector<1x16xf32> to vector<16xf32>
        %add3A_581 = arith.addi %mul3A_434, %scan3A_536 : i32
        %get3A_582 = arith.index_cast %add3A_581 : i32 to index
        %get3A_583 = arith.constant 64 : index
        %get3A_584 = tpu.vector_load %arg8[%get3A_582, %get3A_583] {strides = array<i32>} : memref<256x128xf32, #tpu.memory_space<vmem>>, vector<1x16xf32>,
        %get3A_585 = vector.shape_cast %get3A_584 : vector<1x16xf32> to vector<16xf32>
        %add3A_586 = arith.addi %mul3A_434, %scan3A_536 : i32
        %get3A_587 = arith.index_cast %add3A_586 : i32 to index
        %get3A_588 = arith.constant 80 : index
        %get3A_589 = tpu.vector_load %arg8[%get3A_587, %get3A_588] {strides = array<i32>} : memref<256x128xf32, #tpu.memory_space<vmem>>, vector<1x16xf32>,
        %get3A_590 = vector.shape_cast %get3A_589 : vector<1x16xf32> to vector<16xf32>
        %add3A_591 = arith.addi %mul3A_434, %scan3A_536 : i32
        %get3A_592 = arith.index_cast %add3A_591 : i32 to index
        %get3A_593 = arith.constant 96 : index
        %get3A_594 = tpu.vector_load %arg8[%get3A_592, %get3A_593] {strides = array<i32>} : memref<256x128xf32, #tpu.memory_space<vmem>>, vector<1x16xf32>,
        %get3A_595 = vector.shape_cast %get3A_594 : vector<1x16xf32> to vector<16xf32>
        %add3A_596 = arith.addi %mul3A_434, %scan3A_536 : i32
        %get3A_597 = arith.index_cast %add3A_596 : i32 to index
        %get3A_598 = arith.constant 112 : index
        %get3A_599 = tpu.vector_load %arg8[%get3A_597, %get3A_598] {strides = array<i32>} : memref<256x128xf32, #tpu.memory_space<vmem>>, vector<1x16xf32>,
        %get3A_600 = vector.shape_cast %get3A_599 : vector<1x16xf32> to vector<16xf32>
        %max3A = arith.maximumf %scan3A_537, %get3A_565 : vector<16xf32>
        %max3A_601 = arith.maximumf %scan3A_538, %get3A_570 : vector<16xf32>
        %max3A_602 = arith.maximumf %scan3A_539, %get3A_575 : vector<16xf32>
        %max3A_603 = arith.maximumf %scan3A_540, %get3A_580 : vector<16xf32>
        %max3A_604 = arith.maximumf %scan3A_541, %get3A_585 : vector<16xf32>
        %max3A_605 = arith.maximumf %scan3A_542, %get3A_590 : vector<16xf32>
        %max3A_606 = arith.maximumf %scan3A_543, %get3A_595 : vector<16xf32>
        %max3A_607 = arith.maximumf %scan3A_544, %get3A_600 : vector<16xf32>
        %add3A_608 = arith.addf %scan3A_545, %get3A_565 : vector<16xf32>
        %add3A_609 = arith.addf %scan3A_546, %get3A_570 : vector<16xf32>
        %add3A_610 = arith.addf %scan3A_547, %get3A_575 : vector<16xf32>
        %add3A_611 = arith.addf %scan3A_548, %get3A_580 : vector<16xf32>
        %add3A_612 = arith.addf %scan3A_549, %get3A_585 : vector<16xf32>
        %add3A_613 = arith.addf %scan3A_550, %get3A_590 : vector<16xf32>
        %add3A_614 = arith.addf %scan3A_551, %get3A_595 : vector<16xf32>
        %add3A_615 = arith.addf %scan3A_552, %get3A_600 : vector<16xf32>
        %mul3A_616 = arith.mulf %get3A_565, %get3A_565 : vector<16xf32>
        %add3A_617 = arith.addf %scan3A_553, %mul3A_616 : vector<16xf32>
        %mul3A_618 = arith.mulf %get3A_570, %get3A_570 : vector<16xf32>
        %add3A_619 = arith.addf %scan3A_554, %mul3A_618 : vector<16xf32>
        %mul3A_620 = arith.mulf %get3A_575, %get3A_575 : vector<16xf32>
        %add3A_621 = arith.addf %scan3A_555, %mul3A_620 : vector<16xf32>
        %mul3A_622 = arith.mulf %get3A_580, %get3A_580 : vector<16xf32>
        %add3A_623 = arith.addf %scan3A_556, %mul3A_622 : vector<16xf32>
        %mul3A_624 = arith.mulf %get3A_585, %get3A_585 : vector<16xf32>
        %add3A_625 = arith.addf %scan3A_557, %mul3A_624 : vector<16xf32>
        %mul3A_626 = arith.mulf %get3A_590, %get3A_590 : vector<16xf32>
        %add3A_627 = arith.addf %scan3A_558, %mul3A_626 : vector<16xf32>
        %mul3A_628 = arith.mulf %get3A_595, %get3A_595 : vector<16xf32>
        %add3A_629 = arith.addf %scan3A_559, %mul3A_628 : vector<16xf32>
        %mul3A_630 = arith.mulf %get3A_600, %get3A_600 : vector<16xf32>
        %add3A_631 = arith.addf %scan3A_560, %mul3A_630 : vector<16xf32>
        scf.yield %max3A, %max3A_601, %max3A_602, %max3A_603, %max3A_604, %max3A_605, %max3A_606, %max3A_607, %add3A_608, %add3A_609, %add3A_610, %add3A_611, %add3A_612, %add3A_613, %add3A_614, %add3A_615, %add3A_617, %add3A_619, %add3A_621, %add3A_623, %add3A_625, %add3A_627, %add3A_629, %add3A_631 : vector<16xf32>, vector<16xf32>, vector<16xf32>, vector<16xf32>, vector<16xf32>, vector<16xf32>, vector<16xf32>, vector<16xf32>, vector<16xf32>, vector<16xf32>, vector<16xf32>, vector<16xf32>, vector<16xf32>, vector<16xf32>, vector<16xf32>, vector<16xf32>, vector<16xf32>, vector<16xf32>, vector<16xf32>, vector<16xf32>, vector<16xf32>, vector<16xf32>, vector<16xf32>, vector<16xf32>
      }
      %scan3A_495 = arith.constant 15 : i32
      %swap3A_496 = arith.index_cast %scan3A_416 : i32 to index
      %swap3A_497 = arith.constant 0 : index
      %swap3A_498 = tpu.vector_load %arg9[%swap3A_496, %swap3A_497] {strides = array<i32>} : memref<16x128xf32, #tpu.memory_space<vmem>>, vector<1x16xf32>,
      %swap3A_499 = vector.shape_cast %swap3A_498 : vector<1x16xf32> to vector<16xf32>
      %swap3A_500 = vector.shape_cast %scan3A_494#0 : vector<16xf32> to vector<1x16xf32>
      tpu.vector_store %arg9[%swap3A_496, %swap3A_497], %swap3A_500 {strides = array<i32>} : memref<16x128xf32, #tpu.memory_space<vmem>>, vector<1x16xf32>,
      %swap3A_501 = arith.index_cast %scan3A_416 : i32 to index
      %swap3A_502 = arith.constant 16 : index
      %swap3A_503 = tpu.vector_load %arg9[%swap3A_501, %swap3A_502] {strides = array<i32>} : memref<16x128xf32, #tpu.memory_space<vmem>>, vector<1x16xf32>,
      %swap3A_504 = vector.shape_cast %swap3A_503 : vector<1x16xf32> to vector<16xf32>
      %swap3A_505 = vector.shape_cast %scan3A_494#1 : vector<16xf32> to vector<1x16xf32>
      tpu.vector_store %arg9[%swap3A_501, %swap3A_502], %swap3A_505 {strides = array<i32>} : memref<16x128xf32, #tpu.memory_space<vmem>>, vector<1x16xf32>,
      %swap3A_506 = arith.index_cast %scan3A_416 : i32 to index
      %swap3A_507 = arith.constant 32 : index
      %swap3A_508 = tpu.vector_load %arg9[%swap3A_506, %swap3A_507] {strides = array<i32>} : memref<16x128xf32, #tpu.memory_space<vmem>>, vector<1x16xf32>,
      %swap3A_509 = vector.shape_cast %swap3A_508 : vector<1x16xf32> to vector<16xf32>
      %swap3A_510 = vector.shape_cast %scan3A_494#2 : vector<16xf32> to vector<1x16xf32>
      tpu.vector_store %arg9[%swap3A_506, %swap3A_507], %swap3A_510 {strides = array<i32>} : memref<16x128xf32, #tpu.memory_space<vmem>>, vector<1x16xf32>,
      %swap3A_511 = arith.index_cast %scan3A_416 : i32 to index
      %swap3A_512 = arith.constant 48 : index
      %swap3A_513 = tpu.vector_load %arg9[%swap3A_511, %swap3A_512] {strides = array<i32>} : memref<16x128xf32, #tpu.memory_space<vmem>>, vector<1x16xf32>,
      %swap3A_514 = vector.shape_cast %swap3A_513 : vector<1x16xf32> to vector<16xf32>
      %swap3A_515 = vector.shape_cast %scan3A_494#3 : vector<16xf32> to vector<1x16xf32>
      tpu.vector_store %arg9[%swap3A_511, %swap3A_512], %swap3A_515 {strides = array<i32>} : memref<16x128xf32, #tpu.memory_space<vmem>>, vector<1x16xf32>,
      %swap3A_516 = arith.index_cast %scan3A_416 : i32 to index
      %swap3A_517 = arith.constant 64 : index
      %swap3A_518 = tpu.vector_load %arg9[%swap3A_516, %swap3A_517] {strides = array<i32>} : memref<16x128xf32, #tpu.memory_space<vmem>>, vector<1x16xf32>,
      %swap3A_519 = vector.shape_cast %swap3A_518 : vector<1x16xf32> to vector<16xf32>
      %swap3A_520 = vector.shape_cast %scan3A_494#4 : vector<16xf32> to vector<1x16xf32>
      tpu.vector_store %arg9[%swap3A_516, %swap3A_517], %swap3A_520 {strides = array<i32>} : memref<16x128xf32, #tpu.memory_space<vmem>>, vector<1x16xf32>,
      %swap3A_521 = arith.index_cast %scan3A_416 : i32 to index
      %swap3A_522 = arith.constant 80 : index
      %swap3A_523 = tpu.vector_load %arg9[%swap3A_521, %swap3A_522] {strides = array<i32>} : memref<16x128xf32, #tpu.memory_space<vmem>>, vector<1x16xf32>,
      %swap3A_524 = vector.shape_cast %swap3A_523 : vector<1x16xf32> to vector<16xf32>
      %swap3A_525 = vector.shape_cast %scan3A_494#5 : vector<16xf32> to vector<1x16xf32>
      tpu.vector_store %arg9[%swap3A_521, %swap3A_522], %swap3A_525 {strides = array<i32>} : memref<16x128xf32, #tpu.memory_space<vmem>>, vector<1x16xf32>,
      %swap3A_526 = arith.index_cast %scan3A_416 : i32 to index
      %swap3A_527 = arith.constant 96 : index
      %swap3A_528 = tpu.vector_load %arg9[%swap3A_526, %swap3A_527] {strides = array<i32>} : memref<16x128xf32, #tpu.memory_space<vmem>>, vector<1x16xf32>,
      %swap3A_529 = vector.shape_cast %swap3A_528 : vector<1x16xf32> to vector<16xf32>
      %swap3A_530 = vector.shape_cast %scan3A_494#6 : vector<16xf32> to vector<1x16xf32>
      tpu.vector_store %arg9[%swap3A_526, %swap3A_527], %swap3A_530 {strides = array<i32>} : memref<16x128xf32, #tpu.memory_space<vmem>>, vector<1x16xf32>,
      %swap3A_531 = arith.index_cast %scan3A_416 : i32 to index
      %swap3A_532 = arith.constant 112 : index
      %swap3A_533 = tpu.vector_load %arg9[%swap3A_531, %swap3A_532] {strides = array<i32>} : memref<16x128xf32, #tpu.memory_space<vmem>>, vector<1x16xf32>,
      %swap3A_534 = vector.shape_cast %swap3A_533 : vector<1x16xf32> to vector<16xf32>
      %swap3A_535 = vector.shape_cast %scan3A_494#7 : vector<16xf32> to vector<1x16xf32>
      tpu.vector_store %arg9[%swap3A_531, %swap3A_532], %swap3A_535 {strides = array<i32>} : memref<16x128xf32, #tpu.memory_space<vmem>>, vector<1x16xf32>,
      scf.yield %scan3A_494#8, %scan3A_494#9, %scan3A_494#10, %scan3A_494#11, %scan3A_494#12, %scan3A_494#13, %scan3A_494#14, %scan3A_494#15, %scan3A_494#16, %scan3A_494#17, %scan3A_494#18, %scan3A_494#19, %scan3A_494#20, %scan3A_494#21, %scan3A_494#22, %scan3A_494#23 : vector<16xf32>, vector<16xf32>, vector<16xf32>, vector<16xf32>, vector<16xf32>, vector<16xf32>, vector<16xf32>, vector<16xf32>, vector<16xf32>, vector<16xf32>, vector<16xf32>, vector<16xf32>, vector<16xf32>, vector<16xf32>, vector<16xf32>, vector<16xf32>
    }
    %scan3A_316 = arith.constant 16 : i32
    %mul3A_317 = arith.constant 256 : i32
    %mul3A_318 = arith.muli %add3A, %mul3A_317 : i32
    %add3A_319 = arith.constant 240 : i32
    %add3A_320 = arith.addi %mul3A_318, %add3A_319 : i32
    "tpu.region"() ({
      %run_scoped3A = tpu.sem_alloc : memref<!tpu.dma_semaphore, #tpu.memory_space<semaphore_mem>>
      %dma_start3A_416 = arith.constant 0 : i32
      %dma_start3A_417 = tpu.memref_slice %arg4[%add3A_320, %dma_start3A_416] : memref<8192x128xf32, #tpu.memory_space<hbm>> -> memref<16x128xf32, #tpu.memory_space<hbm>>
      %dma_start3A_418 = arith.constant 0 : i32
      %dma_start3A_419 = tpu.memref_slice %arg4[%add3A_320, %dma_start3A_418] : memref<8192x128xf32, #tpu.memory_space<hbm>> -> memref<16x128xf32, #tpu.memory_space<hbm>>
      tpu.enqueue_dma source(%arg9 : memref<16x128xf32, #tpu.memory_space<vmem>>) target(%dma_start3A_419 : memref<16x128xf32, #tpu.memory_space<hbm>>) target_semaphore(%run_scoped3A : memref<!tpu.dma_semaphore, #tpu.memory_space<semaphore_mem>>)
      %dma_wait3A_420 = arith.constant 0 : i32
      %dma_wait3A_421 = tpu.memref_slice %arg4[%add3A_320, %dma_wait3A_420] : memref<8192x128xf32, #tpu.memory_space<hbm>> -> memref<16x128xf32, #tpu.memory_space<hbm>>
      %dma_wait3A_422 = arith.constant 0 : i32
      %dma_wait3A_423 = tpu.memref_slice %arg4[%add3A_320, %dma_wait3A_422] : memref<8192x128xf32, #tpu.memory_space<hbm>> -> memref<16x128xf32, #tpu.memory_space<hbm>>
      tpu.wait_dma2 semaphore(%run_scoped3A : memref<!tpu.dma_semaphore, #tpu.memory_space<semaphore_mem>>) src(%arg9 : memref<16x128xf32, #tpu.memory_space<vmem>>) dst(%dma_wait3A_423 : memref<16x128xf32, #tpu.memory_space<hbm>>)
      tpu.yield
    }) : () -> ()
    %swap3A = arith.constant 0 : i32
    %swap3A_321 = arith.index_cast %swap3A : i32 to index
    %swap3A_322 = arith.constant 0 : index
    %swap3A_323 = tpu.vector_load %arg10[%swap3A_321, %swap3A_322] {strides = array<i32>} : memref<2x128xf32, #tpu.memory_space<vmem>>, vector<1x16xf32>,
    %swap3A_324 = vector.shape_cast %swap3A_323 : vector<1x16xf32> to vector<16xf32>
    %swap3A_325 = vector.shape_cast %scan3A_315#0 : vector<16xf32> to vector<1x16xf32>
    tpu.vector_store %arg10[%swap3A_321, %swap3A_322], %swap3A_325 {strides = array<i32>} : memref<2x128xf32, #tpu.memory_space<vmem>>, vector<1x16xf32>,
    %swap3A_326 = arith.constant 1 : i32
    %swap3A_327 = arith.index_cast %swap3A_326 : i32 to index
    %swap3A_328 = arith.constant 0 : index
    %swap3A_329 = tpu.vector_load %arg10[%swap3A_327, %swap3A_328] {strides = array<i32>} : memref<2x128xf32, #tpu.memory_space<vmem>>, vector<1x16xf32>,
    %swap3A_330 = vector.shape_cast %swap3A_329 : vector<1x16xf32> to vector<16xf32>
    %swap3A_331 = vector.shape_cast %scan3A_315#8 : vector<16xf32> to vector<1x16xf32>
    tpu.vector_store %arg10[%swap3A_327, %swap3A_328], %swap3A_331 {strides = array<i32>} : memref<2x128xf32, #tpu.memory_space<vmem>>, vector<1x16xf32>,
    %swap3A_332 = arith.constant 0 : i32
    %swap3A_333 = arith.index_cast %swap3A_332 : i32 to index
    %swap3A_334 = arith.constant 16 : index
    %swap3A_335 = tpu.vector_load %arg10[%swap3A_333, %swap3A_334] {strides = array<i32>} : memref<2x128xf32, #tpu.memory_space<vmem>>, vector<1x16xf32>,
    %swap3A_336 = vector.shape_cast %swap3A_335 : vector<1x16xf32> to vector<16xf32>
    %swap3A_337 = vector.shape_cast %scan3A_315#1 : vector<16xf32> to vector<1x16xf32>
    tpu.vector_store %arg10[%swap3A_333, %swap3A_334], %swap3A_337 {strides = array<i32>} : memref<2x128xf32, #tpu.memory_space<vmem>>, vector<1x16xf32>,
    %swap3A_338 = arith.constant 1 : i32
    %swap3A_339 = arith.index_cast %swap3A_338 : i32 to index
    %swap3A_340 = arith.constant 16 : index
    %swap3A_341 = tpu.vector_load %arg10[%swap3A_339, %swap3A_340] {strides = array<i32>} : memref<2x128xf32, #tpu.memory_space<vmem>>, vector<1x16xf32>,
    %swap3A_342 = vector.shape_cast %swap3A_341 : vector<1x16xf32> to vector<16xf32>
    %swap3A_343 = vector.shape_cast %scan3A_315#9 : vector<16xf32> to vector<1x16xf32>
    tpu.vector_store %arg10[%swap3A_339, %swap3A_340], %swap3A_343 {strides = array<i32>} : memref<2x128xf32, #tpu.memory_space<vmem>>, vector<1x16xf32>,
    %swap3A_344 = arith.constant 0 : i32
    %swap3A_345 = arith.index_cast %swap3A_344 : i32 to index
    %swap3A_346 = arith.constant 32 : index
    %swap3A_347 = tpu.vector_load %arg10[%swap3A_345, %swap3A_346] {strides = array<i32>} : memref<2x128xf32, #tpu.memory_space<vmem>>, vector<1x16xf32>,
    %swap3A_348 = vector.shape_cast %swap3A_347 : vector<1x16xf32> to vector<16xf32>
    %swap3A_349 = vector.shape_cast %scan3A_315#2 : vector<16xf32> to vector<1x16xf32>
    tpu.vector_store %arg10[%swap3A_345, %swap3A_346], %swap3A_349 {strides = array<i32>} : memref<2x128xf32, #tpu.memory_space<vmem>>, vector<1x16xf32>,
    %swap3A_350 = arith.constant 1 : i32
    %swap3A_351 = arith.index_cast %swap3A_350 : i32 to index
    %swap3A_352 = arith.constant 32 : index
    %swap3A_353 = tpu.vector_load %arg10[%swap3A_351, %swap3A_352] {strides = array<i32>} : memref<2x128xf32, #tpu.memory_space<vmem>>, vector<1x16xf32>,
    %swap3A_354 = vector.shape_cast %swap3A_353 : vector<1x16xf32> to vector<16xf32>
    %swap3A_355 = vector.shape_cast %scan3A_315#10 : vector<16xf32> to vector<1x16xf32>
    tpu.vector_store %arg10[%swap3A_351, %swap3A_352], %swap3A_355 {strides = array<i32>} : memref<2x128xf32, #tpu.memory_space<vmem>>, vector<1x16xf32>,
    %swap3A_356 = arith.constant 0 : i32
    %swap3A_357 = arith.index_cast %swap3A_356 : i32 to index
    %swap3A_358 = arith.constant 48 : index
    %swap3A_359 = tpu.vector_load %arg10[%swap3A_357, %swap3A_358] {strides = array<i32>} : memref<2x128xf32, #tpu.memory_space<vmem>>, vector<1x16xf32>,
    %swap3A_360 = vector.shape_cast %swap3A_359 : vector<1x16xf32> to vector<16xf32>
    %swap3A_361 = vector.shape_cast %scan3A_315#3 : vector<16xf32> to vector<1x16xf32>
    tpu.vector_store %arg10[%swap3A_357, %swap3A_358], %swap3A_361 {strides = array<i32>} : memref<2x128xf32, #tpu.memory_space<vmem>>, vector<1x16xf32>,
    %swap3A_362 = arith.constant 1 : i32
    %swap3A_363 = arith.index_cast %swap3A_362 : i32 to index
    %swap3A_364 = arith.constant 48 : index
    %swap3A_365 = tpu.vector_load %arg10[%swap3A_363, %swap3A_364] {strides = array<i32>} : memref<2x128xf32, #tpu.memory_space<vmem>>, vector<1x16xf32>,
    %swap3A_366 = vector.shape_cast %swap3A_365 : vector<1x16xf32> to vector<16xf32>
    %swap3A_367 = vector.shape_cast %scan3A_315#11 : vector<16xf32> to vector<1x16xf32>
    tpu.vector_store %arg10[%swap3A_363, %swap3A_364], %swap3A_367 {strides = array<i32>} : memref<2x128xf32, #tpu.memory_space<vmem>>, vector<1x16xf32>,
    %swap3A_368 = arith.constant 0 : i32
    %swap3A_369 = arith.index_cast %swap3A_368 : i32 to index
    %swap3A_370 = arith.constant 64 : index
    %swap3A_371 = tpu.vector_load %arg10[%swap3A_369, %swap3A_370] {strides = array<i32>} : memref<2x128xf32, #tpu.memory_space<vmem>>, vector<1x16xf32>,
    %swap3A_372 = vector.shape_cast %swap3A_371 : vector<1x16xf32> to vector<16xf32>
    %swap3A_373 = vector.shape_cast %scan3A_315#4 : vector<16xf32> to vector<1x16xf32>
    tpu.vector_store %arg10[%swap3A_369, %swap3A_370], %swap3A_373 {strides = array<i32>} : memref<2x128xf32, #tpu.memory_space<vmem>>, vector<1x16xf32>,
    %swap3A_374 = arith.constant 1 : i32
    %swap3A_375 = arith.index_cast %swap3A_374 : i32 to index
    %swap3A_376 = arith.constant 64 : index
    %swap3A_377 = tpu.vector_load %arg10[%swap3A_375, %swap3A_376] {strides = array<i32>} : memref<2x128xf32, #tpu.memory_space<vmem>>, vector<1x16xf32>,
    %swap3A_378 = vector.shape_cast %swap3A_377 : vector<1x16xf32> to vector<16xf32>
    %swap3A_379 = vector.shape_cast %scan3A_315#12 : vector<16xf32> to vector<1x16xf32>
    tpu.vector_store %arg10[%swap3A_375, %swap3A_376], %swap3A_379 {strides = array<i32>} : memref<2x128xf32, #tpu.memory_space<vmem>>, vector<1x16xf32>,
    %swap3A_380 = arith.constant 0 : i32
    %swap3A_381 = arith.index_cast %swap3A_380 : i32 to index
    %swap3A_382 = arith.constant 80 : index
    %swap3A_383 = tpu.vector_load %arg10[%swap3A_381, %swap3A_382] {strides = array<i32>} : memref<2x128xf32, #tpu.memory_space<vmem>>, vector<1x16xf32>,
    %swap3A_384 = vector.shape_cast %swap3A_383 : vector<1x16xf32> to vector<16xf32>
    %swap3A_385 = vector.shape_cast %scan3A_315#5 : vector<16xf32> to vector<1x16xf32>
    tpu.vector_store %arg10[%swap3A_381, %swap3A_382], %swap3A_385 {strides = array<i32>} : memref<2x128xf32, #tpu.memory_space<vmem>>, vector<1x16xf32>,
    %swap3A_386 = arith.constant 1 : i32
    %swap3A_387 = arith.index_cast %swap3A_386 : i32 to index
    %swap3A_388 = arith.constant 80 : index
    %swap3A_389 = tpu.vector_load %arg10[%swap3A_387, %swap3A_388] {strides = array<i32>} : memref<2x128xf32, #tpu.memory_space<vmem>>, vector<1x16xf32>,
    %swap3A_390 = vector.shape_cast %swap3A_389 : vector<1x16xf32> to vector<16xf32>
    %swap3A_391 = vector.shape_cast %scan3A_315#13 : vector<16xf32> to vector<1x16xf32>
    tpu.vector_store %arg10[%swap3A_387, %swap3A_388], %swap3A_391 {strides = array<i32>} : memref<2x128xf32, #tpu.memory_space<vmem>>, vector<1x16xf32>,
    %swap3A_392 = arith.constant 0 : i32
    %swap3A_393 = arith.index_cast %swap3A_392 : i32 to index
    %swap3A_394 = arith.constant 96 : index
    %swap3A_395 = tpu.vector_load %arg10[%swap3A_393, %swap3A_394] {strides = array<i32>} : memref<2x128xf32, #tpu.memory_space<vmem>>, vector<1x16xf32>,
    %swap3A_396 = vector.shape_cast %swap3A_395 : vector<1x16xf32> to vector<16xf32>
    %swap3A_397 = vector.shape_cast %scan3A_315#6 : vector<16xf32> to vector<1x16xf32>
    tpu.vector_store %arg10[%swap3A_393, %swap3A_394], %swap3A_397 {strides = array<i32>} : memref<2x128xf32, #tpu.memory_space<vmem>>, vector<1x16xf32>,
    %swap3A_398 = arith.constant 1 : i32
    %swap3A_399 = arith.index_cast %swap3A_398 : i32 to index
    %swap3A_400 = arith.constant 96 : index
    %swap3A_401 = tpu.vector_load %arg10[%swap3A_399, %swap3A_400] {strides = array<i32>} : memref<2x128xf32, #tpu.memory_space<vmem>>, vector<1x16xf32>,
    %swap3A_402 = vector.shape_cast %swap3A_401 : vector<1x16xf32> to vector<16xf32>
    %swap3A_403 = vector.shape_cast %scan3A_315#14 : vector<16xf32> to vector<1x16xf32>
    tpu.vector_store %arg10[%swap3A_399, %swap3A_400], %swap3A_403 {strides = array<i32>} : memref<2x128xf32, #tpu.memory_space<vmem>>, vector<1x16xf32>,
    %swap3A_404 = arith.constant 0 : i32
    %swap3A_405 = arith.index_cast %swap3A_404 : i32 to index
    %swap3A_406 = arith.constant 112 : index
    %swap3A_407 = tpu.vector_load %arg10[%swap3A_405, %swap3A_406] {strides = array<i32>} : memref<2x128xf32, #tpu.memory_space<vmem>>, vector<1x16xf32>,
    %swap3A_408 = vector.shape_cast %swap3A_407 : vector<1x16xf32> to vector<16xf32>
    %swap3A_409 = vector.shape_cast %scan3A_315#7 : vector<16xf32> to vector<1x16xf32>
    tpu.vector_store %arg10[%swap3A_405, %swap3A_406], %swap3A_409 {strides = array<i32>} : memref<2x128xf32, #tpu.memory_space<vmem>>, vector<1x16xf32>,
    %swap3A_410 = arith.constant 1 : i32
    %swap3A_411 = arith.index_cast %swap3A_410 : i32 to index
    %swap3A_412 = arith.constant 112 : index
    %swap3A_413 = tpu.vector_load %arg10[%swap3A_411, %swap3A_412] {strides = array<i32>} : memref<2x128xf32, #tpu.memory_space<vmem>>, vector<1x16xf32>,
    %swap3A_414 = vector.shape_cast %swap3A_413 : vector<1x16xf32> to vector<16xf32>
    %swap3A_415 = vector.shape_cast %scan3A_315#15 : vector<16xf32> to vector<1x16xf32>
    tpu.vector_store %arg10[%swap3A_411, %swap3A_412], %swap3A_415 {strides = array<i32>} : memref<2x128xf32, #tpu.memory_space<vmem>>, vector<1x16xf32>,
    "tpu.region"() ({
      %run_scoped3A = tpu.sem_alloc : memref<!tpu.dma_semaphore, #tpu.memory_space<semaphore_mem>>
      %dma_start3A_416 = arith.constant 0 : i32
      %dma_start3A_417 = arith.constant 0 : i32
      %dma_start3A_418 = tpu.memref_slice %arg5[%add3A, %dma_start3A_416, %dma_start3A_417] : memref<32x2x128xf32, #tpu.memory_space<hbm>> -> memref<1x2x128xf32, #tpu.memory_space<hbm>>
      %dma_start3A_419 = tpu.memref_squeeze %dma_start3A_418 : memref<1x2x128xf32, #tpu.memory_space<hbm>> -> memref<2x128xf32, #tpu.memory_space<hbm>>
      %dma_start3A_420 = arith.constant 0 : i32
      %dma_start3A_421 = arith.constant 0 : i32
      %dma_start3A_422 = tpu.memref_slice %arg5[%add3A, %dma_start3A_420, %dma_start3A_421] : memref<32x2x128xf32, #tpu.memory_space<hbm>> -> memref<1x2x128xf32, #tpu.memory_space<hbm>>
      %dma_start3A_423 = tpu.memref_squeeze %dma_start3A_422 : memref<1x2x128xf32, #tpu.memory_space<hbm>> -> memref<2x128xf32, #tpu.memory_space<hbm>>
      tpu.enqueue_dma source(%arg10 : memref<2x128xf32, #tpu.memory_space<vmem>>) target(%dma_start3A_423 : memref<2x128xf32, #tpu.memory_space<hbm>>) target_semaphore(%run_scoped3A : memref<!tpu.dma_semaphore, #tpu.memory_space<semaphore_mem>>)
      %dma_wait3A_424 = arith.constant 0 : i32
      %dma_wait3A_425 = arith.constant 0 : i32
      %dma_wait3A_426 = tpu.memref_slice %arg5[%add3A, %dma_wait3A_424, %dma_wait3A_425] : memref<32x2x128xf32, #tpu.memory_space<hbm>> -> memref<1x2x128xf32, #tpu.memory_space<hbm>>
      %dma_wait3A_427 = tpu.memref_squeeze %dma_wait3A_426 : memref<1x2x128xf32, #tpu.memory_space<hbm>> -> memref<2x128xf32, #tpu.memory_space<hbm>>
      %dma_wait3A_428 = arith.constant 0 : i32
      %dma_wait3A_429 = arith.constant 0 : i32
      %dma_wait3A_430 = tpu.memref_slice %arg5[%add3A, %dma_wait3A_428, %dma_wait3A_429] : memref<32x2x128xf32, #tpu.memory_space<hbm>> -> memref<1x2x128xf32, #tpu.memory_space<hbm>>
      %dma_wait3A_431 = tpu.memref_squeeze %dma_wait3A_430 : memref<1x2x128xf32, #tpu.memory_space<hbm>> -> memref<2x128xf32, #tpu.memory_space<hbm>>
      tpu.wait_dma2 semaphore(%run_scoped3A : memref<!tpu.dma_semaphore, #tpu.memory_space<semaphore_mem>>) src(%arg10 : memref<2x128xf32, #tpu.memory_space<vmem>>) dst(%dma_wait3A_431 : memref<2x128xf32, #tpu.memory_space<hbm>>)
      tpu.yield
    }) : () -> ()
    return
  }
}

module attributes {stable_mosaic.version = 14 : i64} {
  func.func @_topk_body(%arg0: i32, %arg1: i32, %arg2: memref<1x4096x8xbf16, #tpu.memory_space<vmem>>, %arg3: memref<1x8x256xbf16, #tpu.memory_space<vmem>>, %arg4: memref<1x4096x1xf32, #tpu.memory_space<vmem>>, %arg5: memref<1x1x256xf32, #tpu.memory_space<vmem>>, %arg6: memref<1x512x64xf32, #tpu.memory_space<vmem>>, %arg7: memref<128x64xf32, #tpu.memory_space<vmem>>, %arg8: memref<1x128xf32, #tpu.memory_space<vmem>>, %arg9: memref<1x16x256xi32, #tpu.memory_space<vmem>>, %arg10: memref<1x512x128xf32, #tpu.memory_space<vmem>>, %arg11: memref<4096x256xf32, #tpu.memory_space<vmem>>) attributes {dimension_semantics = [#tpu.dimension_semantics<arbitrary>, #tpu.dimension_semantics<arbitrary>], iteration_bounds = array<i64: 4, 8>, scalar_prefetch = 0 : i64, scratch_operands = 1 : i64, tpu.core_type = #tpu.core_type<tc>, window_params = [{transform_indices = @transform_0, window_bounds = array<i64: 1, 4096, 8>}, {transform_indices = @transform_1, window_bounds = array<i64: 1, 8, 256>}, {transform_indices = @transform_2, window_bounds = array<i64: 1, 4096, 1>}, {transform_indices = @transform_3, window_bounds = array<i64: 1, 1, 256>}, {transform_indices = @transform_4, window_bounds = array<i64: 1, 512, 64>}, {pipeline_mode = #tpu.pipeline_mode<synchronous>, transform_indices = @transform_5, window_bounds = array<i64: 128, 64>}, {pipeline_mode = #tpu.pipeline_mode<synchronous>, transform_indices = @transform_6, window_bounds = array<i64: 1, 128>}, {transform_indices = @transform_7, window_bounds = array<i64: 1, 16, 256>}, {transform_indices = @transform_8, window_bounds = array<i64: 1, 512, 128>}]} {
    %get3A = arith.constant 0 : index
    %get3A_0 = arith.constant 0 : index
    %get3A_1 = arith.constant 0 : index
    %get3A_2 = vector.load %arg6[%get3A, %get3A_0, %get3A_1] : memref<1x512x64xf32, #tpu.memory_space<vmem>>, vector<1x512x64xf32>
    %get3A_3 = vector.shape_cast %get3A_2 : vector<1x512x64xf32> to vector<512x64xf32>
    %get3A_4 = arith.constant 0 : index
    %get3A_5 = arith.constant 0 : index
    %get3A_6 = vector.load %arg7[%get3A_4, %get3A_5] : memref<128x64xf32, #tpu.memory_space<vmem>>, vector<128x64xf32>
    %dot_general3A = arith.constant dense<0.000000e+00> : vector<512x128xf32>
    %dot_general3A_7 = tpu.matmul %get3A_3, %get3A_6, %dot_general3A {dimension_numbers = #tpu.dot_dimension_numbers<[1], [1], [0], [0], [0, 0, 1, 0], [], []>, transpose_lhs_hint = false} : vector<512x64xf32>, vector<128x64xf32>, vector<512x128xf32> -> vector<512x128xf32>
    %get3A_8 = arith.constant 0 : index
    %get3A_9 = arith.constant 0 : index
    %get3A_10 = vector.load %arg8[%get3A_8, %get3A_9] : memref<1x128xf32, #tpu.memory_space<vmem>>, vector<1x128xf32>
    %add3A = vector.broadcast %get3A_10 : vector<1x128xf32> to vector<512x128xf32>
    %add3A_11 = arith.addf %dot_general3A_7, %add3A : vector<512x128xf32>
    %swap3A = arith.constant 0 : index
    %swap3A_12 = arith.constant 0 : index
    %swap3A_13 = arith.constant 0 : index
    %swap3A_14 = vector.load %arg10[%swap3A, %swap3A_12, %swap3A_13] : memref<1x512x128xf32, #tpu.memory_space<vmem>>, vector<1x512x128xf32>
    %swap3A_15 = vector.shape_cast %swap3A_14 : vector<1x512x128xf32> to vector<512x128xf32>
    %swap3A_16 = vector.shape_cast %add3A_11 : vector<512x128xf32> to vector<1x512x128xf32>
    tpu.vector_store %arg10[%swap3A, %swap3A_12, %swap3A_13], %swap3A_16 {strides = array<i32>} : memref<1x512x128xf32, #tpu.memory_space<vmem>>, vector<1x512x128xf32>,
    %get3A_17 = arith.constant 0 : index
    %get3A_18 = arith.constant 0 : index
    %get3A_19 = arith.constant 0 : index
    %get3A_20 = vector.load %arg2[%get3A_17, %get3A_18, %get3A_19] : memref<1x4096x8xbf16, #tpu.memory_space<vmem>>, vector<1x4096x8xbf16>
    %get3A_21 = vector.shape_cast %get3A_20 : vector<1x4096x8xbf16> to vector<4096x8xbf16>
    %get3A_22 = arith.constant 0 : index
    %get3A_23 = arith.constant 0 : index
    %get3A_24 = arith.constant 0 : index
    %get3A_25 = vector.load %arg3[%get3A_22, %get3A_23, %get3A_24] : memref<1x8x256xbf16, #tpu.memory_space<vmem>>, vector<1x8x256xbf16>
    %get3A_26 = vector.shape_cast %get3A_25 : vector<1x8x256xbf16> to vector<8x256xbf16>
    %dot_general3A_27 = arith.constant dense<0.000000e+00> : vector<4096x256xf32>
    %dot_general3A_28 = tpu.matmul %get3A_21, %get3A_26, %dot_general3A_27 {dimension_numbers = #tpu.dot_dimension_numbers<[1], [0], [0], [1], [0, 0, 1, 1], [], []>, transpose_lhs_hint = false} : vector<4096x8xbf16>, vector<8x256xbf16>, vector<4096x256xf32> -> vector<4096x256xf32>
    %get3A_29 = arith.constant 0 : index
    %get3A_30 = arith.constant 0 : index
    %get3A_31 = arith.constant 0 : index
    %get3A_32 = vector.load %arg5[%get3A_29, %get3A_30, %get3A_31] : memref<1x1x256xf32, #tpu.memory_space<vmem>>, vector<1x1x256xf32>
    %get3A_33 = vector.shape_cast %get3A_32 : vector<1x1x256xf32> to vector<1x256xf32>
    %add3A_34 = vector.broadcast %get3A_33 : vector<1x256xf32> to vector<4096x256xf32>
    %add3A_35 = arith.addf %dot_general3A_28, %add3A_34 : vector<4096x256xf32>
    %get3A_36 = arith.constant 0 : index
    %get3A_37 = arith.constant 0 : index
    %get3A_38 = arith.constant 0 : index
    %get3A_39 = vector.load %arg4[%get3A_36, %get3A_37, %get3A_38] : memref<1x4096x1xf32, #tpu.memory_space<vmem>>, vector<1x4096x1xf32>
    %get3A_40 = vector.shape_cast %get3A_39 : vector<1x4096x1xf32> to vector<4096x1xf32>
    %add3A_41 = vector.broadcast %get3A_40 : vector<4096x1xf32> to vector<4096x256xf32>
    %add3A_42 = arith.addf %add3A_35, %add3A_41 : vector<4096x256xf32>
    %swap3A_43 = arith.constant 0 : index
    %swap3A_44 = arith.constant 0 : index
    %swap3A_45 = vector.load %arg11[%swap3A_43, %swap3A_44] : memref<4096x256xf32, #tpu.memory_space<vmem>>, vector<4096x256xf32>
    tpu.vector_store %arg11[%swap3A_43, %swap3A_44], %add3A_42 {strides = array<i32>} : memref<4096x256xf32, #tpu.memory_space<vmem>>, vector<4096x256xf32>,
    %iota3A = tpu.iota {dimensions = array<i32: 0>} : vector<4096x256xi32>
    %mul3A = arith.constant 4096 : i32
    %mul3A_46 = arith.muli %arg0, %mul3A : i32
    %scan3A = arith.constant 0 : i32
    %scan3A_47 = arith.constant 16 : i32
    %scan3A_48 = arith.addi %scan3A, %scan3A_47 : i32
    %scan3A_49 = arith.constant 1 : i32
    scf.for %scan3A_51 = %scan3A to %scan3A_48 step %scan3A_49  : i32 {
      %get3A_52 = arith.constant 0 : index
      %get3A_53 = arith.constant 0 : index
      %get3A_54 = vector.load %arg11[%get3A_52, %get3A_53] : memref<4096x256xf32, #tpu.memory_space<vmem>>, vector<4096x256xf32>
      %reduce_min3A = arith.constant dense<0x7F800000> : vector<256xf32>
      %reduce_min3A_55 = vector.multi_reduction <minimumf>, %get3A_54, %reduce_min3A [0] : vector<4096x256xf32> to vector<256xf32>
      %broadcast_in_dim3A = vector.shape_cast %reduce_min3A_55 : vector<256xf32> to vector<1x256xf32>
      %eq3A = vector.broadcast %broadcast_in_dim3A : vector<1x256xf32> to vector<4096x256xf32>
      %eq3A_56 = arith.cmpf oeq, %get3A_54, %eq3A : vector<4096x256xf32>
      %jit3A = arith.constant 4096 : i32
      %broadcast_in_dim3A_57 = vector.broadcast %jit3A : i32 to vector<4096x256xi32>
      %select_n3A = arith.select %eq3A_56, %iota3A, %broadcast_in_dim3A_57 : vector<4096x256xi1>, vector<4096x256xi32>
      %reduce_min3A_58 = arith.constant dense<2147483647> : vector<256xi32>
      %reduce_min3A_59 = vector.multi_reduction <minsi>, %select_n3A, %reduce_min3A_58 [0] : vector<4096x256xi32> to vector<256xi32>
      %add3A_60 = vector.broadcast %mul3A_46 : i32 to vector<256xi32>
      %add3A_61 = arith.addi %reduce_min3A_59, %add3A_60 : vector<256xi32>
      %broadcast_in_dim3A_62 = vector.shape_cast %add3A_61 : vector<256xi32> to vector<1x256xi32>
      %swap3A_63 = arith.constant 0 : index
      %swap3A_64 = arith.index_cast %scan3A_51 : i32 to index
      %swap3A_65 = arith.constant 0 : index
      %swap3A_66 = vector.load %arg9[%swap3A_63, %swap3A_64, %swap3A_65] : memref<1x16x256xi32, #tpu.memory_space<vmem>>, vector<1x1x256xi32>
      %swap3A_67 = vector.shape_cast %swap3A_66 : vector<1x1x256xi32> to vector<1x256xi32>
      %swap3A_68 = vector.shape_cast %broadcast_in_dim3A_62 : vector<1x256xi32> to vector<1x1x256xi32>
      tpu.vector_store %arg9[%swap3A_63, %swap3A_64, %swap3A_65], %swap3A_68 {strides = array<i32>} : memref<1x16x256xi32, #tpu.memory_space<vmem>>, vector<1x1x256xi32>,
      %broadcast_in_dim3A_69 = vector.shape_cast %reduce_min3A_59 : vector<256xi32> to vector<1x256xi32>
      %le3A = vector.broadcast %broadcast_in_dim3A_69 : vector<1x256xi32> to vector<4096x256xi32>
      %le3A_70 = arith.cmpi sle, %select_n3A, %le3A : vector<4096x256xi32>
      %jit3A_71 = arith.constant 0x7F800000 : f32
      %broadcast_in_dim3A_72 = vector.broadcast %jit3A_71 : f32 to vector<4096x256xf32>
      %select_n3A_73 = arith.select %le3A_70, %broadcast_in_dim3A_72, %get3A_54 : vector<4096x256xi1>, vector<4096x256xf32>
      %swap3A_74 = arith.constant 0 : index
      %swap3A_75 = arith.constant 0 : index
      %swap3A_76 = vector.load %arg11[%swap3A_74, %swap3A_75] : memref<4096x256xf32, #tpu.memory_space<vmem>>, vector<4096x256xf32>
      tpu.vector_store %arg11[%swap3A_74, %swap3A_75], %select_n3A_73 {strides = array<i32>} : memref<4096x256xf32, #tpu.memory_space<vmem>>, vector<4096x256xf32>,
    }
    %scan3A_50 = arith.constant 16 : i32
    return
  }
  func.func @transform_0(%arg0: i32, %arg1: i32) -> (i32, i32, i32) {
    %c0_i32 = arith.constant 0 : i32
    %c0_i32_0 = arith.constant 0 : i32
    %c0_i32_1 = arith.constant 0 : i32
    return %arg0, %c0_i32, %c0_i32_0 : i32, i32, i32
  }
  func.func @transform_1(%arg0: i32, %arg1: i32) -> (i32, i32, i32) {
    %c0_i32 = arith.constant 0 : i32
    %c0_i32_0 = arith.constant 0 : i32
    return %arg0, %c0_i32, %arg1 : i32, i32, i32
  }
  func.func @transform_2(%arg0: i32, %arg1: i32) -> (i32, i32, i32) {
    %c0_i32 = arith.constant 0 : i32
    %c0_i32_0 = arith.constant 0 : i32
    %c0_i32_1 = arith.constant 0 : i32
    return %arg0, %c0_i32, %c0_i32_0 : i32, i32, i32
  }
  func.func @transform_3(%arg0: i32, %arg1: i32) -> (i32, i32, i32) {
    %c0_i32 = arith.constant 0 : i32
    %c0_i32_0 = arith.constant 0 : i32
    return %arg0, %c0_i32, %arg1 : i32, i32, i32
  }
  func.func @transform_4(%arg0: i32, %arg1: i32) -> (i32, i32, i32) {
    %c0_i32 = arith.constant 0 : i32
    %c0_i32_0 = arith.constant 0 : i32
    return %arg0, %arg1, %c0_i32 : i32, i32, i32
  }
  func.func @transform_5(%arg0: i32, %arg1: i32) -> (i32, i32) {
    %c0_i32 = arith.constant 0 : i32
    %c0_i32_0 = arith.constant 0 : i32
    %c0_i32_1 = arith.constant 0 : i32
    return %c0_i32, %c0_i32_0 : i32, i32
  }
  func.func @transform_6(%arg0: i32, %arg1: i32) -> (i32, i32) {
    %c0_i32 = arith.constant 0 : i32
    %c0_i32_0 = arith.constant 0 : i32
    %c0_i32_1 = arith.constant 0 : i32
    return %c0_i32, %c0_i32_0 : i32, i32
  }
  func.func @transform_7(%arg0: i32, %arg1: i32) -> (i32, i32, i32) {
    %c0_i32 = arith.constant 0 : i32
    %c0_i32_0 = arith.constant 0 : i32
    return %arg0, %c0_i32, %arg1 : i32, i32, i32
  }
  func.func @transform_8(%arg0: i32, %arg1: i32) -> (i32, i32, i32) {
    %c0_i32 = arith.constant 0 : i32
    %c0_i32_0 = arith.constant 0 : i32
    return %arg0, %arg1, %c0_i32 : i32, i32, i32
  }
}

module attributes {stable_mosaic.version = 14 : i64} {
  func.func @_norm_body(%arg0: i32, %arg1: memref<32x2x128xf32, #tpu.memory_space<vmem>>, %arg2: memref<1024x128xf32, #tpu.memory_space<vmem>>, %arg3: memref<1x128xf32, #tpu.memory_space<vmem>>, %arg4: memref<1x128xf32, #tpu.memory_space<vmem>>, %arg5: memref<1024x128xf32, #tpu.memory_space<vmem>>) attributes {dimension_semantics = [#tpu.dimension_semantics<arbitrary>], iteration_bounds = array<i64: 8>, scalar_prefetch = 0 : i64, scratch_operands = 0 : i64, tpu.core_type = #tpu.core_type<tc>, window_params = [{pipeline_mode = #tpu.pipeline_mode<synchronous>, transform_indices = @transform_0, window_bounds = array<i64: 32, 2, 128>}, {transform_indices = @transform_1, window_bounds = array<i64: 1024, 128>}, {pipeline_mode = #tpu.pipeline_mode<synchronous>, transform_indices = @transform_2, window_bounds = array<i64: 1, 128>}, {pipeline_mode = #tpu.pipeline_mode<synchronous>, transform_indices = @transform_3, window_bounds = array<i64: 1, 128>}, {transform_indices = @transform_4, window_bounds = array<i64: 1024, 128>}]} {
    %get3A = arith.constant 0 : index
    %get3A_0 = arith.constant 0 : index
    %get3A_1 = arith.constant 0 : index
    %get3A_2 = vector.load %arg1[%get3A, %get3A_0, %get3A_1] : memref<32x2x128xf32, #tpu.memory_space<vmem>>, vector<32x1x128xf32>
    %get3A_3 = vector.shape_cast %get3A_2 : vector<32x1x128xf32> to vector<32x128xf32>
    %reduce_sum3A = arith.constant dense<0.000000e+00> : vector<128xf32>
    %reduce_sum3A_4 = vector.multi_reduction <add>, %get3A_3, %reduce_sum3A [0] : vector<32x128xf32> to vector<128xf32>
    %broadcast_in_dim3A = vector.shape_cast %reduce_sum3A_4 : vector<128xf32> to vector<1x128xf32>
    %get3A_5 = arith.constant 0 : index
    %get3A_6 = arith.constant 1 : index
    %get3A_7 = arith.constant 0 : index
    %get3A_8 = vector.load %arg1[%get3A_5, %get3A_6, %get3A_7] : memref<32x2x128xf32, #tpu.memory_space<vmem>>, vector<32x1x128xf32>
    %get3A_9 = vector.shape_cast %get3A_8 : vector<32x1x128xf32> to vector<32x128xf32>
    %reduce_sum3A_10 = arith.constant dense<0.000000e+00> : vector<128xf32>
    %reduce_sum3A_11 = vector.multi_reduction <add>, %get3A_9, %reduce_sum3A_10 [0] : vector<32x128xf32> to vector<128xf32>
    %broadcast_in_dim3A_12 = vector.shape_cast %reduce_sum3A_11 : vector<128xf32> to vector<1x128xf32>
    %div3A = arith.constant 1.310720e+05 : f32
    %div3A_13 = vector.broadcast %div3A : f32 to vector<1x128xf32>
    %div3A_14 = arith.divf %broadcast_in_dim3A, %div3A_13 : vector<1x128xf32>
    %div3A_15 = arith.constant 1.310720e+05 : f32
    %div3A_16 = vector.broadcast %div3A_15 : f32 to vector<1x128xf32>
    %div3A_17 = arith.divf %broadcast_in_dim3A_12, %div3A_16 : vector<1x128xf32>
    %mul3A = arith.mulf %div3A_14, %div3A_14 : vector<1x128xf32>
    %sub3A = arith.subf %div3A_17, %mul3A : vector<1x128xf32>
    %add3A = arith.constant 9.99999974E-6 : f32
    %add3A_18 = vector.broadcast %add3A : f32 to vector<1x128xf32>
    %add3A_19 = arith.addf %sub3A, %add3A_18 : vector<1x128xf32>
    %sqrt3A = math.sqrt %add3A_19 : vector<1x128xf32>
    %div3A_20 = arith.constant 1.000000e+00 : f32
    %div3A_21 = vector.broadcast %div3A_20 : f32 to vector<1x128xf32>
    %div3A_22 = arith.divf %div3A_21, %sqrt3A : vector<1x128xf32>
    %get3A_23 = arith.constant 0 : index
    %get3A_24 = arith.constant 0 : index
    %get3A_25 = vector.load %arg2[%get3A_23, %get3A_24] : memref<1024x128xf32, #tpu.memory_space<vmem>>, vector<1024x128xf32>
    %sub3A_26 = vector.broadcast %div3A_14 : vector<1x128xf32> to vector<1024x128xf32>
    %sub3A_27 = arith.subf %get3A_25, %sub3A_26 : vector<1024x128xf32>
    %mul3A_28 = vector.broadcast %div3A_22 : vector<1x128xf32> to vector<1024x128xf32>
    %mul3A_29 = arith.mulf %sub3A_27, %mul3A_28 : vector<1024x128xf32>
    %get3A_30 = arith.constant 0 : index
    %get3A_31 = arith.constant 0 : index
    %get3A_32 = vector.load %arg3[%get3A_30, %get3A_31] : memref<1x128xf32, #tpu.memory_space<vmem>>, vector<1x128xf32>
    %mul3A_33 = vector.broadcast %get3A_32 : vector<1x128xf32> to vector<1024x128xf32>
    %mul3A_34 = arith.mulf %mul3A_29, %mul3A_33 : vector<1024x128xf32>
    %get3A_35 = arith.constant 0 : index
    %get3A_36 = arith.constant 0 : index
    %get3A_37 = vector.load %arg4[%get3A_35, %get3A_36] : memref<1x128xf32, #tpu.memory_space<vmem>>, vector<1x128xf32>
    %add3A_38 = vector.broadcast %get3A_37 : vector<1x128xf32> to vector<1024x128xf32>
    %add3A_39 = arith.addf %mul3A_34, %add3A_38 : vector<1024x128xf32>
    %max3A = arith.constant 0.000000e+00 : f32
    %max3A_40 = vector.broadcast %max3A : f32 to vector<1024x128xf32>
    %max3A_41 = arith.maximumf %add3A_39, %max3A_40 : vector<1024x128xf32>
    %swap3A = arith.constant 0 : index
    %swap3A_42 = arith.constant 0 : index
    %swap3A_43 = vector.load %arg5[%swap3A, %swap3A_42] : memref<1024x128xf32, #tpu.memory_space<vmem>>, vector<1024x128xf32>
    tpu.vector_store %arg5[%swap3A, %swap3A_42], %max3A_41 {strides = array<i32>} : memref<1024x128xf32, #tpu.memory_space<vmem>>, vector<1024x128xf32>,
    return
  }
  func.func @transform_0(%arg0: i32) -> (i32, i32, i32) {
    %c0_i32 = arith.constant 0 : i32
    %c0_i32_0 = arith.constant 0 : i32
    %c0_i32_1 = arith.constant 0 : i32
    %c0_i32_2 = arith.constant 0 : i32
    return %c0_i32, %c0_i32_0, %c0_i32_1 : i32, i32, i32
  }
  func.func @transform_1(%arg0: i32) -> (i32, i32) {
    %c0_i32 = arith.constant 0 : i32
    %c0_i32_0 = arith.constant 0 : i32
    return %arg0, %c0_i32 : i32, i32
  }
  func.func @transform_2(%arg0: i32) -> (i32, i32) {
    %c0_i32 = arith.constant 0 : i32
    %c0_i32_0 = arith.constant 0 : i32
    %c0_i32_1 = arith.constant 0 : i32
    return %c0_i32, %c0_i32_0 : i32, i32
  }
  func.func @transform_3(%arg0: i32) -> (i32, i32) {
    %c0_i32 = arith.constant 0 : i32
    %c0_i32_0 = arith.constant 0 : i32
    %c0_i32_1 = arith.constant 0 : i32
    return %c0_i32, %c0_i32_0 : i32, i32
  }
  func.func @transform_4(%arg0: i32) -> (i32, i32) {
    %c0_i32 = arith.constant 0 : i32
    %c0_i32_0 = arith.constant 0 : i32
    return %arg0, %c0_i32 : i32, i32
  }
}

</mosaic_0001>

<sc_bundles>
// kernel: kernel.5.cloned.1.call-start
scs
__scs_entry_jumppad:
0x0: {  	(pc) =	sbr.rel $0x88, $3  }
0x1: {  	(tag) =	ssettag $0x0;
	lr =	simm.s32 $0x1  }
0x2: {  	[smem:$0x3F9B] =	sst lr;
	_ =	strace $0xD0000000  }
0x3: {  	_ = 	snop  }
0x4: {  	_ = 	snop  }
0x5: {  	_ = 	snop  }
0x6: {  	_ = 	snop  }
0x7: {  	_ = 	snop  }
__scs_overlays_trampoline_lowered:
0x8: {  	[smem:$0x3FAA] =	sst s0  }
0x9: {  	[smem:$0x3FAB] =	sst s1  }
0xa: {  	[smem:$0x3FAC] =	sst s2  }
0xb: {  	[smem:$0x3FAD] =	sst s3  }
0xc: {  	[smem:$0x3FAE] =	sst s4  }
0xd: {  	[smem:$0x3FAF] =	sst s5  }
0xe: {  	[smem:$0x3FB0] =	sst s6  }
0xf: {  	[smem:$0x3FB1] =	sst s7  }
0x10: {  	[smem:$0x3FB2] =	sst s8  }
0x11: {  	[smem:$0x3FB3] =	sst s9;
	s0 =	simm.s32 @!p0 $0x0  }
0x12: {  	s1 =	sld [smem:$0x3F99];
	s0 =	simm.s32 @p0 $0x1  }
0x13: {  	[smem:$0x3FB4] =	sst s0;
	s0 =	simm.s32 @!p1 $0x0  }
0x14: {  	s2 =	sld [smem:$0x3F98];
	s0 =	simm.s32 @p1 $0x1  }
0x15: {  	[smem:$0x3FB5] =	sst s0;
	s0 =	simm.s32 @!p2 $0x0  }
0x16: {  	s3 =	sld [smem:$0x3FDB];
	s0 =	simm.s32 @p2 $0x1  }
0x17: {  	s4 =	simm.s32 $0x1BF5;
	[smem:$0x3FB7] =	sst s0  }
0x18: {  	s0 =	sld [smem:$0x3F9A];
	_ =	swait.ge [sflag:s4], $0x0  }
0x19: {  	s7 =	sld [smem:$0x3F9B]  }
0x1a: {  	s8 =	sadd.s32 $0xFFFFE003, lr  }
0x1b: {  	s9 =	sadd.s32 $0xFFFFFEF7, lr;
	s5 =	simm.s32 $0xFFFFFFFF;
	p2 =	slt.u32 s8, $0xFFFFF086  }
0x1c: {  	p1 =	slt.u32 s9, $0xF7A;
	s5 =	simm.s32 @!p2 $0x0  }
0x1d: {  	s5 =	simm.s32 @p1 $0x1;
	p0 =	seq.s32 s7, s2  }
0x1e: {  	s7 =	smul.u32 @!p0 $0xF7A, s2;
	p2 =	seq.s32 @!p0 s5, $0x0  }
0x1f: {  	s9 =	smul.u32 $0xF7A, s1;
	s8 =	simm.s32 @!p0 $0x1BF5;
	p2 =	por !p2, p0  }
0x20: {  	[sflag:s8] =	ssyncset.s32 @!p0 $0xFFFFF086;
	s6 =	sadd.s32 @!p0 s3, s7;
	s7 =	simm.s32 @!p0 $0x108  }
0x21: {  	s3 =	sadd.s32 s3, s9;
	s6 =	sadd.s32 @!p0 $0x88, s6;
	s7 =	simm.s32 @p2 $0x1082  }
0x22: {  	[simem:s7], [sflag:s8] =	dma.local @!p0 [hbm:s6], $0xF7A  }
0x23: {  	s9 =	sor.u32 $0xD0000000, s2;
	s6 =	simm.s32 $0x108;
	_ =	swait.ge @!p0 [sflag:s8], $0x0  }
0x24: {  	s3 =	sadd.s32 $0x88, s3;
	s6 =	simm.s32 @!p1 $0x1082;
	[sflag:s4] =	ssyncset.s32 $0xFFFFF086  }
0x25: {  	[simem:s6], [sflag:s4] =	dma.local [hbm:s3], $0xF7A  }
0x26: {  	[smem:$0x3F9B] =	sst s1;
	(tag) =	ssettag s2;
	_ =	strace s9  }
0x27: {  	s1 =	sld [smem:$0x3FAB]  }
0x28: {  	s2 =	sld [smem:$0x3FAC]  }
0x29: {  	s4 =	sld [smem:$0x3FAE]  }
0x2a: {  	p0 =	seq.s32 s5, $0x0;
	s5 =	sld [smem:$0x3FAF]  }
0x2b: {  	s6 =	sld [smem:$0x3FB0]  }
0x2c: {  	s7 =	sld [smem:$0x3FB1]  }
0x2d: {  	s3 =	simm.s32 $0x108;
	s8 =	sld [smem:$0x3FB2]  }
0x2e: {  	s3 =	simm.s32 @!p0 $0x1082;
	s9 =	sld [smem:$0x3FB3]  }
0x2f: {  	lr =	sadd.s32 s0, s3;
	s0 =	sld [smem:$0x3FAA]  }
0x30: {  	s3 =	sld [smem:$0x3FAD]  }
0x31: {  	[smem:$0x3FB6] =	sst s10  }
0x32: {  	s10 =	sld [smem:$0x3FB4];
	_ =	sdelay $0x3  }
0x33: {  	p0 =	seq.s32 s10, $0x1;
	s10 =	sld [smem:$0x3FB6];
	_ =	sdelay $0x3  }
0x34: {  	[smem:$0x3FB6] =	sst s10  }
0x35: {  	s10 =	sld [smem:$0x3FB5];
	_ =	sdelay $0x3  }
0x36: {  	p1 =	seq.s32 s10, $0x1;
	s10 =	sld [smem:$0x3FB6];
	_ =	sdelay $0x3  }
0x37: {  	[smem:$0x3FB6] =	sst s10  }
0x38: {  	s10 =	sld [smem:$0x3FB7]  }
0x39: {  	_ = 	snop;
	(pc) =	sbr.ind lr, $3  }
0x3a: {  	_ = 	snop  }
0x3b: {  	_ = 	snop  }
0x3c: {  	p2 =	seq.s32 s10, $0x1;
	s10 =	sld [smem:$0x3FB6]  }
0x3d: {  	_ =	shalt  }
0x3e: {  	_ =	shalt  }
0x3f: {  	_ =	shalt  }
0x40: {  	_ =	shalt  }
0x41: {  	_ =	shalt  }
0x42: {  	_ =	shalt  }
0x43: {  	_ =	shalt  }
0x44: {  	_ =	shalt  }
0x45: {  	_ =	shalt  }
0x46: {  	_ =	shalt  }
0x47: {  	_ =	shalt  }
0x48: {  	_ =	shalt  }
0x49: {  	_ =	shalt  }
0x4a: {  	_ =	shalt  }
0x4b: {  	_ =	shalt  }
0x4c: {  	_ =	shalt  }
0x4d: {  	_ =	shalt  }
0x4e: {  	_ =	shalt  }
0x4f: {  	_ =	shalt  }
0x50: {  	_ =	shalt  }
0x51: {  	_ =	shalt  }
0x52: {  	_ =	shalt  }
0x53: {  	_ =	shalt  }
0x54: {  	_ =	shalt  }
0x55: {  	_ =	shalt  }
0x56: {  	_ =	shalt  }
0x57: {  	_ =	shalt  }
0x58: {  	_ =	shalt  }
0x59: {  	_ =	shalt  }
0x5a: {  	_ =	shalt  }
0x5b: {  	_ =	shalt  }
0x5c: {  	_ =	shalt  }
0x5d: {  	_ =	shalt  }
0x5e: {  	_ =	shalt  }
0x5f: {  	_ =	shalt  }
0x60: {  	_ =	shalt  }
0x61: {  	_ =	shalt  }
0x62: {  	_ =	shalt  }
0x63: {  	_ =	shalt  }
0x64: {  	_ =	shalt  }
0x65: {  	_ =	shalt  }
0x66: {  	_ =	shalt  }
0x67: {  	_ =	shalt  }
0x68: {  	_ =	shalt  }
0x69: {  	_ =	shalt  }
0x6a: {  	_ =	shalt  }
0x6b: {  	_ =	shalt  }
0x6c: {  	_ =	shalt  }
0x6d: {  	_ =	shalt  }
0x6e: {  	_ =	shalt  }
0x6f: {  	_ =	shalt  }
0x70: {  	_ =	shalt  }
0x71: {  	_ =	shalt  }
0x72: {  	_ =	shalt  }
0x73: {  	_ =	shalt  }
0x74: {  	_ =	shalt  }
0x75: {  	_ =	shalt  }
0x76: {  	_ =	shalt  }
0x77: {  	_ =	shalt  }
0x78: {  	_ =	shalt  }
0x79: {  	_ =	shalt  }
0x7a: {  	_ =	shalt  }
0x7b: {  	_ =	shalt  }
0x7c: {  	_ =	shalt  }
0x7d: {  	_ =	shalt  }
0x7e: {  	_ =	shalt  }
0x7f: {  	_ =	shalt  }
0x80: {  	_ =	shalt  }
0x81: {  	_ =	shalt  }
0x82: {  	_ =	shalt  }
0x83: {  	_ =	shalt  }
0x84: {  	_ =	shalt  }
0x85: {  	_ =	shalt  }
0x86: {  	_ =	shalt  }
0x87: {  	_ =	shalt  }
.Lfunc_end0:
.L_simem_size_0:
called_computation_lowered:
.L_overlay_start_0:
0x88: {  	s2 =	sld [smem:$0x3FD9]  }
0x89: {  	s3 =	sld [smem:$0x3FFE];
	_ =	sdelay $0x1  }
0x8a: {  	s1 =	srdreg.scid  }
0x8b: {  	s0 =	sand.u32 $0x1, s1  }
0x8c: {  	s14 =	sshll.u32 s0, $0xA;
	s2 =	sadd.s32 s3, s2  }
0x8d: {  	s2 =	sadd.s32 s2, s14  }
0x8e: {  	[smem:$0x3FC2] =	sst s2  }
0x8f: {  	_ = 	snop  }
0x90: {  	s2 =	sld [smem:$0x3FD0];
	_ =	sdelay $0x2  }
0x91: {  	s15 =	simm.s32 $0xA;
	s4 =	simm.s32 $0x10  }
0x92: {  	[smem:s4], [sflag:s15] =	dma.local [hbm:s2], $0x1  }
0x93: {  	_ =	swait.eq [sflag:s15], $0x1  }
0x94: {  	[sflag:s15] =	ssyncset.done $0x0  }
0x95: {  	[sflag:s15] =	ssyncadd.s32 $0xFFFFFFFF  }
0x96: {  	s16 =	sld [smem:$0x10];
	(tm) =	ssettm $0x1  }
0x97: {  	s17 =	sld [smem:$0x3FFB];
	_ =	sdelay $0x3  }
0x98: {  	_ =	strace s17  }
0x99: {  	s3 =	sld [smem:$0x3FFC];
	_ =	sdelay $0x3  }
0x9a: {  	_ =	strace s3  }
0x9b: {  	s3 =	sld [smem:$0x3FFD];
	_ =	sdelay $0x3  }
0x9c: {  	_ =	strace s3  }
0x9d: {  	_ =	strace $0x8FFFFFFF  }
0x9e: {  	s18 =	sld [smem:$0x3FDB];
	_ =	sdelay $0x1  }
0x9f: {  	s19 =	simm.s32 $_scs_section_size  }
0xa0: {  	s5 =	simm.s32 $_size__tile_overlayer_lowered;
	s6 =	simm.s32 $_tile_overlayer_lowered  }
0xa1: {  	s22 =	simm.s32 $0x1BFF;
	s21 =	sshll.u32 s6, $0x1;
	s3 =	sadd.s32 s19, s18  }
0xa2: {  	s7 =	simm.s32 $0x0;
	s20 =	sshll.u32 s5, $0x1;
	s5 =	sadd.s32 s21, s3  }
0xa3: {  	[timem:s7], [sflag:s22] =	dma.local [hbm:s5], s20  }
0xa4: {  	_ =	swait.ge [sflag:s22], s20  }
0xa5: {  	s4 =	ssub.s32 $0x0, s20;
	[sflag:s22] =	ssyncset.done $0x0  }
0xa6: {  	[sflag:s22] =	ssyncadd.s32 s4;
	_ =	sdelay $0x1  }
0xa7: {  	s23 =	simm.s32 $0x1B8B  }
0xa8: {  	_ =	swait.ge [sflag:s23], $0x1  }
0xa9: {  	[sflag:s23] =	ssyncset.done $0x0  }
0xaa: {  	s25 =	simm.s32 $0x1B8E;
	s24 =	sld [smem:$0x3FFE];
	[sflag:s23] =	ssyncadd.s32 $0xFFFFFFFF  }
0xab: {  	s26 =	simm.s32 $execute0_lowered;
	[smem:$0x3FD2] =	sst s25  }
0xac: {  	s5 =	sshll.u32 s26, $0x1;
	_ =	strace $0x80000046;
	[dreg:$0x1] =	wrdreg $0xFFFFFFFF  }
0xad: {  	s28 =	simm.s32 $_size_execute0_lowered;
	s3 =	sadd.s32 s3, s5;
	[dreg:$0x0] =	wrdreg $0x0  }
0xae: {  	s5 =	sshll.u32 s28, $0x1;
	[dreg:$0x2] =	wrdreg s3  }
0xaf: {  	[dreg:$0x3] =	wrdreg s5  }
0xb0: {  	[dreg:$0x4] =	wrdreg $0xC0  }
0xb1: {  	_ =	task [dreg:s7], $0x5FFFF  }
0xb2: {  	[dreg:$0x1] =	wrdreg $0xFFFFFFFF  }
0xb3: {  	[dreg:$0x0] =	wrdreg $0x60  }
0xb4: {  	[dreg:$0x2] =	wrdreg s24  }
0xb5: {  	[dreg:$0x3] =	wrdreg s16  }
0xb6: {  	[dreg:$0x4] =	wrdreg $0x9  }
0xb7: {  	_ =	task.clear_ibuf [dreg:s7], $0x5FFFF;
	_ =	strace $0x90000046  }
0xb8: {  	s29 =	simm.s32 $0x9;
	_ =	strace $0x80000048  }
0xb9: {  	_ =	swait.ge [sflag:s29], $0x1  }
0xba: {  	[sflag:s29] =	ssyncadd.s32 $0xFFFFFFFF  }
0xbb: {  	_ =	strace $0x90000048  }
0xbc: {  	_ =	sfence  }
0xbd: {  	s30 =	sld [smem:$0x0];
	_ =	sdelay $0x2  }
0xbe: {  	s31 =	sshll.u32 s1, $0xD;
	s1 =	sshrl.u32 s1, $0x2  }
0xbf: {  	s3 =	sand.u32 $0x4000, s31;
	s1 =	sadd.s32 s1, s30  }
0xc0: {  	s0 =	sor.u32 s3, s0;
	s1 =	sshll.u32 s1, $0x11  }
0xc1: {  	s0 =	sor.u32 s1, s0  }
0xc2: {  	s0 =	sadd.s32 $0x8F2B, s0  }
0xc3: {  	[sflag:s0] =	ssyncadd.remote.s32 $0x1  }
0xc4: {  	_ =	sfence.sel $0xFFFF  }
0xc5: {  	[dreg:$0x0] =	wrdreg $0xFFFFFFFF;
	(pc) =	sbr.abs _section_cstart, $3  }
0xc6: {  	[dreg:$0x1] =	wrdreg $0xFFFFFFFF  }
0xc7: {  	_ =	task.clear_ibuf [dreg:s7], $0x2FFFF;
	_ =	strace $0x9FFFFFFF  }
0xc8: {  	(tm) =	ssettm $0x7FFFFFFF  }
0xc9: {  	_ =	shalt  }
tec
execute0_lowered:
.L_overlay_start_1:
0x0: {  	(tag) =	ssettag $0x1  }
0x1: {  	s0 =	rddreg [dreg:$0x0]  }
0x2: {  	s1 =	srdreg.scid;
	s2 =	stileid.u32  }
0x3: {  	s4 =	rddreg [dreg:$0x1];
	s23 =	simm.s32 $0x3;
	s28 =	simm.s32 $0x1  }
0x4: {  	s29 =	simm.s32 $0x11000;
	s31 =	simm.s32 $0x2;
	s30 =	simm.s32 $0x0  }
0x5: {  	s1 =	sand.u32 $0x1, s1;
	s3 =	sshll.u32 s2, $0x1;
	s2 =	simm.s32 $0x0  }
0x6: {  	s5 =	sor.u32 s1, s3;
	[smem:$0x7FF] =	sst s2;
	s3 =	sadd.s32 $0x1A00, s0  }
0x7: {  	s1 =	ssub.s32 $0x2, s1;
	s6 =	sshll.u32 s5, $0x9;
	_ =	strace $0x80000047  }
0x8: {  	s7 =	sshll.u32 s5, $0x5;
	s5 =	sshll.u32 s5, $0xC;
	s24 =	sshrl.u32 s1, $0x1  }
0x9: {  	s6 =	sadd.s32 s6, s0;
	s0 =	sadd.s32 s7, s0;
	s4 =	sadd.s32 s4, s5  }
0xa: {  	s1 =	ssub.s32 s1, s24;
	s24 =	simm.s32 $0x100;
	s25 =	sadd.s32 $0x41A00, s6  }
0xb: {  	s26 =	sadd.s32 $0x100, s4;
	s7 =	sadd.s32 $0x200, s4;
	s8 =	sadd.s32 $0x300, s4  }
0xc: {  	s9 =	sadd.s32 $0x400, s4;
	s10 =	sadd.s32 $0x500, s4;
	s11 =	sadd.s32 $0x600, s4  }
0xd: {  	s12 =	sadd.s32 $0x700, s4;
	s13 =	sadd.s32 $0x800, s4;
	s14 =	sadd.s32 $0x900, s4  }
0xe: {  	s15 =	sadd.s32 $0xA00, s4;
	s16 =	sadd.s32 $0xB00, s4;
	s17 =	sadd.s32 $0xC00, s4  }
0xf: {  	s18 =	sadd.s32 $0xD00, s4;
	s19 =	sadd.s32 $0xE00, s4;
	s20 =	sadd.s32 $0xF00, s4  }
0x10: {  	s21 =	sadd.s32 $0x45A00, s0;
	s22 =	smax.u32 s1, $0x1;
	[dreg:$0x3] =	wrdreg s25  }
0x11: {  	[dreg:$0x4] =	wrdreg s26;
	s25 =	simm.s32 $0x1000;
	s26 =	simm.s32 $0x9000  }
.LBB2_1:
0x12: {  	s0 =	rddreg [dreg:$0x3]  }
0x13: {  	[tilespmem:s2], [sflag:$0x3] =	stream.linear.gather [hbm4b:s0+s2], $0x1000, $0x38;
	[tilespmem:$0x11900] =	vst v63  }
0x14: {  	_ =	swait.ge [sflag:s23], $0x1000  }
0x15: {  	[sflag:s23] =	ssyncset.done $0x0  }
0x16: {  	[sflag:s23] =	ssyncadd.s32 $0xFFFFF000  }
0x17: {  	v5 =	vimm.f32 $0.0e+00;
	[tilespmem:s25], [sflag:$0x1] =	stream.indirect.gather [hbm4b:s3+s24], $0x80, s2, s24, $0xb8;
	[tilespmem:$0x11900] =	vst v63  }
0x18: {  	v4 =	vimm.f32 $0.0e+00;
	v6 =	vimm.f32 $0.0e+00;
	v3 =	vimm.f32 $0.0e+00  }
0x19: {  	v11 =	vimm.f32 $0.0e+00;
	v9 =	vimm.f32 $0.0e+00;
	v12 =	vimm.f32 $0.0e+00;
	[tilespmem:s26], [sflag:$0x2] =	stream.indirect.gather [hbm4b:s3+s24], $0x80, s24, s24, $0xb8;
	[tilespmem:$0x11900] =	vst v63  }
0x1a: {  	v10 =	vimm.f32 $0.0e+00;
	v0 =	vimm.f32 $0.0e+00;
	v1 =	vimm.f32 $0.0e+00;
	_ =	swait.ge [sflag:s28], $0x8000  }
0x1b: {  	v8 =	vimm.f32 $0.0e+00;
	v7 =	vimm.f32 $0.0e+00;
	v13 =	vimm.f32 $0.0e+00;
	[sflag:s28] =	ssyncset.done $0x0  }
0x1c: {  	s1 =	simm.s32 $0x1080;
	v2 =	vimm.f32 $0.0e+00;
	v15 =	vimm.f32 $0.0e+00;
	v14 =	vimm.f32 $0.0e+00;
	s0 =	simm.s32 $0x0;
	[sflag:s28] =	ssyncadd.s32 $0xFFFF8000  }
.LBB2_2:
0x1d: {  	s5 =	sshll.u32 s0, $0xD  }
0x1e: {  	s5 =	sshra.s32 s5, $0x2  }
0x1f: {  	v19 =	vld [tilespmem:s5+$0x1000]  }
0x20: {  	v18 =	vld [tilespmem:s5+$0x1010]  }
0x21: {  	v28 =	vld [tilespmem:s5+$0x1020]  }
0x22: {  	v17 =	vld [tilespmem:s5+$0x1030]  }
0x23: {  	v21 =	vld [tilespmem:s5+$0x1040]  }
0x24: {  	v20 =	vld [tilespmem:s5+$0x1050]  }
0x25: {  	v22 =	vmov s1;
	v16 =	vld [tilespmem:s5+$0x1060]  }
0x26: {  	v24 =	vld [tilespmem:s5+$0x1070]  }
0x27: {  	v14 =	vadd.f32 v19, v14;
	v15 =	vadd.f32 v18, v15  }
0x28: {  	v2 =	vadd.f32 v28, v2;
	v13 =	vadd.f32 v17, v13  }
0x29: {  	s6 =	simm.s32 $0x0;
	v7 =	vadd.f32 v21, v7;
	v8 =	vadd.f32 v20, v8;
	v23 =	vmul.f32 v19, v19  }
0x2a: {  	v30 =	vld.idx.msk [tilespmem:v22+s6+$0x70 ss:$0x1], $0xffff;
	v26 =	vmul.f32 v18, v18;
	v1 =	vadd.f32 v16, v1;
	v27 =	vmul.f32 v28, v28  }
0x2b: {  	v25 =	vld.idx.msk [tilespmem:v22+s6+$0x40 ss:$0x1], $0xffff;
	v0 =	vadd.f32 v24, v0;
	v29 =	vmul.f32 v20, v20;
	v31 =	vmul.f32 v24, v24  }
0x2c: {  	v32 =	vld.idx.msk [tilespmem:v22+s6+$0x20 ss:$0x1], $0xffff;
	v10 =	vadd.f32 v23, v10;
	v12 =	vadd.f32 v26, v12;
	v26 =	vmul.f32 v17, v17  }
0x2d: {  	v9 =	vadd.f32 v27, v9;
	v27 =	vmul.f32 v21, v21;
	v23 =	vld.idx.msk [tilespmem:v22+s6+$0x60 ss:$0x1], $0xffff;
	v6 =	vadd.f32 v29, v6  }
0x2e: {  	v5 =	vadd.f32 v31, v5;
	v29 =	vld.idx.msk [tilespmem:v22+s6+$0x50 ss:$0x1], $0xffff;
	v11 =	vadd.f32 v26, v11;
	v26 =	vmul.f32 v16, v16  }
0x2f: {  	v0 =	vadd.f32 v30, v0;
	v31 =	vmul.f32 v30, v30;
	v3 =	vadd.f32 v27, v3;
	v27 =	vld.idx.msk [tilespmem:v22+s6+$0x0 ss:$0x1], $0xffff  }
0x30: {  	v4 =	vadd.f32 v26, v4;
	v26 =	vmax.f32 v21, v25;
	v21 =	vmax.f32 v24, v30;
	v24 =	vld.idx.msk [tilespmem:v22+s6+$0x10 ss:$0x1], $0xffff  }
0x31: {  	v34 =	vmul.f32 v25, v25;
	v28 =	vmax.f32 v28, v32;
	v2 =	vadd.f32 v32, v2;
	v30 =	vld.idx.msk [tilespmem:v22+s6+$0x30 ss:$0x1], $0xffff  }
0x32: {  	s5 =	simm.s32 $0x200;
	v32 =	vmul.f32 v32, v32;
	v1 =	vadd.f32 v23, v1;
	v33 =	vmul.f32 v23, v23  }
.LBB2_3:
0x33: {  	s6 =	sshra.s32 s5, $0x2;
	p0 =	sne.s32 s5, $0x1C00;
	s5 =	sadd.s32 $0x200, s5;
	v20 =	vmax.f32 v20, v29;
	v7 =	vadd.f32 v25, v7;
	v3 =	vadd.f32 v34, v3  }
0x34: {  	v34 =	vmul.f32 v29, v29;
	v4 =	vadd.f32 v33, v4;
	v25 =	vld.idx.msk [tilespmem:v22+s6+$0x40 ss:$0x1], $0xffff  }
0x35: {  	v8 =	vadd.f32 v29, v8;
	v35 =	vmul.f32 v27, v27;
	v36 =	vmul.f32 v24, v24;
	v33 =	vld.idx.msk [tilespmem:v22+s6+$0x70 ss:$0x1], $0xffff  }
0x36: {  	v16 =	vmax.f32 v16, v23;
	v5 =	vadd.f32 v31, v5;
	v13 =	vadd.f32 v30, v13;
	v23 =	vld.idx.msk [tilespmem:v22+s6+$0x60 ss:$0x1], $0xffff  }
0x37: {  	v19 =	vmax.f32 v19, v27;
	v14 =	vadd.f32 v27, v14;
	v31 =	vmul.f32 v30, v30;
	v37 =	vld.idx.msk [tilespmem:v22+s6+$0x20 ss:$0x1], $0xffff  }
0x38: {  	v9 =	vadd.f32 v32, v9;
	v17 =	vmax.f32 v17, v30;
	v10 =	vadd.f32 v35, v10;
	v29 =	vld.idx.msk [tilespmem:v22+s6+$0x50 ss:$0x1], $0xffff  }
.Ltmp0:
0x39: {  	v18 =	vmax.f32 v18, v24;
	v6 =	vadd.f32 v34, v6;
	v12 =	vadd.f32 v36, v12;
	v27 =	vld.idx.msk [tilespmem:v22+s6+$0x0 ss:$0x1], $0xffff;
	(pc) =	sbr.rel @p0 .LBB2_3-.Ltmp0, $4  }
0x3a: {  	v15 =	vadd.f32 v24, v15;
	v11 =	vadd.f32 v31, v11;
	v26 =	vmax.f32 v26, v25;
	v24 =	vld.idx.msk [tilespmem:v22+s6+$0x10 ss:$0x1], $0xffff  }
0x3b: {  	v21 =	vmax.f32 v21, v33;
	v0 =	vadd.f32 v33, v0;
	v31 =	vmul.f32 v33, v33;
	v30 =	vld.idx.msk [tilespmem:v22+s6+$0x30 ss:$0x1], $0xffff  }
0x3c: {  	v34 =	vmul.f32 v25, v25;
	v1 =	vadd.f32 v23, v1;
	v33 =	vmul.f32 v23, v23  }
0x3d: {  	v28 =	vmax.f32 v28, v37;
	v2 =	vadd.f32 v37, v2;
	v32 =	vmul.f32 v37, v37  }
0x3e: {  	s5 =	sshll.u32 s0, $0x7  }
0x3f: {  	v19 =	vmax.f32 v19, v27;
	s5 =	sand.u32 $0x3FFFFF80, s5  }
0x40: {  	v20 =	vmax.f32 v20, v29;
	v18 =	vmax.f32 v18, v24;
	[tilespmem:s5+$0x11000] =	vst v19  }
0x41: {  	v7 =	vadd.f32 v25, v7;
	v3 =	vadd.f32 v34, v3;
	v62 =	vmul.f32 v29, v29;
	s0 =	sadd.s32 $0x1, s0;
	[tilespmem:s5+$0x11010] =	vst v18  }
0x42: {  	v4 =	vadd.f32 v33, v4;
	v8 =	vadd.f32 v29, v8;
	v63 =	vmul.f32 v27, v27;
	p0 =	sne.s32 s0, $0x10;
	[tilespmem:s5+$0x11020] =	vst v28  }
.Ltmp1:
0x43: {  	v16 =	vmax.f32 v16, v23;
	v5 =	vadd.f32 v31, v5;
	v14 =	vadd.f32 v27, v14;
	[tilespmem:s5+$0x11040] =	vst v26;
	(pc) =	sbr.rel @p0 .LBB2_2-.Ltmp1, $4  }
0x44: {  	v22 =	vmul.f32 v24, v24;
	v9 =	vadd.f32 v32, v9;
	v17 =	vmax.f32 v17, v30;
	[tilespmem:s5+$0x11050] =	vst v20  }
0x45: {  	v15 =	vadd.f32 v24, v15;
	v13 =	vadd.f32 v30, v13;
	[tilespmem:s5+$0x11030] =	vst v17;
	v17 =	vmul.f32 v30, v30  }
0x46: {  	v10 =	vadd.f32 v63, v10;
	v6 =	vadd.f32 v62, v6;
	[tilespmem:s5+$0x11060] =	vst v16  }
0x47: {  	s1 =	sadd.s32 $0x800, s1;
	[tilespmem:s5+$0x11070] =	vst v21;
	v12 =	vadd.f32 v22, v12;
	v11 =	vadd.f32 v17, v11  }
0x48: {  	s1 =	simm.s32 $0x0  }
0x49: {  	[hbm4b:s4+s1] =	stream.linear.scatter [tilespmem:s29], [sflag:$0x3], $0x800, $0x38;
	[tilespmem:$0x11900] =	vst v63  }
0x4a: {  	_ =	swait.ge [sflag:s23], $0x800  }
0x4b: {  	[sflag:s23] =	ssyncset.done $0x0  }
0x4c: {  	s0 =	simm.s32 $0x200;
	[sflag:s23] =	ssyncadd.s32 $0xFFFFF800  }
0x4d: {  	[tilespmem:s25], [sflag:$0x1] =	stream.indirect.gather [hbm4b:s3+s24], $0x80, s0, s24, $0xb8;
	[tilespmem:$0x11900] =	vst v63  }
0x4e: {  	_ =	swait.ge [sflag:s31], $0x8000  }
0x4f: {  	[sflag:s31] =	ssyncset.done $0x0  }
0x50: {  	s0 =	simm.s32 $0x9080;
	[sflag:s31] =	ssyncadd.s32 $0xFFFF8000  }
.LBB2_6:
0x51: {  	s5 =	sshll.u32 s1, $0xD  }
0x52: {  	s5 =	sshra.s32 s5, $0x2  }
0x53: {  	v19 =	vld [tilespmem:s5+$0x9000]  }
0x54: {  	v18 =	vld [tilespmem:s5+$0x9010]  }
0x55: {  	v28 =	vld [tilespmem:s5+$0x9020]  }
0x56: {  	v17 =	vld [tilespmem:s5+$0x9030]  }
0x57: {  	v21 =	vld [tilespmem:s5+$0x9040]  }
0x58: {  	v20 =	vld [tilespmem:s5+$0x9050]  }
0x59: {  	v22 =	vmov s0;
	v16 =	vld [tilespmem:s5+$0x9060]  }
0x5a: {  	v24 =	vld [tilespmem:s5+$0x9070]  }
0x5b: {  	v14 =	vadd.f32 v19, v14;
	v15 =	vadd.f32 v18, v15  }
0x5c: {  	v2 =	vadd.f32 v28, v2;
	v13 =	vadd.f32 v17, v13  }
0x5d: {  	s6 =	simm.s32 $0x0;
	v7 =	vadd.f32 v21, v7;
	v8 =	vadd.f32 v20, v8;
	v23 =	vmul.f32 v19, v19  }
0x5e: {  	v30 =	vld.idx.msk [tilespmem:v22+s6+$0x70 ss:$0x1], $0xffff;
	v26 =	vmul.f32 v18, v18;
	v1 =	vadd.f32 v16, v1;
	v27 =	vmul.f32 v28, v28  }
0x5f: {  	v25 =	vld.idx.msk [tilespmem:v22+s6+$0x40 ss:$0x1], $0xffff;
	v0 =	vadd.f32 v24, v0;
	v29 =	vmul.f32 v20, v20;
	v31 =	vmul.f32 v24, v24  }
0x60: {  	v32 =	vld.idx.msk [tilespmem:v22+s6+$0x20 ss:$0x1], $0xffff;
	v10 =	vadd.f32 v23, v10;
	v12 =	vadd.f32 v26, v12;
	v26 =	vmul.f32 v17, v17  }
0x61: {  	v9 =	vadd.f32 v27, v9;
	v27 =	vmul.f32 v21, v21;
	v23 =	vld.idx.msk [tilespmem:v22+s6+$0x60 ss:$0x1], $0xffff;
	v6 =	vadd.f32 v29, v6  }
0x62: {  	v5 =	vadd.f32 v31, v5;
	v29 =	vld.idx.msk [tilespmem:v22+s6+$0x50 ss:$0x1], $0xffff;
	v11 =	vadd.f32 v26, v11;
	v26 =	vmul.f32 v16, v16  }
0x63: {  	v0 =	vadd.f32 v30, v0;
	v31 =	vmul.f32 v30, v30;
	v3 =	vadd.f32 v27, v3;
	v27 =	vld.idx.msk [tilespmem:v22+s6+$0x0 ss:$0x1], $0xffff  }
0x64: {  	v4 =	vadd.f32 v26, v4;
	v26 =	vmax.f32 v21, v25;
	v21 =	vmax.f32 v24, v30;
	v24 =	vld.idx.msk [tilespmem:v22+s6+$0x10 ss:$0x1], $0xffff  }
0x65: {  	v34 =	vmul.f32 v25, v25;
	v28 =	vmax.f32 v28, v32;
	v2 =	vadd.f32 v32, v2;
	v30 =	vld.idx.msk [tilespmem:v22+s6+$0x30 ss:$0x1], $0xffff  }
0x66: {  	s5 =	simm.s32 $0x200;
	v32 =	vmul.f32 v32, v32;
	v1 =	vadd.f32 v23, v1;
	v33 =	vmul.f32 v23, v23  }
.LBB2_7:
0x67: {  	s6 =	sshra.s32 s5, $0x2;
	p0 =	sne.s32 s5, $0x1C00;
	s5 =	sadd.s32 $0x200, s5;
	v20 =	vmax.f32 v20, v29;
	v7 =	vadd.f32 v25, v7;
	v3 =	vadd.f32 v34, v3  }
0x68: {  	v34 =	vmul.f32 v29, v29;
	v4 =	vadd.f32 v33, v4;
	v25 =	vld.idx.msk [tilespmem:v22+s6+$0x40 ss:$0x1], $0xffff  }
0x69: {  	v8 =	vadd.f32 v29, v8;
	v35 =	vmul.f32 v27, v27;
	v36 =	vmul.f32 v24, v24;
	v33 =	vld.idx.msk [tilespmem:v22+s6+$0x70 ss:$0x1], $0xffff  }
0x6a: {  	v16 =	vmax.f32 v16, v23;
	v5 =	vadd.f32 v31, v5;
	v13 =	vadd.f32 v30, v13;
	v23 =	vld.idx.msk [tilespmem:v22+s6+$0x60 ss:$0x1], $0xffff  }
0x6b: {  	v19 =	vmax.f32 v19, v27;
	v14 =	vadd.f32 v27, v14;
	v31 =	vmul.f32 v30, v30;
	v37 =	vld.idx.msk [tilespmem:v22+s6+$0x20 ss:$0x1], $0xffff  }
0x6c: {  	v9 =	vadd.f32 v32, v9;
	v17 =	vmax.f32 v17, v30;
	v10 =	vadd.f32 v35, v10;
	v29 =	vld.idx.msk [tilespmem:v22+s6+$0x50 ss:$0x1], $0xffff  }
.Ltmp2:
0x6d: {  	v18 =	vmax.f32 v18, v24;
	v6 =	vadd.f32 v34, v6;
	v12 =	vadd.f32 v36, v12;
	v27 =	vld.idx.msk [tilespmem:v22+s6+$0x0 ss:$0x1], $0xffff;
	(pc) =	sbr.rel @p0 .LBB2_7-.Ltmp2, $4  }
0x6e: {  	v15 =	vadd.f32 v24, v15;
	v11 =	vadd.f32 v31, v11;
	v26 =	vmax.f32 v26, v25;
	v24 =	vld.idx.msk [tilespmem:v22+s6+$0x10 ss:$0x1], $0xffff  }
0x6f: {  	v21 =	vmax.f32 v21, v33;
	v0 =	vadd.f32 v33, v0;
	v31 =	vmul.f32 v33, v33;
	v30 =	vld.idx.msk [tilespmem:v22+s6+$0x30 ss:$0x1], $0xffff  }
0x70: {  	v34 =	vmul.f32 v25, v25;
	v1 =	vadd.f32 v23, v1;
	v33 =	vmul.f32 v23, v23  }
0x71: {  	v28 =	vmax.f32 v28, v37;
	v2 =	vadd.f32 v37, v2;
	v32 =	vmul.f32 v37, v37  }
0x72: {  	s5 =	sshll.u32 s1, $0x7  }
0x73: {  	v19 =	vmax.f32 v19, v27;
	s5 =	sand.u32 $0x3FFFFF80, s5  }
0x74: {  	v20 =	vmax.f32 v20, v29;
	v18 =	vmax.f32 v18, v24;
	[tilespmem:s5+$0x11000] =	vst v19  }
0x75: {  	v7 =	vadd.f32 v25, v7;
	v3 =	vadd.f32 v34, v3;
	v62 =	vmul.f32 v29, v29;
	s1 =	sadd.s32 $0x1, s1;
	[tilespmem:s5+$0x11010] =	vst v18  }
0x76: {  	v4 =	vadd.f32 v33, v4;
	v8 =	vadd.f32 v29, v8;
	v63 =	vmul.f32 v27, v27;
	p0 =	sne.s32 s1, $0x10;
	[tilespmem:s5+$0x11020] =	vst v28  }
.Ltmp3:
0x77: {  	v16 =	vmax.f32 v16, v23;
	v5 =	vadd.f32 v31, v5;
	v14 =	vadd.f32 v27, v14;
	[tilespmem:s5+$0x11040] =	vst v26;
	(pc) =	sbr.rel @p0 .LBB2_6-.Ltmp3, $4  }
0x78: {  	v22 =	vmul.f32 v24, v24;
	v9 =	vadd.f32 v32, v9;
	v17 =	vmax.f32 v17, v30;
	[tilespmem:s5+$0x11050] =	vst v20  }
0x79: {  	v15 =	vadd.f32 v24, v15;
	v13 =	vadd.f32 v30, v13;
	[tilespmem:s5+$0x11030] =	vst v17;
	v17 =	vmul.f32 v30, v30  }
0x7a: {  	v10 =	vadd.f32 v63, v10;
	v6 =	vadd.f32 v62, v6;
	[tilespmem:s5+$0x11060] =	vst v16  }
0x7b: {  	s0 =	sadd.s32 $0x800, s0;
	[tilespmem:s5+$0x11070] =	vst v21;
	v12 =	vadd.f32 v22, v12;
	v11 =	vadd.f32 v17, v11  }
0x7c: {  	s1 =	simm.s32 $0x0;
	s0 =	rddreg [dreg:$0x4]  }
0x7d: {  	[hbm4b:s0+s1] =	stream.linear.scatter [tilespmem:s29], [sflag:$0x3], $0x800, $0x38;
	[tilespmem:$0x11900] =	vst v63  }
0x7e: {  	_ =	swait.ge [sflag:s23], $0x800  }
0x7f: {  	[sflag:s23] =	ssyncset.done $0x0  }
0x80: {  	s6 =	simm.s32 $0x300;
	[sflag:s23] =	ssyncadd.s32 $0xFFFFF800  }
0x81: {  	[tilespmem:s26], [sflag:$0x2] =	stream.indirect.gather [hbm4b:s3+s24], $0x80, s6, s24, $0xb8;
	[tilespmem:$0x11900] =	vst v63  }
0x82: {  	_ =	swait.ge [sflag:s28], $0x8000  }
0x83: {  	[sflag:s28] =	ssyncset.done $0x0  }
0x84: {  	s0 =	simm.s32 $0x1080;
	[sflag:s28] =	ssyncadd.s32 $0xFFFF8000  }
.LBB2_10:
0x85: {  	s5 =	sshll.u32 s1, $0xD  }
0x86: {  	s5 =	sshra.s32 s5, $0x2  }
0x87: {  	v19 =	vld [tilespmem:s5+$0x1000]  }
0x88: {  	v18 =	vld [tilespmem:s5+$0x1010]  }
0x89: {  	v28 =	vld [tilespmem:s5+$0x1020]  }
0x8a: {  	v17 =	vld [tilespmem:s5+$0x1030]  }
0x8b: {  	v21 =	vld [tilespmem:s5+$0x1040]  }
0x8c: {  	v20 =	vld [tilespmem:s5+$0x1050]  }
0x8d: {  	v22 =	vmov s0;
	v16 =	vld [tilespmem:s5+$0x1060]  }
0x8e: {  	v24 =	vld [tilespmem:s5+$0x1070]  }
0x8f: {  	v14 =	vadd.f32 v19, v14;
	v15 =	vadd.f32 v18, v15  }
0x90: {  	v2 =	vadd.f32 v28, v2;
	v13 =	vadd.f32 v17, v13  }
0x91: {  	s6 =	simm.s32 $0x0;
	v7 =	vadd.f32 v21, v7;
	v8 =	vadd.f32 v20, v8;
	v23 =	vmul.f32 v19, v19  }
0x92: {  	v30 =	vld.idx.msk [tilespmem:v22+s6+$0x70 ss:$0x1], $0xffff;
	v26 =	vmul.f32 v18, v18;
	v1 =	vadd.f32 v16, v1;
	v27 =	vmul.f32 v28, v28  }
0x93: {  	v25 =	vld.idx.msk [tilespmem:v22+s6+$0x40 ss:$0x1], $0xffff;
	v0 =	vadd.f32 v24, v0;
	v29 =	vmul.f32 v20, v20;
	v31 =	vmul.f32 v24, v24  }
0x94: {  	v32 =	vld.idx.msk [tilespmem:v22+s6+$0x20 ss:$0x1], $0xffff;
	v10 =	vadd.f32 v23, v10;
	v12 =	vadd.f32 v26, v12;
	v26 =	vmul.f32 v17, v17  }
0x95: {  	v9 =	vadd.f32 v27, v9;
	v27 =	vmul.f32 v21, v21;
	v23 =	vld.idx.msk [tilespmem:v22+s6+$0x60 ss:$0x1], $0xffff;
	v6 =	vadd.f32 v29, v6  }
0x96: {  	v5 =	vadd.f32 v31, v5;
	v29 =	vld.idx.msk [tilespmem:v22+s6+$0x50 ss:$0x1], $0xffff;
	v11 =	vadd.f32 v26, v11;
	v26 =	vmul.f32 v16, v16  }
0x97: {  	v0 =	vadd.f32 v30, v0;
	v31 =	vmul.f32 v30, v30;
	v3 =	vadd.f32 v27, v3;
	v27 =	vld.idx.msk [tilespmem:v22+s6+$0x0 ss:$0x1], $0xffff  }
0x98: {  	v4 =	vadd.f32 v26, v4;
	v26 =	vmax.f32 v21, v25;
	v21 =	vmax.f32 v24, v30;
	v24 =	vld.idx.msk [tilespmem:v22+s6+$0x10 ss:$0x1], $0xffff  }
0x99: {  	v34 =	vmul.f32 v25, v25;
	v28 =	vmax.f32 v28, v32;
	v2 =	vadd.f32 v32, v2;
	v30 =	vld.idx.msk [tilespmem:v22+s6+$0x30 ss:$0x1], $0xffff  }
0x9a: {  	s5 =	simm.s32 $0x200;
	v32 =	vmul.f32 v32, v32;
	v1 =	vadd.f32 v23, v1;
	v33 =	vmul.f32 v23, v23  }
.LBB2_11:
0x9b: {  	s6 =	sshra.s32 s5, $0x2;
	p0 =	sne.s32 s5, $0x1C00;
	s5 =	sadd.s32 $0x200, s5;
	v20 =	vmax.f32 v20, v29;
	v7 =	vadd.f32 v25, v7;
	v3 =	vadd.f32 v34, v3  }
0x9c: {  	v34 =	vmul.f32 v29, v29;
	v4 =	vadd.f32 v33, v4;
	v25 =	vld.idx.msk [tilespmem:v22+s6+$0x40 ss:$0x1], $0xffff  }
0x9d: {  	v8 =	vadd.f32 v29, v8;
	v35 =	vmul.f32 v27, v27;
	v36 =	vmul.f32 v24, v24;
	v33 =	vld.idx.msk [tilespmem:v22+s6+$0x70 ss:$0x1], $0xffff  }
0x9e: {  	v16 =	vmax.f32 v16, v23;
	v5 =	vadd.f32 v31, v5;
	v13 =	vadd.f32 v30, v13;
	v23 =	vld.idx.msk [tilespmem:v22+s6+$0x60 ss:$0x1], $0xffff  }
0x9f: {  	v19 =	vmax.f32 v19, v27;
	v14 =	vadd.f32 v27, v14;
	v31 =	vmul.f32 v30, v30;
	v37 =	vld.idx.msk [tilespmem:v22+s6+$0x20 ss:$0x1], $0xffff  }
0xa0: {  	v9 =	vadd.f32 v32, v9;
	v17 =	vmax.f32 v17, v30;
	v10 =	vadd.f32 v35, v10;
	v29 =	vld.idx.msk [tilespmem:v22+s6+$0x50 ss:$0x1], $0xffff  }
.Ltmp4:
0xa1: {  	v18 =	vmax.f32 v18, v24;
	v6 =	vadd.f32 v34, v6;
	v12 =	vadd.f32 v36, v12;
	v27 =	vld.idx.msk [tilespmem:v22+s6+$0x0 ss:$0x1], $0xffff;
	(pc) =	sbr.rel @p0 .LBB2_11-.Ltmp4, $4  }
0xa2: {  	v15 =	vadd.f32 v24, v15;
	v11 =	vadd.f32 v31, v11;
	v26 =	vmax.f32 v26, v25;
	v24 =	vld.idx.msk [tilespmem:v22+s6+$0x10 ss:$0x1], $0xffff  }
0xa3: {  	v21 =	vmax.f32 v21, v33;
	v0 =	vadd.f32 v33, v0;
	v31 =	vmul.f32 v33, v33;
	v30 =	vld.idx.msk [tilespmem:v22+s6+$0x30 ss:$0x1], $0xffff  }
0xa4: {  	v34 =	vmul.f32 v25, v25;
	v1 =	vadd.f32 v23, v1;
	v33 =	vmul.f32 v23, v23  }
0xa5: {  	v28 =	vmax.f32 v28, v37;
	v2 =	vadd.f32 v37, v2;
	v32 =	vmul.f32 v37, v37  }
0xa6: {  	s5 =	sshll.u32 s1, $0x7  }
0xa7: {  	v19 =	vmax.f32 v19, v27;
	s5 =	sand.u32 $0x3FFFFF80, s5  }
0xa8: {  	v20 =	vmax.f32 v20, v29;
	v18 =	vmax.f32 v18, v24;
	[tilespmem:s5+$0x11000] =	vst v19  }
0xa9: {  	v7 =	vadd.f32 v25, v7;
	v3 =	vadd.f32 v34, v3;
	v62 =	vmul.f32 v29, v29;
	s1 =	sadd.s32 $0x1, s1;
	[tilespmem:s5+$0x11010] =	vst v18  }
0xaa: {  	v4 =	vadd.f32 v33, v4;
	v8 =	vadd.f32 v29, v8;
	v63 =	vmul.f32 v27, v27;
	p0 =	sne.s32 s1, $0x10;
	[tilespmem:s5+$0x11020] =	vst v28  }
.Ltmp5:
0xab: {  	v16 =	vmax.f32 v16, v23;
	v5 =	vadd.f32 v31, v5;
	v14 =	vadd.f32 v27, v14;
	[tilespmem:s5+$0x11040] =	vst v26;
	(pc) =	sbr.rel @p0 .LBB2_10-.Ltmp5, $4  }
0xac: {  	v22 =	vmul.f32 v24, v24;
	v9 =	vadd.f32 v32, v9;
	v17 =	vmax.f32 v17, v30;
	[tilespmem:s5+$0x11050] =	vst v20  }
0xad: {  	v15 =	vadd.f32 v24, v15;
	v13 =	vadd.f32 v30, v13;
	[tilespmem:s5+$0x11030] =	vst v17;
	v17 =	vmul.f32 v30, v30  }
0xae: {  	v10 =	vadd.f32 v63, v10;
	v6 =	vadd.f32 v62, v6;
	[tilespmem:s5+$0x11060] =	vst v16  }
0xaf: {  	s0 =	sadd.s32 $0x800, s0;
	[tilespmem:s5+$0x11070] =	vst v21;
	v12 =	vadd.f32 v22, v12;
	v11 =	vadd.f32 v17, v11  }
0xb0: {  	s1 =	simm.s32 $0x0  }
0xb1: {  	[hbm4b:s7+s1] =	stream.linear.scatter [tilespmem:s29], [sflag:$0x3], $0x800, $0x38;
	[tilespmem:$0x11900] =	vst v63  }
0xb2: {  	_ =	swait.ge [sflag:s23], $0x800  }
0xb3: {  	[sflag:s23] =	ssyncset.done $0x0  }
0xb4: {  	s0 =	simm.s32 $0x400;
	[sflag:s23] =	ssyncadd.s32 $0xFFFFF800  }
0xb5: {  	[tilespmem:s25], [sflag:$0x1] =	stream.indirect.gather [hbm4b:s3+s24], $0x80, s0, s24, $0xb8;
	[tilespmem:$0x11900] =	vst v63  }
0xb6: {  	_ =	swait.ge [sflag:s31], $0x8000  }
0xb7: {  	[sflag:s31] =	ssyncset.done $0x0  }
0xb8: {  	s0 =	simm.s32 $0x9080;
	[sflag:s31] =	ssyncadd.s32 $0xFFFF8000  }
.LBB2_14:
0xb9: {  	s5 =	sshll.u32 s1, $0xD  }
0xba: {  	s5 =	sshra.s32 s5, $0x2  }
0xbb: {  	v19 =	vld [tilespmem:s5+$0x9000]  }
0xbc: {  	v18 =	vld [tilespmem:s5+$0x9010]  }
0xbd: {  	v28 =	vld [tilespmem:s5+$0x9020]  }
0xbe: {  	v17 =	vld [tilespmem:s5+$0x9030]  }
0xbf: {  	v21 =	vld [tilespmem:s5+$0x9040]  }
0xc0: {  	v20 =	vld [tilespmem:s5+$0x9050]  }
0xc1: {  	v22 =	vmov s0;
	v16 =	vld [tilespmem:s5+$0x9060]  }
0xc2: {  	v24 =	vld [tilespmem:s5+$0x9070]  }
0xc3: {  	v14 =	vadd.f32 v19, v14;
	v15 =	vadd.f32 v18, v15  }
0xc4: {  	v2 =	vadd.f32 v28, v2;
	v13 =	vadd.f32 v17, v13  }
0xc5: {  	s6 =	simm.s32 $0x0;
	v7 =	vadd.f32 v21, v7;
	v8 =	vadd.f32 v20, v8;
	v23 =	vmul.f32 v19, v19  }
0xc6: {  	v30 =	vld.idx.msk [tilespmem:v22+s6+$0x70 ss:$0x1], $0xffff;
	v26 =	vmul.f32 v18, v18;
	v1 =	vadd.f32 v16, v1;
	v27 =	vmul.f32 v28, v28  }
0xc7: {  	v25 =	vld.idx.msk [tilespmem:v22+s6+$0x40 ss:$0x1], $0xffff;
	v0 =	vadd.f32 v24, v0;
	v29 =	vmul.f32 v20, v20;
	v31 =	vmul.f32 v24, v24  }
0xc8: {  	v32 =	vld.idx.msk [tilespmem:v22+s6+$0x20 ss:$0x1], $0xffff;
	v10 =	vadd.f32 v23, v10;
	v12 =	vadd.f32 v26, v12;
	v26 =	vmul.f32 v17, v17  }
0xc9: {  	v9 =	vadd.f32 v27, v9;
	v27 =	vmul.f32 v21, v21;
	v23 =	vld.idx.msk [tilespmem:v22+s6+$0x60 ss:$0x1], $0xffff;
	v6 =	vadd.f32 v29, v6  }
0xca: {  	v5 =	vadd.f32 v31, v5;
	v29 =	vld.idx.msk [tilespmem:v22+s6+$0x50 ss:$0x1], $0xffff;
	v11 =	vadd.f32 v26, v11;
	v26 =	vmul.f32 v16, v16  }
0xcb: {  	v0 =	vadd.f32 v30, v0;
	v31 =	vmul.f32 v30, v30;
	v3 =	vadd.f32 v27, v3;
	v27 =	vld.idx.msk [tilespmem:v22+s6+$0x0 ss:$0x1], $0xffff  }
0xcc: {  	v4 =	vadd.f32 v26, v4;
	v26 =	vmax.f32 v21, v25;
	v21 =	vmax.f32 v24, v30;
	v24 =	vld.idx.msk [tilespmem:v22+s6+$0x10 ss:$0x1], $0xffff  }
0xcd: {  	v34 =	vmul.f32 v25, v25;
	v28 =	vmax.f32 v28, v32;
	v2 =	vadd.f32 v32, v2;
	v30 =	vld.idx.msk [tilespmem:v22+s6+$0x30 ss:$0x1], $0xffff  }
0xce: {  	s5 =	simm.s32 $0x200;
	v32 =	vmul.f32 v32, v32;
	v1 =	vadd.f32 v23, v1;
	v33 =	vmul.f32 v23, v23  }
.LBB2_15:
0xcf: {  	s6 =	sshra.s32 s5, $0x2;
	p0 =	sne.s32 s5, $0x1C00;
	s5 =	sadd.s32 $0x200, s5;
	v20 =	vmax.f32 v20, v29;
	v7 =	vadd.f32 v25, v7;
	v3 =	vadd.f32 v34, v3  }
0xd0: {  	v34 =	vmul.f32 v29, v29;
	v4 =	vadd.f32 v33, v4;
	v25 =	vld.idx.msk [tilespmem:v22+s6+$0x40 ss:$0x1], $0xffff  }
0xd1: {  	v8 =	vadd.f32 v29, v8;
	v35 =	vmul.f32 v27, v27;
	v36 =	vmul.f32 v24, v24;
	v33 =	vld.idx.msk [tilespmem:v22+s6+$0x70 ss:$0x1], $0xffff  }
0xd2: {  	v16 =	vmax.f32 v16, v23;
	v5 =	vadd.f32 v31, v5;
	v13 =	vadd.f32 v30, v13;
	v23 =	vld.idx.msk [tilespmem:v22+s6+$0x60 ss:$0x1], $0xffff  }
0xd3: {  	v19 =	vmax.f32 v19, v27;
	v14 =	vadd.f32 v27, v14;
	v31 =	vmul.f32 v30, v30;
	v37 =	vld.idx.msk [tilespmem:v22+s6+$0x20 ss:$0x1], $0xffff  }
0xd4: {  	v9 =	vadd.f32 v32, v9;
	v17 =	vmax.f32 v17, v30;
	v10 =	vadd.f32 v35, v10;
	v29 =	vld.idx.msk [tilespmem:v22+s6+$0x50 ss:$0x1], $0xffff  }
.Ltmp6:
0xd5: {  	v18 =	vmax.f32 v18, v24;
	v6 =	vadd.f32 v34, v6;
	v12 =	vadd.f32 v36, v12;
	v27 =	vld.idx.msk [tilespmem:v22+s6+$0x0 ss:$0x1], $0xffff;
	(pc) =	sbr.rel @p0 .LBB2_15-.Ltmp6, $4  }
0xd6: {  	v15 =	vadd.f32 v24, v15;
	v11 =	vadd.f32 v31, v11;
	v26 =	vmax.f32 v26, v25;
	v24 =	vld.idx.msk [tilespmem:v22+s6+$0x10 ss:$0x1], $0xffff  }
0xd7: {  	v21 =	vmax.f32 v21, v33;
	v0 =	vadd.f32 v33, v0;
	v31 =	vmul.f32 v33, v33;
	v30 =	vld.idx.msk [tilespmem:v22+s6+$0x30 ss:$0x1], $0xffff  }
0xd8: {  	v34 =	vmul.f32 v25, v25;
	v1 =	vadd.f32 v23, v1;
	v33 =	vmul.f32 v23, v23  }
0xd9: {  	v28 =	vmax.f32 v28, v37;
	v2 =	vadd.f32 v37, v2;
	v32 =	vmul.f32 v37, v37  }
0xda: {  	s5 =	sshll.u32 s1, $0x7  }
0xdb: {  	v19 =	vmax.f32 v19, v27;
	s5 =	sand.u32 $0x3FFFFF80, s5  }
0xdc: {  	v20 =	vmax.f32 v20, v29;
	v18 =	vmax.f32 v18, v24;
	[tilespmem:s5+$0x11000] =	vst v19  }
0xdd: {  	v7 =	vadd.f32 v25, v7;
	v3 =	vadd.f32 v34, v3;
	v62 =	vmul.f32 v29, v29;
	s1 =	sadd.s32 $0x1, s1;
	[tilespmem:s5+$0x11010] =	vst v18  }
0xde: {  	v4 =	vadd.f32 v33, v4;
	v8 =	vadd.f32 v29, v8;
	v63 =	vmul.f32 v27, v27;
	p0 =	sne.s32 s1, $0x10;
	[tilespmem:s5+$0x11020] =	vst v28  }
.Ltmp7:
0xdf: {  	v16 =	vmax.f32 v16, v23;
	v5 =	vadd.f32 v31, v5;
	v14 =	vadd.f32 v27, v14;
	[tilespmem:s5+$0x11040] =	vst v26;
	(pc) =	sbr.rel @p0 .LBB2_14-.Ltmp7, $4  }
0xe0: {  	v22 =	vmul.f32 v24, v24;
	v9 =	vadd.f32 v32, v9;
	v17 =	vmax.f32 v17, v30;
	[tilespmem:s5+$0x11050] =	vst v20  }
0xe1: {  	v15 =	vadd.f32 v24, v15;
	v13 =	vadd.f32 v30, v13;
	[tilespmem:s5+$0x11030] =	vst v17;
	v17 =	vmul.f32 v30, v30  }
0xe2: {  	v10 =	vadd.f32 v63, v10;
	v6 =	vadd.f32 v62, v6;
	[tilespmem:s5+$0x11060] =	vst v16  }
0xe3: {  	s0 =	sadd.s32 $0x800, s0;
	[tilespmem:s5+$0x11070] =	vst v21;
	v12 =	vadd.f32 v22, v12;
	v11 =	vadd.f32 v17, v11  }
0xe4: {  	s1 =	simm.s32 $0x0  }
0xe5: {  	[hbm4b:s8+s1] =	stream.linear.scatter [tilespmem:s29], [sflag:$0x3], $0x800, $0x38;
	[tilespmem:$0x11900] =	vst v63  }
0xe6: {  	_ =	swait.ge [sflag:s23], $0x800  }
0xe7: {  	[sflag:s23] =	ssyncset.done $0x0  }
0xe8: {  	s0 =	simm.s32 $0x500;
	[sflag:s23] =	ssyncadd.s32 $0xFFFFF800  }
0xe9: {  	[tilespmem:s26], [sflag:$0x2] =	stream.indirect.gather [hbm4b:s3+s24], $0x80, s0, s24, $0xb8;
	[tilespmem:$0x11900] =	vst v63  }
0xea: {  	_ =	swait.ge [sflag:s28], $0x8000  }
0xeb: {  	[sflag:s28] =	ssyncset.done $0x0  }
0xec: {  	s0 =	simm.s32 $0x1080;
	[sflag:s28] =	ssyncadd.s32 $0xFFFF8000  }
.LBB2_18:
0xed: {  	s5 =	sshll.u32 s1, $0xD  }
0xee: {  	s5 =	sshra.s32 s5, $0x2  }
0xef: {  	v19 =	vld [tilespmem:s5+$0x1000]  }
0xf0: {  	v18 =	vld [tilespmem:s5+$0x1010]  }
0xf1: {  	v28 =	vld [tilespmem:s5+$0x1020]  }
0xf2: {  	v17 =	vld [tilespmem:s5+$0x1030]  }
0xf3: {  	v21 =	vld [tilespmem:s5+$0x1040]  }
0xf4: {  	v20 =	vld [tilespmem:s5+$0x1050]  }
0xf5: {  	v22 =	vmov s0;
	v16 =	vld [tilespmem:s5+$0x1060]  }
0xf6: {  	v24 =	vld [tilespmem:s5+$0x1070]  }
0xf7: {  	v14 =	vadd.f32 v19, v14;
	v15 =	vadd.f32 v18, v15  }
0xf8: {  	v2 =	vadd.f32 v28, v2;
	v13 =	vadd.f32 v17, v13  }
0xf9: {  	s6 =	simm.s32 $0x0;
	v7 =	vadd.f32 v21, v7;
	v8 =	vadd.f32 v20, v8;
	v23 =	vmul.f32 v19, v19  }
0xfa: {  	v30 =	vld.idx.msk [tilespmem:v22+s6+$0x70 ss:$0x1], $0xffff;
	v26 =	vmul.f32 v18, v18;
	v1 =	vadd.f32 v16, v1;
	v27 =	vmul.f32 v28, v28  }
0xfb: {  	v25 =	vld.idx.msk [tilespmem:v22+s6+$0x40 ss:$0x1], $0xffff;
	v0 =	vadd.f32 v24, v0;
	v29 =	vmul.f32 v20, v20;
	v31 =	vmul.f32 v24, v24  }
0xfc: {  	v32 =	vld.idx.msk [tilespmem:v22+s6+$0x20 ss:$0x1], $0xffff;
	v10 =	vadd.f32 v23, v10;
	v12 =	vadd.f32 v26, v12;
	v26 =	vmul.f32 v17, v17  }
0xfd: {  	v9 =	vadd.f32 v27, v9;
	v27 =	vmul.f32 v21, v21;
	v23 =	vld.idx.msk [tilespmem:v22+s6+$0x60 ss:$0x1], $0xffff;
	v6 =	vadd.f32 v29, v6  }
0xfe: {  	v5 =	vadd.f32 v31, v5;
	v29 =	vld.idx.msk [tilespmem:v22+s6+$0x50 ss:$0x1], $0xffff;
	v11 =	vadd.f32 v26, v11;
	v26 =	vmul.f32 v16, v16  }
0xff: {  	v0 =	vadd.f32 v30, v0;
	v31 =	vmul.f32 v30, v30;
	v3 =	vadd.f32 v27, v3;
	v27 =	vld.idx.msk [tilespmem:v22+s6+$0x0 ss:$0x1], $0xffff  }
0x100: {  	v4 =	vadd.f32 v26, v4;
	v26 =	vmax.f32 v21, v25;
	v21 =	vmax.f32 v24, v30;
	v24 =	vld.idx.msk [tilespmem:v22+s6+$0x10 ss:$0x1], $0xffff  }
0x101: {  	v34 =	vmul.f32 v25, v25;
	v28 =	vmax.f32 v28, v32;
	v2 =	vadd.f32 v32, v2;
	v30 =	vld.idx.msk [tilespmem:v22+s6+$0x30 ss:$0x1], $0xffff  }
0x102: {  	s5 =	simm.s32 $0x200;
	v32 =	vmul.f32 v32, v32;
	v1 =	vadd.f32 v23, v1;
	v33 =	vmul.f32 v23, v23  }
.LBB2_19:
0x103: {  	s6 =	sshra.s32 s5, $0x2;
	p0 =	sne.s32 s5, $0x1C00;
	s5 =	sadd.s32 $0x200, s5;
	v20 =	vmax.f32 v20, v29;
	v7 =	vadd.f32 v25, v7;
	v3 =	vadd.f32 v34, v3  }
0x104: {  	v34 =	vmul.f32 v29, v29;
	v4 =	vadd.f32 v33, v4;
	v25 =	vld.idx.msk [tilespmem:v22+s6+$0x40 ss:$0x1], $0xffff  }
0x105: {  	v8 =	vadd.f32 v29, v8;
	v35 =	vmul.f32 v27, v27;
	v36 =	vmul.f32 v24, v24;
	v33 =	vld.idx.msk [tilespmem:v22+s6+$0x70 ss:$0x1], $0xffff  }
0x106: {  	v16 =	vmax.f32 v16, v23;
	v5 =	vadd.f32 v31, v5;
	v13 =	vadd.f32 v30, v13;
	v23 =	vld.idx.msk [tilespmem:v22+s6+$0x60 ss:$0x1], $0xffff  }
0x107: {  	v19 =	vmax.f32 v19, v27;
	v14 =	vadd.f32 v27, v14;
	v31 =	vmul.f32 v30, v30;
	v37 =	vld.idx.msk [tilespmem:v22+s6+$0x20 ss:$0x1], $0xffff  }
0x108: {  	v9 =	vadd.f32 v32, v9;
	v17 =	vmax.f32 v17, v30;
	v10 =	vadd.f32 v35, v10;
	v29 =	vld.idx.msk [tilespmem:v22+s6+$0x50 ss:$0x1], $0xffff  }
.Ltmp8:
0x109: {  	v18 =	vmax.f32 v18, v24;
	v6 =	vadd.f32 v34, v6;
	v12 =	vadd.f32 v36, v12;
	v27 =	vld.idx.msk [tilespmem:v22+s6+$0x0 ss:$0x1], $0xffff;
	(pc) =	sbr.rel @p0 .LBB2_19-.Ltmp8, $4  }
0x10a: {  	v15 =	vadd.f32 v24, v15;
	v11 =	vadd.f32 v31, v11;
	v26 =	vmax.f32 v26, v25;
	v24 =	vld.idx.msk [tilespmem:v22+s6+$0x10 ss:$0x1], $0xffff  }
0x10b: {  	v21 =	vmax.f32 v21, v33;
	v0 =	vadd.f32 v33, v0;
	v31 =	vmul.f32 v33, v33;
	v30 =	vld.idx.msk [tilespmem:v22+s6+$0x30 ss:$0x1], $0xffff  }
0x10c: {  	v34 =	vmul.f32 v25, v25;
	v1 =	vadd.f32 v23, v1;
	v33 =	vmul.f32 v23, v23  }
0x10d: {  	v28 =	vmax.f32 v28, v37;
	v2 =	vadd.f32 v37, v2;
	v32 =	vmul.f32 v37, v37  }
0x10e: {  	s5 =	sshll.u32 s1, $0x7  }
0x10f: {  	v19 =	vmax.f32 v19, v27;
	s5 =	sand.u32 $0x3FFFFF80, s5  }
0x110: {  	v20 =	vmax.f32 v20, v29;
	v18 =	vmax.f32 v18, v24;
	[tilespmem:s5+$0x11000] =	vst v19  }
0x111: {  	v7 =	vadd.f32 v25, v7;
	v3 =	vadd.f32 v34, v3;
	v62 =	vmul.f32 v29, v29;
	s1 =	sadd.s32 $0x1, s1;
	[tilespmem:s5+$0x11010] =	vst v18  }
0x112: {  	v4 =	vadd.f32 v33, v4;
	v8 =	vadd.f32 v29, v8;
	v63 =	vmul.f32 v27, v27;
	p0 =	sne.s32 s1, $0x10;
	[tilespmem:s5+$0x11020] =	vst v28  }
.Ltmp9:
0x113: {  	v16 =	vmax.f32 v16, v23;
	v5 =	vadd.f32 v31, v5;
	v14 =	vadd.f32 v27, v14;
	[tilespmem:s5+$0x11040] =	vst v26;
	(pc) =	sbr.rel @p0 .LBB2_18-.Ltmp9, $4  }
0x114: {  	v22 =	vmul.f32 v24, v24;
	v9 =	vadd.f32 v32, v9;
	v17 =	vmax.f32 v17, v30;
	[tilespmem:s5+$0x11050] =	vst v20  }
0x115: {  	v15 =	vadd.f32 v24, v15;
	v13 =	vadd.f32 v30, v13;
	[tilespmem:s5+$0x11030] =	vst v17;
	v17 =	vmul.f32 v30, v30  }
0x116: {  	v10 =	vadd.f32 v63, v10;
	v6 =	vadd.f32 v62, v6;
	[tilespmem:s5+$0x11060] =	vst v16  }
0x117: {  	s0 =	sadd.s32 $0x800, s0;
	[tilespmem:s5+$0x11070] =	vst v21;
	v12 =	vadd.f32 v22, v12;
	v11 =	vadd.f32 v17, v11  }
0x118: {  	s1 =	simm.s32 $0x0  }
0x119: {  	[hbm4b:s9+s1] =	stream.linear.scatter [tilespmem:s29], [sflag:$0x3], $0x800, $0x38;
	[tilespmem:$0x11900] =	vst v63  }
0x11a: {  	_ =	swait.ge [sflag:s23], $0x800  }
0x11b: {  	[sflag:s23] =	ssyncset.done $0x0  }
0x11c: {  	s0 =	simm.s32 $0x600;
	[sflag:s23] =	ssyncadd.s32 $0xFFFFF800  }
0x11d: {  	[tilespmem:s25], [sflag:$0x1] =	stream.indirect.gather [hbm4b:s3+s24], $0x80, s0, s24, $0xb8;
	[tilespmem:$0x11900] =	vst v63  }
0x11e: {  	_ =	swait.ge [sflag:s31], $0x8000  }
0x11f: {  	[sflag:s31] =	ssyncset.done $0x0  }
0x120: {  	s0 =	simm.s32 $0x9080;
	[sflag:s31] =	ssyncadd.s32 $0xFFFF8000  }
.LBB2_22:
0x121: {  	s5 =	sshll.u32 s1, $0xD  }
0x122: {  	s5 =	sshra.s32 s5, $0x2  }
0x123: {  	v19 =	vld [tilespmem:s5+$0x9000]  }
0x124: {  	v18 =	vld [tilespmem:s5+$0x9010]  }
0x125: {  	v28 =	vld [tilespmem:s5+$0x9020]  }
0x126: {  	v17 =	vld [tilespmem:s5+$0x9030]  }
0x127: {  	v21 =	vld [tilespmem:s5+$0x9040]  }
0x128: {  	v20 =	vld [tilespmem:s5+$0x9050]  }
0x129: {  	v22 =	vmov s0;
	v16 =	vld [tilespmem:s5+$0x9060]  }
0x12a: {  	v24 =	vld [tilespmem:s5+$0x9070]  }
0x12b: {  	v14 =	vadd.f32 v19, v14;
	v15 =	vadd.f32 v18, v15  }
0x12c: {  	v2 =	vadd.f32 v28, v2;
	v13 =	vadd.f32 v17, v13  }
0x12d: {  	s6 =	simm.s32 $0x0;
	v7 =	vadd.f32 v21, v7;
	v8 =	vadd.f32 v20, v8;
	v23 =	vmul.f32 v19, v19  }
0x12e: {  	v30 =	vld.idx.msk [tilespmem:v22+s6+$0x70 ss:$0x1], $0xffff;
	v26 =	vmul.f32 v18, v18;
	v1 =	vadd.f32 v16, v1;
	v27 =	vmul.f32 v28, v28  }
0x12f: {  	v25 =	vld.idx.msk [tilespmem:v22+s6+$0x40 ss:$0x1], $0xffff;
	v0 =	vadd.f32 v24, v0;
	v29 =	vmul.f32 v20, v20;
	v31 =	vmul.f32 v24, v24  }
0x130: {  	v32 =	vld.idx.msk [tilespmem:v22+s6+$0x20 ss:$0x1], $0xffff;
	v10 =	vadd.f32 v23, v10;
	v12 =	vadd.f32 v26, v12;
	v26 =	vmul.f32 v17, v17  }
0x131: {  	v9 =	vadd.f32 v27, v9;
	v27 =	vmul.f32 v21, v21;
	v23 =	vld.idx.msk [tilespmem:v22+s6+$0x60 ss:$0x1], $0xffff;
	v6 =	vadd.f32 v29, v6  }
0x132: {  	v5 =	vadd.f32 v31, v5;
	v29 =	vld.idx.msk [tilespmem:v22+s6+$0x50 ss:$0x1], $0xffff;
	v11 =	vadd.f32 v26, v11;
	v26 =	vmul.f32 v16, v16  }
0x133: {  	v0 =	vadd.f32 v30, v0;
	v31 =	vmul.f32 v30, v30;
	v3 =	vadd.f32 v27, v3;
	v27 =	vld.idx.msk [tilespmem:v22+s6+$0x0 ss:$0x1], $0xffff  }
0x134: {  	v4 =	vadd.f32 v26, v4;
	v26 =	vmax.f32 v21, v25;
	v21 =	vmax.f32 v24, v30;
	v24 =	vld.idx.msk [tilespmem:v22+s6+$0x10 ss:$0x1], $0xffff  }
0x135: {  	v34 =	vmul.f32 v25, v25;
	v28 =	vmax.f32 v28, v32;
	v2 =	vadd.f32 v32, v2;
	v30 =	vld.idx.msk [tilespmem:v22+s6+$0x30 ss:$0x1], $0xffff  }
0x136: {  	s5 =	simm.s32 $0x200;
	v32 =	vmul.f32 v32, v32;
	v1 =	vadd.f32 v23, v1;
	v33 =	vmul.f32 v23, v23  }
.LBB2_23:
0x137: {  	s6 =	sshra.s32 s5, $0x2;
	p0 =	sne.s32 s5, $0x1C00;
	s5 =	sadd.s32 $0x200, s5;
	v20 =	vmax.f32 v20, v29;
	v7 =	vadd.f32 v25, v7;
	v3 =	vadd.f32 v34, v3  }
0x138: {  	v34 =	vmul.f32 v29, v29;
	v4 =	vadd.f32 v33, v4;
	v25 =	vld.idx.msk [tilespmem:v22+s6+$0x40 ss:$0x1], $0xffff  }
0x139: {  	v8 =	vadd.f32 v29, v8;
	v35 =	vmul.f32 v27, v27;
	v36 =	vmul.f32 v24, v24;
	v33 =	vld.idx.msk [tilespmem:v22+s6+$0x70 ss:$0x1], $0xffff  }
0x13a: {  	v16 =	vmax.f32 v16, v23;
	v5 =	vadd.f32 v31, v5;
	v13 =	vadd.f32 v30, v13;
	v23 =	vld.idx.msk [tilespmem:v22+s6+$0x60 ss:$0x1], $0xffff  }
0x13b: {  	v19 =	vmax.f32 v19, v27;
	v14 =	vadd.f32 v27, v14;
	v31 =	vmul.f32 v30, v30;
	v37 =	vld.idx.msk [tilespmem:v22+s6+$0x20 ss:$0x1], $0xffff  }
0x13c: {  	v9 =	vadd.f32 v32, v9;
	v17 =	vmax.f32 v17, v30;
	v10 =	vadd.f32 v35, v10;
	v29 =	vld.idx.msk [tilespmem:v22+s6+$0x50 ss:$0x1], $0xffff  }
.Ltmp10:
0x13d: {  	v18 =	vmax.f32 v18, v24;
	v6 =	vadd.f32 v34, v6;
	v12 =	vadd.f32 v36, v12;
	v27 =	vld.idx.msk [tilespmem:v22+s6+$0x0 ss:$0x1], $0xffff;
	(pc) =	sbr.rel @p0 .LBB2_23-.Ltmp10, $4  }
0x13e: {  	v15 =	vadd.f32 v24, v15;
	v11 =	vadd.f32 v31, v11;
	v26 =	vmax.f32 v26, v25;
	v24 =	vld.idx.msk [tilespmem:v22+s6+$0x10 ss:$0x1], $0xffff  }
0x13f: {  	v21 =	vmax.f32 v21, v33;
	v0 =	vadd.f32 v33, v0;
	v31 =	vmul.f32 v33, v33;
	v30 =	vld.idx.msk [tilespmem:v22+s6+$0x30 ss:$0x1], $0xffff  }
0x140: {  	v34 =	vmul.f32 v25, v25;
	v1 =	vadd.f32 v23, v1;
	v33 =	vmul.f32 v23, v23  }
0x141: {  	v28 =	vmax.f32 v28, v37;
	v2 =	vadd.f32 v37, v2;
	v32 =	vmul.f32 v37, v37  }
0x142: {  	s5 =	sshll.u32 s1, $0x7  }
0x143: {  	v19 =	vmax.f32 v19, v27;
	s5 =	sand.u32 $0x3FFFFF80, s5  }
0x144: {  	v20 =	vmax.f32 v20, v29;
	v18 =	vmax.f32 v18, v24;
	[tilespmem:s5+$0x11000] =	vst v19  }
0x145: {  	v7 =	vadd.f32 v25, v7;
	v3 =	vadd.f32 v34, v3;
	v62 =	vmul.f32 v29, v29;
	s1 =	sadd.s32 $0x1, s1;
	[tilespmem:s5+$0x11010] =	vst v18  }
0x146: {  	v4 =	vadd.f32 v33, v4;
	v8 =	vadd.f32 v29, v8;
	v63 =	vmul.f32 v27, v27;
	p0 =	sne.s32 s1, $0x10;
	[tilespmem:s5+$0x11020] =	vst v28  }
.Ltmp11:
0x147: {  	v16 =	vmax.f32 v16, v23;
	v5 =	vadd.f32 v31, v5;
	v14 =	vadd.f32 v27, v14;
	[tilespmem:s5+$0x11040] =	vst v26;
	(pc) =	sbr.rel @p0 .LBB2_22-.Ltmp11, $4  }
0x148: {  	v22 =	vmul.f32 v24, v24;
	v9 =	vadd.f32 v32, v9;
	v17 =	vmax.f32 v17, v30;
	[tilespmem:s5+$0x11050] =	vst v20  }
0x149: {  	v15 =	vadd.f32 v24, v15;
	v13 =	vadd.f32 v30, v13;
	[tilespmem:s5+$0x11030] =	vst v17;
	v17 =	vmul.f32 v30, v30  }
0x14a: {  	v10 =	vadd.f32 v63, v10;
	v6 =	vadd.f32 v62, v6;
	[tilespmem:s5+$0x11060] =	vst v16  }
0x14b: {  	s0 =	sadd.s32 $0x800, s0;
	[tilespmem:s5+$0x11070] =	vst v21;
	v12 =	vadd.f32 v22, v12;
	v11 =	vadd.f32 v17, v11  }
0x14c: {  	s1 =	simm.s32 $0x0  }
0x14d: {  	[hbm4b:s10+s1] =	stream.linear.scatter [tilespmem:s29], [sflag:$0x3], $0x800, $0x38;
	[tilespmem:$0x11900] =	vst v63  }
0x14e: {  	_ =	swait.ge [sflag:s23], $0x800  }
0x14f: {  	[sflag:s23] =	ssyncset.done $0x0  }
0x150: {  	s0 =	simm.s32 $0x700;
	[sflag:s23] =	ssyncadd.s32 $0xFFFFF800  }
0x151: {  	[tilespmem:s26], [sflag:$0x2] =	stream.indirect.gather [hbm4b:s3+s24], $0x80, s0, s24, $0xb8;
	[tilespmem:$0x11900] =	vst v63  }
0x152: {  	_ =	swait.ge [sflag:s28], $0x8000  }
0x153: {  	[sflag:s28] =	ssyncset.done $0x0  }
0x154: {  	s0 =	simm.s32 $0x1080;
	[sflag:s28] =	ssyncadd.s32 $0xFFFF8000  }
.LBB2_26:
0x155: {  	s5 =	sshll.u32 s1, $0xD  }
0x156: {  	s5 =	sshra.s32 s5, $0x2  }
0x157: {  	v19 =	vld [tilespmem:s5+$0x1000]  }
0x158: {  	v18 =	vld [tilespmem:s5+$0x1010]  }
0x159: {  	v28 =	vld [tilespmem:s5+$0x1020]  }
0x15a: {  	v17 =	vld [tilespmem:s5+$0x1030]  }
0x15b: {  	v21 =	vld [tilespmem:s5+$0x1040]  }
0x15c: {  	v20 =	vld [tilespmem:s5+$0x1050]  }
0x15d: {  	v22 =	vmov s0;
	v16 =	vld [tilespmem:s5+$0x1060]  }
0x15e: {  	v24 =	vld [tilespmem:s5+$0x1070]  }
0x15f: {  	v14 =	vadd.f32 v19, v14;
	v15 =	vadd.f32 v18, v15  }
0x160: {  	v2 =	vadd.f32 v28, v2;
	v13 =	vadd.f32 v17, v13  }
0x161: {  	s6 =	simm.s32 $0x0;
	v7 =	vadd.f32 v21, v7;
	v8 =	vadd.f32 v20, v8;
	v23 =	vmul.f32 v19, v19  }
0x162: {  	v30 =	vld.idx.msk [tilespmem:v22+s6+$0x70 ss:$0x1], $0xffff;
	v26 =	vmul.f32 v18, v18;
	v1 =	vadd.f32 v16, v1;
	v27 =	vmul.f32 v28, v28  }
0x163: {  	v25 =	vld.idx.msk [tilespmem:v22+s6+$0x40 ss:$0x1], $0xffff;
	v0 =	vadd.f32 v24, v0;
	v29 =	vmul.f32 v20, v20;
	v31 =	vmul.f32 v24, v24  }
0x164: {  	v32 =	vld.idx.msk [tilespmem:v22+s6+$0x20 ss:$0x1], $0xffff;
	v10 =	vadd.f32 v23, v10;
	v12 =	vadd.f32 v26, v12;
	v26 =	vmul.f32 v17, v17  }
0x165: {  	v9 =	vadd.f32 v27, v9;
	v27 =	vmul.f32 v21, v21;
	v23 =	vld.idx.msk [tilespmem:v22+s6+$0x60 ss:$0x1], $0xffff;
	v6 =	vadd.f32 v29, v6  }
0x166: {  	v5 =	vadd.f32 v31, v5;
	v29 =	vld.idx.msk [tilespmem:v22+s6+$0x50 ss:$0x1], $0xffff;
	v11 =	vadd.f32 v26, v11;
	v26 =	vmul.f32 v16, v16  }
0x167: {  	v0 =	vadd.f32 v30, v0;
	v31 =	vmul.f32 v30, v30;
	v3 =	vadd.f32 v27, v3;
	v27 =	vld.idx.msk [tilespmem:v22+s6+$0x0 ss:$0x1], $0xffff  }
0x168: {  	v4 =	vadd.f32 v26, v4;
	v26 =	vmax.f32 v21, v25;
	v21 =	vmax.f32 v24, v30;
	v24 =	vld.idx.msk [tilespmem:v22+s6+$0x10 ss:$0x1], $0xffff  }
0x169: {  	v34 =	vmul.f32 v25, v25;
	v28 =	vmax.f32 v28, v32;
	v2 =	vadd.f32 v32, v2;
	v30 =	vld.idx.msk [tilespmem:v22+s6+$0x30 ss:$0x1], $0xffff  }
0x16a: {  	s5 =	simm.s32 $0x200;
	v32 =	vmul.f32 v32, v32;
	v1 =	vadd.f32 v23, v1;
	v33 =	vmul.f32 v23, v23  }
.LBB2_27:
0x16b: {  	s6 =	sshra.s32 s5, $0x2;
	p0 =	sne.s32 s5, $0x1C00;
	s5 =	sadd.s32 $0x200, s5;
	v20 =	vmax.f32 v20, v29;
	v7 =	vadd.f32 v25, v7;
	v3 =	vadd.f32 v34, v3  }
0x16c: {  	v34 =	vmul.f32 v29, v29;
	v4 =	vadd.f32 v33, v4;
	v25 =	vld.idx.msk [tilespmem:v22+s6+$0x40 ss:$0x1], $0xffff  }
0x16d: {  	v8 =	vadd.f32 v29, v8;
	v35 =	vmul.f32 v27, v27;
	v36 =	vmul.f32 v24, v24;
	v33 =	vld.idx.msk [tilespmem:v22+s6+$0x70 ss:$0x1], $0xffff  }
0x16e: {  	v16 =	vmax.f32 v16, v23;
	v5 =	vadd.f32 v31, v5;
	v13 =	vadd.f32 v30, v13;
	v23 =	vld.idx.msk [tilespmem:v22+s6+$0x60 ss:$0x1], $0xffff  }
0x16f: {  	v19 =	vmax.f32 v19, v27;
	v14 =	vadd.f32 v27, v14;
	v31 =	vmul.f32 v30, v30;
	v37 =	vld.idx.msk [tilespmem:v22+s6+$0x20 ss:$0x1], $0xffff  }
0x170: {  	v9 =	vadd.f32 v32, v9;
	v17 =	vmax.f32 v17, v30;
	v10 =	vadd.f32 v35, v10;
	v29 =	vld.idx.msk [tilespmem:v22+s6+$0x50 ss:$0x1], $0xffff  }
.Ltmp12:
0x171: {  	v18 =	vmax.f32 v18, v24;
	v6 =	vadd.f32 v34, v6;
	v12 =	vadd.f32 v36, v12;
	v27 =	vld.idx.msk [tilespmem:v22+s6+$0x0 ss:$0x1], $0xffff;
	(pc) =	sbr.rel @p0 .LBB2_27-.Ltmp12, $4  }
0x172: {  	v15 =	vadd.f32 v24, v15;
	v11 =	vadd.f32 v31, v11;
	v26 =	vmax.f32 v26, v25;
	v24 =	vld.idx.msk [tilespmem:v22+s6+$0x10 ss:$0x1], $0xffff  }
0x173: {  	v21 =	vmax.f32 v21, v33;
	v0 =	vadd.f32 v33, v0;
	v31 =	vmul.f32 v33, v33;
	v30 =	vld.idx.msk [tilespmem:v22+s6+$0x30 ss:$0x1], $0xffff  }
0x174: {  	v34 =	vmul.f32 v25, v25;
	v1 =	vadd.f32 v23, v1;
	v33 =	vmul.f32 v23, v23  }
0x175: {  	v28 =	vmax.f32 v28, v37;
	v2 =	vadd.f32 v37, v2;
	v32 =	vmul.f32 v37, v37  }
0x176: {  	s5 =	sshll.u32 s1, $0x7  }
0x177: {  	v19 =	vmax.f32 v19, v27;
	s5 =	sand.u32 $0x3FFFFF80, s5  }
0x178: {  	v20 =	vmax.f32 v20, v29;
	v18 =	vmax.f32 v18, v24;
	[tilespmem:s5+$0x11000] =	vst v19  }
0x179: {  	v7 =	vadd.f32 v25, v7;
	v3 =	vadd.f32 v34, v3;
	v62 =	vmul.f32 v29, v29;
	s1 =	sadd.s32 $0x1, s1;
	[tilespmem:s5+$0x11010] =	vst v18  }
0x17a: {  	v4 =	vadd.f32 v33, v4;
	v8 =	vadd.f32 v29, v8;
	v63 =	vmul.f32 v27, v27;
	p0 =	sne.s32 s1, $0x10;
	[tilespmem:s5+$0x11020] =	vst v28  }
.Ltmp13:
0x17b: {  	v16 =	vmax.f32 v16, v23;
	v5 =	vadd.f32 v31, v5;
	v14 =	vadd.f32 v27, v14;
	[tilespmem:s5+$0x11040] =	vst v26;
	(pc) =	sbr.rel @p0 .LBB2_26-.Ltmp13, $4  }
0x17c: {  	v22 =	vmul.f32 v24, v24;
	v9 =	vadd.f32 v32, v9;
	v17 =	vmax.f32 v17, v30;
	[tilespmem:s5+$0x11050] =	vst v20  }
0x17d: {  	v15 =	vadd.f32 v24, v15;
	v13 =	vadd.f32 v30, v13;
	[tilespmem:s5+$0x11030] =	vst v17;
	v17 =	vmul.f32 v30, v30  }
0x17e: {  	v10 =	vadd.f32 v63, v10;
	v6 =	vadd.f32 v62, v6;
	[tilespmem:s5+$0x11060] =	vst v16  }
0x17f: {  	s0 =	sadd.s32 $0x800, s0;
	[tilespmem:s5+$0x11070] =	vst v21;
	v12 =	vadd.f32 v22, v12;
	v11 =	vadd.f32 v17, v11  }
0x180: {  	s1 =	simm.s32 $0x0  }
0x181: {  	[hbm4b:s11+s1] =	stream.linear.scatter [tilespmem:s29], [sflag:$0x3], $0x800, $0x38;
	[tilespmem:$0x11900] =	vst v63  }
0x182: {  	_ =	swait.ge [sflag:s23], $0x800  }
0x183: {  	[sflag:s23] =	ssyncset.done $0x0  }
0x184: {  	s0 =	simm.s32 $0x800;
	[sflag:s23] =	ssyncadd.s32 $0xFFFFF800  }
0x185: {  	[tilespmem:s25], [sflag:$0x1] =	stream.indirect.gather [hbm4b:s3+s24], $0x80, s0, s24, $0xb8;
	[tilespmem:$0x11900] =	vst v63  }
0x186: {  	_ =	swait.ge [sflag:s31], $0x8000  }
0x187: {  	[sflag:s31] =	ssyncset.done $0x0  }
0x188: {  	s0 =	simm.s32 $0x9080;
	[sflag:s31] =	ssyncadd.s32 $0xFFFF8000  }
.LBB2_30:
0x189: {  	s5 =	sshll.u32 s1, $0xD  }
0x18a: {  	s5 =	sshra.s32 s5, $0x2  }
0x18b: {  	v19 =	vld [tilespmem:s5+$0x9000]  }
0x18c: {  	v18 =	vld [tilespmem:s5+$0x9010]  }
0x18d: {  	v28 =	vld [tilespmem:s5+$0x9020]  }
0x18e: {  	v17 =	vld [tilespmem:s5+$0x9030]  }
0x18f: {  	v21 =	vld [tilespmem:s5+$0x9040]  }
0x190: {  	v20 =	vld [tilespmem:s5+$0x9050]  }
0x191: {  	v22 =	vmov s0;
	v16 =	vld [tilespmem:s5+$0x9060]  }
0x192: {  	v24 =	vld [tilespmem:s5+$0x9070]  }
0x193: {  	v14 =	vadd.f32 v19, v14;
	v15 =	vadd.f32 v18, v15  }
0x194: {  	v2 =	vadd.f32 v28, v2;
	v13 =	vadd.f32 v17, v13  }
0x195: {  	s6 =	simm.s32 $0x0;
	v7 =	vadd.f32 v21, v7;
	v8 =	vadd.f32 v20, v8;
	v23 =	vmul.f32 v19, v19  }
0x196: {  	v30 =	vld.idx.msk [tilespmem:v22+s6+$0x70 ss:$0x1], $0xffff;
	v26 =	vmul.f32 v18, v18;
	v1 =	vadd.f32 v16, v1;
	v27 =	vmul.f32 v28, v28  }
0x197: {  	v25 =	vld.idx.msk [tilespmem:v22+s6+$0x40 ss:$0x1], $0xffff;
	v0 =	vadd.f32 v24, v0;
	v29 =	vmul.f32 v20, v20;
	v31 =	vmul.f32 v24, v24  }
0x198: {  	v32 =	vld.idx.msk [tilespmem:v22+s6+$0x20 ss:$0x1], $0xffff;
	v10 =	vadd.f32 v23, v10;
	v12 =	vadd.f32 v26, v12;
	v26 =	vmul.f32 v17, v17  }
0x199: {  	v9 =	vadd.f32 v27, v9;
	v27 =	vmul.f32 v21, v21;
	v23 =	vld.idx.msk [tilespmem:v22+s6+$0x60 ss:$0x1], $0xffff;
	v6 =	vadd.f32 v29, v6  }
0x19a: {  	v5 =	vadd.f32 v31, v5;
	v29 =	vld.idx.msk [tilespmem:v22+s6+$0x50 ss:$0x1], $0xffff;
	v11 =	vadd.f32 v26, v11;
	v26 =	vmul.f32 v16, v16  }
0x19b: {  	v0 =	vadd.f32 v30, v0;
	v31 =	vmul.f32 v30, v30;
	v3 =	vadd.f32 v27, v3;
	v27 =	vld.idx.msk [tilespmem:v22+s6+$0x0 ss:$0x1], $0xffff  }
0x19c: {  	v4 =	vadd.f32 v26, v4;
	v26 =	vmax.f32 v21, v25;
	v21 =	vmax.f32 v24, v30;
	v24 =	vld.idx.msk [tilespmem:v22+s6+$0x10 ss:$0x1], $0xffff  }
0x19d: {  	v34 =	vmul.f32 v25, v25;
	v28 =	vmax.f32 v28, v32;
	v2 =	vadd.f32 v32, v2;
	v30 =	vld.idx.msk [tilespmem:v22+s6+$0x30 ss:$0x1], $0xffff  }
0x19e: {  	s5 =	simm.s32 $0x200;
	v32 =	vmul.f32 v32, v32;
	v1 =	vadd.f32 v23, v1;
	v33 =	vmul.f32 v23, v23  }
.LBB2_31:
0x19f: {  	s6 =	sshra.s32 s5, $0x2;
	p0 =	sne.s32 s5, $0x1C00;
	s5 =	sadd.s32 $0x200, s5;
	v20 =	vmax.f32 v20, v29;
	v7 =	vadd.f32 v25, v7;
	v3 =	vadd.f32 v34, v3  }
0x1a0: {  	v34 =	vmul.f32 v29, v29;
	v4 =	vadd.f32 v33, v4;
	v25 =	vld.idx.msk [tilespmem:v22+s6+$0x40 ss:$0x1], $0xffff  }
0x1a1: {  	v8 =	vadd.f32 v29, v8;
	v35 =	vmul.f32 v27, v27;
	v36 =	vmul.f32 v24, v24;
	v33 =	vld.idx.msk [tilespmem:v22+s6+$0x70 ss:$0x1], $0xffff  }
0x1a2: {  	v16 =	vmax.f32 v16, v23;
	v5 =	vadd.f32 v31, v5;
	v13 =	vadd.f32 v30, v13;
	v23 =	vld.idx.msk [tilespmem:v22+s6+$0x60 ss:$0x1], $0xffff  }
0x1a3: {  	v19 =	vmax.f32 v19, v27;
	v14 =	vadd.f32 v27, v14;
	v31 =	vmul.f32 v30, v30;
	v37 =	vld.idx.msk [tilespmem:v22+s6+$0x20 ss:$0x1], $0xffff  }
0x1a4: {  	v9 =	vadd.f32 v32, v9;
	v17 =	vmax.f32 v17, v30;
	v10 =	vadd.f32 v35, v10;
	v29 =	vld.idx.msk [tilespmem:v22+s6+$0x50 ss:$0x1], $0xffff  }
.Ltmp14:
0x1a5: {  	v18 =	vmax.f32 v18, v24;
	v6 =	vadd.f32 v34, v6;
	v12 =	vadd.f32 v36, v12;
	v27 =	vld.idx.msk [tilespmem:v22+s6+$0x0 ss:$0x1], $0xffff;
	(pc) =	sbr.rel @p0 .LBB2_31-.Ltmp14, $4  }
0x1a6: {  	v15 =	vadd.f32 v24, v15;
	v11 =	vadd.f32 v31, v11;
	v26 =	vmax.f32 v26, v25;
	v24 =	vld.idx.msk [tilespmem:v22+s6+$0x10 ss:$0x1], $0xffff  }
0x1a7: {  	v21 =	vmax.f32 v21, v33;
	v0 =	vadd.f32 v33, v0;
	v31 =	vmul.f32 v33, v33;
	v30 =	vld.idx.msk [tilespmem:v22+s6+$0x30 ss:$0x1], $0xffff  }
0x1a8: {  	v34 =	vmul.f32 v25, v25;
	v1 =	vadd.f32 v23, v1;
	v33 =	vmul.f32 v23, v23  }
0x1a9: {  	v28 =	vmax.f32 v28, v37;
	v2 =	vadd.f32 v37, v2;
	v32 =	vmul.f32 v37, v37  }
0x1aa: {  	s5 =	sshll.u32 s1, $0x7  }
0x1ab: {  	v19 =	vmax.f32 v19, v27;
	s5 =	sand.u32 $0x3FFFFF80, s5  }
0x1ac: {  	v20 =	vmax.f32 v20, v29;
	v18 =	vmax.f32 v18, v24;
	[tilespmem:s5+$0x11000] =	vst v19  }
0x1ad: {  	v7 =	vadd.f32 v25, v7;
	v3 =	vadd.f32 v34, v3;
	v62 =	vmul.f32 v29, v29;
	s1 =	sadd.s32 $0x1, s1;
	[tilespmem:s5+$0x11010] =	vst v18  }
0x1ae: {  	v4 =	vadd.f32 v33, v4;
	v8 =	vadd.f32 v29, v8;
	v63 =	vmul.f32 v27, v27;
	p0 =	sne.s32 s1, $0x10;
	[tilespmem:s5+$0x11020] =	vst v28  }
.Ltmp15:
0x1af: {  	v16 =	vmax.f32 v16, v23;
	v5 =	vadd.f32 v31, v5;
	v14 =	vadd.f32 v27, v14;
	[tilespmem:s5+$0x11040] =	vst v26;
	(pc) =	sbr.rel @p0 .LBB2_30-.Ltmp15, $4  }
0x1b0: {  	v22 =	vmul.f32 v24, v24;
	v9 =	vadd.f32 v32, v9;
	v17 =	vmax.f32 v17, v30;
	[tilespmem:s5+$0x11050] =	vst v20  }
0x1b1: {  	v15 =	vadd.f32 v24, v15;
	v13 =	vadd.f32 v30, v13;
	[tilespmem:s5+$0x11030] =	vst v17;
	v17 =	vmul.f32 v30, v30  }
0x1b2: {  	v10 =	vadd.f32 v63, v10;
	v6 =	vadd.f32 v62, v6;
	[tilespmem:s5+$0x11060] =	vst v16  }
0x1b3: {  	s0 =	sadd.s32 $0x800, s0;
	[tilespmem:s5+$0x11070] =	vst v21;
	v12 =	vadd.f32 v22, v12;
	v11 =	vadd.f32 v17, v11  }
0x1b4: {  	s1 =	simm.s32 $0x0  }
0x1b5: {  	[hbm4b:s12+s1] =	stream.linear.scatter [tilespmem:s29], [sflag:$0x3], $0x800, $0x38;
	[tilespmem:$0x11900] =	vst v63  }
0x1b6: {  	_ =	swait.ge [sflag:s23], $0x800  }
0x1b7: {  	[sflag:s23] =	ssyncset.done $0x0  }
0x1b8: {  	s0 =	simm.s32 $0x900;
	[sflag:s23] =	ssyncadd.s32 $0xFFFFF800  }
0x1b9: {  	[tilespmem:s26], [sflag:$0x2] =	stream.indirect.gather [hbm4b:s3+s24], $0x80, s0, s24, $0xb8;
	[tilespmem:$0x11900] =	vst v63  }
0x1ba: {  	_ =	swait.ge [sflag:s28], $0x8000  }
0x1bb: {  	[sflag:s28] =	ssyncset.done $0x0  }
0x1bc: {  	s0 =	simm.s32 $0x1080;
	[sflag:s28] =	ssyncadd.s32 $0xFFFF8000  }
.LBB2_34:
0x1bd: {  	s5 =	sshll.u32 s1, $0xD  }
0x1be: {  	s5 =	sshra.s32 s5, $0x2  }
0x1bf: {  	v19 =	vld [tilespmem:s5+$0x1000]  }
0x1c0: {  	v18 =	vld [tilespmem:s5+$0x1010]  }
0x1c1: {  	v28 =	vld [tilespmem:s5+$0x1020]  }
0x1c2: {  	v17 =	vld [tilespmem:s5+$0x1030]  }
0x1c3: {  	v21 =	vld [tilespmem:s5+$0x1040]  }
0x1c4: {  	v20 =	vld [tilespmem:s5+$0x1050]  }
0x1c5: {  	v22 =	vmov s0;
	v16 =	vld [tilespmem:s5+$0x1060]  }
0x1c6: {  	v24 =	vld [tilespmem:s5+$0x1070]  }
0x1c7: {  	v14 =	vadd.f32 v19, v14;
	v15 =	vadd.f32 v18, v15  }
0x1c8: {  	v2 =	vadd.f32 v28, v2;
	v13 =	vadd.f32 v17, v13  }
0x1c9: {  	s6 =	simm.s32 $0x0;
	v7 =	vadd.f32 v21, v7;
	v8 =	vadd.f32 v20, v8;
	v23 =	vmul.f32 v19, v19  }
0x1ca: {  	v30 =	vld.idx.msk [tilespmem:v22+s6+$0x70 ss:$0x1], $0xffff;
	v26 =	vmul.f32 v18, v18;
	v1 =	vadd.f32 v16, v1;
	v27 =	vmul.f32 v28, v28  }
0x1cb: {  	v25 =	vld.idx.msk [tilespmem:v22+s6+$0x40 ss:$0x1], $0xffff;
	v0 =	vadd.f32 v24, v0;
	v29 =	vmul.f32 v20, v20;
	v31 =	vmul.f32 v24, v24  }
0x1cc: {  	v32 =	vld.idx.msk [tilespmem:v22+s6+$0x20 ss:$0x1], $0xffff;
	v10 =	vadd.f32 v23, v10;
	v12 =	vadd.f32 v26, v12;
	v26 =	vmul.f32 v17, v17  }
0x1cd: {  	v9 =	vadd.f32 v27, v9;
	v27 =	vmul.f32 v21, v21;
	v23 =	vld.idx.msk [tilespmem:v22+s6+$0x60 ss:$0x1], $0xffff;
	v6 =	vadd.f32 v29, v6  }
0x1ce: {  	v5 =	vadd.f32 v31, v5;
	v29 =	vld.idx.msk [tilespmem:v22+s6+$0x50 ss:$0x1], $0xffff;
	v11 =	vadd.f32 v26, v11;
	v26 =	vmul.f32 v16, v16  }
0x1cf: {  	v0 =	vadd.f32 v30, v0;
	v31 =	vmul.f32 v30, v30;
	v3 =	vadd.f32 v27, v3;
	v27 =	vld.idx.msk [tilespmem:v22+s6+$0x0 ss:$0x1], $0xffff  }
0x1d0: {  	v4 =	vadd.f32 v26, v4;
	v26 =	vmax.f32 v21, v25;
	v21 =	vmax.f32 v24, v30;
	v24 =	vld.idx.msk [tilespmem:v22+s6+$0x10 ss:$0x1], $0xffff  }
0x1d1: {  	v34 =	vmul.f32 v25, v25;
	v28 =	vmax.f32 v28, v32;
	v2 =	vadd.f32 v32, v2;
	v30 =	vld.idx.msk [tilespmem:v22+s6+$0x30 ss:$0x1], $0xffff  }
0x1d2: {  	s5 =	simm.s32 $0x200;
	v32 =	vmul.f32 v32, v32;
	v1 =	vadd.f32 v23, v1;
	v33 =	vmul.f32 v23, v23  }
.LBB2_35:
0x1d3: {  	s6 =	sshra.s32 s5, $0x2;
	p0 =	sne.s32 s5, $0x1C00;
	s5 =	sadd.s32 $0x200, s5;
	v20 =	vmax.f32 v20, v29;
	v7 =	vadd.f32 v25, v7;
	v3 =	vadd.f32 v34, v3  }
0x1d4: {  	v34 =	vmul.f32 v29, v29;
	v4 =	vadd.f32 v33, v4;
	v25 =	vld.idx.msk [tilespmem:v22+s6+$0x40 ss:$0x1], $0xffff  }
0x1d5: {  	v8 =	vadd.f32 v29, v8;
	v35 =	vmul.f32 v27, v27;
	v36 =	vmul.f32 v24, v24;
	v33 =	vld.idx.msk [tilespmem:v22+s6+$0x70 ss:$0x1], $0xffff  }
0x1d6: {  	v16 =	vmax.f32 v16, v23;
	v5 =	vadd.f32 v31, v5;
	v13 =	vadd.f32 v30, v13;
	v23 =	vld.idx.msk [tilespmem:v22+s6+$0x60 ss:$0x1], $0xffff  }
0x1d7: {  	v19 =	vmax.f32 v19, v27;
	v14 =	vadd.f32 v27, v14;
	v31 =	vmul.f32 v30, v30;
	v37 =	vld.idx.msk [tilespmem:v22+s6+$0x20 ss:$0x1], $0xffff  }
0x1d8: {  	v9 =	vadd.f32 v32, v9;
	v17 =	vmax.f32 v17, v30;
	v10 =	vadd.f32 v35, v10;
	v29 =	vld.idx.msk [tilespmem:v22+s6+$0x50 ss:$0x1], $0xffff  }
.Ltmp16:
0x1d9: {  	v18 =	vmax.f32 v18, v24;
	v6 =	vadd.f32 v34, v6;
	v12 =	vadd.f32 v36, v12;
	v27 =	vld.idx.msk [tilespmem:v22+s6+$0x0 ss:$0x1], $0xffff;
	(pc) =	sbr.rel @p0 .LBB2_35-.Ltmp16, $4  }
0x1da: {  	v15 =	vadd.f32 v24, v15;
	v11 =	vadd.f32 v31, v11;
	v26 =	vmax.f32 v26, v25;
	v24 =	vld.idx.msk [tilespmem:v22+s6+$0x10 ss:$0x1], $0xffff  }
0x1db: {  	v21 =	vmax.f32 v21, v33;
	v0 =	vadd.f32 v33, v0;
	v31 =	vmul.f32 v33, v33;
	v30 =	vld.idx.msk [tilespmem:v22+s6+$0x30 ss:$0x1], $0xffff  }
0x1dc: {  	v34 =	vmul.f32 v25, v25;
	v1 =	vadd.f32 v23, v1;
	v33 =	vmul.f32 v23, v23  }
0x1dd: {  	v28 =	vmax.f32 v28, v37;
	v2 =	vadd.f32 v37, v2;
	v32 =	vmul.f32 v37, v37  }
0x1de: {  	s5 =	sshll.u32 s1, $0x7  }
0x1df: {  	v19 =	vmax.f32 v19, v27;
	s5 =	sand.u32 $0x3FFFFF80, s5  }
0x1e0: {  	v20 =	vmax.f32 v20, v29;
	v18 =	vmax.f32 v18, v24;
	[tilespmem:s5+$0x11000] =	vst v19  }
0x1e1: {  	v7 =	vadd.f32 v25, v7;
	v3 =	vadd.f32 v34, v3;
	v62 =	vmul.f32 v29, v29;
	s1 =	sadd.s32 $0x1, s1;
	[tilespmem:s5+$0x11010] =	vst v18  }
0x1e2: {  	v4 =	vadd.f32 v33, v4;
	v8 =	vadd.f32 v29, v8;
	v63 =	vmul.f32 v27, v27;
	p0 =	sne.s32 s1, $0x10;
	[tilespmem:s5+$0x11020] =	vst v28  }
.Ltmp17:
0x1e3: {  	v16 =	vmax.f32 v16, v23;
	v5 =	vadd.f32 v31, v5;
	v14 =	vadd.f32 v27, v14;
	[tilespmem:s5+$0x11040] =	vst v26;
	(pc) =	sbr.rel @p0 .LBB2_34-.Ltmp17, $4  }
0x1e4: {  	v22 =	vmul.f32 v24, v24;
	v9 =	vadd.f32 v32, v9;
	v17 =	vmax.f32 v17, v30;
	[tilespmem:s5+$0x11050] =	vst v20  }
0x1e5: {  	v15 =	vadd.f32 v24, v15;
	v13 =	vadd.f32 v30, v13;
	[tilespmem:s5+$0x11030] =	vst v17;
	v17 =	vmul.f32 v30, v30  }
0x1e6: {  	v10 =	vadd.f32 v63, v10;
	v6 =	vadd.f32 v62, v6;
	[tilespmem:s5+$0x11060] =	vst v16  }
0x1e7: {  	s0 =	sadd.s32 $0x800, s0;
	[tilespmem:s5+$0x11070] =	vst v21;
	v12 =	vadd.f32 v22, v12;
	v11 =	vadd.f32 v17, v11  }
0x1e8: {  	s1 =	simm.s32 $0x0  }
0x1e9: {  	[hbm4b:s13+s1] =	stream.linear.scatter [tilespmem:s29], [sflag:$0x3], $0x800, $0x38;
	[tilespmem:$0x11900] =	vst v63  }
0x1ea: {  	_ =	swait.ge [sflag:s23], $0x800  }
0x1eb: {  	[sflag:s23] =	ssyncset.done $0x0  }
0x1ec: {  	s0 =	simm.s32 $0xA00;
	[sflag:s23] =	ssyncadd.s32 $0xFFFFF800  }
0x1ed: {  	[tilespmem:s25], [sflag:$0x1] =	stream.indirect.gather [hbm4b:s3+s24], $0x80, s0, s24, $0xb8;
	[tilespmem:$0x11900] =	vst v63  }
0x1ee: {  	_ =	swait.ge [sflag:s31], $0x8000  }
0x1ef: {  	[sflag:s31] =	ssyncset.done $0x0  }
0x1f0: {  	s0 =	simm.s32 $0x9080;
	[sflag:s31] =	ssyncadd.s32 $0xFFFF8000  }
.LBB2_38:
0x1f1: {  	s5 =	sshll.u32 s1, $0xD  }
0x1f2: {  	s5 =	sshra.s32 s5, $0x2  }
0x1f3: {  	v19 =	vld [tilespmem:s5+$0x9000]  }
0x1f4: {  	v18 =	vld [tilespmem:s5+$0x9010]  }
0x1f5: {  	v28 =	vld [tilespmem:s5+$0x9020]  }
0x1f6: {  	v17 =	vld [tilespmem:s5+$0x9030]  }
0x1f7: {  	v21 =	vld [tilespmem:s5+$0x9040]  }
0x1f8: {  	v20 =	vld [tilespmem:s5+$0x9050]  }
0x1f9: {  	v22 =	vmov s0;
	v16 =	vld [tilespmem:s5+$0x9060]  }
0x1fa: {  	v24 =	vld [tilespmem:s5+$0x9070]  }
0x1fb: {  	v14 =	vadd.f32 v19, v14;
	v15 =	vadd.f32 v18, v15  }
0x1fc: {  	v2 =	vadd.f32 v28, v2;
	v13 =	vadd.f32 v17, v13  }
0x1fd: {  	s6 =	simm.s32 $0x0;
	v7 =	vadd.f32 v21, v7;
	v8 =	vadd.f32 v20, v8;
	v23 =	vmul.f32 v19, v19  }
0x1fe: {  	v30 =	vld.idx.msk [tilespmem:v22+s6+$0x70 ss:$0x1], $0xffff;
	v26 =	vmul.f32 v18, v18;
	v1 =	vadd.f32 v16, v1;
	v27 =	vmul.f32 v28, v28  }
0x1ff: {  	v25 =	vld.idx.msk [tilespmem:v22+s6+$0x40 ss:$0x1], $0xffff;
	v0 =	vadd.f32 v24, v0;
	v29 =	vmul.f32 v20, v20;
	v31 =	vmul.f32 v24, v24  }
0x200: {  	v32 =	vld.idx.msk [tilespmem:v22+s6+$0x20 ss:$0x1], $0xffff;
	v10 =	vadd.f32 v23, v10;
	v12 =	vadd.f32 v26, v12;
	v26 =	vmul.f32 v17, v17  }
0x201: {  	v9 =	vadd.f32 v27, v9;
	v27 =	vmul.f32 v21, v21;
	v23 =	vld.idx.msk [tilespmem:v22+s6+$0x60 ss:$0x1], $0xffff;
	v6 =	vadd.f32 v29, v6  }
0x202: {  	v5 =	vadd.f32 v31, v5;
	v29 =	vld.idx.msk [tilespmem:v22+s6+$0x50 ss:$0x1], $0xffff;
	v11 =	vadd.f32 v26, v11;
	v26 =	vmul.f32 v16, v16  }
0x203: {  	v0 =	vadd.f32 v30, v0;
	v31 =	vmul.f32 v30, v30;
	v3 =	vadd.f32 v27, v3;
	v27 =	vld.idx.msk [tilespmem:v22+s6+$0x0 ss:$0x1], $0xffff  }
0x204: {  	v4 =	vadd.f32 v26, v4;
	v26 =	vmax.f32 v21, v25;
	v21 =	vmax.f32 v24, v30;
	v24 =	vld.idx.msk [tilespmem:v22+s6+$0x10 ss:$0x1], $0xffff  }
0x205: {  	v34 =	vmul.f32 v25, v25;
	v28 =	vmax.f32 v28, v32;
	v2 =	vadd.f32 v32, v2;
	v30 =	vld.idx.msk [tilespmem:v22+s6+$0x30 ss:$0x1], $0xffff  }
0x206: {  	s5 =	simm.s32 $0x200;
	v32 =	vmul.f32 v32, v32;
	v1 =	vadd.f32 v23, v1;
	v33 =	vmul.f32 v23, v23  }
.LBB2_39:
0x207: {  	s6 =	sshra.s32 s5, $0x2;
	p0 =	sne.s32 s5, $0x1C00;
	s5 =	sadd.s32 $0x200, s5;
	v20 =	vmax.f32 v20, v29;
	v7 =	vadd.f32 v25, v7;
	v3 =	vadd.f32 v34, v3  }
0x208: {  	v34 =	vmul.f32 v29, v29;
	v4 =	vadd.f32 v33, v4;
	v25 =	vld.idx.msk [tilespmem:v22+s6+$0x40 ss:$0x1], $0xffff  }
0x209: {  	v8 =	vadd.f32 v29, v8;
	v35 =	vmul.f32 v27, v27;
	v36 =	vmul.f32 v24, v24;
	v33 =	vld.idx.msk [tilespmem:v22+s6+$0x70 ss:$0x1], $0xffff  }
0x20a: {  	v16 =	vmax.f32 v16, v23;
	v5 =	vadd.f32 v31, v5;
	v13 =	vadd.f32 v30, v13;
	v23 =	vld.idx.msk [tilespmem:v22+s6+$0x60 ss:$0x1], $0xffff  }
0x20b: {  	v19 =	vmax.f32 v19, v27;
	v14 =	vadd.f32 v27, v14;
	v31 =	vmul.f32 v30, v30;
	v37 =	vld.idx.msk [tilespmem:v22+s6+$0x20 ss:$0x1], $0xffff  }
0x20c: {  	v9 =	vadd.f32 v32, v9;
	v17 =	vmax.f32 v17, v30;
	v10 =	vadd.f32 v35, v10;
	v29 =	vld.idx.msk [tilespmem:v22+s6+$0x50 ss:$0x1], $0xffff  }
.Ltmp18:
0x20d: {  	v18 =	vmax.f32 v18, v24;
	v6 =	vadd.f32 v34, v6;
	v12 =	vadd.f32 v36, v12;
	v27 =	vld.idx.msk [tilespmem:v22+s6+$0x0 ss:$0x1], $0xffff;
	(pc) =	sbr.rel @p0 .LBB2_39-.Ltmp18, $4  }
0x20e: {  	v15 =	vadd.f32 v24, v15;
	v11 =	vadd.f32 v31, v11;
	v26 =	vmax.f32 v26, v25;
	v24 =	vld.idx.msk [tilespmem:v22+s6+$0x10 ss:$0x1], $0xffff  }
0x20f: {  	v21 =	vmax.f32 v21, v33;
	v0 =	vadd.f32 v33, v0;
	v31 =	vmul.f32 v33, v33;
	v30 =	vld.idx.msk [tilespmem:v22+s6+$0x30 ss:$0x1], $0xffff  }
0x210: {  	v34 =	vmul.f32 v25, v25;
	v1 =	vadd.f32 v23, v1;
	v33 =	vmul.f32 v23, v23  }
0x211: {  	v28 =	vmax.f32 v28, v37;
	v2 =	vadd.f32 v37, v2;
	v32 =	vmul.f32 v37, v37  }
0x212: {  	s5 =	sshll.u32 s1, $0x7  }
0x213: {  	v19 =	vmax.f32 v19, v27;
	s5 =	sand.u32 $0x3FFFFF80, s5  }
0x214: {  	v20 =	vmax.f32 v20, v29;
	v18 =	vmax.f32 v18, v24;
	[tilespmem:s5+$0x11000] =	vst v19  }
0x215: {  	v7 =	vadd.f32 v25, v7;
	v3 =	vadd.f32 v34, v3;
	v62 =	vmul.f32 v29, v29;
	s1 =	sadd.s32 $0x1, s1;
	[tilespmem:s5+$0x11010] =	vst v18  }
0x216: {  	v4 =	vadd.f32 v33, v4;
	v8 =	vadd.f32 v29, v8;
	v63 =	vmul.f32 v27, v27;
	p0 =	sne.s32 s1, $0x10;
	[tilespmem:s5+$0x11020] =	vst v28  }
.Ltmp19:
0x217: {  	v16 =	vmax.f32 v16, v23;
	v5 =	vadd.f32 v31, v5;
	v14 =	vadd.f32 v27, v14;
	[tilespmem:s5+$0x11040] =	vst v26;
	(pc) =	sbr.rel @p0 .LBB2_38-.Ltmp19, $4  }
0x218: {  	v22 =	vmul.f32 v24, v24;
	v9 =	vadd.f32 v32, v9;
	v17 =	vmax.f32 v17, v30;
	[tilespmem:s5+$0x11050] =	vst v20  }
0x219: {  	v15 =	vadd.f32 v24, v15;
	v13 =	vadd.f32 v30, v13;
	[tilespmem:s5+$0x11030] =	vst v17;
	v17 =	vmul.f32 v30, v30  }
0x21a: {  	v10 =	vadd.f32 v63, v10;
	v6 =	vadd.f32 v62, v6;
	[tilespmem:s5+$0x11060] =	vst v16  }
0x21b: {  	s0 =	sadd.s32 $0x800, s0;
	[tilespmem:s5+$0x11070] =	vst v21;
	v12 =	vadd.f32 v22, v12;
	v11 =	vadd.f32 v17, v11  }
0x21c: {  	s1 =	simm.s32 $0x0  }
0x21d: {  	[hbm4b:s14+s1] =	stream.linear.scatter [tilespmem:s29], [sflag:$0x3], $0x800, $0x38;
	[tilespmem:$0x11900] =	vst v63  }
0x21e: {  	_ =	swait.ge [sflag:s23], $0x800  }
0x21f: {  	[sflag:s23] =	ssyncset.done $0x0  }
0x220: {  	s0 =	simm.s32 $0xB00;
	[sflag:s23] =	ssyncadd.s32 $0xFFFFF800  }
0x221: {  	[tilespmem:s26], [sflag:$0x2] =	stream.indirect.gather [hbm4b:s3+s24], $0x80, s0, s24, $0xb8;
	[tilespmem:$0x11900] =	vst v63  }
0x222: {  	_ =	swait.ge [sflag:s28], $0x8000  }
0x223: {  	[sflag:s28] =	ssyncset.done $0x0  }
0x224: {  	s0 =	simm.s32 $0x1080;
	[sflag:s28] =	ssyncadd.s32 $0xFFFF8000  }
.LBB2_42:
0x225: {  	s5 =	sshll.u32 s1, $0xD  }
0x226: {  	s5 =	sshra.s32 s5, $0x2  }
0x227: {  	v19 =	vld [tilespmem:s5+$0x1000]  }
0x228: {  	v18 =	vld [tilespmem:s5+$0x1010]  }
0x229: {  	v28 =	vld [tilespmem:s5+$0x1020]  }
0x22a: {  	v17 =	vld [tilespmem:s5+$0x1030]  }
0x22b: {  	v21 =	vld [tilespmem:s5+$0x1040]  }
0x22c: {  	v20 =	vld [tilespmem:s5+$0x1050]  }
0x22d: {  	v22 =	vmov s0;
	v16 =	vld [tilespmem:s5+$0x1060]  }
0x22e: {  	v24 =	vld [tilespmem:s5+$0x1070]  }
0x22f: {  	v14 =	vadd.f32 v19, v14;
	v15 =	vadd.f32 v18, v15  }
0x230: {  	v2 =	vadd.f32 v28, v2;
	v13 =	vadd.f32 v17, v13  }
0x231: {  	s6 =	simm.s32 $0x0;
	v7 =	vadd.f32 v21, v7;
	v8 =	vadd.f32 v20, v8;
	v23 =	vmul.f32 v19, v19  }
0x232: {  	v30 =	vld.idx.msk [tilespmem:v22+s6+$0x70 ss:$0x1], $0xffff;
	v26 =	vmul.f32 v18, v18;
	v1 =	vadd.f32 v16, v1;
	v27 =	vmul.f32 v28, v28  }
0x233: {  	v25 =	vld.idx.msk [tilespmem:v22+s6+$0x40 ss:$0x1], $0xffff;
	v0 =	vadd.f32 v24, v0;
	v29 =	vmul.f32 v20, v20;
	v31 =	vmul.f32 v24, v24  }
0x234: {  	v32 =	vld.idx.msk [tilespmem:v22+s6+$0x20 ss:$0x1], $0xffff;
	v10 =	vadd.f32 v23, v10;
	v12 =	vadd.f32 v26, v12;
	v26 =	vmul.f32 v17, v17  }
0x235: {  	v9 =	vadd.f32 v27, v9;
	v27 =	vmul.f32 v21, v21;
	v23 =	vld.idx.msk [tilespmem:v22+s6+$0x60 ss:$0x1], $0xffff;
	v6 =	vadd.f32 v29, v6  }
0x236: {  	v5 =	vadd.f32 v31, v5;
	v29 =	vld.idx.msk [tilespmem:v22+s6+$0x50 ss:$0x1], $0xffff;
	v11 =	vadd.f32 v26, v11;
	v26 =	vmul.f32 v16, v16  }
0x237: {  	v0 =	vadd.f32 v30, v0;
	v31 =	vmul.f32 v30, v30;
	v3 =	vadd.f32 v27, v3;
	v27 =	vld.idx.msk [tilespmem:v22+s6+$0x0 ss:$0x1], $0xffff  }
0x238: {  	v4 =	vadd.f32 v26, v4;
	v26 =	vmax.f32 v21, v25;
	v21 =	vmax.f32 v24, v30;
	v24 =	vld.idx.msk [tilespmem:v22+s6+$0x10 ss:$0x1], $0xffff  }
0x239: {  	v34 =	vmul.f32 v25, v25;
	v28 =	vmax.f32 v28, v32;
	v2 =	vadd.f32 v32, v2;
	v30 =	vld.idx.msk [tilespmem:v22+s6+$0x30 ss:$0x1], $0xffff  }
0x23a: {  	s5 =	simm.s32 $0x200;
	v32 =	vmul.f32 v32, v32;
	v1 =	vadd.f32 v23, v1;
	v33 =	vmul.f32 v23, v23  }
.LBB2_43:
0x23b: {  	s6 =	sshra.s32 s5, $0x2;
	p0 =	sne.s32 s5, $0x1C00;
	s5 =	sadd.s32 $0x200, s5;
	v20 =	vmax.f32 v20, v29;
	v7 =	vadd.f32 v25, v7;
	v3 =	vadd.f32 v34, v3  }
0x23c: {  	v34 =	vmul.f32 v29, v29;
	v4 =	vadd.f32 v33, v4;
	v25 =	vld.idx.msk [tilespmem:v22+s6+$0x40 ss:$0x1], $0xffff  }
0x23d: {  	v8 =	vadd.f32 v29, v8;
	v35 =	vmul.f32 v27, v27;
	v36 =	vmul.f32 v24, v24;
	v33 =	vld.idx.msk [tilespmem:v22+s6+$0x70 ss:$0x1], $0xffff  }
0x23e: {  	v16 =	vmax.f32 v16, v23;
	v5 =	vadd.f32 v31, v5;
	v13 =	vadd.f32 v30, v13;
	v23 =	vld.idx.msk [tilespmem:v22+s6+$0x60 ss:$0x1], $0xffff  }
0x23f: {  	v19 =	vmax.f32 v19, v27;
	v14 =	vadd.f32 v27, v14;
	v31 =	vmul.f32 v30, v30;
	v37 =	vld.idx.msk [tilespmem:v22+s6+$0x20 ss:$0x1], $0xffff  }
0x240: {  	v9 =	vadd.f32 v32, v9;
	v17 =	vmax.f32 v17, v30;
	v10 =	vadd.f32 v35, v10;
	v29 =	vld.idx.msk [tilespmem:v22+s6+$0x50 ss:$0x1], $0xffff  }
.Ltmp20:
0x241: {  	v18 =	vmax.f32 v18, v24;
	v6 =	vadd.f32 v34, v6;
	v12 =	vadd.f32 v36, v12;
	v27 =	vld.idx.msk [tilespmem:v22+s6+$0x0 ss:$0x1], $0xffff;
	(pc) =	sbr.rel @p0 .LBB2_43-.Ltmp20, $4  }
0x242: {  	v15 =	vadd.f32 v24, v15;
	v11 =	vadd.f32 v31, v11;
	v26 =	vmax.f32 v26, v25;
	v24 =	vld.idx.msk [tilespmem:v22+s6+$0x10 ss:$0x1], $0xffff  }
0x243: {  	v21 =	vmax.f32 v21, v33;
	v0 =	vadd.f32 v33, v0;
	v31 =	vmul.f32 v33, v33;
	v30 =	vld.idx.msk [tilespmem:v22+s6+$0x30 ss:$0x1], $0xffff  }
0x244: {  	v34 =	vmul.f32 v25, v25;
	v1 =	vadd.f32 v23, v1;
	v33 =	vmul.f32 v23, v23  }
0x245: {  	v28 =	vmax.f32 v28, v37;
	v2 =	vadd.f32 v37, v2;
	v32 =	vmul.f32 v37, v37  }
0x246: {  	s5 =	sshll.u32 s1, $0x7  }
0x247: {  	v19 =	vmax.f32 v19, v27;
	s5 =	sand.u32 $0x3FFFFF80, s5  }
0x248: {  	v20 =	vmax.f32 v20, v29;
	v18 =	vmax.f32 v18, v24;
	[tilespmem:s5+$0x11000] =	vst v19  }
0x249: {  	v7 =	vadd.f32 v25, v7;
	v3 =	vadd.f32 v34, v3;
	v62 =	vmul.f32 v29, v29;
	s1 =	sadd.s32 $0x1, s1;
	[tilespmem:s5+$0x11010] =	vst v18  }
0x24a: {  	v4 =	vadd.f32 v33, v4;
	v8 =	vadd.f32 v29, v8;
	v63 =	vmul.f32 v27, v27;
	p0 =	sne.s32 s1, $0x10;
	[tilespmem:s5+$0x11020] =	vst v28  }
.Ltmp21:
0x24b: {  	v16 =	vmax.f32 v16, v23;
	v5 =	vadd.f32 v31, v5;
	v14 =	vadd.f32 v27, v14;
	[tilespmem:s5+$0x11040] =	vst v26;
	(pc) =	sbr.rel @p0 .LBB2_42-.Ltmp21, $4  }
0x24c: {  	v22 =	vmul.f32 v24, v24;
	v9 =	vadd.f32 v32, v9;
	v17 =	vmax.f32 v17, v30;
	[tilespmem:s5+$0x11050] =	vst v20  }
0x24d: {  	v15 =	vadd.f32 v24, v15;
	v13 =	vadd.f32 v30, v13;
	[tilespmem:s5+$0x11030] =	vst v17;
	v17 =	vmul.f32 v30, v30  }
0x24e: {  	v10 =	vadd.f32 v63, v10;
	v6 =	vadd.f32 v62, v6;
	[tilespmem:s5+$0x11060] =	vst v16  }
0x24f: {  	s0 =	sadd.s32 $0x800, s0;
	[tilespmem:s5+$0x11070] =	vst v21;
	v12 =	vadd.f32 v22, v12;
	v11 =	vadd.f32 v17, v11  }
0x250: {  	s1 =	simm.s32 $0x0  }
0x251: {  	[hbm4b:s15+s1] =	stream.linear.scatter [tilespmem:s29], [sflag:$0x3], $0x800, $0x38;
	[tilespmem:$0x11900] =	vst v63  }
0x252: {  	_ =	swait.ge [sflag:s23], $0x800  }
0x253: {  	[sflag:s23] =	ssyncset.done $0x0  }
0x254: {  	s0 =	simm.s32 $0xC00;
	[sflag:s23] =	ssyncadd.s32 $0xFFFFF800  }
0x255: {  	[tilespmem:s25], [sflag:$0x1] =	stream.indirect.gather [hbm4b:s3+s24], $0x80, s0, s24, $0xb8;
	[tilespmem:$0x11900] =	vst v63  }
0x256: {  	_ =	swait.ge [sflag:s31], $0x8000  }
0x257: {  	[sflag:s31] =	ssyncset.done $0x0  }
0x258: {  	s0 =	simm.s32 $0x9080;
	[sflag:s31] =	ssyncadd.s32 $0xFFFF8000  }
.LBB2_46:
0x259: {  	s5 =	sshll.u32 s1, $0xD  }
0x25a: {  	s5 =	sshra.s32 s5, $0x2  }
0x25b: {  	v19 =	vld [tilespmem:s5+$0x9000]  }
0x25c: {  	v18 =	vld [tilespmem:s5+$0x9010]  }
0x25d: {  	v28 =	vld [tilespmem:s5+$0x9020]  }
0x25e: {  	v17 =	vld [tilespmem:s5+$0x9030]  }
0x25f: {  	v21 =	vld [tilespmem:s5+$0x9040]  }
0x260: {  	v20 =	vld [tilespmem:s5+$0x9050]  }
0x261: {  	v22 =	vmov s0;
	v16 =	vld [tilespmem:s5+$0x9060]  }
0x262: {  	v24 =	vld [tilespmem:s5+$0x9070]  }
0x263: {  	v14 =	vadd.f32 v19, v14;
	v15 =	vadd.f32 v18, v15  }
0x264: {  	v2 =	vadd.f32 v28, v2;
	v13 =	vadd.f32 v17, v13  }
0x265: {  	s6 =	simm.s32 $0x0;
	v7 =	vadd.f32 v21, v7;
	v8 =	vadd.f32 v20, v8;
	v23 =	vmul.f32 v19, v19  }
0x266: {  	v30 =	vld.idx.msk [tilespmem:v22+s6+$0x70 ss:$0x1], $0xffff;
	v26 =	vmul.f32 v18, v18;
	v1 =	vadd.f32 v16, v1;
	v27 =	vmul.f32 v28, v28  }
0x267: {  	v25 =	vld.idx.msk [tilespmem:v22+s6+$0x40 ss:$0x1], $0xffff;
	v0 =	vadd.f32 v24, v0;
	v29 =	vmul.f32 v20, v20;
	v31 =	vmul.f32 v24, v24  }
0x268: {  	v32 =	vld.idx.msk [tilespmem:v22+s6+$0x20 ss:$0x1], $0xffff;
	v10 =	vadd.f32 v23, v10;
	v12 =	vadd.f32 v26, v12;
	v26 =	vmul.f32 v17, v17  }
0x269: {  	v9 =	vadd.f32 v27, v9;
	v27 =	vmul.f32 v21, v21;
	v23 =	vld.idx.msk [tilespmem:v22+s6+$0x60 ss:$0x1], $0xffff;
	v6 =	vadd.f32 v29, v6  }
0x26a: {  	v5 =	vadd.f32 v31, v5;
	v29 =	vld.idx.msk [tilespmem:v22+s6+$0x50 ss:$0x1], $0xffff;
	v11 =	vadd.f32 v26, v11;
	v26 =	vmul.f32 v16, v16  }
0x26b: {  	v0 =	vadd.f32 v30, v0;
	v31 =	vmul.f32 v30, v30;
	v3 =	vadd.f32 v27, v3;
	v27 =	vld.idx.msk [tilespmem:v22+s6+$0x0 ss:$0x1], $0xffff  }
0x26c: {  	v4 =	vadd.f32 v26, v4;
	v26 =	vmax.f32 v21, v25;
	v21 =	vmax.f32 v24, v30;
	v24 =	vld.idx.msk [tilespmem:v22+s6+$0x10 ss:$0x1], $0xffff  }
0x26d: {  	v34 =	vmul.f32 v25, v25;
	v28 =	vmax.f32 v28, v32;
	v2 =	vadd.f32 v32, v2;
	v30 =	vld.idx.msk [tilespmem:v22+s6+$0x30 ss:$0x1], $0xffff  }
0x26e: {  	s5 =	simm.s32 $0x200;
	v32 =	vmul.f32 v32, v32;
	v1 =	vadd.f32 v23, v1;
	v33 =	vmul.f32 v23, v23  }
.LBB2_47:
0x26f: {  	s6 =	sshra.s32 s5, $0x2;
	p0 =	sne.s32 s5, $0x1C00;
	s5 =	sadd.s32 $0x200, s5;
	v20 =	vmax.f32 v20, v29;
	v7 =	vadd.f32 v25, v7;
	v3 =	vadd.f32 v34, v3  }
0x270: {  	v34 =	vmul.f32 v29, v29;
	v4 =	vadd.f32 v33, v4;
	v25 =	vld.idx.msk [tilespmem:v22+s6+$0x40 ss:$0x1], $0xffff  }
0x271: {  	v8 =	vadd.f32 v29, v8;
	v35 =	vmul.f32 v27, v27;
	v36 =	vmul.f32 v24, v24;
	v33 =	vld.idx.msk [tilespmem:v22+s6+$0x70 ss:$0x1], $0xffff  }
0x272: {  	v16 =	vmax.f32 v16, v23;
	v5 =	vadd.f32 v31, v5;
	v13 =	vadd.f32 v30, v13;
	v23 =	vld.idx.msk [tilespmem:v22+s6+$0x60 ss:$0x1], $0xffff  }
0x273: {  	v19 =	vmax.f32 v19, v27;
	v14 =	vadd.f32 v27, v14;
	v31 =	vmul.f32 v30, v30;
	v37 =	vld.idx.msk [tilespmem:v22+s6+$0x20 ss:$0x1], $0xffff  }
0x274: {  	v9 =	vadd.f32 v32, v9;
	v17 =	vmax.f32 v17, v30;
	v10 =	vadd.f32 v35, v10;
	v29 =	vld.idx.msk [tilespmem:v22+s6+$0x50 ss:$0x1], $0xffff  }
.Ltmp22:
0x275: {  	v18 =	vmax.f32 v18, v24;
	v6 =	vadd.f32 v34, v6;
	v12 =	vadd.f32 v36, v12;
	v27 =	vld.idx.msk [tilespmem:v22+s6+$0x0 ss:$0x1], $0xffff;
	(pc) =	sbr.rel @p0 .LBB2_47-.Ltmp22, $4  }
0x276: {  	v15 =	vadd.f32 v24, v15;
	v11 =	vadd.f32 v31, v11;
	v26 =	vmax.f32 v26, v25;
	v24 =	vld.idx.msk [tilespmem:v22+s6+$0x10 ss:$0x1], $0xffff  }
0x277: {  	v21 =	vmax.f32 v21, v33;
	v0 =	vadd.f32 v33, v0;
	v31 =	vmul.f32 v33, v33;
	v30 =	vld.idx.msk [tilespmem:v22+s6+$0x30 ss:$0x1], $0xffff  }
0x278: {  	v34 =	vmul.f32 v25, v25;
	v1 =	vadd.f32 v23, v1;
	v33 =	vmul.f32 v23, v23  }
0x279: {  	v28 =	vmax.f32 v28, v37;
	v2 =	vadd.f32 v37, v2;
	v32 =	vmul.f32 v37, v37  }
0x27a: {  	s5 =	sshll.u32 s1, $0x7  }
0x27b: {  	v19 =	vmax.f32 v19, v27;
	s5 =	sand.u32 $0x3FFFFF80, s5  }
0x27c: {  	v20 =	vmax.f32 v20, v29;
	v18 =	vmax.f32 v18, v24;
	[tilespmem:s5+$0x11000] =	vst v19  }
0x27d: {  	v7 =	vadd.f32 v25, v7;
	v3 =	vadd.f32 v34, v3;
	v62 =	vmul.f32 v29, v29;
	s1 =	sadd.s32 $0x1, s1;
	[tilespmem:s5+$0x11010] =	vst v18  }
0x27e: {  	v4 =	vadd.f32 v33, v4;
	v8 =	vadd.f32 v29, v8;
	v63 =	vmul.f32 v27, v27;
	p0 =	sne.s32 s1, $0x10;
	[tilespmem:s5+$0x11020] =	vst v28  }
.Ltmp23:
0x27f: {  	v16 =	vmax.f32 v16, v23;
	v5 =	vadd.f32 v31, v5;
	v14 =	vadd.f32 v27, v14;
	[tilespmem:s5+$0x11040] =	vst v26;
	(pc) =	sbr.rel @p0 .LBB2_46-.Ltmp23, $4  }
0x280: {  	v22 =	vmul.f32 v24, v24;
	v9 =	vadd.f32 v32, v9;
	v17 =	vmax.f32 v17, v30;
	[tilespmem:s5+$0x11050] =	vst v20  }
0x281: {  	v15 =	vadd.f32 v24, v15;
	v13 =	vadd.f32 v30, v13;
	[tilespmem:s5+$0x11030] =	vst v17;
	v17 =	vmul.f32 v30, v30  }
0x282: {  	v10 =	vadd.f32 v63, v10;
	v6 =	vadd.f32 v62, v6;
	[tilespmem:s5+$0x11060] =	vst v16  }
0x283: {  	s0 =	sadd.s32 $0x800, s0;
	[tilespmem:s5+$0x11070] =	vst v21;
	v12 =	vadd.f32 v22, v12;
	v11 =	vadd.f32 v17, v11  }
0x284: {  	s1 =	simm.s32 $0x0  }
0x285: {  	[hbm4b:s16+s1] =	stream.linear.scatter [tilespmem:s29], [sflag:$0x3], $0x800, $0x38;
	[tilespmem:$0x11900] =	vst v63  }
0x286: {  	_ =	swait.ge [sflag:s23], $0x800  }
0x287: {  	[sflag:s23] =	ssyncset.done $0x0  }
0x288: {  	s0 =	simm.s32 $0xD00;
	[sflag:s23] =	ssyncadd.s32 $0xFFFFF800  }
0x289: {  	[tilespmem:s26], [sflag:$0x2] =	stream.indirect.gather [hbm4b:s3+s24], $0x80, s0, s24, $0xb8;
	[tilespmem:$0x11900] =	vst v63  }
0x28a: {  	_ =	swait.ge [sflag:s28], $0x8000  }
0x28b: {  	[sflag:s28] =	ssyncset.done $0x0  }
0x28c: {  	s0 =	simm.s32 $0x1080;
	[sflag:s28] =	ssyncadd.s32 $0xFFFF8000  }
.LBB2_50:
0x28d: {  	s5 =	sshll.u32 s1, $0xD  }
0x28e: {  	s5 =	sshra.s32 s5, $0x2  }
0x28f: {  	v19 =	vld [tilespmem:s5+$0x1000]  }
0x290: {  	v18 =	vld [tilespmem:s5+$0x1010]  }
0x291: {  	v28 =	vld [tilespmem:s5+$0x1020]  }
0x292: {  	v17 =	vld [tilespmem:s5+$0x1030]  }
0x293: {  	v21 =	vld [tilespmem:s5+$0x1040]  }
0x294: {  	v20 =	vld [tilespmem:s5+$0x1050]  }
0x295: {  	v22 =	vmov s0;
	v16 =	vld [tilespmem:s5+$0x1060]  }
0x296: {  	v24 =	vld [tilespmem:s5+$0x1070]  }
0x297: {  	v14 =	vadd.f32 v19, v14;
	v15 =	vadd.f32 v18, v15  }
0x298: {  	v2 =	vadd.f32 v28, v2;
	v13 =	vadd.f32 v17, v13  }
0x299: {  	s6 =	simm.s32 $0x0;
	v7 =	vadd.f32 v21, v7;
	v8 =	vadd.f32 v20, v8;
	v23 =	vmul.f32 v19, v19  }
0x29a: {  	v30 =	vld.idx.msk [tilespmem:v22+s6+$0x70 ss:$0x1], $0xffff;
	v26 =	vmul.f32 v18, v18;
	v1 =	vadd.f32 v16, v1;
	v27 =	vmul.f32 v28, v28  }
0x29b: {  	v25 =	vld.idx.msk [tilespmem:v22+s6+$0x40 ss:$0x1], $0xffff;
	v0 =	vadd.f32 v24, v0;
	v29 =	vmul.f32 v20, v20;
	v31 =	vmul.f32 v24, v24  }
0x29c: {  	v32 =	vld.idx.msk [tilespmem:v22+s6+$0x20 ss:$0x1], $0xffff;
	v10 =	vadd.f32 v23, v10;
	v12 =	vadd.f32 v26, v12;
	v26 =	vmul.f32 v17, v17  }
0x29d: {  	v9 =	vadd.f32 v27, v9;
	v27 =	vmul.f32 v21, v21;
	v23 =	vld.idx.msk [tilespmem:v22+s6+$0x60 ss:$0x1], $0xffff;
	v6 =	vadd.f32 v29, v6  }
0x29e: {  	v5 =	vadd.f32 v31, v5;
	v29 =	vld.idx.msk [tilespmem:v22+s6+$0x50 ss:$0x1], $0xffff;
	v11 =	vadd.f32 v26, v11;
	v26 =	vmul.f32 v16, v16  }
0x29f: {  	v0 =	vadd.f32 v30, v0;
	v31 =	vmul.f32 v30, v30;
	v3 =	vadd.f32 v27, v3;
	v27 =	vld.idx.msk [tilespmem:v22+s6+$0x0 ss:$0x1], $0xffff  }
0x2a0: {  	v4 =	vadd.f32 v26, v4;
	v26 =	vmax.f32 v21, v25;
	v21 =	vmax.f32 v24, v30;
	v24 =	vld.idx.msk [tilespmem:v22+s6+$0x10 ss:$0x1], $0xffff  }
0x2a1: {  	v34 =	vmul.f32 v25, v25;
	v28 =	vmax.f32 v28, v32;
	v2 =	vadd.f32 v32, v2;
	v30 =	vld.idx.msk [tilespmem:v22+s6+$0x30 ss:$0x1], $0xffff  }
0x2a2: {  	s5 =	simm.s32 $0x200;
	v32 =	vmul.f32 v32, v32;
	v1 =	vadd.f32 v23, v1;
	v33 =	vmul.f32 v23, v23  }
.LBB2_51:
0x2a3: {  	s6 =	sshra.s32 s5, $0x2;
	p0 =	sne.s32 s5, $0x1C00;
	s5 =	sadd.s32 $0x200, s5;
	v20 =	vmax.f32 v20, v29;
	v7 =	vadd.f32 v25, v7;
	v3 =	vadd.f32 v34, v3  }
0x2a4: {  	v34 =	vmul.f32 v29, v29;
	v4 =	vadd.f32 v33, v4;
	v25 =	vld.idx.msk [tilespmem:v22+s6+$0x40 ss:$0x1], $0xffff  }
0x2a5: {  	v8 =	vadd.f32 v29, v8;
	v35 =	vmul.f32 v27, v27;
	v36 =	vmul.f32 v24, v24;
	v33 =	vld.idx.msk [tilespmem:v22+s6+$0x70 ss:$0x1], $0xffff  }
0x2a6: {  	v16 =	vmax.f32 v16, v23;
	v5 =	vadd.f32 v31, v5;
	v13 =	vadd.f32 v30, v13;
	v23 =	vld.idx.msk [tilespmem:v22+s6+$0x60 ss:$0x1], $0xffff  }
0x2a7: {  	v19 =	vmax.f32 v19, v27;
	v14 =	vadd.f32 v27, v14;
	v31 =	vmul.f32 v30, v30;
	v37 =	vld.idx.msk [tilespmem:v22+s6+$0x20 ss:$0x1], $0xffff  }
0x2a8: {  	v9 =	vadd.f32 v32, v9;
	v17 =	vmax.f32 v17, v30;
	v10 =	vadd.f32 v35, v10;
	v29 =	vld.idx.msk [tilespmem:v22+s6+$0x50 ss:$0x1], $0xffff  }
.Ltmp24:
0x2a9: {  	v18 =	vmax.f32 v18, v24;
	v6 =	vadd.f32 v34, v6;
	v12 =	vadd.f32 v36, v12;
	v27 =	vld.idx.msk [tilespmem:v22+s6+$0x0 ss:$0x1], $0xffff;
	(pc) =	sbr.rel @p0 .LBB2_51-.Ltmp24, $4  }
0x2aa: {  	v15 =	vadd.f32 v24, v15;
	v11 =	vadd.f32 v31, v11;
	v26 =	vmax.f32 v26, v25;
	v24 =	vld.idx.msk [tilespmem:v22+s6+$0x10 ss:$0x1], $0xffff  }
0x2ab: {  	v21 =	vmax.f32 v21, v33;
	v0 =	vadd.f32 v33, v0;
	v31 =	vmul.f32 v33, v33;
	v30 =	vld.idx.msk [tilespmem:v22+s6+$0x30 ss:$0x1], $0xffff  }
0x2ac: {  	v34 =	vmul.f32 v25, v25;
	v1 =	vadd.f32 v23, v1;
	v33 =	vmul.f32 v23, v23  }
0x2ad: {  	v28 =	vmax.f32 v28, v37;
	v2 =	vadd.f32 v37, v2;
	v32 =	vmul.f32 v37, v37  }
0x2ae: {  	s5 =	sshll.u32 s1, $0x7  }
0x2af: {  	v19 =	vmax.f32 v19, v27;
	s5 =	sand.u32 $0x3FFFFF80, s5  }
0x2b0: {  	v20 =	vmax.f32 v20, v29;
	v18 =	vmax.f32 v18, v24;
	[tilespmem:s5+$0x11000] =	vst v19  }
0x2b1: {  	v7 =	vadd.f32 v25, v7;
	v3 =	vadd.f32 v34, v3;
	v62 =	vmul.f32 v29, v29;
	s1 =	sadd.s32 $0x1, s1;
	[tilespmem:s5+$0x11010] =	vst v18  }
0x2b2: {  	v4 =	vadd.f32 v33, v4;
	v8 =	vadd.f32 v29, v8;
	v63 =	vmul.f32 v27, v27;
	p0 =	sne.s32 s1, $0x10;
	[tilespmem:s5+$0x11020] =	vst v28  }
.Ltmp25:
0x2b3: {  	v16 =	vmax.f32 v16, v23;
	v5 =	vadd.f32 v31, v5;
	v14 =	vadd.f32 v27, v14;
	[tilespmem:s5+$0x11040] =	vst v26;
	(pc) =	sbr.rel @p0 .LBB2_50-.Ltmp25, $4  }
0x2b4: {  	v22 =	vmul.f32 v24, v24;
	v9 =	vadd.f32 v32, v9;
	v17 =	vmax.f32 v17, v30;
	[tilespmem:s5+$0x11050] =	vst v20  }
0x2b5: {  	v15 =	vadd.f32 v24, v15;
	v13 =	vadd.f32 v30, v13;
	[tilespmem:s5+$0x11030] =	vst v17;
	v17 =	vmul.f32 v30, v30  }
0x2b6: {  	v10 =	vadd.f32 v63, v10;
	v6 =	vadd.f32 v62, v6;
	[tilespmem:s5+$0x11060] =	vst v16  }
0x2b7: {  	s0 =	sadd.s32 $0x800, s0;
	[tilespmem:s5+$0x11070] =	vst v21;
	v12 =	vadd.f32 v22, v12;
	v11 =	vadd.f32 v17, v11  }
0x2b8: {  	s1 =	simm.s32 $0x0  }
0x2b9: {  	[hbm4b:s17+s1] =	stream.linear.scatter [tilespmem:s29], [sflag:$0x3], $0x800, $0x38;
	[tilespmem:$0x11900] =	vst v63  }
0x2ba: {  	_ =	swait.ge [sflag:s23], $0x800  }
0x2bb: {  	[sflag:s23] =	ssyncset.done $0x0  }
0x2bc: {  	s0 =	simm.s32 $0xE00;
	[sflag:s23] =	ssyncadd.s32 $0xFFFFF800  }
0x2bd: {  	[tilespmem:s25], [sflag:$0x1] =	stream.indirect.gather [hbm4b:s3+s24], $0x80, s0, s24, $0xb8;
	[tilespmem:$0x11900] =	vst v63  }
0x2be: {  	_ =	swait.ge [sflag:s31], $0x8000  }
0x2bf: {  	[sflag:s31] =	ssyncset.done $0x0  }
0x2c0: {  	s0 =	simm.s32 $0x9080;
	[sflag:s31] =	ssyncadd.s32 $0xFFFF8000  }
.LBB2_54:
0x2c1: {  	s5 =	sshll.u32 s1, $0xD  }
0x2c2: {  	s5 =	sshra.s32 s5, $0x2  }
0x2c3: {  	v19 =	vld [tilespmem:s5+$0x9000]  }
0x2c4: {  	v18 =	vld [tilespmem:s5+$0x9010]  }
0x2c5: {  	v28 =	vld [tilespmem:s5+$0x9020]  }
0x2c6: {  	v17 =	vld [tilespmem:s5+$0x9030]  }
0x2c7: {  	v21 =	vld [tilespmem:s5+$0x9040]  }
0x2c8: {  	v20 =	vld [tilespmem:s5+$0x9050]  }
0x2c9: {  	v22 =	vmov s0;
	v16 =	vld [tilespmem:s5+$0x9060]  }
0x2ca: {  	v24 =	vld [tilespmem:s5+$0x9070]  }
0x2cb: {  	v14 =	vadd.f32 v19, v14;
	v15 =	vadd.f32 v18, v15  }
0x2cc: {  	v2 =	vadd.f32 v28, v2;
	v13 =	vadd.f32 v17, v13  }
0x2cd: {  	s6 =	simm.s32 $0x0;
	v7 =	vadd.f32 v21, v7;
	v8 =	vadd.f32 v20, v8;
	v23 =	vmul.f32 v19, v19  }
0x2ce: {  	v30 =	vld.idx.msk [tilespmem:v22+s6+$0x70 ss:$0x1], $0xffff;
	v26 =	vmul.f32 v18, v18;
	v1 =	vadd.f32 v16, v1;
	v27 =	vmul.f32 v28, v28  }
0x2cf: {  	v25 =	vld.idx.msk [tilespmem:v22+s6+$0x40 ss:$0x1], $0xffff;
	v0 =	vadd.f32 v24, v0;
	v29 =	vmul.f32 v20, v20;
	v31 =	vmul.f32 v24, v24  }
0x2d0: {  	v32 =	vld.idx.msk [tilespmem:v22+s6+$0x20 ss:$0x1], $0xffff;
	v10 =	vadd.f32 v23, v10;
	v12 =	vadd.f32 v26, v12;
	v26 =	vmul.f32 v17, v17  }
0x2d1: {  	v9 =	vadd.f32 v27, v9;
	v27 =	vmul.f32 v21, v21;
	v23 =	vld.idx.msk [tilespmem:v22+s6+$0x60 ss:$0x1], $0xffff;
	v6 =	vadd.f32 v29, v6  }
0x2d2: {  	v5 =	vadd.f32 v31, v5;
	v29 =	vld.idx.msk [tilespmem:v22+s6+$0x50 ss:$0x1], $0xffff;
	v11 =	vadd.f32 v26, v11;
	v26 =	vmul.f32 v16, v16  }
0x2d3: {  	v0 =	vadd.f32 v30, v0;
	v31 =	vmul.f32 v30, v30;
	v3 =	vadd.f32 v27, v3;
	v27 =	vld.idx.msk [tilespmem:v22+s6+$0x0 ss:$0x1], $0xffff  }
0x2d4: {  	v4 =	vadd.f32 v26, v4;
	v26 =	vmax.f32 v21, v25;
	v21 =	vmax.f32 v24, v30;
	v24 =	vld.idx.msk [tilespmem:v22+s6+$0x10 ss:$0x1], $0xffff  }
0x2d5: {  	v34 =	vmul.f32 v25, v25;
	v28 =	vmax.f32 v28, v32;
	v2 =	vadd.f32 v32, v2;
	v30 =	vld.idx.msk [tilespmem:v22+s6+$0x30 ss:$0x1], $0xffff  }
0x2d6: {  	s5 =	simm.s32 $0x200;
	v32 =	vmul.f32 v32, v32;
	v1 =	vadd.f32 v23, v1;
	v33 =	vmul.f32 v23, v23  }
.LBB2_55:
0x2d7: {  	s6 =	sshra.s32 s5, $0x2;
	p0 =	sne.s32 s5, $0x1C00;
	s5 =	sadd.s32 $0x200, s5;
	v20 =	vmax.f32 v20, v29;
	v7 =	vadd.f32 v25, v7;
	v3 =	vadd.f32 v34, v3  }
0x2d8: {  	v34 =	vmul.f32 v29, v29;
	v4 =	vadd.f32 v33, v4;
	v25 =	vld.idx.msk [tilespmem:v22+s6+$0x40 ss:$0x1], $0xffff  }
0x2d9: {  	v8 =	vadd.f32 v29, v8;
	v35 =	vmul.f32 v27, v27;
	v36 =	vmul.f32 v24, v24;
	v33 =	vld.idx.msk [tilespmem:v22+s6+$0x70 ss:$0x1], $0xffff  }
0x2da: {  	v16 =	vmax.f32 v16, v23;
	v5 =	vadd.f32 v31, v5;
	v13 =	vadd.f32 v30, v13;
	v23 =	vld.idx.msk [tilespmem:v22+s6+$0x60 ss:$0x1], $0xffff  }
0x2db: {  	v19 =	vmax.f32 v19, v27;
	v14 =	vadd.f32 v27, v14;
	v31 =	vmul.f32 v30, v30;
	v37 =	vld.idx.msk [tilespmem:v22+s6+$0x20 ss:$0x1], $0xffff  }
0x2dc: {  	v9 =	vadd.f32 v32, v9;
	v17 =	vmax.f32 v17, v30;
	v10 =	vadd.f32 v35, v10;
	v29 =	vld.idx.msk [tilespmem:v22+s6+$0x50 ss:$0x1], $0xffff  }
.Ltmp26:
0x2dd: {  	v18 =	vmax.f32 v18, v24;
	v6 =	vadd.f32 v34, v6;
	v12 =	vadd.f32 v36, v12;
	v27 =	vld.idx.msk [tilespmem:v22+s6+$0x0 ss:$0x1], $0xffff;
	(pc) =	sbr.rel @p0 .LBB2_55-.Ltmp26, $4  }
0x2de: {  	v15 =	vadd.f32 v24, v15;
	v11 =	vadd.f32 v31, v11;
	v26 =	vmax.f32 v26, v25;
	v24 =	vld.idx.msk [tilespmem:v22+s6+$0x10 ss:$0x1], $0xffff  }
0x2df: {  	v21 =	vmax.f32 v21, v33;
	v0 =	vadd.f32 v33, v0;
	v31 =	vmul.f32 v33, v33;
	v30 =	vld.idx.msk [tilespmem:v22+s6+$0x30 ss:$0x1], $0xffff  }
0x2e0: {  	v34 =	vmul.f32 v25, v25;
	v1 =	vadd.f32 v23, v1;
	v33 =	vmul.f32 v23, v23  }
0x2e1: {  	v28 =	vmax.f32 v28, v37;
	v2 =	vadd.f32 v37, v2;
	v32 =	vmul.f32 v37, v37  }
0x2e2: {  	s5 =	sshll.u32 s1, $0x7  }
0x2e3: {  	v19 =	vmax.f32 v19, v27;
	s5 =	sand.u32 $0x3FFFFF80, s5  }
0x2e4: {  	v20 =	vmax.f32 v20, v29;
	v18 =	vmax.f32 v18, v24;
	[tilespmem:s5+$0x11000] =	vst v19  }
0x2e5: {  	v7 =	vadd.f32 v25, v7;
	v3 =	vadd.f32 v34, v3;
	v62 =	vmul.f32 v29, v29;
	s1 =	sadd.s32 $0x1, s1;
	[tilespmem:s5+$0x11010] =	vst v18  }
0x2e6: {  	v4 =	vadd.f32 v33, v4;
	v8 =	vadd.f32 v29, v8;
	v63 =	vmul.f32 v27, v27;
	p0 =	sne.s32 s1, $0x10;
	[tilespmem:s5+$0x11020] =	vst v28  }
.Ltmp27:
0x2e7: {  	v16 =	vmax.f32 v16, v23;
	v5 =	vadd.f32 v31, v5;
	v14 =	vadd.f32 v27, v14;
	[tilespmem:s5+$0x11040] =	vst v26;
	(pc) =	sbr.rel @p0 .LBB2_54-.Ltmp27, $4  }
0x2e8: {  	v22 =	vmul.f32 v24, v24;
	v9 =	vadd.f32 v32, v9;
	v17 =	vmax.f32 v17, v30;
	[tilespmem:s5+$0x11050] =	vst v20  }
0x2e9: {  	v15 =	vadd.f32 v24, v15;
	v13 =	vadd.f32 v30, v13;
	[tilespmem:s5+$0x11030] =	vst v17;
	v17 =	vmul.f32 v30, v30  }
0x2ea: {  	v10 =	vadd.f32 v63, v10;
	v6 =	vadd.f32 v62, v6;
	[tilespmem:s5+$0x11060] =	vst v16  }
0x2eb: {  	s0 =	sadd.s32 $0x800, s0;
	[tilespmem:s5+$0x11070] =	vst v21;
	v12 =	vadd.f32 v22, v12;
	v11 =	vadd.f32 v17, v11  }
0x2ec: {  	s1 =	simm.s32 $0x0  }
0x2ed: {  	[hbm4b:s18+s1] =	stream.linear.scatter [tilespmem:s29], [sflag:$0x3], $0x800, $0x38;
	[tilespmem:$0x11900] =	vst v63  }
0x2ee: {  	_ =	swait.ge [sflag:s23], $0x800  }
0x2ef: {  	[sflag:s23] =	ssyncset.done $0x0  }
0x2f0: {  	s0 =	simm.s32 $0xF00;
	[sflag:s23] =	ssyncadd.s32 $0xFFFFF800  }
0x2f1: {  	[tilespmem:s26], [sflag:$0x2] =	stream.indirect.gather [hbm4b:s3+s24], $0x80, s0, s24, $0xb8;
	[tilespmem:$0x11900] =	vst v63  }
0x2f2: {  	_ =	swait.ge [sflag:s28], $0x8000  }
0x2f3: {  	[sflag:s28] =	ssyncset.done $0x0  }
0x2f4: {  	s0 =	simm.s32 $0x1080;
	[sflag:s28] =	ssyncadd.s32 $0xFFFF8000  }
.LBB2_58:
0x2f5: {  	s5 =	sshll.u32 s1, $0xD  }
0x2f6: {  	s5 =	sshra.s32 s5, $0x2  }
0x2f7: {  	v19 =	vld [tilespmem:s5+$0x1000]  }
0x2f8: {  	v18 =	vld [tilespmem:s5+$0x1010]  }
0x2f9: {  	v28 =	vld [tilespmem:s5+$0x1020]  }
0x2fa: {  	v17 =	vld [tilespmem:s5+$0x1030]  }
0x2fb: {  	v21 =	vld [tilespmem:s5+$0x1040]  }
0x2fc: {  	v20 =	vld [tilespmem:s5+$0x1050]  }
0x2fd: {  	v22 =	vmov s0;
	v16 =	vld [tilespmem:s5+$0x1060]  }
0x2fe: {  	v24 =	vld [tilespmem:s5+$0x1070]  }
0x2ff: {  	v14 =	vadd.f32 v19, v14;
	v15 =	vadd.f32 v18, v15  }
0x300: {  	v2 =	vadd.f32 v28, v2;
	v13 =	vadd.f32 v17, v13  }
0x301: {  	s6 =	simm.s32 $0x0;
	v7 =	vadd.f32 v21, v7;
	v8 =	vadd.f32 v20, v8;
	v23 =	vmul.f32 v19, v19  }
0x302: {  	v30 =	vld.idx.msk [tilespmem:v22+s6+$0x70 ss:$0x1], $0xffff;
	v26 =	vmul.f32 v18, v18;
	v1 =	vadd.f32 v16, v1;
	v27 =	vmul.f32 v28, v28  }
0x303: {  	v25 =	vld.idx.msk [tilespmem:v22+s6+$0x40 ss:$0x1], $0xffff;
	v0 =	vadd.f32 v24, v0;
	v29 =	vmul.f32 v20, v20;
	v31 =	vmul.f32 v24, v24  }
0x304: {  	v32 =	vld.idx.msk [tilespmem:v22+s6+$0x20 ss:$0x1], $0xffff;
	v10 =	vadd.f32 v23, v10;
	v12 =	vadd.f32 v26, v12;
	v26 =	vmul.f32 v17, v17  }
0x305: {  	v9 =	vadd.f32 v27, v9;
	v27 =	vmul.f32 v21, v21;
	v23 =	vld.idx.msk [tilespmem:v22+s6+$0x60 ss:$0x1], $0xffff;
	v6 =	vadd.f32 v29, v6  }
0x306: {  	v5 =	vadd.f32 v31, v5;
	v29 =	vld.idx.msk [tilespmem:v22+s6+$0x50 ss:$0x1], $0xffff;
	v11 =	vadd.f32 v26, v11;
	v26 =	vmul.f32 v16, v16  }
0x307: {  	v0 =	vadd.f32 v30, v0;
	v31 =	vmul.f32 v30, v30;
	v3 =	vadd.f32 v27, v3;
	v27 =	vld.idx.msk [tilespmem:v22+s6+$0x0 ss:$0x1], $0xffff  }
0x308: {  	v4 =	vadd.f32 v26, v4;
	v26 =	vmax.f32 v21, v25;
	v21 =	vmax.f32 v24, v30;
	v24 =	vld.idx.msk [tilespmem:v22+s6+$0x10 ss:$0x1], $0xffff  }
0x309: {  	v34 =	vmul.f32 v25, v25;
	v28 =	vmax.f32 v28, v32;
	v2 =	vadd.f32 v32, v2;
	v30 =	vld.idx.msk [tilespmem:v22+s6+$0x30 ss:$0x1], $0xffff  }
0x30a: {  	s5 =	simm.s32 $0x200;
	v32 =	vmul.f32 v32, v32;
	v1 =	vadd.f32 v23, v1;
	v33 =	vmul.f32 v23, v23  }
.LBB2_59:
0x30b: {  	s6 =	sshra.s32 s5, $0x2;
	p0 =	sne.s32 s5, $0x1C00;
	s5 =	sadd.s32 $0x200, s5;
	v20 =	vmax.f32 v20, v29;
	v7 =	vadd.f32 v25, v7;
	v3 =	vadd.f32 v34, v3  }
0x30c: {  	v34 =	vmul.f32 v29, v29;
	v4 =	vadd.f32 v33, v4;
	v25 =	vld.idx.msk [tilespmem:v22+s6+$0x40 ss:$0x1], $0xffff  }
0x30d: {  	v8 =	vadd.f32 v29, v8;
	v35 =	vmul.f32 v27, v27;
	v36 =	vmul.f32 v24, v24;
	v33 =	vld.idx.msk [tilespmem:v22+s6+$0x70 ss:$0x1], $0xffff  }
0x30e: {  	v16 =	vmax.f32 v16, v23;
	v5 =	vadd.f32 v31, v5;
	v13 =	vadd.f32 v30, v13;
	v23 =	vld.idx.msk [tilespmem:v22+s6+$0x60 ss:$0x1], $0xffff  }
0x30f: {  	v19 =	vmax.f32 v19, v27;
	v14 =	vadd.f32 v27, v14;
	v31 =	vmul.f32 v30, v30;
	v37 =	vld.idx.msk [tilespmem:v22+s6+$0x20 ss:$0x1], $0xffff  }
0x310: {  	v9 =	vadd.f32 v32, v9;
	v17 =	vmax.f32 v17, v30;
	v10 =	vadd.f32 v35, v10;
	v29 =	vld.idx.msk [tilespmem:v22+s6+$0x50 ss:$0x1], $0xffff  }
.Ltmp28:
0x311: {  	v18 =	vmax.f32 v18, v24;
	v6 =	vadd.f32 v34, v6;
	v12 =	vadd.f32 v36, v12;
	v27 =	vld.idx.msk [tilespmem:v22+s6+$0x0 ss:$0x1], $0xffff;
	(pc) =	sbr.rel @p0 .LBB2_59-.Ltmp28, $4  }
0x312: {  	v15 =	vadd.f32 v24, v15;
	v11 =	vadd.f32 v31, v11;
	v26 =	vmax.f32 v26, v25;
	v24 =	vld.idx.msk [tilespmem:v22+s6+$0x10 ss:$0x1], $0xffff  }
0x313: {  	v21 =	vmax.f32 v21, v33;
	v0 =	vadd.f32 v33, v0;
	v31 =	vmul.f32 v33, v33;
	v30 =	vld.idx.msk [tilespmem:v22+s6+$0x30 ss:$0x1], $0xffff  }
0x314: {  	v34 =	vmul.f32 v25, v25;
	v1 =	vadd.f32 v23, v1;
	v33 =	vmul.f32 v23, v23  }
0x315: {  	v28 =	vmax.f32 v28, v37;
	v2 =	vadd.f32 v37, v2;
	v32 =	vmul.f32 v37, v37  }
0x316: {  	s5 =	sshll.u32 s1, $0x7  }
0x317: {  	v19 =	vmax.f32 v19, v27;
	s5 =	sand.u32 $0x3FFFFF80, s5  }
0x318: {  	v20 =	vmax.f32 v20, v29;
	v18 =	vmax.f32 v18, v24;
	[tilespmem:s5+$0x11000] =	vst v19  }
0x319: {  	v7 =	vadd.f32 v25, v7;
	v3 =	vadd.f32 v34, v3;
	v62 =	vmul.f32 v29, v29;
	s1 =	sadd.s32 $0x1, s1;
	[tilespmem:s5+$0x11010] =	vst v18  }
0x31a: {  	v4 =	vadd.f32 v33, v4;
	v8 =	vadd.f32 v29, v8;
	v63 =	vmul.f32 v27, v27;
	p0 =	sne.s32 s1, $0x10;
	[tilespmem:s5+$0x11020] =	vst v28  }
.Ltmp29:
0x31b: {  	v16 =	vmax.f32 v16, v23;
	v5 =	vadd.f32 v31, v5;
	v14 =	vadd.f32 v27, v14;
	[tilespmem:s5+$0x11040] =	vst v26;
	(pc) =	sbr.rel @p0 .LBB2_58-.Ltmp29, $4  }
0x31c: {  	v22 =	vmul.f32 v24, v24;
	v9 =	vadd.f32 v32, v9;
	v17 =	vmax.f32 v17, v30;
	[tilespmem:s5+$0x11050] =	vst v20  }
0x31d: {  	v15 =	vadd.f32 v24, v15;
	v13 =	vadd.f32 v30, v13;
	[tilespmem:s5+$0x11030] =	vst v17;
	v17 =	vmul.f32 v30, v30  }
0x31e: {  	v10 =	vadd.f32 v63, v10;
	v6 =	vadd.f32 v62, v6;
	[tilespmem:s5+$0x11060] =	vst v16  }
0x31f: {  	s0 =	sadd.s32 $0x800, s0;
	[tilespmem:s5+$0x11070] =	vst v21;
	v12 =	vadd.f32 v22, v12;
	v11 =	vadd.f32 v17, v11  }
0x320: {  	s1 =	simm.s32 $0x0  }
0x321: {  	[hbm4b:s19+s1] =	stream.linear.scatter [tilespmem:s29], [sflag:$0x3], $0x800, $0x38;
	[tilespmem:$0x11900] =	vst v63  }
0x322: {  	_ =	swait.ge [sflag:s23], $0x800  }
0x323: {  	[sflag:s23] =	ssyncset.done $0x0  }
0x324: {  	[sflag:s23] =	ssyncadd.s32 $0xFFFFF800  }
0x325: {  	_ =	swait.ge [sflag:s31], $0x8000  }
0x326: {  	[sflag:s31] =	ssyncset.done $0x0  }
0x327: {  	s0 =	simm.s32 $0x9080;
	[sflag:s31] =	ssyncadd.s32 $0xFFFF8000  }
.LBB2_62:
0x328: {  	s5 =	sshll.u32 s1, $0xD  }
0x329: {  	s5 =	sshra.s32 s5, $0x2  }
0x32a: {  	v19 =	vld [tilespmem:s5+$0x9000]  }
0x32b: {  	v18 =	vld [tilespmem:s5+$0x9010]  }
0x32c: {  	v28 =	vld [tilespmem:s5+$0x9020]  }
0x32d: {  	v17 =	vld [tilespmem:s5+$0x9030]  }
0x32e: {  	v21 =	vld [tilespmem:s5+$0x9040]  }
0x32f: {  	v20 =	vld [tilespmem:s5+$0x9050]  }
0x330: {  	v22 =	vmov s0;
	v16 =	vld [tilespmem:s5+$0x9060]  }
0x331: {  	v24 =	vld [tilespmem:s5+$0x9070]  }
0x332: {  	v14 =	vadd.f32 v19, v14;
	v15 =	vadd.f32 v18, v15  }
0x333: {  	v2 =	vadd.f32 v28, v2;
	v13 =	vadd.f32 v17, v13  }
0x334: {  	s6 =	simm.s32 $0x0;
	v7 =	vadd.f32 v21, v7;
	v8 =	vadd.f32 v20, v8;
	v23 =	vmul.f32 v19, v19  }
0x335: {  	v30 =	vld.idx.msk [tilespmem:v22+s6+$0x70 ss:$0x1], $0xffff;
	v26 =	vmul.f32 v18, v18;
	v1 =	vadd.f32 v16, v1;
	v27 =	vmul.f32 v28, v28  }
0x336: {  	v25 =	vld.idx.msk [tilespmem:v22+s6+$0x40 ss:$0x1], $0xffff;
	v0 =	vadd.f32 v24, v0;
	v29 =	vmul.f32 v20, v20;
	v31 =	vmul.f32 v24, v24  }
0x337: {  	v32 =	vld.idx.msk [tilespmem:v22+s6+$0x20 ss:$0x1], $0xffff;
	v10 =	vadd.f32 v23, v10;
	v12 =	vadd.f32 v26, v12;
	v26 =	vmul.f32 v17, v17  }
0x338: {  	v9 =	vadd.f32 v27, v9;
	v27 =	vmul.f32 v21, v21;
	v23 =	vld.idx.msk [tilespmem:v22+s6+$0x60 ss:$0x1], $0xffff;
	v6 =	vadd.f32 v29, v6  }
0x339: {  	v5 =	vadd.f32 v31, v5;
	v29 =	vld.idx.msk [tilespmem:v22+s6+$0x50 ss:$0x1], $0xffff;
	v11 =	vadd.f32 v26, v11;
	v26 =	vmul.f32 v16, v16  }
0x33a: {  	v0 =	vadd.f32 v30, v0;
	v31 =	vmul.f32 v30, v30;
	v3 =	vadd.f32 v27, v3;
	v27 =	vld.idx.msk [tilespmem:v22+s6+$0x0 ss:$0x1], $0xffff  }
0x33b: {  	v4 =	vadd.f32 v26, v4;
	v26 =	vmax.f32 v21, v25;
	v21 =	vmax.f32 v24, v30;
	v24 =	vld.idx.msk [tilespmem:v22+s6+$0x10 ss:$0x1], $0xffff  }
0x33c: {  	v34 =	vmul.f32 v25, v25;
	v28 =	vmax.f32 v28, v32;
	v2 =	vadd.f32 v32, v2;
	v30 =	vld.idx.msk [tilespmem:v22+s6+$0x30 ss:$0x1], $0xffff  }
0x33d: {  	s5 =	simm.s32 $0x200;
	v32 =	vmul.f32 v32, v32;
	v1 =	vadd.f32 v23, v1;
	v33 =	vmul.f32 v23, v23  }
.LBB2_63:
0x33e: {  	s6 =	sshra.s32 s5, $0x2;
	p0 =	sne.s32 s5, $0x1C00;
	s5 =	sadd.s32 $0x200, s5;
	v20 =	vmax.f32 v20, v29;
	v7 =	vadd.f32 v25, v7;
	v3 =	vadd.f32 v34, v3  }
0x33f: {  	v34 =	vmul.f32 v29, v29;
	v4 =	vadd.f32 v33, v4;
	v25 =	vld.idx.msk [tilespmem:v22+s6+$0x40 ss:$0x1], $0xffff  }
0x340: {  	v8 =	vadd.f32 v29, v8;
	v35 =	vmul.f32 v27, v27;
	v36 =	vmul.f32 v24, v24;
	v33 =	vld.idx.msk [tilespmem:v22+s6+$0x70 ss:$0x1], $0xffff  }
0x341: {  	v16 =	vmax.f32 v16, v23;
	v5 =	vadd.f32 v31, v5;
	v13 =	vadd.f32 v30, v13;
	v23 =	vld.idx.msk [tilespmem:v22+s6+$0x60 ss:$0x1], $0xffff  }
0x342: {  	v19 =	vmax.f32 v19, v27;
	v14 =	vadd.f32 v27, v14;
	v31 =	vmul.f32 v30, v30;
	v37 =	vld.idx.msk [tilespmem:v22+s6+$0x20 ss:$0x1], $0xffff  }
0x343: {  	v9 =	vadd.f32 v32, v9;
	v17 =	vmax.f32 v17, v30;
	v10 =	vadd.f32 v35, v10;
	v29 =	vld.idx.msk [tilespmem:v22+s6+$0x50 ss:$0x1], $0xffff  }
.Ltmp30:
0x344: {  	v18 =	vmax.f32 v18, v24;
	v6 =	vadd.f32 v34, v6;
	v12 =	vadd.f32 v36, v12;
	v27 =	vld.idx.msk [tilespmem:v22+s6+$0x0 ss:$0x1], $0xffff;
	(pc) =	sbr.rel @p0 .LBB2_63-.Ltmp30, $4  }
0x345: {  	v15 =	vadd.f32 v24, v15;
	v11 =	vadd.f32 v31, v11;
	v26 =	vmax.f32 v26, v25;
	v24 =	vld.idx.msk [tilespmem:v22+s6+$0x10 ss:$0x1], $0xffff  }
0x346: {  	v21 =	vmax.f32 v21, v33;
	v0 =	vadd.f32 v33, v0;
	v31 =	vmul.f32 v33, v33;
	v30 =	vld.idx.msk [tilespmem:v22+s6+$0x30 ss:$0x1], $0xffff  }
0x347: {  	v34 =	vmul.f32 v25, v25;
	v1 =	vadd.f32 v23, v1;
	v33 =	vmul.f32 v23, v23  }
0x348: {  	v28 =	vmax.f32 v28, v37;
	v2 =	vadd.f32 v37, v2;
	v32 =	vmul.f32 v37, v37  }
0x349: {  	s5 =	sshll.u32 s1, $0x7  }
0x34a: {  	v19 =	vmax.f32 v19, v27;
	s5 =	sand.u32 $0x3FFFFF80, s5  }
0x34b: {  	v20 =	vmax.f32 v20, v29;
	v18 =	vmax.f32 v18, v24;
	[tilespmem:s5+$0x11000] =	vst v19  }
0x34c: {  	v7 =	vadd.f32 v25, v7;
	v3 =	vadd.f32 v34, v3;
	v62 =	vmul.f32 v29, v29;
	s1 =	sadd.s32 $0x1, s1;
	[tilespmem:s5+$0x11010] =	vst v18  }
0x34d: {  	v4 =	vadd.f32 v33, v4;
	v8 =	vadd.f32 v29, v8;
	v63 =	vmul.f32 v27, v27;
	p0 =	sne.s32 s1, $0x10;
	[tilespmem:s5+$0x11020] =	vst v28  }
.Ltmp31:
0x34e: {  	v16 =	vmax.f32 v16, v23;
	v5 =	vadd.f32 v31, v5;
	v14 =	vadd.f32 v27, v14;
	[tilespmem:s5+$0x11040] =	vst v26;
	(pc) =	sbr.rel @p0 .LBB2_62-.Ltmp31, $4  }
0x34f: {  	v22 =	vmul.f32 v24, v24;
	v9 =	vadd.f32 v32, v9;
	v17 =	vmax.f32 v17, v30;
	[tilespmem:s5+$0x11050] =	vst v20  }
0x350: {  	v15 =	vadd.f32 v24, v15;
	v13 =	vadd.f32 v30, v13;
	[tilespmem:s5+$0x11030] =	vst v17;
	v17 =	vmul.f32 v30, v30  }
0x351: {  	v10 =	vadd.f32 v63, v10;
	v6 =	vadd.f32 v62, v6;
	[tilespmem:s5+$0x11060] =	vst v16  }
0x352: {  	s0 =	sadd.s32 $0x800, s0;
	[tilespmem:s5+$0x11070] =	vst v21;
	v12 =	vadd.f32 v22, v12;
	v11 =	vadd.f32 v17, v11  }
0x353: {  	[hbm4b:s20+s2] =	stream.linear.scatter [tilespmem:s29], [sflag:$0x3], $0x800, $0x38;
	[tilespmem:$0x11900] =	vst v63  }
0x354: {  	_ =	swait.ge [sflag:s23], $0x800  }
0x355: {  	[sflag:s23] =	ssyncset.done $0x0  }
0x356: {  	[sflag:s23] =	ssyncadd.s32 $0xFFFFF800  }
0x357: {  	[tilespmem:$0x11800] =	vst v14  }
0x358: {  	[tilespmem:$0x11880] =	vst v10  }
0x359: {  	[tilespmem:$0x11810] =	vst v15  }
0x35a: {  	[tilespmem:$0x11890] =	vst v12  }
0x35b: {  	[tilespmem:$0x11820] =	vst v2  }
0x35c: {  	[tilespmem:$0x118A0] =	vst v9  }
0x35d: {  	[tilespmem:$0x11830] =	vst v13  }
0x35e: {  	[tilespmem:$0x118B0] =	vst v11  }
0x35f: {  	[tilespmem:$0x11840] =	vst v7  }
0x360: {  	[tilespmem:$0x118C0] =	vst v3  }
0x361: {  	[tilespmem:$0x11850] =	vst v8  }
0x362: {  	[tilespmem:$0x118D0] =	vst v6  }
0x363: {  	[tilespmem:$0x11860] =	vst v1  }
0x364: {  	s30 =	sadd.s32 $0x1, s30;
	[tilespmem:$0x118E0] =	vst v4  }
0x365: {  	p0 =	sne.s32 s30, s22;
	[tilespmem:$0x11870] =	vst v0  }
.Ltmp32:
0x366: {  	s0 =	simm.s32 $0x11800;
	[tilespmem:$0x118F0] =	vst v5;
	(pc) =	sbr.rel @p0 .LBB2_1-.Ltmp32, $4  }
0x367: {  	[hbm4b:s21+s2] =	stream.linear.scatter [tilespmem:s0], [sflag:$0x3], $0x100, $0x38;
	[tilespmem:$0x11900] =	vst v63  }
0x368: {  	_ =	swait.ge [sflag:s23], $0x100  }
0x369: {  	[sflag:s23] =	ssyncset.done $0x0  }
0x36a: {  	[sflag:s23] =	ssyncadd.s32 $0xFFFFFF00  }
0x36b: {  	_ =	sfence.sel $0x180000  }
0x36c: {  	[bflag:$0x0] =	sbarrier.arrive $0xFFFF  }
0x36d: {  	_ =	strace $0x90000047  }
0x36e: {  	s0 =	stileid.u32;
	[bflag:$0x2] =	sbarrier.arrive $0xFFFF  }
0x36f: {  	p0 =	sne.s32 s0, $0x0;
	s0 =	rddreg [dreg:$0x2]  }
0x370: {  	s0 =	sadd.s32 @!p0 $0x100000, s0  }
0x371: {  	[sflag:s0] =	ssyncadd.tile.s32 @!p0 $0x1;
	_ =	shalt  }
.Lfunc_end2:
_tile_overlayer_lowered:
.L_overlay_start_2:
0x372: {  	(tag) =	ssettag $0x2  }
0x373: {  	s0 =	rddreg [dreg:$0x0];
	s2 =	stileid.u32  }
0x374: {  	s1 =	rddreg [dreg:$0x1];
	p0 =	sne.s32 s2, $0x0  }
0x375: {  	s3 =	rddreg [dreg:$0x2];
	[bflag:$0x3] =	sbarrier.arrive $0xFFFF;
	s2 =	simm.s32 @!p0 $0x1C03  }
0x376: {  	[timem:s3], [sflag:s2] =	dma.local @!p0 [hbm:s0], s1  }
0x377: {  	s0 =	simm.s32 @!p0 $0x3  }
0x378: {  	_ =	swait.ge @!p0 [sflag:s0], s1  }
0x379: {  	s1 =	ssub.s32 @!p0 $0x0, s1;
	[sflag:s0] =	ssyncset.done @!p0 $0x0  }
0x37a: {  	[sflag:s0] =	ssyncadd.s32 @!p0 s1  }
0x37b: {  	[bflag:$0x3] =	sbarrier.arrive $0xFFFF  }
0x37c: {  	_ =	shalt  }

</sc_bundles>
